<compile_context>
chip_gen: v7x
topology: tpu7x:2x2x1
jax: 0.10.2.dev20260603
libtpu: 0.0.44.dev20260713+nightly
codegen_flags: <defaults>
</compile_context>

<pallas_src>
import functools

import jax
import jax.numpy as jnp
from jax import lax
from jax.experimental import pallas as pl
from jax.experimental.pallas import tpu as pltpu
from jax.experimental.pallas import tpu_sc as plsc

N = 10000
E = 320000
D = 128

NC = 2
NS = 16
NW = NC * NS
CHUNK = 64
G = 8
GROUPS = 20
C_PER_TILE = G * GROUPS
E_PAD = NW * C_PER_TILE * CHUNK
N_PAD = 10112
ROWS_PER_TILE = N_PAD // NS
DEG_W = 16



def _lin_body(x_ref, wl_ref, wr_ref, b_ref, z_ref, w_ref):
    x = x_ref[...]
    z_ref[...] = lax.dot_general(x, wl_ref[...], (((1,), (1,)), ((), ())),
                                 preferred_element_type=jnp.float32)
    w_ref[...] = lax.dot_general(x, wr_ref[...], (((1,), (1,)), ((), ())),
                                 preferred_element_type=jnp.float32) + b_ref[...]


def _combine_body(acc_ref, deg_ref, w_ref, o_ref):
    a = acc_ref[0, :N, :] + acc_ref[1, :N, :]
    d = deg_ref[0, :N, 0:1] + deg_ref[1, :N, 0:1]
    o_ref[...] = a / jnp.maximum(d, 1.0) + w_ref[...]



_mesh = plsc.VectorSubcoreMesh(core_axis_name="c", subcore_axis_name="s")


@functools.partial(
    pl.kernel,
    mesh=_mesh,
    compiler_params=pltpu.CompilerParams(use_tc_tiling_on_sc=False,
                                         needs_layout_passes=False),
    out_type=[
        jax.ShapeDtypeStruct((NC, N_PAD, D), jnp.float32),
        jax.ShapeDtypeStruct((NC, N_PAD, DEG_W), jnp.float32),
    ],
    scratch_types=[
        pltpu.VMEM((G, CHUNK), jnp.int32),
        pltpu.VMEM((G, CHUNK), jnp.int32),
        pltpu.VMEM((2, CHUNK, D), jnp.bfloat16),
        pltpu.VMEM((2, CHUNK, D), jnp.float32),
        pltpu.VMEM((CHUNK, DEG_W), jnp.float32),
        pltpu.VMEM_SHARED((N_PAD, D), jnp.float32),
        pltpu.VMEM_SHARED((N_PAD, DEG_W), jnp.float32),
        pltpu.SemaphoreType.DMA,
        pltpu.SemaphoreType.DMA,
        pltpu.SemaphoreType.DMA,
        pltpu.SemaphoreType.DMA,
    ],
)
def _sc_agg(zb_hbm, src_hbm, dst_hbm, zeros_hbm, zeros8_hbm, ones_hbm,
            acc_out, deg_out, src_v, dst_v, rows_bf, rows_f, ones_v,
            acc_sh, deg_sh, sem_g0, sem_g1, sem_s0, sem_s1):
    c = lax.axis_index("c")
    s = lax.axis_index("s")
    w = c * NS + s
    r0 = s * ROWS_PER_TILE
    pieces = [(k * CHUNK, min(CHUNK, ROWS_PER_TILE - k * CHUNK))
              for k in range(-(-ROWS_PER_TILE // CHUNK))]

    pltpu.sync_copy(zeros_hbm, rows_f.at[0])
    pltpu.sync_copy(zeros8_hbm, ones_v)
    for off, sz in pieces:
        pltpu.sync_copy(rows_f.at[0].at[pl.ds(0, sz)],
                        acc_sh.at[pl.ds(r0 + off, sz)])
        pltpu.sync_copy(ones_v.at[pl.ds(0, sz)], deg_sh.at[pl.ds(r0 + off, sz)])
    pltpu.sync_copy(ones_hbm, ones_v)
    plsc.subcore_barrier()

    sem_g = (sem_g0, sem_g1)
    sem_s = (sem_s0, sem_s1)

    def unpack_chunk(b):
        def row(r, carry):
            for blk in range(D // 32):
                ab = rows_bf.at[b].at[r][pl.ds(blk * 32, 32)]
                lo, hi = plsc.unpack(ab, format=plsc.PackFormat.INTERLEAVED)
                rows_f.at[b].at[r][pl.ds(blk * 32, 16)] = lo
                rows_f.at[b].at[r][pl.ds(blk * 32 + 16, 16)] = hi
            return carry
        lax.fori_loop(0, CHUNK, row, 0)

    def body(g, carry):
        base = w * C_PER_TILE + g * G
        pltpu.sync_copy(src_hbm.at[pl.ds(base, G)], src_v)
        pltpu.sync_copy(dst_hbm.at[pl.ds(base, G)], dst_v)
        hg = [None] * G
        hs = [None] * G
        hg[0] = pltpu.async_copy(zb_hbm.at[src_v.at[0]], rows_bf.at[0],
                                 sem_g[0])
        for j in range(G):
            b = j % 2
            if j + 1 < G:
                hg[j + 1] = pltpu.async_copy(zb_hbm.at[src_v.at[j + 1]],
                                             rows_bf.at[1 - b], sem_g[1 - b])
            hg[j].wait()
            if j - 2 >= 0:
                hs[j - 2].wait()
            unpack_chunk(b)
            hs[j] = pltpu.async_copy(rows_f.at[b], acc_sh.at[dst_v.at[j]],
                                     sem_s[b], add=True)
            pltpu.sync_copy(ones_v, deg_sh.at[dst_v.at[j]], add=True)
        hs[G - 2].wait()
        hs[G - 1].wait()
        return carry

    lax.fori_loop(0, GROUPS, body, 0)
    plsc.subcore_barrier()

    for off, sz in pieces:
        pltpu.sync_copy(acc_sh.at[pl.ds(r0 + off, sz)],
                        rows_f.at[0].at[pl.ds(0, sz)])
        pltpu.sync_copy(rows_f.at[0].at[pl.ds(0, sz)],
                        acc_out.at[c].at[pl.ds(r0 + off, sz)])
        pltpu.sync_copy(deg_sh.at[pl.ds(r0 + off, sz)], ones_v.at[pl.ds(0, sz)])
        pltpu.sync_copy(ones_v.at[pl.ds(0, sz)],
                        deg_out.at[c].at[pl.ds(r0 + off, sz)])



def kernel(x, edge_index, W_l, b_l, W_r):
    ei = edge_index.astype(jnp.int32)
    pad = E_PAD - E
    src2 = jnp.concatenate([ei[0], jnp.zeros((pad,), jnp.int32)]
                           ).reshape(NW * C_PER_TILE, CHUNK)
    dst2 = jnp.concatenate([ei[1], jnp.full((pad,), N, jnp.int32)]
                           ).reshape(NW * C_PER_TILE, CHUNK)

    z, w = pl.pallas_call(
        _lin_body,
        out_shape=[jax.ShapeDtypeStruct((N, D), jnp.float32),
                   jax.ShapeDtypeStruct((N, D), jnp.float32)],
    )(x, W_l, W_r, b_l.reshape(1, D))

    zb = (z.reshape(N, D // 32, 2, 16).transpose(0, 1, 3, 2).reshape(N, D)
          .astype(jnp.bfloat16))

    zeros = jnp.zeros((CHUNK, D), jnp.float32)
    zeros8 = jnp.zeros((CHUNK, DEG_W), jnp.float32)
    ones = jnp.ones((CHUNK, DEG_W), jnp.float32)
    acc, deg = _sc_agg(zb, src2, dst2, zeros, zeros8, ones)

    out = pl.pallas_call(
        _combine_body,
        out_shape=jax.ShapeDtypeStruct((N, D), jnp.float32),
    )(acc, deg, w)
    return out

# --- scband reference (transcript-rebuilt; emitter-appended) ---
"""Pipeline reference for scband-encoder-78709570666636 (READ-ONLY COPY).

The authoritative reference and input builder live on the scoring server;
editing this copy changes nothing except your own understanding.
"""

import jax, jax.numpy as jnp
import numpy as np

N_NODES = 10000
N_EDGES = 320000
D_IN = 128
D_OUT = 128

def setup_inputs(seed: int = 0) -> dict:
    key = jax.random.key(seed)
    k1, k2, k3, k4, k5 = jax.random.split(key, 5)
    x = jax.random.normal(k1, (N_NODES, D_IN), dtype=jnp.float32)
    edge_index = jax.random.randint(k2, (2, N_EDGES), 0, N_NODES, dtype=jnp.int64)
    # SAGEConv parameters (PyG style): lin_l applied to aggregated neighbors (with bias),
    # lin_r applied to root/self features (no bias).
    scale_l = 1.0 / np.sqrt(D_IN)
    W_l = jax.random.uniform(k3, (D_OUT, D_IN), dtype=jnp.float32, minval=-scale_l, maxval=scale_l)
    b_l = jax.random.uniform(k4, (D_OUT,), dtype=jnp.float32, minval=-scale_l, maxval=scale_l)
    W_r = jax.random.uniform(k5, (D_OUT, D_IN), dtype=jnp.float32, minval=-scale_l, maxval=scale_l)
    return {"x": x, "edge_index": edge_index, "W_l": W_l, "b_l": b_l, "W_r": W_r}

def reference(x, edge_index, W_l, b_l, W_r):
    # Encoder.forward with gnn_type='sage', single SAGEConv layer, dropout p=0,
    # encoder_norm='none' (identity), prj_head_norm='no' (no projection head).
    src = edge_index[0]
    dst = edge_index[1]
    n = x.shape[0]
    # SAGEConv: mean aggregation of neighbor messages x_j over destination nodes
    msg = jnp.take(x, src, axis=0)                                  # gather  [E, D_IN]
    agg = jax.ops.segment_sum(msg, dst, num_segments=n)             # scatter-add [N, D_IN]
    deg = jax.ops.segment_sum(jnp.ones((msg.shape[0],), dtype=x.dtype), dst, num_segments=n)
    agg = agg / jnp.clip(deg, 1.0, None)[:, None]                   # mean
    out = agg @ W_l.T + b_l + x @ W_r.T                             # lin_l(aggr) + lin_r(x)
    # dropout p=0.0 -> identity; encoder_norm 'none' -> identity; projection head absent -> None
    return out

if __name__ == "__main__":
    import jax
    _d = setup_inputs()
    print(jax.jit(kernel)(*tuple(_d.values())))

</pallas_src>

<mosaic_0001>
#map = affine_map<(d0, d1) -> (0, 0)>
#map1 = affine_map<(d0, d1) -> (0, 0, 0)>
module attributes {stable_mosaic.version = 14 : i64} {
  func.func @_sc_agg(%arg0: i32, %arg1: i32, %arg2: memref<10000x128xbf16, #tpu.memory_space<hbm>>, %arg3: memref<5120x64xi32, #tpu.memory_space<hbm>>, %arg4: memref<5120x64xi32, #tpu.memory_space<hbm>>, %arg5: memref<64x128xf32, #tpu.memory_space<hbm>>, %arg6: memref<64x16xf32, #tpu.memory_space<hbm>>, %arg7: memref<64x16xf32, #tpu.memory_space<hbm>>, %arg8: memref<2x10112x128xf32, #tpu.memory_space<hbm>>, %arg9: memref<2x10112x16xf32, #tpu.memory_space<hbm>>, %arg10: memref<8x64xi32, #tpu.memory_space<vmem>>, %arg11: memref<8x64xi32, #tpu.memory_space<vmem>>, %arg12: memref<2x64x128xbf16, #tpu.memory_space<vmem>>, %arg13: memref<2x64x128xf32, #tpu.memory_space<vmem>>, %arg14: memref<64x16xf32, #tpu.memory_space<vmem>>, %arg15: memref<10112x128xf32, #tpu.memory_space<vmem_shared>>, %arg16: memref<10112x16xf32, #tpu.memory_space<vmem_shared>>, %arg17: memref<!tpu.dma_semaphore, #tpu.memory_space<semaphore_mem>>, %arg18: memref<!tpu.dma_semaphore, #tpu.memory_space<semaphore_mem>>, %arg19: memref<!tpu.dma_semaphore, #tpu.memory_space<semaphore_mem>>, %arg20: memref<!tpu.dma_semaphore, #tpu.memory_space<semaphore_mem>>) attributes {dimension_semantics = [#tpu.dimension_semantics<core_parallel>, #tpu.dimension_semantics<subcore_parallel>], iteration_bounds = array<i64: 2, 16>, scalar_prefetch = 0 : i64, scratch_operands = 11 : i64, tpu.core_type = #tpu.core_type<sc_vector_subcore>, window_params = [{transform_indices = #map}, {transform_indices = #map}, {transform_indices = #map}, {transform_indices = #map}, {transform_indices = #map}, {transform_indices = #map}, {transform_indices = #map1}, {transform_indices = #map1}]} {
    %mul3A = arith.constant 16 : i32
    %mul3A_0 = arith.muli %arg0, %mul3A : i32
    %add3A = arith.addi %mul3A_0, %arg1 : i32
    %mul3A_1 = arith.constant 632 : i32
    %mul3A_2 = arith.muli %arg1, %mul3A_1 : i32
    %run_scoped3A = arith.constant 0 : i32
    "tpu.region"() ({
      %run_scoped3A_159 = tpu.sem_alloc : memref<!tpu.dma_semaphore, #tpu.memory_space<semaphore_mem>>
      %dma_start3A = arith.constant 0 : i32
      %dma_start3A_160 = arith.constant 0 : i32
      %dma_start3A_161 = tpu.memref_slice %arg13[%run_scoped3A, %dma_start3A, %dma_start3A_160] : memref<2x64x128xf32, #tpu.memory_space<vmem>> -> memref<1x64x128xf32, #tpu.memory_space<vmem>>
      %dma_start3A_162 = tpu.memref_squeeze %dma_start3A_161 : memref<1x64x128xf32, #tpu.memory_space<vmem>> -> memref<64x128xf32, #tpu.memory_space<vmem>>
      %dma_start3A_163 = arith.constant 0 : i32
      %dma_start3A_164 = arith.constant 0 : i32
      %dma_start3A_165 = tpu.memref_slice %arg13[%run_scoped3A, %dma_start3A_163, %dma_start3A_164] : memref<2x64x128xf32, #tpu.memory_space<vmem>> -> memref<1x64x128xf32, #tpu.memory_space<vmem>>
      %dma_start3A_166 = tpu.memref_squeeze %dma_start3A_165 : memref<1x64x128xf32, #tpu.memory_space<vmem>> -> memref<64x128xf32, #tpu.memory_space<vmem>>
      tpu.enqueue_dma source(%arg5 : memref<64x128xf32, #tpu.memory_space<hbm>>) target(%dma_start3A_166 : memref<64x128xf32, #tpu.memory_space<vmem>>) target_semaphore(%run_scoped3A_159 : memref<!tpu.dma_semaphore, #tpu.memory_space<semaphore_mem>>)
      %dma_wait3A = arith.constant 0 : i32
      %dma_wait3A_167 = arith.constant 0 : i32
      %dma_wait3A_168 = tpu.memref_slice %arg13[%run_scoped3A, %dma_wait3A, %dma_wait3A_167] : memref<2x64x128xf32, #tpu.memory_space<vmem>> -> memref<1x64x128xf32, #tpu.memory_space<vmem>>
      %dma_wait3A_169 = tpu.memref_squeeze %dma_wait3A_168 : memref<1x64x128xf32, #tpu.memory_space<vmem>> -> memref<64x128xf32, #tpu.memory_space<vmem>>
      %dma_wait3A_170 = arith.constant 0 : i32
      %dma_wait3A_171 = arith.constant 0 : i32
      %dma_wait3A_172 = tpu.memref_slice %arg13[%run_scoped3A, %dma_wait3A_170, %dma_wait3A_171] : memref<2x64x128xf32, #tpu.memory_space<vmem>> -> memref<1x64x128xf32, #tpu.memory_space<vmem>>
      %dma_wait3A_173 = tpu.memref_squeeze %dma_wait3A_172 : memref<1x64x128xf32, #tpu.memory_space<vmem>> -> memref<64x128xf32, #tpu.memory_space<vmem>>
      tpu.wait_dma2 semaphore(%run_scoped3A_159 : memref<!tpu.dma_semaphore, #tpu.memory_space<semaphore_mem>>) src(%arg5 : memref<64x128xf32, #tpu.memory_space<hbm>>) dst(%dma_wait3A_173 : memref<64x128xf32, #tpu.memory_space<vmem>>)
      tpu.yield
    }) : () -> ()
    "tpu.region"() ({
      %run_scoped3A_159 = tpu.sem_alloc : memref<!tpu.dma_semaphore, #tpu.memory_space<semaphore_mem>>
      tpu.enqueue_dma source(%arg6 : memref<64x16xf32, #tpu.memory_space<hbm>>) target(%arg14 : memref<64x16xf32, #tpu.memory_space<vmem>>) target_semaphore(%run_scoped3A_159 : memref<!tpu.dma_semaphore, #tpu.memory_space<semaphore_mem>>)
      tpu.wait_dma2 semaphore(%run_scoped3A_159 : memref<!tpu.dma_semaphore, #tpu.memory_space<semaphore_mem>>) src(%arg6 : memref<64x16xf32, #tpu.memory_space<hbm>>) dst(%arg14 : memref<64x16xf32, #tpu.memory_space<vmem>>)
      tpu.yield
    }) : () -> ()
    %add3A_3 = arith.constant 0 : i32
    %add3A_4 = arith.addi %mul3A_2, %add3A_3 : i32
    %run_scoped3A_5 = arith.constant 0 : i32
    "tpu.region"() ({
      %run_scoped3A_159 = tpu.sem_alloc : memref<!tpu.dma_semaphore, #tpu.memory_space<semaphore_mem>>
      %dma_start3A = arith.constant 0 : i32
      %dma_start3A_160 = arith.constant 0 : i32
      %dma_start3A_161 = tpu.memref_slice %arg13[%run_scoped3A_5, %dma_start3A, %dma_start3A_160] : memref<2x64x128xf32, #tpu.memory_space<vmem>> -> memref<1x64x128xf32, #tpu.memory_space<vmem>>
      %dma_start3A_162 = tpu.memref_squeeze %dma_start3A_161 : memref<1x64x128xf32, #tpu.memory_space<vmem>> -> memref<64x128xf32, #tpu.memory_space<vmem>>
      %dma_start3A_163 = arith.constant 0 : i32
      %dma_start3A_164 = arith.constant 0 : i32
      %dma_start3A_165 = tpu.memref_slice %dma_start3A_162[%dma_start3A_163, %dma_start3A_164] : memref<64x128xf32, #tpu.memory_space<vmem>> -> memref<64x128xf32, #tpu.memory_space<vmem>>
      %dma_start3A_166 = arith.constant 0 : i32
      %dma_start3A_167 = tpu.memref_slice %arg15[%add3A_4, %dma_start3A_166] : memref<10112x128xf32, #tpu.memory_space<vmem_shared>> -> memref<64x128xf32, #tpu.memory_space<vmem_shared>>
      %dma_start3A_168 = arith.constant 0 : i32
      %dma_start3A_169 = tpu.memref_slice %arg15[%add3A_4, %dma_start3A_168] : memref<10112x128xf32, #tpu.memory_space<vmem_shared>> -> memref<64x128xf32, #tpu.memory_space<vmem_shared>>
      %dma_start3A_170 = arith.constant 0 : i32
      %dma_start3A_171 = arith.constant 0 : i32
      %dma_start3A_172 = tpu.memref_slice %arg13[%run_scoped3A_5, %dma_start3A_170, %dma_start3A_171] : memref<2x64x128xf32, #tpu.memory_space<vmem>> -> memref<1x64x128xf32, #tpu.memory_space<vmem>>
      %dma_start3A_173 = tpu.memref_squeeze %dma_start3A_172 : memref<1x64x128xf32, #tpu.memory_space<vmem>> -> memref<64x128xf32, #tpu.memory_space<vmem>>
      %dma_start3A_174 = arith.constant 0 : i32
      %dma_start3A_175 = arith.constant 0 : i32
      %dma_start3A_176 = tpu.memref_slice %dma_start3A_173[%dma_start3A_174, %dma_start3A_175] : memref<64x128xf32, #tpu.memory_space<vmem>> -> memref<64x128xf32, #tpu.memory_space<vmem>>
      tpu.enqueue_dma source(%dma_start3A_176 : memref<64x128xf32, #tpu.memory_space<vmem>>) target(%dma_start3A_169 : memref<64x128xf32, #tpu.memory_space<vmem_shared>>) target_semaphore(%run_scoped3A_159 : memref<!tpu.dma_semaphore, #tpu.memory_space<semaphore_mem>>)
      %dma_wait3A = arith.constant 0 : i32
      %dma_wait3A_177 = arith.constant 0 : i32
      %dma_wait3A_178 = tpu.memref_slice %arg13[%run_scoped3A_5, %dma_wait3A, %dma_wait3A_177] : memref<2x64x128xf32, #tpu.memory_space<vmem>> -> memref<1x64x128xf32, #tpu.memory_space<vmem>>
      %dma_wait3A_179 = tpu.memref_squeeze %dma_wait3A_178 : memref<1x64x128xf32, #tpu.memory_space<vmem>> -> memref<64x128xf32, #tpu.memory_space<vmem>>
      %dma_wait3A_180 = arith.constant 0 : i32
      %dma_wait3A_181 = arith.constant 0 : i32
      %dma_wait3A_182 = tpu.memref_slice %dma_wait3A_179[%dma_wait3A_180, %dma_wait3A_181] : memref<64x128xf32, #tpu.memory_space<vmem>> -> memref<64x128xf32, #tpu.memory_space<vmem>>
      %dma_wait3A_183 = arith.constant 0 : i32
      %dma_wait3A_184 = tpu.memref_slice %arg15[%add3A_4, %dma_wait3A_183] : memref<10112x128xf32, #tpu.memory_space<vmem_shared>> -> memref<64x128xf32, #tpu.memory_space<vmem_shared>>
      %dma_wait3A_185 = arith.constant 0 : i32
      %dma_wait3A_186 = tpu.memref_slice %arg15[%add3A_4, %dma_wait3A_185] : memref<10112x128xf32, #tpu.memory_space<vmem_shared>> -> memref<64x128xf32, #tpu.memory_space<vmem_shared>>
      %dma_wait3A_187 = arith.constant 0 : i32
      %dma_wait3A_188 = arith.constant 0 : i32
      %dma_wait3A_189 = tpu.memref_slice %arg13[%run_scoped3A_5, %dma_wait3A_187, %dma_wait3A_188] : memref<2x64x128xf32, #tpu.memory_space<vmem>> -> memref<1x64x128xf32, #tpu.memory_space<vmem>>
      %dma_wait3A_190 = tpu.memref_squeeze %dma_wait3A_189 : memref<1x64x128xf32, #tpu.memory_space<vmem>> -> memref<64x128xf32, #tpu.memory_space<vmem>>
      %dma_wait3A_191 = arith.constant 0 : i32
      %dma_wait3A_192 = arith.constant 0 : i32
      %dma_wait3A_193 = tpu.memref_slice %dma_wait3A_190[%dma_wait3A_191, %dma_wait3A_192] : memref<64x128xf32, #tpu.memory_space<vmem>> -> memref<64x128xf32, #tpu.memory_space<vmem>>
      tpu.wait_dma2 semaphore(%run_scoped3A_159 : memref<!tpu.dma_semaphore, #tpu.memory_space<semaphore_mem>>) src(%dma_wait3A_193 : memref<64x128xf32, #tpu.memory_space<vmem>>) dst(%dma_wait3A_186 : memref<64x128xf32, #tpu.memory_space<vmem_shared>>)
      tpu.yield
    }) : () -> ()
    %add3A_6 = arith.constant 0 : i32
    %add3A_7 = arith.addi %mul3A_2, %add3A_6 : i32
    "tpu.region"() ({
      %run_scoped3A_159 = tpu.sem_alloc : memref<!tpu.dma_semaphore, #tpu.memory_space<semaphore_mem>>
      %dma_start3A = arith.constant 0 : i32
      %dma_start3A_160 = arith.constant 0 : i32
      %dma_start3A_161 = tpu.memref_slice %arg14[%dma_start3A, %dma_start3A_160] : memref<64x16xf32, #tpu.memory_space<vmem>> -> memref<64x16xf32, #tpu.memory_space<vmem>>
      %dma_start3A_162 = arith.constant 0 : i32
      %dma_start3A_163 = tpu.memref_slice %arg16[%add3A_7, %dma_start3A_162] : memref<10112x16xf32, #tpu.memory_space<vmem_shared>> -> memref<64x16xf32, #tpu.memory_space<vmem_shared>>
      %dma_start3A_164 = arith.constant 0 : i32
      %dma_start3A_165 = tpu.memref_slice %arg16[%add3A_7, %dma_start3A_164] : memref<10112x16xf32, #tpu.memory_space<vmem_shared>> -> memref<64x16xf32, #tpu.memory_space<vmem_shared>>
      %dma_start3A_166 = arith.constant 0 : i32
      %dma_start3A_167 = arith.constant 0 : i32
      %dma_start3A_168 = tpu.memref_slice %arg14[%dma_start3A_166, %dma_start3A_167] : memref<64x16xf32, #tpu.memory_space<vmem>> -> memref<64x16xf32, #tpu.memory_space<vmem>>
      tpu.enqueue_dma source(%dma_start3A_168 : memref<64x16xf32, #tpu.memory_space<vmem>>) target(%dma_start3A_165 : memref<64x16xf32, #tpu.memory_space<vmem_shared>>) target_semaphore(%run_scoped3A_159 : memref<!tpu.dma_semaphore, #tpu.memory_space<semaphore_mem>>)
      %dma_wait3A = arith.constant 0 : i32
      %dma_wait3A_169 = arith.constant 0 : i32
      %dma_wait3A_170 = tpu.memref_slice %arg14[%dma_wait3A, %dma_wait3A_169] : memref<64x16xf32, #tpu.memory_space<vmem>> -> memref<64x16xf32, #tpu.memory_space<vmem>>
      %dma_wait3A_171 = arith.constant 0 : i32
      %dma_wait3A_172 = tpu.memref_slice %arg16[%add3A_7, %dma_wait3A_171] : memref<10112x16xf32, #tpu.memory_space<vmem_shared>> -> memref<64x16xf32, #tpu.memory_space<vmem_shared>>
      %dma_wait3A_173 = arith.constant 0 : i32
      %dma_wait3A_174 = tpu.memref_slice %arg16[%add3A_7, %dma_wait3A_173] : memref<10112x16xf32, #tpu.memory_space<vmem_shared>> -> memref<64x16xf32, #tpu.memory_space<vmem_shared>>
      %dma_wait3A_175 = arith.constant 0 : i32
      %dma_wait3A_176 = arith.constant 0 : i32
      %dma_wait3A_177 = tpu.memref_slice %arg14[%dma_wait3A_175, %dma_wait3A_176] : memref<64x16xf32, #tpu.memory_space<vmem>> -> memref<64x16xf32, #tpu.memory_space<vmem>>
      tpu.wait_dma2 semaphore(%run_scoped3A_159 : memref<!tpu.dma_semaphore, #tpu.memory_space<semaphore_mem>>) src(%dma_wait3A_177 : memref<64x16xf32, #tpu.memory_space<vmem>>) dst(%dma_wait3A_174 : memref<64x16xf32, #tpu.memory_space<vmem_shared>>)
      tpu.yield
    }) : () -> ()
    %add3A_8 = arith.constant 64 : i32
    %add3A_9 = arith.addi %mul3A_2, %add3A_8 : i32
    %run_scoped3A_10 = arith.constant 0 : i32
    "tpu.region"() ({
      %run_scoped3A_159 = tpu.sem_alloc : memref<!tpu.dma_semaphore, #tpu.memory_space<semaphore_mem>>
      %dma_start3A = arith.constant 0 : i32
      %dma_start3A_160 = arith.constant 0 : i32
      %dma_start3A_161 = tpu.memref_slice %arg13[%run_scoped3A_10, %dma_start3A, %dma_start3A_160] : memref<2x64x128xf32, #tpu.memory_space<vmem>> -> memref<1x64x128xf32, #tpu.memory_space<vmem>>
      %dma_start3A_162 = tpu.memref_squeeze %dma_start3A_161 : memref<1x64x128xf32, #tpu.memory_space<vmem>> -> memref<64x128xf32, #tpu.memory_space<vmem>>
      %dma_start3A_163 = arith.constant 0 : i32
      %dma_start3A_164 = arith.constant 0 : i32
      %dma_start3A_165 = tpu.memref_slice %dma_start3A_162[%dma_start3A_163, %dma_start3A_164] : memref<64x128xf32, #tpu.memory_space<vmem>> -> memref<64x128xf32, #tpu.memory_space<vmem>>
      %dma_start3A_166 = arith.constant 0 : i32
      %dma_start3A_167 = tpu.memref_slice %arg15[%add3A_9, %dma_start3A_166] : memref<10112x128xf32, #tpu.memory_space<vmem_shared>> -> memref<64x128xf32, #tpu.memory_space<vmem_shared>>
      %dma_start3A_168 = arith.constant 0 : i32
      %dma_start3A_169 = tpu.memref_slice %arg15[%add3A_9, %dma_start3A_168] : memref<10112x128xf32, #tpu.memory_space<vmem_shared>> -> memref<64x128xf32, #tpu.memory_space<vmem_shared>>
      %dma_start3A_170 = arith.constant 0 : i32
      %dma_start3A_171 = arith.constant 0 : i32
      %dma_start3A_172 = tpu.memref_slice %arg13[%run_scoped3A_10, %dma_start3A_170, %dma_start3A_171] : memref<2x64x128xf32, #tpu.memory_space<vmem>> -> memref<1x64x128xf32, #tpu.memory_space<vmem>>
      %dma_start3A_173 = tpu.memref_squeeze %dma_start3A_172 : memref<1x64x128xf32, #tpu.memory_space<vmem>> -> memref<64x128xf32, #tpu.memory_space<vmem>>
      %dma_start3A_174 = arith.constant 0 : i32
      %dma_start3A_175 = arith.constant 0 : i32
      %dma_start3A_176 = tpu.memref_slice %dma_start3A_173[%dma_start3A_174, %dma_start3A_175] : memref<64x128xf32, #tpu.memory_space<vmem>> -> memref<64x128xf32, #tpu.memory_space<vmem>>
      tpu.enqueue_dma source(%dma_start3A_176 : memref<64x128xf32, #tpu.memory_space<vmem>>) target(%dma_start3A_169 : memref<64x128xf32, #tpu.memory_space<vmem_shared>>) target_semaphore(%run_scoped3A_159 : memref<!tpu.dma_semaphore, #tpu.memory_space<semaphore_mem>>)
      %dma_wait3A = arith.constant 0 : i32
      %dma_wait3A_177 = arith.constant 0 : i32
      %dma_wait3A_178 = tpu.memref_slice %arg13[%run_scoped3A_10, %dma_wait3A, %dma_wait3A_177] : memref<2x64x128xf32, #tpu.memory_space<vmem>> -> memref<1x64x128xf32, #tpu.memory_space<vmem>>
      %dma_wait3A_179 = tpu.memref_squeeze %dma_wait3A_178 : memref<1x64x128xf32, #tpu.memory_space<vmem>> -> memref<64x128xf32, #tpu.memory_space<vmem>>
      %dma_wait3A_180 = arith.constant 0 : i32
      %dma_wait3A_181 = arith.constant 0 : i32
      %dma_wait3A_182 = tpu.memref_slice %dma_wait3A_179[%dma_wait3A_180, %dma_wait3A_181] : memref<64x128xf32, #tpu.memory_space<vmem>> -> memref<64x128xf32, #tpu.memory_space<vmem>>
      %dma_wait3A_183 = arith.constant 0 : i32
      %dma_wait3A_184 = tpu.memref_slice %arg15[%add3A_9, %dma_wait3A_183] : memref<10112x128xf32, #tpu.memory_space<vmem_shared>> -> memref<64x128xf32, #tpu.memory_space<vmem_shared>>
      %dma_wait3A_185 = arith.constant 0 : i32
      %dma_wait3A_186 = tpu.memref_slice %arg15[%add3A_9, %dma_wait3A_185] : memref<10112x128xf32, #tpu.memory_space<vmem_shared>> -> memref<64x128xf32, #tpu.memory_space<vmem_shared>>
      %dma_wait3A_187 = arith.constant 0 : i32
      %dma_wait3A_188 = arith.constant 0 : i32
      %dma_wait3A_189 = tpu.memref_slice %arg13[%run_scoped3A_10, %dma_wait3A_187, %dma_wait3A_188] : memref<2x64x128xf32, #tpu.memory_space<vmem>> -> memref<1x64x128xf32, #tpu.memory_space<vmem>>
      %dma_wait3A_190 = tpu.memref_squeeze %dma_wait3A_189 : memref<1x64x128xf32, #tpu.memory_space<vmem>> -> memref<64x128xf32, #tpu.memory_space<vmem>>
      %dma_wait3A_191 = arith.constant 0 : i32
      %dma_wait3A_192 = arith.constant 0 : i32
      %dma_wait3A_193 = tpu.memref_slice %dma_wait3A_190[%dma_wait3A_191, %dma_wait3A_192] : memref<64x128xf32, #tpu.memory_space<vmem>> -> memref<64x128xf32, #tpu.memory_space<vmem>>
      tpu.wait_dma2 semaphore(%run_scoped3A_159 : memref<!tpu.dma_semaphore, #tpu.memory_space<semaphore_mem>>) src(%dma_wait3A_193 : memref<64x128xf32, #tpu.memory_space<vmem>>) dst(%dma_wait3A_186 : memref<64x128xf32, #tpu.memory_space<vmem_shared>>)
      tpu.yield
    }) : () -> ()
    %add3A_11 = arith.constant 64 : i32
    %add3A_12 = arith.addi %mul3A_2, %add3A_11 : i32
    "tpu.region"() ({
      %run_scoped3A_159 = tpu.sem_alloc : memref<!tpu.dma_semaphore, #tpu.memory_space<semaphore_mem>>
      %dma_start3A = arith.constant 0 : i32
      %dma_start3A_160 = arith.constant 0 : i32
      %dma_start3A_161 = tpu.memref_slice %arg14[%dma_start3A, %dma_start3A_160] : memref<64x16xf32, #tpu.memory_space<vmem>> -> memref<64x16xf32, #tpu.memory_space<vmem>>
      %dma_start3A_162 = arith.constant 0 : i32
      %dma_start3A_163 = tpu.memref_slice %arg16[%add3A_12, %dma_start3A_162] : memref<10112x16xf32, #tpu.memory_space<vmem_shared>> -> memref<64x16xf32, #tpu.memory_space<vmem_shared>>
      %dma_start3A_164 = arith.constant 0 : i32
      %dma_start3A_165 = tpu.memref_slice %arg16[%add3A_12, %dma_start3A_164] : memref<10112x16xf32, #tpu.memory_space<vmem_shared>> -> memref<64x16xf32, #tpu.memory_space<vmem_shared>>
      %dma_start3A_166 = arith.constant 0 : i32
      %dma_start3A_167 = arith.constant 0 : i32
      %dma_start3A_168 = tpu.memref_slice %arg14[%dma_start3A_166, %dma_start3A_167] : memref<64x16xf32, #tpu.memory_space<vmem>> -> memref<64x16xf32, #tpu.memory_space<vmem>>
      tpu.enqueue_dma source(%dma_start3A_168 : memref<64x16xf32, #tpu.memory_space<vmem>>) target(%dma_start3A_165 : memref<64x16xf32, #tpu.memory_space<vmem_shared>>) target_semaphore(%run_scoped3A_159 : memref<!tpu.dma_semaphore, #tpu.memory_space<semaphore_mem>>)
      %dma_wait3A = arith.constant 0 : i32
      %dma_wait3A_169 = arith.constant 0 : i32
      %dma_wait3A_170 = tpu.memref_slice %arg14[%dma_wait3A, %dma_wait3A_169] : memref<64x16xf32, #tpu.memory_space<vmem>> -> memref<64x16xf32, #tpu.memory_space<vmem>>
      %dma_wait3A_171 = arith.constant 0 : i32
      %dma_wait3A_172 = tpu.memref_slice %arg16[%add3A_12, %dma_wait3A_171] : memref<10112x16xf32, #tpu.memory_space<vmem_shared>> -> memref<64x16xf32, #tpu.memory_space<vmem_shared>>
      %dma_wait3A_173 = arith.constant 0 : i32
      %dma_wait3A_174 = tpu.memref_slice %arg16[%add3A_12, %dma_wait3A_173] : memref<10112x16xf32, #tpu.memory_space<vmem_shared>> -> memref<64x16xf32, #tpu.memory_space<vmem_shared>>
      %dma_wait3A_175 = arith.constant 0 : i32
      %dma_wait3A_176 = arith.constant 0 : i32
      %dma_wait3A_177 = tpu.memref_slice %arg14[%dma_wait3A_175, %dma_wait3A_176] : memref<64x16xf32, #tpu.memory_space<vmem>> -> memref<64x16xf32, #tpu.memory_space<vmem>>
      tpu.wait_dma2 semaphore(%run_scoped3A_159 : memref<!tpu.dma_semaphore, #tpu.memory_space<semaphore_mem>>) src(%dma_wait3A_177 : memref<64x16xf32, #tpu.memory_space<vmem>>) dst(%dma_wait3A_174 : memref<64x16xf32, #tpu.memory_space<vmem_shared>>)
      tpu.yield
    }) : () -> ()
    %add3A_13 = arith.constant 128 : i32
    %add3A_14 = arith.addi %mul3A_2, %add3A_13 : i32
    %run_scoped3A_15 = arith.constant 0 : i32
    "tpu.region"() ({
      %run_scoped3A_159 = tpu.sem_alloc : memref<!tpu.dma_semaphore, #tpu.memory_space<semaphore_mem>>
      %dma_start3A = arith.constant 0 : i32
      %dma_start3A_160 = arith.constant 0 : i32
      %dma_start3A_161 = tpu.memref_slice %arg13[%run_scoped3A_15, %dma_start3A, %dma_start3A_160] : memref<2x64x128xf32, #tpu.memory_space<vmem>> -> memref<1x64x128xf32, #tpu.memory_space<vmem>>
      %dma_start3A_162 = tpu.memref_squeeze %dma_start3A_161 : memref<1x64x128xf32, #tpu.memory_space<vmem>> -> memref<64x128xf32, #tpu.memory_space<vmem>>
      %dma_start3A_163 = arith.constant 0 : i32
      %dma_start3A_164 = arith.constant 0 : i32
      %dma_start3A_165 = tpu.memref_slice %dma_start3A_162[%dma_start3A_163, %dma_start3A_164] : memref<64x128xf32, #tpu.memory_space<vmem>> -> memref<64x128xf32, #tpu.memory_space<vmem>>
      %dma_start3A_166 = arith.constant 0 : i32
      %dma_start3A_167 = tpu.memref_slice %arg15[%add3A_14, %dma_start3A_166] : memref<10112x128xf32, #tpu.memory_space<vmem_shared>> -> memref<64x128xf32, #tpu.memory_space<vmem_shared>>
      %dma_start3A_168 = arith.constant 0 : i32
      %dma_start3A_169 = tpu.memref_slice %arg15[%add3A_14, %dma_start3A_168] : memref<10112x128xf32, #tpu.memory_space<vmem_shared>> -> memref<64x128xf32, #tpu.memory_space<vmem_shared>>
      %dma_start3A_170 = arith.constant 0 : i32
      %dma_start3A_171 = arith.constant 0 : i32
      %dma_start3A_172 = tpu.memref_slice %arg13[%run_scoped3A_15, %dma_start3A_170, %dma_start3A_171] : memref<2x64x128xf32, #tpu.memory_space<vmem>> -> memref<1x64x128xf32, #tpu.memory_space<vmem>>
      %dma_start3A_173 = tpu.memref_squeeze %dma_start3A_172 : memref<1x64x128xf32, #tpu.memory_space<vmem>> -> memref<64x128xf32, #tpu.memory_space<vmem>>
      %dma_start3A_174 = arith.constant 0 : i32
      %dma_start3A_175 = arith.constant 0 : i32
      %dma_start3A_176 = tpu.memref_slice %dma_start3A_173[%dma_start3A_174, %dma_start3A_175] : memref<64x128xf32, #tpu.memory_space<vmem>> -> memref<64x128xf32, #tpu.memory_space<vmem>>
      tpu.enqueue_dma source(%dma_start3A_176 : memref<64x128xf32, #tpu.memory_space<vmem>>) target(%dma_start3A_169 : memref<64x128xf32, #tpu.memory_space<vmem_shared>>) target_semaphore(%run_scoped3A_159 : memref<!tpu.dma_semaphore, #tpu.memory_space<semaphore_mem>>)
      %dma_wait3A = arith.constant 0 : i32
      %dma_wait3A_177 = arith.constant 0 : i32
      %dma_wait3A_178 = tpu.memref_slice %arg13[%run_scoped3A_15, %dma_wait3A, %dma_wait3A_177] : memref<2x64x128xf32, #tpu.memory_space<vmem>> -> memref<1x64x128xf32, #tpu.memory_space<vmem>>
      %dma_wait3A_179 = tpu.memref_squeeze %dma_wait3A_178 : memref<1x64x128xf32, #tpu.memory_space<vmem>> -> memref<64x128xf32, #tpu.memory_space<vmem>>
      %dma_wait3A_180 = arith.constant 0 : i32
      %dma_wait3A_181 = arith.constant 0 : i32
      %dma_wait3A_182 = tpu.memref_slice %dma_wait3A_179[%dma_wait3A_180, %dma_wait3A_181] : memref<64x128xf32, #tpu.memory_space<vmem>> -> memref<64x128xf32, #tpu.memory_space<vmem>>
      %dma_wait3A_183 = arith.constant 0 : i32
      %dma_wait3A_184 = tpu.memref_slice %arg15[%add3A_14, %dma_wait3A_183] : memref<10112x128xf32, #tpu.memory_space<vmem_shared>> -> memref<64x128xf32, #tpu.memory_space<vmem_shared>>
      %dma_wait3A_185 = arith.constant 0 : i32
      %dma_wait3A_186 = tpu.memref_slice %arg15[%add3A_14, %dma_wait3A_185] : memref<10112x128xf32, #tpu.memory_space<vmem_shared>> -> memref<64x128xf32, #tpu.memory_space<vmem_shared>>
      %dma_wait3A_187 = arith.constant 0 : i32
      %dma_wait3A_188 = arith.constant 0 : i32
      %dma_wait3A_189 = tpu.memref_slice %arg13[%run_scoped3A_15, %dma_wait3A_187, %dma_wait3A_188] : memref<2x64x128xf32, #tpu.memory_space<vmem>> -> memref<1x64x128xf32, #tpu.memory_space<vmem>>
      %dma_wait3A_190 = tpu.memref_squeeze %dma_wait3A_189 : memref<1x64x128xf32, #tpu.memory_space<vmem>> -> memref<64x128xf32, #tpu.memory_space<vmem>>
      %dma_wait3A_191 = arith.constant 0 : i32
      %dma_wait3A_192 = arith.constant 0 : i32
      %dma_wait3A_193 = tpu.memref_slice %dma_wait3A_190[%dma_wait3A_191, %dma_wait3A_192] : memref<64x128xf32, #tpu.memory_space<vmem>> -> memref<64x128xf32, #tpu.memory_space<vmem>>
      tpu.wait_dma2 semaphore(%run_scoped3A_159 : memref<!tpu.dma_semaphore, #tpu.memory_space<semaphore_mem>>) src(%dma_wait3A_193 : memref<64x128xf32, #tpu.memory_space<vmem>>) dst(%dma_wait3A_186 : memref<64x128xf32, #tpu.memory_space<vmem_shared>>)
      tpu.yield
    }) : () -> ()
    %add3A_16 = arith.constant 128 : i32
    %add3A_17 = arith.addi %mul3A_2, %add3A_16 : i32
    "tpu.region"() ({
      %run_scoped3A_159 = tpu.sem_alloc : memref<!tpu.dma_semaphore, #tpu.memory_space<semaphore_mem>>
      %dma_start3A = arith.constant 0 : i32
      %dma_start3A_160 = arith.constant 0 : i32
      %dma_start3A_161 = tpu.memref_slice %arg14[%dma_start3A, %dma_start3A_160] : memref<64x16xf32, #tpu.memory_space<vmem>> -> memref<64x16xf32, #tpu.memory_space<vmem>>
      %dma_start3A_162 = arith.constant 0 : i32
      %dma_start3A_163 = tpu.memref_slice %arg16[%add3A_17, %dma_start3A_162] : memref<10112x16xf32, #tpu.memory_space<vmem_shared>> -> memref<64x16xf32, #tpu.memory_space<vmem_shared>>
      %dma_start3A_164 = arith.constant 0 : i32
      %dma_start3A_165 = tpu.memref_slice %arg16[%add3A_17, %dma_start3A_164] : memref<10112x16xf32, #tpu.memory_space<vmem_shared>> -> memref<64x16xf32, #tpu.memory_space<vmem_shared>>
      %dma_start3A_166 = arith.constant 0 : i32
      %dma_start3A_167 = arith.constant 0 : i32
      %dma_start3A_168 = tpu.memref_slice %arg14[%dma_start3A_166, %dma_start3A_167] : memref<64x16xf32, #tpu.memory_space<vmem>> -> memref<64x16xf32, #tpu.memory_space<vmem>>
      tpu.enqueue_dma source(%dma_start3A_168 : memref<64x16xf32, #tpu.memory_space<vmem>>) target(%dma_start3A_165 : memref<64x16xf32, #tpu.memory_space<vmem_shared>>) target_semaphore(%run_scoped3A_159 : memref<!tpu.dma_semaphore, #tpu.memory_space<semaphore_mem>>)
      %dma_wait3A = arith.constant 0 : i32
      %dma_wait3A_169 = arith.constant 0 : i32
      %dma_wait3A_170 = tpu.memref_slice %arg14[%dma_wait3A, %dma_wait3A_169] : memref<64x16xf32, #tpu.memory_space<vmem>> -> memref<64x16xf32, #tpu.memory_space<vmem>>
      %dma_wait3A_171 = arith.constant 0 : i32
      %dma_wait3A_172 = tpu.memref_slice %arg16[%add3A_17, %dma_wait3A_171] : memref<10112x16xf32, #tpu.memory_space<vmem_shared>> -> memref<64x16xf32, #tpu.memory_space<vmem_shared>>
      %dma_wait3A_173 = arith.constant 0 : i32
      %dma_wait3A_174 = tpu.memref_slice %arg16[%add3A_17, %dma_wait3A_173] : memref<10112x16xf32, #tpu.memory_space<vmem_shared>> -> memref<64x16xf32, #tpu.memory_space<vmem_shared>>
      %dma_wait3A_175 = arith.constant 0 : i32
      %dma_wait3A_176 = arith.constant 0 : i32
      %dma_wait3A_177 = tpu.memref_slice %arg14[%dma_wait3A_175, %dma_wait3A_176] : memref<64x16xf32, #tpu.memory_space<vmem>> -> memref<64x16xf32, #tpu.memory_space<vmem>>
      tpu.wait_dma2 semaphore(%run_scoped3A_159 : memref<!tpu.dma_semaphore, #tpu.memory_space<semaphore_mem>>) src(%dma_wait3A_177 : memref<64x16xf32, #tpu.memory_space<vmem>>) dst(%dma_wait3A_174 : memref<64x16xf32, #tpu.memory_space<vmem_shared>>)
      tpu.yield
    }) : () -> ()
    %add3A_18 = arith.constant 192 : i32
    %add3A_19 = arith.addi %mul3A_2, %add3A_18 : i32
    %run_scoped3A_20 = arith.constant 0 : i32
    "tpu.region"() ({
      %run_scoped3A_159 = tpu.sem_alloc : memref<!tpu.dma_semaphore, #tpu.memory_space<semaphore_mem>>
      %dma_start3A = arith.constant 0 : i32
      %dma_start3A_160 = arith.constant 0 : i32
      %dma_start3A_161 = tpu.memref_slice %arg13[%run_scoped3A_20, %dma_start3A, %dma_start3A_160] : memref<2x64x128xf32, #tpu.memory_space<vmem>> -> memref<1x64x128xf32, #tpu.memory_space<vmem>>
      %dma_start3A_162 = tpu.memref_squeeze %dma_start3A_161 : memref<1x64x128xf32, #tpu.memory_space<vmem>> -> memref<64x128xf32, #tpu.memory_space<vmem>>
      %dma_start3A_163 = arith.constant 0 : i32
      %dma_start3A_164 = arith.constant 0 : i32
      %dma_start3A_165 = tpu.memref_slice %dma_start3A_162[%dma_start3A_163, %dma_start3A_164] : memref<64x128xf32, #tpu.memory_space<vmem>> -> memref<64x128xf32, #tpu.memory_space<vmem>>
      %dma_start3A_166 = arith.constant 0 : i32
      %dma_start3A_167 = tpu.memref_slice %arg15[%add3A_19, %dma_start3A_166] : memref<10112x128xf32, #tpu.memory_space<vmem_shared>> -> memref<64x128xf32, #tpu.memory_space<vmem_shared>>
      %dma_start3A_168 = arith.constant 0 : i32
      %dma_start3A_169 = tpu.memref_slice %arg15[%add3A_19, %dma_start3A_168] : memref<10112x128xf32, #tpu.memory_space<vmem_shared>> -> memref<64x128xf32, #tpu.memory_space<vmem_shared>>
      %dma_start3A_170 = arith.constant 0 : i32
      %dma_start3A_171 = arith.constant 0 : i32
      %dma_start3A_172 = tpu.memref_slice %arg13[%run_scoped3A_20, %dma_start3A_170, %dma_start3A_171] : memref<2x64x128xf32, #tpu.memory_space<vmem>> -> memref<1x64x128xf32, #tpu.memory_space<vmem>>
      %dma_start3A_173 = tpu.memref_squeeze %dma_start3A_172 : memref<1x64x128xf32, #tpu.memory_space<vmem>> -> memref<64x128xf32, #tpu.memory_space<vmem>>
      %dma_start3A_174 = arith.constant 0 : i32
      %dma_start3A_175 = arith.constant 0 : i32
      %dma_start3A_176 = tpu.memref_slice %dma_start3A_173[%dma_start3A_174, %dma_start3A_175] : memref<64x128xf32, #tpu.memory_space<vmem>> -> memref<64x128xf32, #tpu.memory_space<vmem>>
      tpu.enqueue_dma source(%dma_start3A_176 : memref<64x128xf32, #tpu.memory_space<vmem>>) target(%dma_start3A_169 : memref<64x128xf32, #tpu.memory_space<vmem_shared>>) target_semaphore(%run_scoped3A_159 : memref<!tpu.dma_semaphore, #tpu.memory_space<semaphore_mem>>)
      %dma_wait3A = arith.constant 0 : i32
      %dma_wait3A_177 = arith.constant 0 : i32
      %dma_wait3A_178 = tpu.memref_slice %arg13[%run_scoped3A_20, %dma_wait3A, %dma_wait3A_177] : memref<2x64x128xf32, #tpu.memory_space<vmem>> -> memref<1x64x128xf32, #tpu.memory_space<vmem>>
      %dma_wait3A_179 = tpu.memref_squeeze %dma_wait3A_178 : memref<1x64x128xf32, #tpu.memory_space<vmem>> -> memref<64x128xf32, #tpu.memory_space<vmem>>
      %dma_wait3A_180 = arith.constant 0 : i32
      %dma_wait3A_181 = arith.constant 0 : i32
      %dma_wait3A_182 = tpu.memref_slice %dma_wait3A_179[%dma_wait3A_180, %dma_wait3A_181] : memref<64x128xf32, #tpu.memory_space<vmem>> -> memref<64x128xf32, #tpu.memory_space<vmem>>
      %dma_wait3A_183 = arith.constant 0 : i32
      %dma_wait3A_184 = tpu.memref_slice %arg15[%add3A_19, %dma_wait3A_183] : memref<10112x128xf32, #tpu.memory_space<vmem_shared>> -> memref<64x128xf32, #tpu.memory_space<vmem_shared>>
      %dma_wait3A_185 = arith.constant 0 : i32
      %dma_wait3A_186 = tpu.memref_slice %arg15[%add3A_19, %dma_wait3A_185] : memref<10112x128xf32, #tpu.memory_space<vmem_shared>> -> memref<64x128xf32, #tpu.memory_space<vmem_shared>>
      %dma_wait3A_187 = arith.constant 0 : i32
      %dma_wait3A_188 = arith.constant 0 : i32
      %dma_wait3A_189 = tpu.memref_slice %arg13[%run_scoped3A_20, %dma_wait3A_187, %dma_wait3A_188] : memref<2x64x128xf32, #tpu.memory_space<vmem>> -> memref<1x64x128xf32, #tpu.memory_space<vmem>>
      %dma_wait3A_190 = tpu.memref_squeeze %dma_wait3A_189 : memref<1x64x128xf32, #tpu.memory_space<vmem>> -> memref<64x128xf32, #tpu.memory_space<vmem>>
      %dma_wait3A_191 = arith.constant 0 : i32
      %dma_wait3A_192 = arith.constant 0 : i32
      %dma_wait3A_193 = tpu.memref_slice %dma_wait3A_190[%dma_wait3A_191, %dma_wait3A_192] : memref<64x128xf32, #tpu.memory_space<vmem>> -> memref<64x128xf32, #tpu.memory_space<vmem>>
      tpu.wait_dma2 semaphore(%run_scoped3A_159 : memref<!tpu.dma_semaphore, #tpu.memory_space<semaphore_mem>>) src(%dma_wait3A_193 : memref<64x128xf32, #tpu.memory_space<vmem>>) dst(%dma_wait3A_186 : memref<64x128xf32, #tpu.memory_space<vmem_shared>>)
      tpu.yield
    }) : () -> ()
    %add3A_21 = arith.constant 192 : i32
    %add3A_22 = arith.addi %mul3A_2, %add3A_21 : i32
    "tpu.region"() ({
      %run_scoped3A_159 = tpu.sem_alloc : memref<!tpu.dma_semaphore, #tpu.memory_space<semaphore_mem>>
      %dma_start3A = arith.constant 0 : i32
      %dma_start3A_160 = arith.constant 0 : i32
      %dma_start3A_161 = tpu.memref_slice %arg14[%dma_start3A, %dma_start3A_160] : memref<64x16xf32, #tpu.memory_space<vmem>> -> memref<64x16xf32, #tpu.memory_space<vmem>>
      %dma_start3A_162 = arith.constant 0 : i32
      %dma_start3A_163 = tpu.memref_slice %arg16[%add3A_22, %dma_start3A_162] : memref<10112x16xf32, #tpu.memory_space<vmem_shared>> -> memref<64x16xf32, #tpu.memory_space<vmem_shared>>
      %dma_start3A_164 = arith.constant 0 : i32
      %dma_start3A_165 = tpu.memref_slice %arg16[%add3A_22, %dma_start3A_164] : memref<10112x16xf32, #tpu.memory_space<vmem_shared>> -> memref<64x16xf32, #tpu.memory_space<vmem_shared>>
      %dma_start3A_166 = arith.constant 0 : i32
      %dma_start3A_167 = arith.constant 0 : i32
      %dma_start3A_168 = tpu.memref_slice %arg14[%dma_start3A_166, %dma_start3A_167] : memref<64x16xf32, #tpu.memory_space<vmem>> -> memref<64x16xf32, #tpu.memory_space<vmem>>
      tpu.enqueue_dma source(%dma_start3A_168 : memref<64x16xf32, #tpu.memory_space<vmem>>) target(%dma_start3A_165 : memref<64x16xf32, #tpu.memory_space<vmem_shared>>) target_semaphore(%run_scoped3A_159 : memref<!tpu.dma_semaphore, #tpu.memory_space<semaphore_mem>>)
      %dma_wait3A = arith.constant 0 : i32
      %dma_wait3A_169 = arith.constant 0 : i32
      %dma_wait3A_170 = tpu.memref_slice %arg14[%dma_wait3A, %dma_wait3A_169] : memref<64x16xf32, #tpu.memory_space<vmem>> -> memref<64x16xf32, #tpu.memory_space<vmem>>
      %dma_wait3A_171 = arith.constant 0 : i32
      %dma_wait3A_172 = tpu.memref_slice %arg16[%add3A_22, %dma_wait3A_171] : memref<10112x16xf32, #tpu.memory_space<vmem_shared>> -> memref<64x16xf32, #tpu.memory_space<vmem_shared>>
      %dma_wait3A_173 = arith.constant 0 : i32
      %dma_wait3A_174 = tpu.memref_slice %arg16[%add3A_22, %dma_wait3A_173] : memref<10112x16xf32, #tpu.memory_space<vmem_shared>> -> memref<64x16xf32, #tpu.memory_space<vmem_shared>>
      %dma_wait3A_175 = arith.constant 0 : i32
      %dma_wait3A_176 = arith.constant 0 : i32
      %dma_wait3A_177 = tpu.memref_slice %arg14[%dma_wait3A_175, %dma_wait3A_176] : memref<64x16xf32, #tpu.memory_space<vmem>> -> memref<64x16xf32, #tpu.memory_space<vmem>>
      tpu.wait_dma2 semaphore(%run_scoped3A_159 : memref<!tpu.dma_semaphore, #tpu.memory_space<semaphore_mem>>) src(%dma_wait3A_177 : memref<64x16xf32, #tpu.memory_space<vmem>>) dst(%dma_wait3A_174 : memref<64x16xf32, #tpu.memory_space<vmem_shared>>)
      tpu.yield
    }) : () -> ()
    %add3A_23 = arith.constant 256 : i32
    %add3A_24 = arith.addi %mul3A_2, %add3A_23 : i32
    %run_scoped3A_25 = arith.constant 0 : i32
    "tpu.region"() ({
      %run_scoped3A_159 = tpu.sem_alloc : memref<!tpu.dma_semaphore, #tpu.memory_space<semaphore_mem>>
      %dma_start3A = arith.constant 0 : i32
      %dma_start3A_160 = arith.constant 0 : i32
      %dma_start3A_161 = tpu.memref_slice %arg13[%run_scoped3A_25, %dma_start3A, %dma_start3A_160] : memref<2x64x128xf32, #tpu.memory_space<vmem>> -> memref<1x64x128xf32, #tpu.memory_space<vmem>>
      %dma_start3A_162 = tpu.memref_squeeze %dma_start3A_161 : memref<1x64x128xf32, #tpu.memory_space<vmem>> -> memref<64x128xf32, #tpu.memory_space<vmem>>
      %dma_start3A_163 = arith.constant 0 : i32
      %dma_start3A_164 = arith.constant 0 : i32
      %dma_start3A_165 = tpu.memref_slice %dma_start3A_162[%dma_start3A_163, %dma_start3A_164] : memref<64x128xf32, #tpu.memory_space<vmem>> -> memref<64x128xf32, #tpu.memory_space<vmem>>
      %dma_start3A_166 = arith.constant 0 : i32
      %dma_start3A_167 = tpu.memref_slice %arg15[%add3A_24, %dma_start3A_166] : memref<10112x128xf32, #tpu.memory_space<vmem_shared>> -> memref<64x128xf32, #tpu.memory_space<vmem_shared>>
      %dma_start3A_168 = arith.constant 0 : i32
      %dma_start3A_169 = tpu.memref_slice %arg15[%add3A_24, %dma_start3A_168] : memref<10112x128xf32, #tpu.memory_space<vmem_shared>> -> memref<64x128xf32, #tpu.memory_space<vmem_shared>>
      %dma_start3A_170 = arith.constant 0 : i32
      %dma_start3A_171 = arith.constant 0 : i32
      %dma_start3A_172 = tpu.memref_slice %arg13[%run_scoped3A_25, %dma_start3A_170, %dma_start3A_171] : memref<2x64x128xf32, #tpu.memory_space<vmem>> -> memref<1x64x128xf32, #tpu.memory_space<vmem>>
      %dma_start3A_173 = tpu.memref_squeeze %dma_start3A_172 : memref<1x64x128xf32, #tpu.memory_space<vmem>> -> memref<64x128xf32, #tpu.memory_space<vmem>>
      %dma_start3A_174 = arith.constant 0 : i32
      %dma_start3A_175 = arith.constant 0 : i32
      %dma_start3A_176 = tpu.memref_slice %dma_start3A_173[%dma_start3A_174, %dma_start3A_175] : memref<64x128xf32, #tpu.memory_space<vmem>> -> memref<64x128xf32, #tpu.memory_space<vmem>>
      tpu.enqueue_dma source(%dma_start3A_176 : memref<64x128xf32, #tpu.memory_space<vmem>>) target(%dma_start3A_169 : memref<64x128xf32, #tpu.memory_space<vmem_shared>>) target_semaphore(%run_scoped3A_159 : memref<!tpu.dma_semaphore, #tpu.memory_space<semaphore_mem>>)
      %dma_wait3A = arith.constant 0 : i32
      %dma_wait3A_177 = arith.constant 0 : i32
      %dma_wait3A_178 = tpu.memref_slice %arg13[%run_scoped3A_25, %dma_wait3A, %dma_wait3A_177] : memref<2x64x128xf32, #tpu.memory_space<vmem>> -> memref<1x64x128xf32, #tpu.memory_space<vmem>>
      %dma_wait3A_179 = tpu.memref_squeeze %dma_wait3A_178 : memref<1x64x128xf32, #tpu.memory_space<vmem>> -> memref<64x128xf32, #tpu.memory_space<vmem>>
      %dma_wait3A_180 = arith.constant 0 : i32
      %dma_wait3A_181 = arith.constant 0 : i32
      %dma_wait3A_182 = tpu.memref_slice %dma_wait3A_179[%dma_wait3A_180, %dma_wait3A_181] : memref<64x128xf32, #tpu.memory_space<vmem>> -> memref<64x128xf32, #tpu.memory_space<vmem>>
      %dma_wait3A_183 = arith.constant 0 : i32
      %dma_wait3A_184 = tpu.memref_slice %arg15[%add3A_24, %dma_wait3A_183] : memref<10112x128xf32, #tpu.memory_space<vmem_shared>> -> memref<64x128xf32, #tpu.memory_space<vmem_shared>>
      %dma_wait3A_185 = arith.constant 0 : i32
      %dma_wait3A_186 = tpu.memref_slice %arg15[%add3A_24, %dma_wait3A_185] : memref<10112x128xf32, #tpu.memory_space<vmem_shared>> -> memref<64x128xf32, #tpu.memory_space<vmem_shared>>
      %dma_wait3A_187 = arith.constant 0 : i32
      %dma_wait3A_188 = arith.constant 0 : i32
      %dma_wait3A_189 = tpu.memref_slice %arg13[%run_scoped3A_25, %dma_wait3A_187, %dma_wait3A_188] : memref<2x64x128xf32, #tpu.memory_space<vmem>> -> memref<1x64x128xf32, #tpu.memory_space<vmem>>
      %dma_wait3A_190 = tpu.memref_squeeze %dma_wait3A_189 : memref<1x64x128xf32, #tpu.memory_space<vmem>> -> memref<64x128xf32, #tpu.memory_space<vmem>>
      %dma_wait3A_191 = arith.constant 0 : i32
      %dma_wait3A_192 = arith.constant 0 : i32
      %dma_wait3A_193 = tpu.memref_slice %dma_wait3A_190[%dma_wait3A_191, %dma_wait3A_192] : memref<64x128xf32, #tpu.memory_space<vmem>> -> memref<64x128xf32, #tpu.memory_space<vmem>>
      tpu.wait_dma2 semaphore(%run_scoped3A_159 : memref<!tpu.dma_semaphore, #tpu.memory_space<semaphore_mem>>) src(%dma_wait3A_193 : memref<64x128xf32, #tpu.memory_space<vmem>>) dst(%dma_wait3A_186 : memref<64x128xf32, #tpu.memory_space<vmem_shared>>)
      tpu.yield
    }) : () -> ()
    %add3A_26 = arith.constant 256 : i32
    %add3A_27 = arith.addi %mul3A_2, %add3A_26 : i32
    "tpu.region"() ({
      %run_scoped3A_159 = tpu.sem_alloc : memref<!tpu.dma_semaphore, #tpu.memory_space<semaphore_mem>>
      %dma_start3A = arith.constant 0 : i32
      %dma_start3A_160 = arith.constant 0 : i32
      %dma_start3A_161 = tpu.memref_slice %arg14[%dma_start3A, %dma_start3A_160] : memref<64x16xf32, #tpu.memory_space<vmem>> -> memref<64x16xf32, #tpu.memory_space<vmem>>
      %dma_start3A_162 = arith.constant 0 : i32
      %dma_start3A_163 = tpu.memref_slice %arg16[%add3A_27, %dma_start3A_162] : memref<10112x16xf32, #tpu.memory_space<vmem_shared>> -> memref<64x16xf32, #tpu.memory_space<vmem_shared>>
      %dma_start3A_164 = arith.constant 0 : i32
      %dma_start3A_165 = tpu.memref_slice %arg16[%add3A_27, %dma_start3A_164] : memref<10112x16xf32, #tpu.memory_space<vmem_shared>> -> memref<64x16xf32, #tpu.memory_space<vmem_shared>>
      %dma_start3A_166 = arith.constant 0 : i32
      %dma_start3A_167 = arith.constant 0 : i32
      %dma_start3A_168 = tpu.memref_slice %arg14[%dma_start3A_166, %dma_start3A_167] : memref<64x16xf32, #tpu.memory_space<vmem>> -> memref<64x16xf32, #tpu.memory_space<vmem>>
      tpu.enqueue_dma source(%dma_start3A_168 : memref<64x16xf32, #tpu.memory_space<vmem>>) target(%dma_start3A_165 : memref<64x16xf32, #tpu.memory_space<vmem_shared>>) target_semaphore(%run_scoped3A_159 : memref<!tpu.dma_semaphore, #tpu.memory_space<semaphore_mem>>)
      %dma_wait3A = arith.constant 0 : i32
      %dma_wait3A_169 = arith.constant 0 : i32
      %dma_wait3A_170 = tpu.memref_slice %arg14[%dma_wait3A, %dma_wait3A_169] : memref<64x16xf32, #tpu.memory_space<vmem>> -> memref<64x16xf32, #tpu.memory_space<vmem>>
      %dma_wait3A_171 = arith.constant 0 : i32
      %dma_wait3A_172 = tpu.memref_slice %arg16[%add3A_27, %dma_wait3A_171] : memref<10112x16xf32, #tpu.memory_space<vmem_shared>> -> memref<64x16xf32, #tpu.memory_space<vmem_shared>>
      %dma_wait3A_173 = arith.constant 0 : i32
      %dma_wait3A_174 = tpu.memref_slice %arg16[%add3A_27, %dma_wait3A_173] : memref<10112x16xf32, #tpu.memory_space<vmem_shared>> -> memref<64x16xf32, #tpu.memory_space<vmem_shared>>
      %dma_wait3A_175 = arith.constant 0 : i32
      %dma_wait3A_176 = arith.constant 0 : i32
      %dma_wait3A_177 = tpu.memref_slice %arg14[%dma_wait3A_175, %dma_wait3A_176] : memref<64x16xf32, #tpu.memory_space<vmem>> -> memref<64x16xf32, #tpu.memory_space<vmem>>
      tpu.wait_dma2 semaphore(%run_scoped3A_159 : memref<!tpu.dma_semaphore, #tpu.memory_space<semaphore_mem>>) src(%dma_wait3A_177 : memref<64x16xf32, #tpu.memory_space<vmem>>) dst(%dma_wait3A_174 : memref<64x16xf32, #tpu.memory_space<vmem_shared>>)
      tpu.yield
    }) : () -> ()
    %add3A_28 = arith.constant 320 : i32
    %add3A_29 = arith.addi %mul3A_2, %add3A_28 : i32
    %run_scoped3A_30 = arith.constant 0 : i32
    "tpu.region"() ({
      %run_scoped3A_159 = tpu.sem_alloc : memref<!tpu.dma_semaphore, #tpu.memory_space<semaphore_mem>>
      %dma_start3A = arith.constant 0 : i32
      %dma_start3A_160 = arith.constant 0 : i32
      %dma_start3A_161 = tpu.memref_slice %arg13[%run_scoped3A_30, %dma_start3A, %dma_start3A_160] : memref<2x64x128xf32, #tpu.memory_space<vmem>> -> memref<1x64x128xf32, #tpu.memory_space<vmem>>
      %dma_start3A_162 = tpu.memref_squeeze %dma_start3A_161 : memref<1x64x128xf32, #tpu.memory_space<vmem>> -> memref<64x128xf32, #tpu.memory_space<vmem>>
      %dma_start3A_163 = arith.constant 0 : i32
      %dma_start3A_164 = arith.constant 0 : i32
      %dma_start3A_165 = tpu.memref_slice %dma_start3A_162[%dma_start3A_163, %dma_start3A_164] : memref<64x128xf32, #tpu.memory_space<vmem>> -> memref<64x128xf32, #tpu.memory_space<vmem>>
      %dma_start3A_166 = arith.constant 0 : i32
      %dma_start3A_167 = tpu.memref_slice %arg15[%add3A_29, %dma_start3A_166] : memref<10112x128xf32, #tpu.memory_space<vmem_shared>> -> memref<64x128xf32, #tpu.memory_space<vmem_shared>>
      %dma_start3A_168 = arith.constant 0 : i32
      %dma_start3A_169 = tpu.memref_slice %arg15[%add3A_29, %dma_start3A_168] : memref<10112x128xf32, #tpu.memory_space<vmem_shared>> -> memref<64x128xf32, #tpu.memory_space<vmem_shared>>
      %dma_start3A_170 = arith.constant 0 : i32
      %dma_start3A_171 = arith.constant 0 : i32
      %dma_start3A_172 = tpu.memref_slice %arg13[%run_scoped3A_30, %dma_start3A_170, %dma_start3A_171] : memref<2x64x128xf32, #tpu.memory_space<vmem>> -> memref<1x64x128xf32, #tpu.memory_space<vmem>>
      %dma_start3A_173 = tpu.memref_squeeze %dma_start3A_172 : memref<1x64x128xf32, #tpu.memory_space<vmem>> -> memref<64x128xf32, #tpu.memory_space<vmem>>
      %dma_start3A_174 = arith.constant 0 : i32
      %dma_start3A_175 = arith.constant 0 : i32
      %dma_start3A_176 = tpu.memref_slice %dma_start3A_173[%dma_start3A_174, %dma_start3A_175] : memref<64x128xf32, #tpu.memory_space<vmem>> -> memref<64x128xf32, #tpu.memory_space<vmem>>
      tpu.enqueue_dma source(%dma_start3A_176 : memref<64x128xf32, #tpu.memory_space<vmem>>) target(%dma_start3A_169 : memref<64x128xf32, #tpu.memory_space<vmem_shared>>) target_semaphore(%run_scoped3A_159 : memref<!tpu.dma_semaphore, #tpu.memory_space<semaphore_mem>>)
      %dma_wait3A = arith.constant 0 : i32
      %dma_wait3A_177 = arith.constant 0 : i32
      %dma_wait3A_178 = tpu.memref_slice %arg13[%run_scoped3A_30, %dma_wait3A, %dma_wait3A_177] : memref<2x64x128xf32, #tpu.memory_space<vmem>> -> memref<1x64x128xf32, #tpu.memory_space<vmem>>
      %dma_wait3A_179 = tpu.memref_squeeze %dma_wait3A_178 : memref<1x64x128xf32, #tpu.memory_space<vmem>> -> memref<64x128xf32, #tpu.memory_space<vmem>>
      %dma_wait3A_180 = arith.constant 0 : i32
      %dma_wait3A_181 = arith.constant 0 : i32
      %dma_wait3A_182 = tpu.memref_slice %dma_wait3A_179[%dma_wait3A_180, %dma_wait3A_181] : memref<64x128xf32, #tpu.memory_space<vmem>> -> memref<64x128xf32, #tpu.memory_space<vmem>>
      %dma_wait3A_183 = arith.constant 0 : i32
      %dma_wait3A_184 = tpu.memref_slice %arg15[%add3A_29, %dma_wait3A_183] : memref<10112x128xf32, #tpu.memory_space<vmem_shared>> -> memref<64x128xf32, #tpu.memory_space<vmem_shared>>
      %dma_wait3A_185 = arith.constant 0 : i32
      %dma_wait3A_186 = tpu.memref_slice %arg15[%add3A_29, %dma_wait3A_185] : memref<10112x128xf32, #tpu.memory_space<vmem_shared>> -> memref<64x128xf32, #tpu.memory_space<vmem_shared>>
      %dma_wait3A_187 = arith.constant 0 : i32
      %dma_wait3A_188 = arith.constant 0 : i32
      %dma_wait3A_189 = tpu.memref_slice %arg13[%run_scoped3A_30, %dma_wait3A_187, %dma_wait3A_188] : memref<2x64x128xf32, #tpu.memory_space<vmem>> -> memref<1x64x128xf32, #tpu.memory_space<vmem>>
      %dma_wait3A_190 = tpu.memref_squeeze %dma_wait3A_189 : memref<1x64x128xf32, #tpu.memory_space<vmem>> -> memref<64x128xf32, #tpu.memory_space<vmem>>
      %dma_wait3A_191 = arith.constant 0 : i32
      %dma_wait3A_192 = arith.constant 0 : i32
      %dma_wait3A_193 = tpu.memref_slice %dma_wait3A_190[%dma_wait3A_191, %dma_wait3A_192] : memref<64x128xf32, #tpu.memory_space<vmem>> -> memref<64x128xf32, #tpu.memory_space<vmem>>
      tpu.wait_dma2 semaphore(%run_scoped3A_159 : memref<!tpu.dma_semaphore, #tpu.memory_space<semaphore_mem>>) src(%dma_wait3A_193 : memref<64x128xf32, #tpu.memory_space<vmem>>) dst(%dma_wait3A_186 : memref<64x128xf32, #tpu.memory_space<vmem_shared>>)
      tpu.yield
    }) : () -> ()
    %add3A_31 = arith.constant 320 : i32
    %add3A_32 = arith.addi %mul3A_2, %add3A_31 : i32
    "tpu.region"() ({
      %run_scoped3A_159 = tpu.sem_alloc : memref<!tpu.dma_semaphore, #tpu.memory_space<semaphore_mem>>
      %dma_start3A = arith.constant 0 : i32
      %dma_start3A_160 = arith.constant 0 : i32
      %dma_start3A_161 = tpu.memref_slice %arg14[%dma_start3A, %dma_start3A_160] : memref<64x16xf32, #tpu.memory_space<vmem>> -> memref<64x16xf32, #tpu.memory_space<vmem>>
      %dma_start3A_162 = arith.constant 0 : i32
      %dma_start3A_163 = tpu.memref_slice %arg16[%add3A_32, %dma_start3A_162] : memref<10112x16xf32, #tpu.memory_space<vmem_shared>> -> memref<64x16xf32, #tpu.memory_space<vmem_shared>>
      %dma_start3A_164 = arith.constant 0 : i32
      %dma_start3A_165 = tpu.memref_slice %arg16[%add3A_32, %dma_start3A_164] : memref<10112x16xf32, #tpu.memory_space<vmem_shared>> -> memref<64x16xf32, #tpu.memory_space<vmem_shared>>
      %dma_start3A_166 = arith.constant 0 : i32
      %dma_start3A_167 = arith.constant 0 : i32
      %dma_start3A_168 = tpu.memref_slice %arg14[%dma_start3A_166, %dma_start3A_167] : memref<64x16xf32, #tpu.memory_space<vmem>> -> memref<64x16xf32, #tpu.memory_space<vmem>>
      tpu.enqueue_dma source(%dma_start3A_168 : memref<64x16xf32, #tpu.memory_space<vmem>>) target(%dma_start3A_165 : memref<64x16xf32, #tpu.memory_space<vmem_shared>>) target_semaphore(%run_scoped3A_159 : memref<!tpu.dma_semaphore, #tpu.memory_space<semaphore_mem>>)
      %dma_wait3A = arith.constant 0 : i32
      %dma_wait3A_169 = arith.constant 0 : i32
      %dma_wait3A_170 = tpu.memref_slice %arg14[%dma_wait3A, %dma_wait3A_169] : memref<64x16xf32, #tpu.memory_space<vmem>> -> memref<64x16xf32, #tpu.memory_space<vmem>>
      %dma_wait3A_171 = arith.constant 0 : i32
      %dma_wait3A_172 = tpu.memref_slice %arg16[%add3A_32, %dma_wait3A_171] : memref<10112x16xf32, #tpu.memory_space<vmem_shared>> -> memref<64x16xf32, #tpu.memory_space<vmem_shared>>
      %dma_wait3A_173 = arith.constant 0 : i32
      %dma_wait3A_174 = tpu.memref_slice %arg16[%add3A_32, %dma_wait3A_173] : memref<10112x16xf32, #tpu.memory_space<vmem_shared>> -> memref<64x16xf32, #tpu.memory_space<vmem_shared>>
      %dma_wait3A_175 = arith.constant 0 : i32
      %dma_wait3A_176 = arith.constant 0 : i32
      %dma_wait3A_177 = tpu.memref_slice %arg14[%dma_wait3A_175, %dma_wait3A_176] : memref<64x16xf32, #tpu.memory_space<vmem>> -> memref<64x16xf32, #tpu.memory_space<vmem>>
      tpu.wait_dma2 semaphore(%run_scoped3A_159 : memref<!tpu.dma_semaphore, #tpu.memory_space<semaphore_mem>>) src(%dma_wait3A_177 : memref<64x16xf32, #tpu.memory_space<vmem>>) dst(%dma_wait3A_174 : memref<64x16xf32, #tpu.memory_space<vmem_shared>>)
      tpu.yield
    }) : () -> ()
    %add3A_33 = arith.constant 384 : i32
    %add3A_34 = arith.addi %mul3A_2, %add3A_33 : i32
    %run_scoped3A_35 = arith.constant 0 : i32
    "tpu.region"() ({
      %run_scoped3A_159 = tpu.sem_alloc : memref<!tpu.dma_semaphore, #tpu.memory_space<semaphore_mem>>
      %dma_start3A = arith.constant 0 : i32
      %dma_start3A_160 = arith.constant 0 : i32
      %dma_start3A_161 = tpu.memref_slice %arg13[%run_scoped3A_35, %dma_start3A, %dma_start3A_160] : memref<2x64x128xf32, #tpu.memory_space<vmem>> -> memref<1x64x128xf32, #tpu.memory_space<vmem>>
      %dma_start3A_162 = tpu.memref_squeeze %dma_start3A_161 : memref<1x64x128xf32, #tpu.memory_space<vmem>> -> memref<64x128xf32, #tpu.memory_space<vmem>>
      %dma_start3A_163 = arith.constant 0 : i32
      %dma_start3A_164 = arith.constant 0 : i32
      %dma_start3A_165 = tpu.memref_slice %dma_start3A_162[%dma_start3A_163, %dma_start3A_164] : memref<64x128xf32, #tpu.memory_space<vmem>> -> memref<64x128xf32, #tpu.memory_space<vmem>>
      %dma_start3A_166 = arith.constant 0 : i32
      %dma_start3A_167 = tpu.memref_slice %arg15[%add3A_34, %dma_start3A_166] : memref<10112x128xf32, #tpu.memory_space<vmem_shared>> -> memref<64x128xf32, #tpu.memory_space<vmem_shared>>
      %dma_start3A_168 = arith.constant 0 : i32
      %dma_start3A_169 = tpu.memref_slice %arg15[%add3A_34, %dma_start3A_168] : memref<10112x128xf32, #tpu.memory_space<vmem_shared>> -> memref<64x128xf32, #tpu.memory_space<vmem_shared>>
      %dma_start3A_170 = arith.constant 0 : i32
      %dma_start3A_171 = arith.constant 0 : i32
      %dma_start3A_172 = tpu.memref_slice %arg13[%run_scoped3A_35, %dma_start3A_170, %dma_start3A_171] : memref<2x64x128xf32, #tpu.memory_space<vmem>> -> memref<1x64x128xf32, #tpu.memory_space<vmem>>
      %dma_start3A_173 = tpu.memref_squeeze %dma_start3A_172 : memref<1x64x128xf32, #tpu.memory_space<vmem>> -> memref<64x128xf32, #tpu.memory_space<vmem>>
      %dma_start3A_174 = arith.constant 0 : i32
      %dma_start3A_175 = arith.constant 0 : i32
      %dma_start3A_176 = tpu.memref_slice %dma_start3A_173[%dma_start3A_174, %dma_start3A_175] : memref<64x128xf32, #tpu.memory_space<vmem>> -> memref<64x128xf32, #tpu.memory_space<vmem>>
      tpu.enqueue_dma source(%dma_start3A_176 : memref<64x128xf32, #tpu.memory_space<vmem>>) target(%dma_start3A_169 : memref<64x128xf32, #tpu.memory_space<vmem_shared>>) target_semaphore(%run_scoped3A_159 : memref<!tpu.dma_semaphore, #tpu.memory_space<semaphore_mem>>)
      %dma_wait3A = arith.constant 0 : i32
      %dma_wait3A_177 = arith.constant 0 : i32
      %dma_wait3A_178 = tpu.memref_slice %arg13[%run_scoped3A_35, %dma_wait3A, %dma_wait3A_177] : memref<2x64x128xf32, #tpu.memory_space<vmem>> -> memref<1x64x128xf32, #tpu.memory_space<vmem>>
      %dma_wait3A_179 = tpu.memref_squeeze %dma_wait3A_178 : memref<1x64x128xf32, #tpu.memory_space<vmem>> -> memref<64x128xf32, #tpu.memory_space<vmem>>
      %dma_wait3A_180 = arith.constant 0 : i32
      %dma_wait3A_181 = arith.constant 0 : i32
      %dma_wait3A_182 = tpu.memref_slice %dma_wait3A_179[%dma_wait3A_180, %dma_wait3A_181] : memref<64x128xf32, #tpu.memory_space<vmem>> -> memref<64x128xf32, #tpu.memory_space<vmem>>
      %dma_wait3A_183 = arith.constant 0 : i32
      %dma_wait3A_184 = tpu.memref_slice %arg15[%add3A_34, %dma_wait3A_183] : memref<10112x128xf32, #tpu.memory_space<vmem_shared>> -> memref<64x128xf32, #tpu.memory_space<vmem_shared>>
      %dma_wait3A_185 = arith.constant 0 : i32
      %dma_wait3A_186 = tpu.memref_slice %arg15[%add3A_34, %dma_wait3A_185] : memref<10112x128xf32, #tpu.memory_space<vmem_shared>> -> memref<64x128xf32, #tpu.memory_space<vmem_shared>>
      %dma_wait3A_187 = arith.constant 0 : i32
      %dma_wait3A_188 = arith.constant 0 : i32
      %dma_wait3A_189 = tpu.memref_slice %arg13[%run_scoped3A_35, %dma_wait3A_187, %dma_wait3A_188] : memref<2x64x128xf32, #tpu.memory_space<vmem>> -> memref<1x64x128xf32, #tpu.memory_space<vmem>>
      %dma_wait3A_190 = tpu.memref_squeeze %dma_wait3A_189 : memref<1x64x128xf32, #tpu.memory_space<vmem>> -> memref<64x128xf32, #tpu.memory_space<vmem>>
      %dma_wait3A_191 = arith.constant 0 : i32
      %dma_wait3A_192 = arith.constant 0 : i32
      %dma_wait3A_193 = tpu.memref_slice %dma_wait3A_190[%dma_wait3A_191, %dma_wait3A_192] : memref<64x128xf32, #tpu.memory_space<vmem>> -> memref<64x128xf32, #tpu.memory_space<vmem>>
      tpu.wait_dma2 semaphore(%run_scoped3A_159 : memref<!tpu.dma_semaphore, #tpu.memory_space<semaphore_mem>>) src(%dma_wait3A_193 : memref<64x128xf32, #tpu.memory_space<vmem>>) dst(%dma_wait3A_186 : memref<64x128xf32, #tpu.memory_space<vmem_shared>>)
      tpu.yield
    }) : () -> ()
    %add3A_36 = arith.constant 384 : i32
    %add3A_37 = arith.addi %mul3A_2, %add3A_36 : i32
    "tpu.region"() ({
      %run_scoped3A_159 = tpu.sem_alloc : memref<!tpu.dma_semaphore, #tpu.memory_space<semaphore_mem>>
      %dma_start3A = arith.constant 0 : i32
      %dma_start3A_160 = arith.constant 0 : i32
      %dma_start3A_161 = tpu.memref_slice %arg14[%dma_start3A, %dma_start3A_160] : memref<64x16xf32, #tpu.memory_space<vmem>> -> memref<64x16xf32, #tpu.memory_space<vmem>>
      %dma_start3A_162 = arith.constant 0 : i32
      %dma_start3A_163 = tpu.memref_slice %arg16[%add3A_37, %dma_start3A_162] : memref<10112x16xf32, #tpu.memory_space<vmem_shared>> -> memref<64x16xf32, #tpu.memory_space<vmem_shared>>
      %dma_start3A_164 = arith.constant 0 : i32
      %dma_start3A_165 = tpu.memref_slice %arg16[%add3A_37, %dma_start3A_164] : memref<10112x16xf32, #tpu.memory_space<vmem_shared>> -> memref<64x16xf32, #tpu.memory_space<vmem_shared>>
      %dma_start3A_166 = arith.constant 0 : i32
      %dma_start3A_167 = arith.constant 0 : i32
      %dma_start3A_168 = tpu.memref_slice %arg14[%dma_start3A_166, %dma_start3A_167] : memref<64x16xf32, #tpu.memory_space<vmem>> -> memref<64x16xf32, #tpu.memory_space<vmem>>
      tpu.enqueue_dma source(%dma_start3A_168 : memref<64x16xf32, #tpu.memory_space<vmem>>) target(%dma_start3A_165 : memref<64x16xf32, #tpu.memory_space<vmem_shared>>) target_semaphore(%run_scoped3A_159 : memref<!tpu.dma_semaphore, #tpu.memory_space<semaphore_mem>>)
      %dma_wait3A = arith.constant 0 : i32
      %dma_wait3A_169 = arith.constant 0 : i32
      %dma_wait3A_170 = tpu.memref_slice %arg14[%dma_wait3A, %dma_wait3A_169] : memref<64x16xf32, #tpu.memory_space<vmem>> -> memref<64x16xf32, #tpu.memory_space<vmem>>
      %dma_wait3A_171 = arith.constant 0 : i32
      %dma_wait3A_172 = tpu.memref_slice %arg16[%add3A_37, %dma_wait3A_171] : memref<10112x16xf32, #tpu.memory_space<vmem_shared>> -> memref<64x16xf32, #tpu.memory_space<vmem_shared>>
      %dma_wait3A_173 = arith.constant 0 : i32
      %dma_wait3A_174 = tpu.memref_slice %arg16[%add3A_37, %dma_wait3A_173] : memref<10112x16xf32, #tpu.memory_space<vmem_shared>> -> memref<64x16xf32, #tpu.memory_space<vmem_shared>>
      %dma_wait3A_175 = arith.constant 0 : i32
      %dma_wait3A_176 = arith.constant 0 : i32
      %dma_wait3A_177 = tpu.memref_slice %arg14[%dma_wait3A_175, %dma_wait3A_176] : memref<64x16xf32, #tpu.memory_space<vmem>> -> memref<64x16xf32, #tpu.memory_space<vmem>>
      tpu.wait_dma2 semaphore(%run_scoped3A_159 : memref<!tpu.dma_semaphore, #tpu.memory_space<semaphore_mem>>) src(%dma_wait3A_177 : memref<64x16xf32, #tpu.memory_space<vmem>>) dst(%dma_wait3A_174 : memref<64x16xf32, #tpu.memory_space<vmem_shared>>)
      tpu.yield
    }) : () -> ()
    %add3A_38 = arith.constant 448 : i32
    %add3A_39 = arith.addi %mul3A_2, %add3A_38 : i32
    %run_scoped3A_40 = arith.constant 0 : i32
    "tpu.region"() ({
      %run_scoped3A_159 = tpu.sem_alloc : memref<!tpu.dma_semaphore, #tpu.memory_space<semaphore_mem>>
      %dma_start3A = arith.constant 0 : i32
      %dma_start3A_160 = arith.constant 0 : i32
      %dma_start3A_161 = tpu.memref_slice %arg13[%run_scoped3A_40, %dma_start3A, %dma_start3A_160] : memref<2x64x128xf32, #tpu.memory_space<vmem>> -> memref<1x64x128xf32, #tpu.memory_space<vmem>>
      %dma_start3A_162 = tpu.memref_squeeze %dma_start3A_161 : memref<1x64x128xf32, #tpu.memory_space<vmem>> -> memref<64x128xf32, #tpu.memory_space<vmem>>
      %dma_start3A_163 = arith.constant 0 : i32
      %dma_start3A_164 = arith.constant 0 : i32
      %dma_start3A_165 = tpu.memref_slice %dma_start3A_162[%dma_start3A_163, %dma_start3A_164] : memref<64x128xf32, #tpu.memory_space<vmem>> -> memref<64x128xf32, #tpu.memory_space<vmem>>
      %dma_start3A_166 = arith.constant 0 : i32
      %dma_start3A_167 = tpu.memref_slice %arg15[%add3A_39, %dma_start3A_166] : memref<10112x128xf32, #tpu.memory_space<vmem_shared>> -> memref<64x128xf32, #tpu.memory_space<vmem_shared>>
      %dma_start3A_168 = arith.constant 0 : i32
      %dma_start3A_169 = tpu.memref_slice %arg15[%add3A_39, %dma_start3A_168] : memref<10112x128xf32, #tpu.memory_space<vmem_shared>> -> memref<64x128xf32, #tpu.memory_space<vmem_shared>>
      %dma_start3A_170 = arith.constant 0 : i32
      %dma_start3A_171 = arith.constant 0 : i32
      %dma_start3A_172 = tpu.memref_slice %arg13[%run_scoped3A_40, %dma_start3A_170, %dma_start3A_171] : memref<2x64x128xf32, #tpu.memory_space<vmem>> -> memref<1x64x128xf32, #tpu.memory_space<vmem>>
      %dma_start3A_173 = tpu.memref_squeeze %dma_start3A_172 : memref<1x64x128xf32, #tpu.memory_space<vmem>> -> memref<64x128xf32, #tpu.memory_space<vmem>>
      %dma_start3A_174 = arith.constant 0 : i32
      %dma_start3A_175 = arith.constant 0 : i32
      %dma_start3A_176 = tpu.memref_slice %dma_start3A_173[%dma_start3A_174, %dma_start3A_175] : memref<64x128xf32, #tpu.memory_space<vmem>> -> memref<64x128xf32, #tpu.memory_space<vmem>>
      tpu.enqueue_dma source(%dma_start3A_176 : memref<64x128xf32, #tpu.memory_space<vmem>>) target(%dma_start3A_169 : memref<64x128xf32, #tpu.memory_space<vmem_shared>>) target_semaphore(%run_scoped3A_159 : memref<!tpu.dma_semaphore, #tpu.memory_space<semaphore_mem>>)
      %dma_wait3A = arith.constant 0 : i32
      %dma_wait3A_177 = arith.constant 0 : i32
      %dma_wait3A_178 = tpu.memref_slice %arg13[%run_scoped3A_40, %dma_wait3A, %dma_wait3A_177] : memref<2x64x128xf32, #tpu.memory_space<vmem>> -> memref<1x64x128xf32, #tpu.memory_space<vmem>>
      %dma_wait3A_179 = tpu.memref_squeeze %dma_wait3A_178 : memref<1x64x128xf32, #tpu.memory_space<vmem>> -> memref<64x128xf32, #tpu.memory_space<vmem>>
      %dma_wait3A_180 = arith.constant 0 : i32
      %dma_wait3A_181 = arith.constant 0 : i32
      %dma_wait3A_182 = tpu.memref_slice %dma_wait3A_179[%dma_wait3A_180, %dma_wait3A_181] : memref<64x128xf32, #tpu.memory_space<vmem>> -> memref<64x128xf32, #tpu.memory_space<vmem>>
      %dma_wait3A_183 = arith.constant 0 : i32
      %dma_wait3A_184 = tpu.memref_slice %arg15[%add3A_39, %dma_wait3A_183] : memref<10112x128xf32, #tpu.memory_space<vmem_shared>> -> memref<64x128xf32, #tpu.memory_space<vmem_shared>>
      %dma_wait3A_185 = arith.constant 0 : i32
      %dma_wait3A_186 = tpu.memref_slice %arg15[%add3A_39, %dma_wait3A_185] : memref<10112x128xf32, #tpu.memory_space<vmem_shared>> -> memref<64x128xf32, #tpu.memory_space<vmem_shared>>
      %dma_wait3A_187 = arith.constant 0 : i32
      %dma_wait3A_188 = arith.constant 0 : i32
      %dma_wait3A_189 = tpu.memref_slice %arg13[%run_scoped3A_40, %dma_wait3A_187, %dma_wait3A_188] : memref<2x64x128xf32, #tpu.memory_space<vmem>> -> memref<1x64x128xf32, #tpu.memory_space<vmem>>
      %dma_wait3A_190 = tpu.memref_squeeze %dma_wait3A_189 : memref<1x64x128xf32, #tpu.memory_space<vmem>> -> memref<64x128xf32, #tpu.memory_space<vmem>>
      %dma_wait3A_191 = arith.constant 0 : i32
      %dma_wait3A_192 = arith.constant 0 : i32
      %dma_wait3A_193 = tpu.memref_slice %dma_wait3A_190[%dma_wait3A_191, %dma_wait3A_192] : memref<64x128xf32, #tpu.memory_space<vmem>> -> memref<64x128xf32, #tpu.memory_space<vmem>>
      tpu.wait_dma2 semaphore(%run_scoped3A_159 : memref<!tpu.dma_semaphore, #tpu.memory_space<semaphore_mem>>) src(%dma_wait3A_193 : memref<64x128xf32, #tpu.memory_space<vmem>>) dst(%dma_wait3A_186 : memref<64x128xf32, #tpu.memory_space<vmem_shared>>)
      tpu.yield
    }) : () -> ()
    %add3A_41 = arith.constant 448 : i32
    %add3A_42 = arith.addi %mul3A_2, %add3A_41 : i32
    "tpu.region"() ({
      %run_scoped3A_159 = tpu.sem_alloc : memref<!tpu.dma_semaphore, #tpu.memory_space<semaphore_mem>>
      %dma_start3A = arith.constant 0 : i32
      %dma_start3A_160 = arith.constant 0 : i32
      %dma_start3A_161 = tpu.memref_slice %arg14[%dma_start3A, %dma_start3A_160] : memref<64x16xf32, #tpu.memory_space<vmem>> -> memref<64x16xf32, #tpu.memory_space<vmem>>
      %dma_start3A_162 = arith.constant 0 : i32
      %dma_start3A_163 = tpu.memref_slice %arg16[%add3A_42, %dma_start3A_162] : memref<10112x16xf32, #tpu.memory_space<vmem_shared>> -> memref<64x16xf32, #tpu.memory_space<vmem_shared>>
      %dma_start3A_164 = arith.constant 0 : i32
      %dma_start3A_165 = tpu.memref_slice %arg16[%add3A_42, %dma_start3A_164] : memref<10112x16xf32, #tpu.memory_space<vmem_shared>> -> memref<64x16xf32, #tpu.memory_space<vmem_shared>>
      %dma_start3A_166 = arith.constant 0 : i32
      %dma_start3A_167 = arith.constant 0 : i32
      %dma_start3A_168 = tpu.memref_slice %arg14[%dma_start3A_166, %dma_start3A_167] : memref<64x16xf32, #tpu.memory_space<vmem>> -> memref<64x16xf32, #tpu.memory_space<vmem>>
      tpu.enqueue_dma source(%dma_start3A_168 : memref<64x16xf32, #tpu.memory_space<vmem>>) target(%dma_start3A_165 : memref<64x16xf32, #tpu.memory_space<vmem_shared>>) target_semaphore(%run_scoped3A_159 : memref<!tpu.dma_semaphore, #tpu.memory_space<semaphore_mem>>)
      %dma_wait3A = arith.constant 0 : i32
      %dma_wait3A_169 = arith.constant 0 : i32
      %dma_wait3A_170 = tpu.memref_slice %arg14[%dma_wait3A, %dma_wait3A_169] : memref<64x16xf32, #tpu.memory_space<vmem>> -> memref<64x16xf32, #tpu.memory_space<vmem>>
      %dma_wait3A_171 = arith.constant 0 : i32
      %dma_wait3A_172 = tpu.memref_slice %arg16[%add3A_42, %dma_wait3A_171] : memref<10112x16xf32, #tpu.memory_space<vmem_shared>> -> memref<64x16xf32, #tpu.memory_space<vmem_shared>>
      %dma_wait3A_173 = arith.constant 0 : i32
      %dma_wait3A_174 = tpu.memref_slice %arg16[%add3A_42, %dma_wait3A_173] : memref<10112x16xf32, #tpu.memory_space<vmem_shared>> -> memref<64x16xf32, #tpu.memory_space<vmem_shared>>
      %dma_wait3A_175 = arith.constant 0 : i32
      %dma_wait3A_176 = arith.constant 0 : i32
      %dma_wait3A_177 = tpu.memref_slice %arg14[%dma_wait3A_175, %dma_wait3A_176] : memref<64x16xf32, #tpu.memory_space<vmem>> -> memref<64x16xf32, #tpu.memory_space<vmem>>
      tpu.wait_dma2 semaphore(%run_scoped3A_159 : memref<!tpu.dma_semaphore, #tpu.memory_space<semaphore_mem>>) src(%dma_wait3A_177 : memref<64x16xf32, #tpu.memory_space<vmem>>) dst(%dma_wait3A_174 : memref<64x16xf32, #tpu.memory_space<vmem_shared>>)
      tpu.yield
    }) : () -> ()
    %add3A_43 = arith.constant 512 : i32
    %add3A_44 = arith.addi %mul3A_2, %add3A_43 : i32
    %run_scoped3A_45 = arith.constant 0 : i32
    "tpu.region"() ({
      %run_scoped3A_159 = tpu.sem_alloc : memref<!tpu.dma_semaphore, #tpu.memory_space<semaphore_mem>>
      %dma_start3A = arith.constant 0 : i32
      %dma_start3A_160 = arith.constant 0 : i32
      %dma_start3A_161 = tpu.memref_slice %arg13[%run_scoped3A_45, %dma_start3A, %dma_start3A_160] : memref<2x64x128xf32, #tpu.memory_space<vmem>> -> memref<1x64x128xf32, #tpu.memory_space<vmem>>
      %dma_start3A_162 = tpu.memref_squeeze %dma_start3A_161 : memref<1x64x128xf32, #tpu.memory_space<vmem>> -> memref<64x128xf32, #tpu.memory_space<vmem>>
      %dma_start3A_163 = arith.constant 0 : i32
      %dma_start3A_164 = arith.constant 0 : i32
      %dma_start3A_165 = tpu.memref_slice %dma_start3A_162[%dma_start3A_163, %dma_start3A_164] : memref<64x128xf32, #tpu.memory_space<vmem>> -> memref<64x128xf32, #tpu.memory_space<vmem>>
      %dma_start3A_166 = arith.constant 0 : i32
      %dma_start3A_167 = tpu.memref_slice %arg15[%add3A_44, %dma_start3A_166] : memref<10112x128xf32, #tpu.memory_space<vmem_shared>> -> memref<64x128xf32, #tpu.memory_space<vmem_shared>>
      %dma_start3A_168 = arith.constant 0 : i32
      %dma_start3A_169 = tpu.memref_slice %arg15[%add3A_44, %dma_start3A_168] : memref<10112x128xf32, #tpu.memory_space<vmem_shared>> -> memref<64x128xf32, #tpu.memory_space<vmem_shared>>
      %dma_start3A_170 = arith.constant 0 : i32
      %dma_start3A_171 = arith.constant 0 : i32
      %dma_start3A_172 = tpu.memref_slice %arg13[%run_scoped3A_45, %dma_start3A_170, %dma_start3A_171] : memref<2x64x128xf32, #tpu.memory_space<vmem>> -> memref<1x64x128xf32, #tpu.memory_space<vmem>>
      %dma_start3A_173 = tpu.memref_squeeze %dma_start3A_172 : memref<1x64x128xf32, #tpu.memory_space<vmem>> -> memref<64x128xf32, #tpu.memory_space<vmem>>
      %dma_start3A_174 = arith.constant 0 : i32
      %dma_start3A_175 = arith.constant 0 : i32
      %dma_start3A_176 = tpu.memref_slice %dma_start3A_173[%dma_start3A_174, %dma_start3A_175] : memref<64x128xf32, #tpu.memory_space<vmem>> -> memref<64x128xf32, #tpu.memory_space<vmem>>
      tpu.enqueue_dma source(%dma_start3A_176 : memref<64x128xf32, #tpu.memory_space<vmem>>) target(%dma_start3A_169 : memref<64x128xf32, #tpu.memory_space<vmem_shared>>) target_semaphore(%run_scoped3A_159 : memref<!tpu.dma_semaphore, #tpu.memory_space<semaphore_mem>>)
      %dma_wait3A = arith.constant 0 : i32
      %dma_wait3A_177 = arith.constant 0 : i32
      %dma_wait3A_178 = tpu.memref_slice %arg13[%run_scoped3A_45, %dma_wait3A, %dma_wait3A_177] : memref<2x64x128xf32, #tpu.memory_space<vmem>> -> memref<1x64x128xf32, #tpu.memory_space<vmem>>
      %dma_wait3A_179 = tpu.memref_squeeze %dma_wait3A_178 : memref<1x64x128xf32, #tpu.memory_space<vmem>> -> memref<64x128xf32, #tpu.memory_space<vmem>>
      %dma_wait3A_180 = arith.constant 0 : i32
      %dma_wait3A_181 = arith.constant 0 : i32
      %dma_wait3A_182 = tpu.memref_slice %dma_wait3A_179[%dma_wait3A_180, %dma_wait3A_181] : memref<64x128xf32, #tpu.memory_space<vmem>> -> memref<64x128xf32, #tpu.memory_space<vmem>>
      %dma_wait3A_183 = arith.constant 0 : i32
      %dma_wait3A_184 = tpu.memref_slice %arg15[%add3A_44, %dma_wait3A_183] : memref<10112x128xf32, #tpu.memory_space<vmem_shared>> -> memref<64x128xf32, #tpu.memory_space<vmem_shared>>
      %dma_wait3A_185 = arith.constant 0 : i32
      %dma_wait3A_186 = tpu.memref_slice %arg15[%add3A_44, %dma_wait3A_185] : memref<10112x128xf32, #tpu.memory_space<vmem_shared>> -> memref<64x128xf32, #tpu.memory_space<vmem_shared>>
      %dma_wait3A_187 = arith.constant 0 : i32
      %dma_wait3A_188 = arith.constant 0 : i32
      %dma_wait3A_189 = tpu.memref_slice %arg13[%run_scoped3A_45, %dma_wait3A_187, %dma_wait3A_188] : memref<2x64x128xf32, #tpu.memory_space<vmem>> -> memref<1x64x128xf32, #tpu.memory_space<vmem>>
      %dma_wait3A_190 = tpu.memref_squeeze %dma_wait3A_189 : memref<1x64x128xf32, #tpu.memory_space<vmem>> -> memref<64x128xf32, #tpu.memory_space<vmem>>
      %dma_wait3A_191 = arith.constant 0 : i32
      %dma_wait3A_192 = arith.constant 0 : i32
      %dma_wait3A_193 = tpu.memref_slice %dma_wait3A_190[%dma_wait3A_191, %dma_wait3A_192] : memref<64x128xf32, #tpu.memory_space<vmem>> -> memref<64x128xf32, #tpu.memory_space<vmem>>
      tpu.wait_dma2 semaphore(%run_scoped3A_159 : memref<!tpu.dma_semaphore, #tpu.memory_space<semaphore_mem>>) src(%dma_wait3A_193 : memref<64x128xf32, #tpu.memory_space<vmem>>) dst(%dma_wait3A_186 : memref<64x128xf32, #tpu.memory_space<vmem_shared>>)
      tpu.yield
    }) : () -> ()
    %add3A_46 = arith.constant 512 : i32
    %add3A_47 = arith.addi %mul3A_2, %add3A_46 : i32
    "tpu.region"() ({
      %run_scoped3A_159 = tpu.sem_alloc : memref<!tpu.dma_semaphore, #tpu.memory_space<semaphore_mem>>
      %dma_start3A = arith.constant 0 : i32
      %dma_start3A_160 = arith.constant 0 : i32
      %dma_start3A_161 = tpu.memref_slice %arg14[%dma_start3A, %dma_start3A_160] : memref<64x16xf32, #tpu.memory_space<vmem>> -> memref<64x16xf32, #tpu.memory_space<vmem>>
      %dma_start3A_162 = arith.constant 0 : i32
      %dma_start3A_163 = tpu.memref_slice %arg16[%add3A_47, %dma_start3A_162] : memref<10112x16xf32, #tpu.memory_space<vmem_shared>> -> memref<64x16xf32, #tpu.memory_space<vmem_shared>>
      %dma_start3A_164 = arith.constant 0 : i32
      %dma_start3A_165 = tpu.memref_slice %arg16[%add3A_47, %dma_start3A_164] : memref<10112x16xf32, #tpu.memory_space<vmem_shared>> -> memref<64x16xf32, #tpu.memory_space<vmem_shared>>
      %dma_start3A_166 = arith.constant 0 : i32
      %dma_start3A_167 = arith.constant 0 : i32
      %dma_start3A_168 = tpu.memref_slice %arg14[%dma_start3A_166, %dma_start3A_167] : memref<64x16xf32, #tpu.memory_space<vmem>> -> memref<64x16xf32, #tpu.memory_space<vmem>>
      tpu.enqueue_dma source(%dma_start3A_168 : memref<64x16xf32, #tpu.memory_space<vmem>>) target(%dma_start3A_165 : memref<64x16xf32, #tpu.memory_space<vmem_shared>>) target_semaphore(%run_scoped3A_159 : memref<!tpu.dma_semaphore, #tpu.memory_space<semaphore_mem>>)
      %dma_wait3A = arith.constant 0 : i32
      %dma_wait3A_169 = arith.constant 0 : i32
      %dma_wait3A_170 = tpu.memref_slice %arg14[%dma_wait3A, %dma_wait3A_169] : memref<64x16xf32, #tpu.memory_space<vmem>> -> memref<64x16xf32, #tpu.memory_space<vmem>>
      %dma_wait3A_171 = arith.constant 0 : i32
      %dma_wait3A_172 = tpu.memref_slice %arg16[%add3A_47, %dma_wait3A_171] : memref<10112x16xf32, #tpu.memory_space<vmem_shared>> -> memref<64x16xf32, #tpu.memory_space<vmem_shared>>
      %dma_wait3A_173 = arith.constant 0 : i32
      %dma_wait3A_174 = tpu.memref_slice %arg16[%add3A_47, %dma_wait3A_173] : memref<10112x16xf32, #tpu.memory_space<vmem_shared>> -> memref<64x16xf32, #tpu.memory_space<vmem_shared>>
      %dma_wait3A_175 = arith.constant 0 : i32
      %dma_wait3A_176 = arith.constant 0 : i32
      %dma_wait3A_177 = tpu.memref_slice %arg14[%dma_wait3A_175, %dma_wait3A_176] : memref<64x16xf32, #tpu.memory_space<vmem>> -> memref<64x16xf32, #tpu.memory_space<vmem>>
      tpu.wait_dma2 semaphore(%run_scoped3A_159 : memref<!tpu.dma_semaphore, #tpu.memory_space<semaphore_mem>>) src(%dma_wait3A_177 : memref<64x16xf32, #tpu.memory_space<vmem>>) dst(%dma_wait3A_174 : memref<64x16xf32, #tpu.memory_space<vmem_shared>>)
      tpu.yield
    }) : () -> ()
    %add3A_48 = arith.constant 576 : i32
    %add3A_49 = arith.addi %mul3A_2, %add3A_48 : i32
    %run_scoped3A_50 = arith.constant 0 : i32
    "tpu.region"() ({
      %run_scoped3A_159 = tpu.sem_alloc : memref<!tpu.dma_semaphore, #tpu.memory_space<semaphore_mem>>
      %dma_start3A = arith.constant 0 : i32
      %dma_start3A_160 = arith.constant 0 : i32
      %dma_start3A_161 = tpu.memref_slice %arg13[%run_scoped3A_50, %dma_start3A, %dma_start3A_160] : memref<2x64x128xf32, #tpu.memory_space<vmem>> -> memref<1x64x128xf32, #tpu.memory_space<vmem>>
      %dma_start3A_162 = tpu.memref_squeeze %dma_start3A_161 : memref<1x64x128xf32, #tpu.memory_space<vmem>> -> memref<64x128xf32, #tpu.memory_space<vmem>>
      %dma_start3A_163 = arith.constant 0 : i32
      %dma_start3A_164 = arith.constant 0 : i32
      %dma_start3A_165 = tpu.memref_slice %dma_start3A_162[%dma_start3A_163, %dma_start3A_164] : memref<64x128xf32, #tpu.memory_space<vmem>> -> memref<56x128xf32, #tpu.memory_space<vmem>>
      %dma_start3A_166 = arith.constant 0 : i32
      %dma_start3A_167 = tpu.memref_slice %arg15[%add3A_49, %dma_start3A_166] : memref<10112x128xf32, #tpu.memory_space<vmem_shared>> -> memref<56x128xf32, #tpu.memory_space<vmem_shared>>
      %dma_start3A_168 = arith.constant 0 : i32
      %dma_start3A_169 = tpu.memref_slice %arg15[%add3A_49, %dma_start3A_168] : memref<10112x128xf32, #tpu.memory_space<vmem_shared>> -> memref<56x128xf32, #tpu.memory_space<vmem_shared>>
      %dma_start3A_170 = arith.constant 0 : i32
      %dma_start3A_171 = arith.constant 0 : i32
      %dma_start3A_172 = tpu.memref_slice %arg13[%run_scoped3A_50, %dma_start3A_170, %dma_start3A_171] : memref<2x64x128xf32, #tpu.memory_space<vmem>> -> memref<1x64x128xf32, #tpu.memory_space<vmem>>
      %dma_start3A_173 = tpu.memref_squeeze %dma_start3A_172 : memref<1x64x128xf32, #tpu.memory_space<vmem>> -> memref<64x128xf32, #tpu.memory_space<vmem>>
      %dma_start3A_174 = arith.constant 0 : i32
      %dma_start3A_175 = arith.constant 0 : i32
      %dma_start3A_176 = tpu.memref_slice %dma_start3A_173[%dma_start3A_174, %dma_start3A_175] : memref<64x128xf32, #tpu.memory_space<vmem>> -> memref<56x128xf32, #tpu.memory_space<vmem>>
      tpu.enqueue_dma source(%dma_start3A_176 : memref<56x128xf32, #tpu.memory_space<vmem>>) target(%dma_start3A_169 : memref<56x128xf32, #tpu.memory_space<vmem_shared>>) target_semaphore(%run_scoped3A_159 : memref<!tpu.dma_semaphore, #tpu.memory_space<semaphore_mem>>)
      %dma_wait3A = arith.constant 0 : i32
      %dma_wait3A_177 = arith.constant 0 : i32
      %dma_wait3A_178 = tpu.memref_slice %arg13[%run_scoped3A_50, %dma_wait3A, %dma_wait3A_177] : memref<2x64x128xf32, #tpu.memory_space<vmem>> -> memref<1x64x128xf32, #tpu.memory_space<vmem>>
      %dma_wait3A_179 = tpu.memref_squeeze %dma_wait3A_178 : memref<1x64x128xf32, #tpu.memory_space<vmem>> -> memref<64x128xf32, #tpu.memory_space<vmem>>
      %dma_wait3A_180 = arith.constant 0 : i32
      %dma_wait3A_181 = arith.constant 0 : i32
      %dma_wait3A_182 = tpu.memref_slice %dma_wait3A_179[%dma_wait3A_180, %dma_wait3A_181] : memref<64x128xf32, #tpu.memory_space<vmem>> -> memref<56x128xf32, #tpu.memory_space<vmem>>
      %dma_wait3A_183 = arith.constant 0 : i32
      %dma_wait3A_184 = tpu.memref_slice %arg15[%add3A_49, %dma_wait3A_183] : memref<10112x128xf32, #tpu.memory_space<vmem_shared>> -> memref<56x128xf32, #tpu.memory_space<vmem_shared>>
      %dma_wait3A_185 = arith.constant 0 : i32
      %dma_wait3A_186 = tpu.memref_slice %arg15[%add3A_49, %dma_wait3A_185] : memref<10112x128xf32, #tpu.memory_space<vmem_shared>> -> memref<56x128xf32, #tpu.memory_space<vmem_shared>>
      %dma_wait3A_187 = arith.constant 0 : i32
      %dma_wait3A_188 = arith.constant 0 : i32
      %dma_wait3A_189 = tpu.memref_slice %arg13[%run_scoped3A_50, %dma_wait3A_187, %dma_wait3A_188] : memref<2x64x128xf32, #tpu.memory_space<vmem>> -> memref<1x64x128xf32, #tpu.memory_space<vmem>>
      %dma_wait3A_190 = tpu.memref_squeeze %dma_wait3A_189 : memref<1x64x128xf32, #tpu.memory_space<vmem>> -> memref<64x128xf32, #tpu.memory_space<vmem>>
      %dma_wait3A_191 = arith.constant 0 : i32
      %dma_wait3A_192 = arith.constant 0 : i32
      %dma_wait3A_193 = tpu.memref_slice %dma_wait3A_190[%dma_wait3A_191, %dma_wait3A_192] : memref<64x128xf32, #tpu.memory_space<vmem>> -> memref<56x128xf32, #tpu.memory_space<vmem>>
      tpu.wait_dma2 semaphore(%run_scoped3A_159 : memref<!tpu.dma_semaphore, #tpu.memory_space<semaphore_mem>>) src(%dma_wait3A_193 : memref<56x128xf32, #tpu.memory_space<vmem>>) dst(%dma_wait3A_186 : memref<56x128xf32, #tpu.memory_space<vmem_shared>>)
      tpu.yield
    }) : () -> ()
    %add3A_51 = arith.constant 576 : i32
    %add3A_52 = arith.addi %mul3A_2, %add3A_51 : i32
    "tpu.region"() ({
      %run_scoped3A_159 = tpu.sem_alloc : memref<!tpu.dma_semaphore, #tpu.memory_space<semaphore_mem>>
      %dma_start3A = arith.constant 0 : i32
      %dma_start3A_160 = arith.constant 0 : i32
      %dma_start3A_161 = tpu.memref_slice %arg14[%dma_start3A, %dma_start3A_160] : memref<64x16xf32, #tpu.memory_space<vmem>> -> memref<56x16xf32, #tpu.memory_space<vmem>>
      %dma_start3A_162 = arith.constant 0 : i32
      %dma_start3A_163 = tpu.memref_slice %arg16[%add3A_52, %dma_start3A_162] : memref<10112x16xf32, #tpu.memory_space<vmem_shared>> -> memref<56x16xf32, #tpu.memory_space<vmem_shared>>
      %dma_start3A_164 = arith.constant 0 : i32
      %dma_start3A_165 = tpu.memref_slice %arg16[%add3A_52, %dma_start3A_164] : memref<10112x16xf32, #tpu.memory_space<vmem_shared>> -> memref<56x16xf32, #tpu.memory_space<vmem_shared>>
      %dma_start3A_166 = arith.constant 0 : i32
      %dma_start3A_167 = arith.constant 0 : i32
      %dma_start3A_168 = tpu.memref_slice %arg14[%dma_start3A_166, %dma_start3A_167] : memref<64x16xf32, #tpu.memory_space<vmem>> -> memref<56x16xf32, #tpu.memory_space<vmem>>
      tpu.enqueue_dma source(%dma_start3A_168 : memref<56x16xf32, #tpu.memory_space<vmem>>) target(%dma_start3A_165 : memref<56x16xf32, #tpu.memory_space<vmem_shared>>) target_semaphore(%run_scoped3A_159 : memref<!tpu.dma_semaphore, #tpu.memory_space<semaphore_mem>>)
      %dma_wait3A = arith.constant 0 : i32
      %dma_wait3A_169 = arith.constant 0 : i32
      %dma_wait3A_170 = tpu.memref_slice %arg14[%dma_wait3A, %dma_wait3A_169] : memref<64x16xf32, #tpu.memory_space<vmem>> -> memref<56x16xf32, #tpu.memory_space<vmem>>
      %dma_wait3A_171 = arith.constant 0 : i32
      %dma_wait3A_172 = tpu.memref_slice %arg16[%add3A_52, %dma_wait3A_171] : memref<10112x16xf32, #tpu.memory_space<vmem_shared>> -> memref<56x16xf32, #tpu.memory_space<vmem_shared>>
      %dma_wait3A_173 = arith.constant 0 : i32
      %dma_wait3A_174 = tpu.memref_slice %arg16[%add3A_52, %dma_wait3A_173] : memref<10112x16xf32, #tpu.memory_space<vmem_shared>> -> memref<56x16xf32, #tpu.memory_space<vmem_shared>>
      %dma_wait3A_175 = arith.constant 0 : i32
      %dma_wait3A_176 = arith.constant 0 : i32
      %dma_wait3A_177 = tpu.memref_slice %arg14[%dma_wait3A_175, %dma_wait3A_176] : memref<64x16xf32, #tpu.memory_space<vmem>> -> memref<56x16xf32, #tpu.memory_space<vmem>>
      tpu.wait_dma2 semaphore(%run_scoped3A_159 : memref<!tpu.dma_semaphore, #tpu.memory_space<semaphore_mem>>) src(%dma_wait3A_177 : memref<56x16xf32, #tpu.memory_space<vmem>>) dst(%dma_wait3A_174 : memref<56x16xf32, #tpu.memory_space<vmem_shared>>)
      tpu.yield
    }) : () -> ()
    "tpu.region"() ({
      %run_scoped3A_159 = tpu.sem_alloc : memref<!tpu.dma_semaphore, #tpu.memory_space<semaphore_mem>>
      tpu.enqueue_dma source(%arg7 : memref<64x16xf32, #tpu.memory_space<hbm>>) target(%arg14 : memref<64x16xf32, #tpu.memory_space<vmem>>) target_semaphore(%run_scoped3A_159 : memref<!tpu.dma_semaphore, #tpu.memory_space<semaphore_mem>>)
      tpu.wait_dma2 semaphore(%run_scoped3A_159 : memref<!tpu.dma_semaphore, #tpu.memory_space<semaphore_mem>>) src(%arg7 : memref<64x16xf32, #tpu.memory_space<hbm>>) dst(%arg14 : memref<64x16xf32, #tpu.memory_space<vmem>>)
      tpu.yield
    }) : () -> ()
    %barrier3A = arith.constant 0 : index
    tpu.barrier barrier_id(%barrier3A)
    %scan3A = arith.constant 0 : i32
    %scan3A_53 = arith.constant 0 : i32
    %scan3A_54 = arith.constant 20 : i32
    %scan3A_55 = arith.addi %scan3A_53, %scan3A_54 : i32
    %scan3A_56 = arith.constant 1 : i32
    scf.for %scan3A_159 = %scan3A_53 to %scan3A_55 step %scan3A_56  : i32 {
      %mul3A_160 = arith.constant 160 : i32
      %mul3A_161 = arith.muli %add3A, %mul3A_160 : i32
      %mul3A_162 = arith.constant 8 : i32
      %mul3A_163 = arith.muli %scan3A_159, %mul3A_162 : i32
      %add3A_164 = arith.addi %mul3A_161, %mul3A_163 : i32
      "tpu.region"() ({
        %run_scoped3A_603 = tpu.sem_alloc : memref<!tpu.dma_semaphore, #tpu.memory_space<semaphore_mem>>
        %dma_start3A_604 = arith.constant 0 : i32
        %dma_start3A_605 = tpu.memref_slice %arg3[%add3A_164, %dma_start3A_604] : memref<5120x64xi32, #tpu.memory_space<hbm>> -> memref<8x64xi32, #tpu.memory_space<hbm>>
        %dma_start3A_606 = arith.constant 0 : i32
        %dma_start3A_607 = tpu.memref_slice %arg3[%add3A_164, %dma_start3A_606] : memref<5120x64xi32, #tpu.memory_space<hbm>> -> memref<8x64xi32, #tpu.memory_space<hbm>>
        tpu.enqueue_dma source(%dma_start3A_607 : memref<8x64xi32, #tpu.memory_space<hbm>>) target(%arg10 : memref<8x64xi32, #tpu.memory_space<vmem>>) target_semaphore(%run_scoped3A_603 : memref<!tpu.dma_semaphore, #tpu.memory_space<semaphore_mem>>)
        %dma_wait3A_608 = arith.constant 0 : i32
        %dma_wait3A_609 = tpu.memref_slice %arg3[%add3A_164, %dma_wait3A_608] : memref<5120x64xi32, #tpu.memory_space<hbm>> -> memref<8x64xi32, #tpu.memory_space<hbm>>
        %dma_wait3A_610 = arith.constant 0 : i32
        %dma_wait3A_611 = tpu.memref_slice %arg3[%add3A_164, %dma_wait3A_610] : memref<5120x64xi32, #tpu.memory_space<hbm>> -> memref<8x64xi32, #tpu.memory_space<hbm>>
        tpu.wait_dma2 semaphore(%run_scoped3A_603 : memref<!tpu.dma_semaphore, #tpu.memory_space<semaphore_mem>>) src(%dma_wait3A_611 : memref<8x64xi32, #tpu.memory_space<hbm>>) dst(%arg10 : memref<8x64xi32, #tpu.memory_space<vmem>>)
        tpu.yield
      }) : () -> ()
      "tpu.region"() ({
        %run_scoped3A_603 = tpu.sem_alloc : memref<!tpu.dma_semaphore, #tpu.memory_space<semaphore_mem>>
        %dma_start3A_604 = arith.constant 0 : i32
        %dma_start3A_605 = tpu.memref_slice %arg4[%add3A_164, %dma_start3A_604] : memref<5120x64xi32, #tpu.memory_space<hbm>> -> memref<8x64xi32, #tpu.memory_space<hbm>>
        %dma_start3A_606 = arith.constant 0 : i32
        %dma_start3A_607 = tpu.memref_slice %arg4[%add3A_164, %dma_start3A_606] : memref<5120x64xi32, #tpu.memory_space<hbm>> -> memref<8x64xi32, #tpu.memory_space<hbm>>
        tpu.enqueue_dma source(%dma_start3A_607 : memref<8x64xi32, #tpu.memory_space<hbm>>) target(%arg11 : memref<8x64xi32, #tpu.memory_space<vmem>>) target_semaphore(%run_scoped3A_603 : memref<!tpu.dma_semaphore, #tpu.memory_space<semaphore_mem>>)
        %dma_wait3A_608 = arith.constant 0 : i32
        %dma_wait3A_609 = tpu.memref_slice %arg4[%add3A_164, %dma_wait3A_608] : memref<5120x64xi32, #tpu.memory_space<hbm>> -> memref<8x64xi32, #tpu.memory_space<hbm>>
        %dma_wait3A_610 = arith.constant 0 : i32
        %dma_wait3A_611 = tpu.memref_slice %arg4[%add3A_164, %dma_wait3A_610] : memref<5120x64xi32, #tpu.memory_space<hbm>> -> memref<8x64xi32, #tpu.memory_space<hbm>>
        tpu.wait_dma2 semaphore(%run_scoped3A_603 : memref<!tpu.dma_semaphore, #tpu.memory_space<semaphore_mem>>) src(%dma_wait3A_611 : memref<8x64xi32, #tpu.memory_space<hbm>>) dst(%arg11 : memref<8x64xi32, #tpu.memory_space<vmem>>)
        tpu.yield
      }) : () -> ()
      %dma_start3A = arith.constant 0 : i32
      %dma_start3A_165 = arith.constant 0 : i32
      %dma_start3A_166 = arith.constant 0 : i32
      %dma_start3A_167 = arith.constant 0 : i32
      %dma_start3A_168 = tpu.memref_slice %arg12[%dma_start3A_165, %dma_start3A_166, %dma_start3A_167] : memref<2x64x128xbf16, #tpu.memory_space<vmem>> -> memref<1x64x128xbf16, #tpu.memory_space<vmem>>
      %dma_start3A_169 = tpu.memref_squeeze %dma_start3A_168 : memref<1x64x128xbf16, #tpu.memory_space<vmem>> -> memref<64x128xbf16, #tpu.memory_space<vmem>>
      %dma_start3A_170 = arith.constant 0 : i32
      %dma_start3A_171 = tpu.memref_slice %arg10[%dma_start3A, %dma_start3A_170] : memref<8x64xi32, #tpu.memory_space<vmem>> -> memref<1x64xi32, #tpu.memory_space<vmem>>
      %dma_start3A_172 = tpu.memref_squeeze %dma_start3A_171 : memref<1x64xi32, #tpu.memory_space<vmem>> -> memref<64xi32, #tpu.memory_space<vmem>>
      %dma_start3A_173 = arith.constant 0 : i32
      %dma_start3A_174 = arith.constant 0 : i32
      %dma_start3A_175 = tpu.memref_slice %arg2[%dma_start3A_173, %dma_start3A_174] : memref<10000x128xbf16, #tpu.memory_space<hbm>> -> memref<10000x128xbf16, #tpu.memory_space<hbm>>
      tpu.enqueue_indirect_dma source(%dma_start3A_175 : memref<10000x128xbf16, #tpu.memory_space<hbm>>) target(%dma_start3A_169 : memref<64x128xbf16, #tpu.memory_space<vmem>>) offsets(%dma_start3A_172 : memref<64xi32, #tpu.memory_space<vmem>>) semaphore(%arg17 : memref<!tpu.dma_semaphore, #tpu.memory_space<semaphore_mem>>)
      %dma_start3A_176 = arith.constant 1 : i32
      %dma_start3A_177 = arith.constant 1 : i32
      %dma_start3A_178 = arith.constant 0 : i32
      %dma_start3A_179 = arith.constant 0 : i32
      %dma_start3A_180 = tpu.memref_slice %arg12[%dma_start3A_177, %dma_start3A_178, %dma_start3A_179] : memref<2x64x128xbf16, #tpu.memory_space<vmem>> -> memref<1x64x128xbf16, #tpu.memory_space<vmem>>
      %dma_start3A_181 = tpu.memref_squeeze %dma_start3A_180 : memref<1x64x128xbf16, #tpu.memory_space<vmem>> -> memref<64x128xbf16, #tpu.memory_space<vmem>>
      %dma_start3A_182 = arith.constant 0 : i32
      %dma_start3A_183 = tpu.memref_slice %arg10[%dma_start3A_176, %dma_start3A_182] : memref<8x64xi32, #tpu.memory_space<vmem>> -> memref<1x64xi32, #tpu.memory_space<vmem>>
      %dma_start3A_184 = tpu.memref_squeeze %dma_start3A_183 : memref<1x64xi32, #tpu.memory_space<vmem>> -> memref<64xi32, #tpu.memory_space<vmem>>
      %dma_start3A_185 = arith.constant 0 : i32
      %dma_start3A_186 = arith.constant 0 : i32
      %dma_start3A_187 = tpu.memref_slice %arg2[%dma_start3A_185, %dma_start3A_186] : memref<10000x128xbf16, #tpu.memory_space<hbm>> -> memref<10000x128xbf16, #tpu.memory_space<hbm>>
      tpu.enqueue_indirect_dma source(%dma_start3A_187 : memref<10000x128xbf16, #tpu.memory_space<hbm>>) target(%dma_start3A_181 : memref<64x128xbf16, #tpu.memory_space<vmem>>) offsets(%dma_start3A_184 : memref<64xi32, #tpu.memory_space<vmem>>) semaphore(%arg18 : memref<!tpu.dma_semaphore, #tpu.memory_space<semaphore_mem>>)
      %dma_wait3A = arith.constant 0 : i32
      %dma_wait3A_188 = arith.constant 0 : i32
      %dma_wait3A_189 = arith.constant 0 : i32
      %dma_wait3A_190 = arith.constant 0 : i32
      %dma_wait3A_191 = tpu.memref_slice %arg12[%dma_wait3A_188, %dma_wait3A_189, %dma_wait3A_190] : memref<2x64x128xbf16, #tpu.memory_space<vmem>> -> memref<1x64x128xbf16, #tpu.memory_space<vmem>>
      %dma_wait3A_192 = tpu.memref_squeeze %dma_wait3A_191 : memref<1x64x128xbf16, #tpu.memory_space<vmem>> -> memref<64x128xbf16, #tpu.memory_space<vmem>>
      %dma_wait3A_193 = arith.constant 0 : i32
      %dma_wait3A_194 = tpu.memref_slice %arg10[%dma_wait3A, %dma_wait3A_193] : memref<8x64xi32, #tpu.memory_space<vmem>> -> memref<1x64xi32, #tpu.memory_space<vmem>>
      %dma_wait3A_195 = tpu.memref_squeeze %dma_wait3A_194 : memref<1x64xi32, #tpu.memory_space<vmem>> -> memref<64xi32, #tpu.memory_space<vmem>>
      %dma_wait3A_196 = arith.constant 0 : i32
      %dma_wait3A_197 = arith.constant 0 : i32
      %dma_wait3A_198 = tpu.memref_slice %arg2[%dma_wait3A_196, %dma_wait3A_197] : memref<10000x128xbf16, #tpu.memory_space<hbm>> -> memref<10000x128xbf16, #tpu.memory_space<hbm>>
      tpu.wait_indirect_dma semaphore(%arg17 : memref<!tpu.dma_semaphore, #tpu.memory_space<semaphore_mem>>) src(%dma_wait3A_198 : memref<10000x128xbf16, #tpu.memory_space<hbm>>) dst(%dma_wait3A_192 : memref<64x128xbf16, #tpu.memory_space<vmem>>)
      %scan3A_199 = arith.constant 0 : i32
      %scan3A_200 = arith.constant 0 : i32
      %scan3A_201 = arith.constant 64 : i32
      %scan3A_202 = arith.addi %scan3A_200, %scan3A_201 : i32
      %scan3A_203 = arith.constant 1 : i32
      scf.for %scan3A_603 = %scan3A_200 to %scan3A_202 step %scan3A_203  : i32 {
        %get3A = arith.constant 0 : i32
        %get3A_604 = arith.constant 0 : i32
        %get3A_605 = arith.constant 0 : i32
        %get3A_606 = tpu.memref_slice %arg12[%get3A, %get3A_604, %get3A_605] : memref<2x64x128xbf16, #tpu.memory_space<vmem>> -> memref<1x64x128xbf16, #tpu.memory_space<vmem>>
        %get3A_607 = tpu.memref_squeeze %get3A_606 : memref<1x64x128xbf16, #tpu.memory_space<vmem>> -> memref<64x128xbf16, #tpu.memory_space<vmem>>
        %get3A_608 = arith.constant 0 : i32
        %get3A_609 = tpu.memref_slice %get3A_607[%scan3A_603, %get3A_608] : memref<64x128xbf16, #tpu.memory_space<vmem>> -> memref<1x128xbf16, #tpu.memory_space<vmem>>
        %get3A_610 = tpu.memref_squeeze %get3A_609 : memref<1x128xbf16, #tpu.memory_space<vmem>> -> memref<128xbf16, #tpu.memory_space<vmem>>
        %get3A_611 = arith.constant 0 : index
        %get3A_612 = tpu.vector_load %get3A_610[%get3A_611] {strides = array<i32>} : memref<128xbf16, #tpu.memory_space<vmem>>, vector<32xbf16>,
        %unpack3A = tpu.unpack_subelements %get3A_612, 0 {pack_format = #tpu.pack_format<interleaved>} : vector<32xbf16> -> vector<16xf32>
        %unpack3A_613 = tpu.unpack_subelements %get3A_612, 1 {pack_format = #tpu.pack_format<interleaved>} : vector<32xbf16> -> vector<16xf32>
        %swap3A = arith.constant 0 : i32
        %swap3A_614 = arith.constant 0 : i32
        %swap3A_615 = arith.constant 0 : i32
        %swap3A_616 = tpu.memref_slice %arg13[%swap3A, %swap3A_614, %swap3A_615] : memref<2x64x128xf32, #tpu.memory_space<vmem>> -> memref<1x64x128xf32, #tpu.memory_space<vmem>>
        %swap3A_617 = tpu.memref_squeeze %swap3A_616 : memref<1x64x128xf32, #tpu.memory_space<vmem>> -> memref<64x128xf32, #tpu.memory_space<vmem>>
        %swap3A_618 = arith.constant 0 : i32
        %swap3A_619 = tpu.memref_slice %swap3A_617[%scan3A_603, %swap3A_618] : memref<64x128xf32, #tpu.memory_space<vmem>> -> memref<1x128xf32, #tpu.memory_space<vmem>>
        %swap3A_620 = tpu.memref_squeeze %swap3A_619 : memref<1x128xf32, #tpu.memory_space<vmem>> -> memref<128xf32, #tpu.memory_space<vmem>>
        %swap3A_621 = arith.constant 0 : index
        %swap3A_622 = tpu.vector_load %swap3A_620[%swap3A_621] {strides = array<i32>} : memref<128xf32, #tpu.memory_space<vmem>>, vector<16xf32>,
        tpu.vector_store %swap3A_620[%swap3A_621], %unpack3A {strides = array<i32>} : memref<128xf32, #tpu.memory_space<vmem>>, vector<16xf32>,
        %swap3A_623 = arith.constant 0 : i32
        %swap3A_624 = arith.constant 0 : i32
        %swap3A_625 = arith.constant 0 : i32
        %swap3A_626 = tpu.memref_slice %arg13[%swap3A_623, %swap3A_624, %swap3A_625] : memref<2x64x128xf32, #tpu.memory_space<vmem>> -> memref<1x64x128xf32, #tpu.memory_space<vmem>>
        %swap3A_627 = tpu.memref_squeeze %swap3A_626 : memref<1x64x128xf32, #tpu.memory_space<vmem>> -> memref<64x128xf32, #tpu.memory_space<vmem>>
        %swap3A_628 = arith.constant 0 : i32
        %swap3A_629 = tpu.memref_slice %swap3A_627[%scan3A_603, %swap3A_628] : memref<64x128xf32, #tpu.memory_space<vmem>> -> memref<1x128xf32, #tpu.memory_space<vmem>>
        %swap3A_630 = tpu.memref_squeeze %swap3A_629 : memref<1x128xf32, #tpu.memory_space<vmem>> -> memref<128xf32, #tpu.memory_space<vmem>>
        %swap3A_631 = arith.constant 16 : index
        %swap3A_632 = tpu.vector_load %swap3A_630[%swap3A_631] {strides = array<i32>} : memref<128xf32, #tpu.memory_space<vmem>>, vector<16xf32>,
        tpu.vector_store %swap3A_630[%swap3A_631], %unpack3A_613 {strides = array<i32>} : memref<128xf32, #tpu.memory_space<vmem>>, vector<16xf32>,
        %get3A_633 = arith.constant 0 : i32
        %get3A_634 = arith.constant 0 : i32
        %get3A_635 = arith.constant 0 : i32
        %get3A_636 = tpu.memref_slice %arg12[%get3A_633, %get3A_634, %get3A_635] : memref<2x64x128xbf16, #tpu.memory_space<vmem>> -> memref<1x64x128xbf16, #tpu.memory_space<vmem>>
        %get3A_637 = tpu.memref_squeeze %get3A_636 : memref<1x64x128xbf16, #tpu.memory_space<vmem>> -> memref<64x128xbf16, #tpu.memory_space<vmem>>
        %get3A_638 = arith.constant 0 : i32
        %get3A_639 = tpu.memref_slice %get3A_637[%scan3A_603, %get3A_638] : memref<64x128xbf16, #tpu.memory_space<vmem>> -> memref<1x128xbf16, #tpu.memory_space<vmem>>
        %get3A_640 = tpu.memref_squeeze %get3A_639 : memref<1x128xbf16, #tpu.memory_space<vmem>> -> memref<128xbf16, #tpu.memory_space<vmem>>
        %get3A_641 = arith.constant 32 : index
        %get3A_642 = tpu.vector_load %get3A_640[%get3A_641] {strides = array<i32>} : memref<128xbf16, #tpu.memory_space<vmem>>, vector<32xbf16>,
        %unpack3A_643 = tpu.unpack_subelements %get3A_642, 0 {pack_format = #tpu.pack_format<interleaved>} : vector<32xbf16> -> vector<16xf32>
        %unpack3A_644 = tpu.unpack_subelements %get3A_642, 1 {pack_format = #tpu.pack_format<interleaved>} : vector<32xbf16> -> vector<16xf32>
        %swap3A_645 = arith.constant 0 : i32
        %swap3A_646 = arith.constant 0 : i32
        %swap3A_647 = arith.constant 0 : i32
        %swap3A_648 = tpu.memref_slice %arg13[%swap3A_645, %swap3A_646, %swap3A_647] : memref<2x64x128xf32, #tpu.memory_space<vmem>> -> memref<1x64x128xf32, #tpu.memory_space<vmem>>
        %swap3A_649 = tpu.memref_squeeze %swap3A_648 : memref<1x64x128xf32, #tpu.memory_space<vmem>> -> memref<64x128xf32, #tpu.memory_space<vmem>>
        %swap3A_650 = arith.constant 0 : i32
        %swap3A_651 = tpu.memref_slice %swap3A_649[%scan3A_603, %swap3A_650] : memref<64x128xf32, #tpu.memory_space<vmem>> -> memref<1x128xf32, #tpu.memory_space<vmem>>
        %swap3A_652 = tpu.memref_squeeze %swap3A_651 : memref<1x128xf32, #tpu.memory_space<vmem>> -> memref<128xf32, #tpu.memory_space<vmem>>
        %swap3A_653 = arith.constant 32 : index
        %swap3A_654 = tpu.vector_load %swap3A_652[%swap3A_653] {strides = array<i32>} : memref<128xf32, #tpu.memory_space<vmem>>, vector<16xf32>,
        tpu.vector_store %swap3A_652[%swap3A_653], %unpack3A_643 {strides = array<i32>} : memref<128xf32, #tpu.memory_space<vmem>>, vector<16xf32>,
        %swap3A_655 = arith.constant 0 : i32
        %swap3A_656 = arith.constant 0 : i32
        %swap3A_657 = arith.constant 0 : i32
        %swap3A_658 = tpu.memref_slice %arg13[%swap3A_655, %swap3A_656, %swap3A_657] : memref<2x64x128xf32, #tpu.memory_space<vmem>> -> memref<1x64x128xf32, #tpu.memory_space<vmem>>
        %swap3A_659 = tpu.memref_squeeze %swap3A_658 : memref<1x64x128xf32, #tpu.memory_space<vmem>> -> memref<64x128xf32, #tpu.memory_space<vmem>>
        %swap3A_660 = arith.constant 0 : i32
        %swap3A_661 = tpu.memref_slice %swap3A_659[%scan3A_603, %swap3A_660] : memref<64x128xf32, #tpu.memory_space<vmem>> -> memref<1x128xf32, #tpu.memory_space<vmem>>
        %swap3A_662 = tpu.memref_squeeze %swap3A_661 : memref<1x128xf32, #tpu.memory_space<vmem>> -> memref<128xf32, #tpu.memory_space<vmem>>
        %swap3A_663 = arith.constant 48 : index
        %swap3A_664 = tpu.vector_load %swap3A_662[%swap3A_663] {strides = array<i32>} : memref<128xf32, #tpu.memory_space<vmem>>, vector<16xf32>,
        tpu.vector_store %swap3A_662[%swap3A_663], %unpack3A_644 {strides = array<i32>} : memref<128xf32, #tpu.memory_space<vmem>>, vector<16xf32>,
        %get3A_665 = arith.constant 0 : i32
        %get3A_666 = arith.constant 0 : i32
        %get3A_667 = arith.constant 0 : i32
        %get3A_668 = tpu.memref_slice %arg12[%get3A_665, %get3A_666, %get3A_667] : memref<2x64x128xbf16, #tpu.memory_space<vmem>> -> memref<1x64x128xbf16, #tpu.memory_space<vmem>>
        %get3A_669 = tpu.memref_squeeze %get3A_668 : memref<1x64x128xbf16, #tpu.memory_space<vmem>> -> memref<64x128xbf16, #tpu.memory_space<vmem>>
        %get3A_670 = arith.constant 0 : i32
        %get3A_671 = tpu.memref_slice %get3A_669[%scan3A_603, %get3A_670] : memref<64x128xbf16, #tpu.memory_space<vmem>> -> memref<1x128xbf16, #tpu.memory_space<vmem>>
        %get3A_672 = tpu.memref_squeeze %get3A_671 : memref<1x128xbf16, #tpu.memory_space<vmem>> -> memref<128xbf16, #tpu.memory_space<vmem>>
        %get3A_673 = arith.constant 64 : index
        %get3A_674 = tpu.vector_load %get3A_672[%get3A_673] {strides = array<i32>} : memref<128xbf16, #tpu.memory_space<vmem>>, vector<32xbf16>,
        %unpack3A_675 = tpu.unpack_subelements %get3A_674, 0 {pack_format = #tpu.pack_format<interleaved>} : vector<32xbf16> -> vector<16xf32>
        %unpack3A_676 = tpu.unpack_subelements %get3A_674, 1 {pack_format = #tpu.pack_format<interleaved>} : vector<32xbf16> -> vector<16xf32>
        %swap3A_677 = arith.constant 0 : i32
        %swap3A_678 = arith.constant 0 : i32
        %swap3A_679 = arith.constant 0 : i32
        %swap3A_680 = tpu.memref_slice %arg13[%swap3A_677, %swap3A_678, %swap3A_679] : memref<2x64x128xf32, #tpu.memory_space<vmem>> -> memref<1x64x128xf32, #tpu.memory_space<vmem>>
        %swap3A_681 = tpu.memref_squeeze %swap3A_680 : memref<1x64x128xf32, #tpu.memory_space<vmem>> -> memref<64x128xf32, #tpu.memory_space<vmem>>
        %swap3A_682 = arith.constant 0 : i32
        %swap3A_683 = tpu.memref_slice %swap3A_681[%scan3A_603, %swap3A_682] : memref<64x128xf32, #tpu.memory_space<vmem>> -> memref<1x128xf32, #tpu.memory_space<vmem>>
        %swap3A_684 = tpu.memref_squeeze %swap3A_683 : memref<1x128xf32, #tpu.memory_space<vmem>> -> memref<128xf32, #tpu.memory_space<vmem>>
        %swap3A_685 = arith.constant 64 : index
        %swap3A_686 = tpu.vector_load %swap3A_684[%swap3A_685] {strides = array<i32>} : memref<128xf32, #tpu.memory_space<vmem>>, vector<16xf32>,
        tpu.vector_store %swap3A_684[%swap3A_685], %unpack3A_675 {strides = array<i32>} : memref<128xf32, #tpu.memory_space<vmem>>, vector<16xf32>,
        %swap3A_687 = arith.constant 0 : i32
        %swap3A_688 = arith.constant 0 : i32
        %swap3A_689 = arith.constant 0 : i32
        %swap3A_690 = tpu.memref_slice %arg13[%swap3A_687, %swap3A_688, %swap3A_689] : memref<2x64x128xf32, #tpu.memory_space<vmem>> -> memref<1x64x128xf32, #tpu.memory_space<vmem>>
        %swap3A_691 = tpu.memref_squeeze %swap3A_690 : memref<1x64x128xf32, #tpu.memory_space<vmem>> -> memref<64x128xf32, #tpu.memory_space<vmem>>
        %swap3A_692 = arith.constant 0 : i32
        %swap3A_693 = tpu.memref_slice %swap3A_691[%scan3A_603, %swap3A_692] : memref<64x128xf32, #tpu.memory_space<vmem>> -> memref<1x128xf32, #tpu.memory_space<vmem>>
        %swap3A_694 = tpu.memref_squeeze %swap3A_693 : memref<1x128xf32, #tpu.memory_space<vmem>> -> memref<128xf32, #tpu.memory_space<vmem>>
        %swap3A_695 = arith.constant 80 : index
        %swap3A_696 = tpu.vector_load %swap3A_694[%swap3A_695] {strides = array<i32>} : memref<128xf32, #tpu.memory_space<vmem>>, vector<16xf32>,
        tpu.vector_store %swap3A_694[%swap3A_695], %unpack3A_676 {strides = array<i32>} : memref<128xf32, #tpu.memory_space<vmem>>, vector<16xf32>,
        %get3A_697 = arith.constant 0 : i32
        %get3A_698 = arith.constant 0 : i32
        %get3A_699 = arith.constant 0 : i32
        %get3A_700 = tpu.memref_slice %arg12[%get3A_697, %get3A_698, %get3A_699] : memref<2x64x128xbf16, #tpu.memory_space<vmem>> -> memref<1x64x128xbf16, #tpu.memory_space<vmem>>
        %get3A_701 = tpu.memref_squeeze %get3A_700 : memref<1x64x128xbf16, #tpu.memory_space<vmem>> -> memref<64x128xbf16, #tpu.memory_space<vmem>>
        %get3A_702 = arith.constant 0 : i32
        %get3A_703 = tpu.memref_slice %get3A_701[%scan3A_603, %get3A_702] : memref<64x128xbf16, #tpu.memory_space<vmem>> -> memref<1x128xbf16, #tpu.memory_space<vmem>>
        %get3A_704 = tpu.memref_squeeze %get3A_703 : memref<1x128xbf16, #tpu.memory_space<vmem>> -> memref<128xbf16, #tpu.memory_space<vmem>>
        %get3A_705 = arith.constant 96 : index
        %get3A_706 = tpu.vector_load %get3A_704[%get3A_705] {strides = array<i32>} : memref<128xbf16, #tpu.memory_space<vmem>>, vector<32xbf16>,
        %unpack3A_707 = tpu.unpack_subelements %get3A_706, 0 {pack_format = #tpu.pack_format<interleaved>} : vector<32xbf16> -> vector<16xf32>
        %unpack3A_708 = tpu.unpack_subelements %get3A_706, 1 {pack_format = #tpu.pack_format<interleaved>} : vector<32xbf16> -> vector<16xf32>
        %swap3A_709 = arith.constant 0 : i32
        %swap3A_710 = arith.constant 0 : i32
        %swap3A_711 = arith.constant 0 : i32
        %swap3A_712 = tpu.memref_slice %arg13[%swap3A_709, %swap3A_710, %swap3A_711] : memref<2x64x128xf32, #tpu.memory_space<vmem>> -> memref<1x64x128xf32, #tpu.memory_space<vmem>>
        %swap3A_713 = tpu.memref_squeeze %swap3A_712 : memref<1x64x128xf32, #tpu.memory_space<vmem>> -> memref<64x128xf32, #tpu.memory_space<vmem>>
        %swap3A_714 = arith.constant 0 : i32
        %swap3A_715 = tpu.memref_slice %swap3A_713[%scan3A_603, %swap3A_714] : memref<64x128xf32, #tpu.memory_space<vmem>> -> memref<1x128xf32, #tpu.memory_space<vmem>>
        %swap3A_716 = tpu.memref_squeeze %swap3A_715 : memref<1x128xf32, #tpu.memory_space<vmem>> -> memref<128xf32, #tpu.memory_space<vmem>>
        %swap3A_717 = arith.constant 96 : index
        %swap3A_718 = tpu.vector_load %swap3A_716[%swap3A_717] {strides = array<i32>} : memref<128xf32, #tpu.memory_space<vmem>>, vector<16xf32>,
        tpu.vector_store %swap3A_716[%swap3A_717], %unpack3A_707 {strides = array<i32>} : memref<128xf32, #tpu.memory_space<vmem>>, vector<16xf32>,
        %swap3A_719 = arith.constant 0 : i32
        %swap3A_720 = arith.constant 0 : i32
        %swap3A_721 = arith.constant 0 : i32
        %swap3A_722 = tpu.memref_slice %arg13[%swap3A_719, %swap3A_720, %swap3A_721] : memref<2x64x128xf32, #tpu.memory_space<vmem>> -> memref<1x64x128xf32, #tpu.memory_space<vmem>>
        %swap3A_723 = tpu.memref_squeeze %swap3A_722 : memref<1x64x128xf32, #tpu.memory_space<vmem>> -> memref<64x128xf32, #tpu.memory_space<vmem>>
        %swap3A_724 = arith.constant 0 : i32
        %swap3A_725 = tpu.memref_slice %swap3A_723[%scan3A_603, %swap3A_724] : memref<64x128xf32, #tpu.memory_space<vmem>> -> memref<1x128xf32, #tpu.memory_space<vmem>>
        %swap3A_726 = tpu.memref_squeeze %swap3A_725 : memref<1x128xf32, #tpu.memory_space<vmem>> -> memref<128xf32, #tpu.memory_space<vmem>>
        %swap3A_727 = arith.constant 112 : index
        %swap3A_728 = tpu.vector_load %swap3A_726[%swap3A_727] {strides = array<i32>} : memref<128xf32, #tpu.memory_space<vmem>>, vector<16xf32>,
        tpu.vector_store %swap3A_726[%swap3A_727], %unpack3A_708 {strides = array<i32>} : memref<128xf32, #tpu.memory_space<vmem>>, vector<16xf32>,
      }
      %scan3A_204 = arith.constant 64 : i32
      %dma_start3A_205 = arith.constant 0 : i32
      %dma_start3A_206 = arith.constant 0 : i32
      %dma_start3A_207 = arith.constant 0 : i32
      %dma_start3A_208 = arith.constant 0 : i32
      %dma_start3A_209 = tpu.memref_slice %arg13[%dma_start3A_205, %dma_start3A_207, %dma_start3A_208] : memref<2x64x128xf32, #tpu.memory_space<vmem>> -> memref<1x64x128xf32, #tpu.memory_space<vmem>>
      %dma_start3A_210 = tpu.memref_squeeze %dma_start3A_209 : memref<1x64x128xf32, #tpu.memory_space<vmem>> -> memref<64x128xf32, #tpu.memory_space<vmem>>
      %dma_start3A_211 = arith.constant 0 : i32
      %dma_start3A_212 = tpu.memref_slice %arg11[%dma_start3A_206, %dma_start3A_211] : memref<8x64xi32, #tpu.memory_space<vmem>> -> memref<1x64xi32, #tpu.memory_space<vmem>>
      %dma_start3A_213 = tpu.memref_squeeze %dma_start3A_212 : memref<1x64xi32, #tpu.memory_space<vmem>> -> memref<64xi32, #tpu.memory_space<vmem>>
      %dma_start3A_214 = arith.constant 0 : i32
      %dma_start3A_215 = arith.constant 0 : i32
      %dma_start3A_216 = tpu.memref_slice %arg15[%dma_start3A_214, %dma_start3A_215] : memref<10112x128xf32, #tpu.memory_space<vmem_shared>> -> memref<10112x128xf32, #tpu.memory_space<vmem_shared>>
      tpu.enqueue_indirect_dma source(%dma_start3A_210 : memref<64x128xf32, #tpu.memory_space<vmem>>) target(%dma_start3A_216 : memref<10112x128xf32, #tpu.memory_space<vmem_shared>>) offsets(%dma_start3A_213 : memref<64xi32, #tpu.memory_space<vmem>>) semaphore(%arg19 : memref<!tpu.dma_semaphore, #tpu.memory_space<semaphore_mem>>) {add = true}
      %run_scoped3A_217 = arith.constant 0 : i32
      "tpu.region"() ({
        %run_scoped3A_603 = tpu.sem_alloc : memref<!tpu.dma_semaphore, #tpu.memory_space<semaphore_mem>>
        %dma_start3A_604 = arith.constant 0 : i32
        %dma_start3A_605 = tpu.memref_slice %arg11[%run_scoped3A_217, %dma_start3A_604] : memref<8x64xi32, #tpu.memory_space<vmem>> -> memref<1x64xi32, #tpu.memory_space<vmem>>
        %dma_start3A_606 = tpu.memref_squeeze %dma_start3A_605 : memref<1x64xi32, #tpu.memory_space<vmem>> -> memref<64xi32, #tpu.memory_space<vmem>>
        %dma_start3A_607 = arith.constant 0 : i32
        %dma_start3A_608 = arith.constant 0 : i32
        %dma_start3A_609 = tpu.memref_slice %arg16[%dma_start3A_607, %dma_start3A_608] : memref<10112x16xf32, #tpu.memory_space<vmem_shared>> -> memref<10112x16xf32, #tpu.memory_space<vmem_shared>>
        tpu.enqueue_indirect_dma source(%arg14 : memref<64x16xf32, #tpu.memory_space<vmem>>) target(%dma_start3A_609 : memref<10112x16xf32, #tpu.memory_space<vmem_shared>>) offsets(%dma_start3A_606 : memref<64xi32, #tpu.memory_space<vmem>>) semaphore(%run_scoped3A_603 : memref<!tpu.dma_semaphore, #tpu.memory_space<semaphore_mem>>) {add = true}
        %dma_wait3A_610 = arith.constant 0 : i32
        %dma_wait3A_611 = tpu.memref_slice %arg11[%run_scoped3A_217, %dma_wait3A_610] : memref<8x64xi32, #tpu.memory_space<vmem>> -> memref<1x64xi32, #tpu.memory_space<vmem>>
        %dma_wait3A_612 = tpu.memref_squeeze %dma_wait3A_611 : memref<1x64xi32, #tpu.memory_space<vmem>> -> memref<64xi32, #tpu.memory_space<vmem>>
        %dma_wait3A_613 = arith.constant 0 : i32
        %dma_wait3A_614 = arith.constant 0 : i32
        %dma_wait3A_615 = tpu.memref_slice %arg16[%dma_wait3A_613, %dma_wait3A_614] : memref<10112x16xf32, #tpu.memory_space<vmem_shared>> -> memref<10112x16xf32, #tpu.memory_space<vmem_shared>>
        tpu.wait_indirect_dma semaphore(%run_scoped3A_603 : memref<!tpu.dma_semaphore, #tpu.memory_space<semaphore_mem>>) src(%arg14 : memref<64x16xf32, #tpu.memory_space<vmem>>) dst(%dma_wait3A_615 : memref<10112x16xf32, #tpu.memory_space<vmem_shared>>)
        tpu.yield
      }) : () -> ()
      %dma_start3A_218 = arith.constant 2 : i32
      %dma_start3A_219 = arith.constant 0 : i32
      %dma_start3A_220 = arith.constant 0 : i32
      %dma_start3A_221 = arith.constant 0 : i32
      %dma_start3A_222 = tpu.memref_slice %arg12[%dma_start3A_219, %dma_start3A_220, %dma_start3A_221] : memref<2x64x128xbf16, #tpu.memory_space<vmem>> -> memref<1x64x128xbf16, #tpu.memory_space<vmem>>
      %dma_start3A_223 = tpu.memref_squeeze %dma_start3A_222 : memref<1x64x128xbf16, #tpu.memory_space<vmem>> -> memref<64x128xbf16, #tpu.memory_space<vmem>>
      %dma_start3A_224 = arith.constant 0 : i32
      %dma_start3A_225 = tpu.memref_slice %arg10[%dma_start3A_218, %dma_start3A_224] : memref<8x64xi32, #tpu.memory_space<vmem>> -> memref<1x64xi32, #tpu.memory_space<vmem>>
      %dma_start3A_226 = tpu.memref_squeeze %dma_start3A_225 : memref<1x64xi32, #tpu.memory_space<vmem>> -> memref<64xi32, #tpu.memory_space<vmem>>
      %dma_start3A_227 = arith.constant 0 : i32
      %dma_start3A_228 = arith.constant 0 : i32
      %dma_start3A_229 = tpu.memref_slice %arg2[%dma_start3A_227, %dma_start3A_228] : memref<10000x128xbf16, #tpu.memory_space<hbm>> -> memref<10000x128xbf16, #tpu.memory_space<hbm>>
      tpu.enqueue_indirect_dma source(%dma_start3A_229 : memref<10000x128xbf16, #tpu.memory_space<hbm>>) target(%dma_start3A_223 : memref<64x128xbf16, #tpu.memory_space<vmem>>) offsets(%dma_start3A_226 : memref<64xi32, #tpu.memory_space<vmem>>) semaphore(%arg17 : memref<!tpu.dma_semaphore, #tpu.memory_space<semaphore_mem>>)
      %dma_wait3A_230 = arith.constant 1 : i32
      %dma_wait3A_231 = arith.constant 1 : i32
      %dma_wait3A_232 = arith.constant 0 : i32
      %dma_wait3A_233 = arith.constant 0 : i32
      %dma_wait3A_234 = tpu.memref_slice %arg12[%dma_wait3A_231, %dma_wait3A_232, %dma_wait3A_233] : memref<2x64x128xbf16, #tpu.memory_space<vmem>> -> memref<1x64x128xbf16, #tpu.memory_space<vmem>>
      %dma_wait3A_235 = tpu.memref_squeeze %dma_wait3A_234 : memref<1x64x128xbf16, #tpu.memory_space<vmem>> -> memref<64x128xbf16, #tpu.memory_space<vmem>>
      %dma_wait3A_236 = arith.constant 0 : i32
      %dma_wait3A_237 = tpu.memref_slice %arg10[%dma_wait3A_230, %dma_wait3A_236] : memref<8x64xi32, #tpu.memory_space<vmem>> -> memref<1x64xi32, #tpu.memory_space<vmem>>
      %dma_wait3A_238 = tpu.memref_squeeze %dma_wait3A_237 : memref<1x64xi32, #tpu.memory_space<vmem>> -> memref<64xi32, #tpu.memory_space<vmem>>
      %dma_wait3A_239 = arith.constant 0 : i32
      %dma_wait3A_240 = arith.constant 0 : i32
      %dma_wait3A_241 = tpu.memref_slice %arg2[%dma_wait3A_239, %dma_wait3A_240] : memref<10000x128xbf16, #tpu.memory_space<hbm>> -> memref<10000x128xbf16, #tpu.memory_space<hbm>>
      tpu.wait_indirect_dma semaphore(%arg18 : memref<!tpu.dma_semaphore, #tpu.memory_space<semaphore_mem>>) src(%dma_wait3A_241 : memref<10000x128xbf16, #tpu.memory_space<hbm>>) dst(%dma_wait3A_235 : memref<64x128xbf16, #tpu.memory_space<vmem>>)
      %scan3A_242 = arith.constant 0 : i32
      %scan3A_243 = arith.constant 0 : i32
      %scan3A_244 = arith.constant 64 : i32
      %scan3A_245 = arith.addi %scan3A_243, %scan3A_244 : i32
      %scan3A_246 = arith.constant 1 : i32
      scf.for %scan3A_603 = %scan3A_243 to %scan3A_245 step %scan3A_246  : i32 {
        %get3A = arith.constant 1 : i32
        %get3A_604 = arith.constant 0 : i32
        %get3A_605 = arith.constant 0 : i32
        %get3A_606 = tpu.memref_slice %arg12[%get3A, %get3A_604, %get3A_605] : memref<2x64x128xbf16, #tpu.memory_space<vmem>> -> memref<1x64x128xbf16, #tpu.memory_space<vmem>>
        %get3A_607 = tpu.memref_squeeze %get3A_606 : memref<1x64x128xbf16, #tpu.memory_space<vmem>> -> memref<64x128xbf16, #tpu.memory_space<vmem>>
        %get3A_608 = arith.constant 0 : i32
        %get3A_609 = tpu.memref_slice %get3A_607[%scan3A_603, %get3A_608] : memref<64x128xbf16, #tpu.memory_space<vmem>> -> memref<1x128xbf16, #tpu.memory_space<vmem>>
        %get3A_610 = tpu.memref_squeeze %get3A_609 : memref<1x128xbf16, #tpu.memory_space<vmem>> -> memref<128xbf16, #tpu.memory_space<vmem>>
        %get3A_611 = arith.constant 0 : index
        %get3A_612 = tpu.vector_load %get3A_610[%get3A_611] {strides = array<i32>} : memref<128xbf16, #tpu.memory_space<vmem>>, vector<32xbf16>,
        %unpack3A = tpu.unpack_subelements %get3A_612, 0 {pack_format = #tpu.pack_format<interleaved>} : vector<32xbf16> -> vector<16xf32>
        %unpack3A_613 = tpu.unpack_subelements %get3A_612, 1 {pack_format = #tpu.pack_format<interleaved>} : vector<32xbf16> -> vector<16xf32>
        %swap3A = arith.constant 1 : i32
        %swap3A_614 = arith.constant 0 : i32
        %swap3A_615 = arith.constant 0 : i32
        %swap3A_616 = tpu.memref_slice %arg13[%swap3A, %swap3A_614, %swap3A_615] : memref<2x64x128xf32, #tpu.memory_space<vmem>> -> memref<1x64x128xf32, #tpu.memory_space<vmem>>
        %swap3A_617 = tpu.memref_squeeze %swap3A_616 : memref<1x64x128xf32, #tpu.memory_space<vmem>> -> memref<64x128xf32, #tpu.memory_space<vmem>>
        %swap3A_618 = arith.constant 0 : i32
        %swap3A_619 = tpu.memref_slice %swap3A_617[%scan3A_603, %swap3A_618] : memref<64x128xf32, #tpu.memory_space<vmem>> -> memref<1x128xf32, #tpu.memory_space<vmem>>
        %swap3A_620 = tpu.memref_squeeze %swap3A_619 : memref<1x128xf32, #tpu.memory_space<vmem>> -> memref<128xf32, #tpu.memory_space<vmem>>
        %swap3A_621 = arith.constant 0 : index
        %swap3A_622 = tpu.vector_load %swap3A_620[%swap3A_621] {strides = array<i32>} : memref<128xf32, #tpu.memory_space<vmem>>, vector<16xf32>,
        tpu.vector_store %swap3A_620[%swap3A_621], %unpack3A {strides = array<i32>} : memref<128xf32, #tpu.memory_space<vmem>>, vector<16xf32>,
        %swap3A_623 = arith.constant 1 : i32
        %swap3A_624 = arith.constant 0 : i32
        %swap3A_625 = arith.constant 0 : i32
        %swap3A_626 = tpu.memref_slice %arg13[%swap3A_623, %swap3A_624, %swap3A_625] : memref<2x64x128xf32, #tpu.memory_space<vmem>> -> memref<1x64x128xf32, #tpu.memory_space<vmem>>
        %swap3A_627 = tpu.memref_squeeze %swap3A_626 : memref<1x64x128xf32, #tpu.memory_space<vmem>> -> memref<64x128xf32, #tpu.memory_space<vmem>>
        %swap3A_628 = arith.constant 0 : i32
        %swap3A_629 = tpu.memref_slice %swap3A_627[%scan3A_603, %swap3A_628] : memref<64x128xf32, #tpu.memory_space<vmem>> -> memref<1x128xf32, #tpu.memory_space<vmem>>
        %swap3A_630 = tpu.memref_squeeze %swap3A_629 : memref<1x128xf32, #tpu.memory_space<vmem>> -> memref<128xf32, #tpu.memory_space<vmem>>
        %swap3A_631 = arith.constant 16 : index
        %swap3A_632 = tpu.vector_load %swap3A_630[%swap3A_631] {strides = array<i32>} : memref<128xf32, #tpu.memory_space<vmem>>, vector<16xf32>,
        tpu.vector_store %swap3A_630[%swap3A_631], %unpack3A_613 {strides = array<i32>} : memref<128xf32, #tpu.memory_space<vmem>>, vector<16xf32>,
        %get3A_633 = arith.constant 1 : i32
        %get3A_634 = arith.constant 0 : i32
        %get3A_635 = arith.constant 0 : i32
        %get3A_636 = tpu.memref_slice %arg12[%get3A_633, %get3A_634, %get3A_635] : memref<2x64x128xbf16, #tpu.memory_space<vmem>> -> memref<1x64x128xbf16, #tpu.memory_space<vmem>>
        %get3A_637 = tpu.memref_squeeze %get3A_636 : memref<1x64x128xbf16, #tpu.memory_space<vmem>> -> memref<64x128xbf16, #tpu.memory_space<vmem>>
        %get3A_638 = arith.constant 0 : i32
        %get3A_639 = tpu.memref_slice %get3A_637[%scan3A_603, %get3A_638] : memref<64x128xbf16, #tpu.memory_space<vmem>> -> memref<1x128xbf16, #tpu.memory_space<vmem>>
        %get3A_640 = tpu.memref_squeeze %get3A_639 : memref<1x128xbf16, #tpu.memory_space<vmem>> -> memref<128xbf16, #tpu.memory_space<vmem>>
        %get3A_641 = arith.constant 32 : index
        %get3A_642 = tpu.vector_load %get3A_640[%get3A_641] {strides = array<i32>} : memref<128xbf16, #tpu.memory_space<vmem>>, vector<32xbf16>,
        %unpack3A_643 = tpu.unpack_subelements %get3A_642, 0 {pack_format = #tpu.pack_format<interleaved>} : vector<32xbf16> -> vector<16xf32>
        %unpack3A_644 = tpu.unpack_subelements %get3A_642, 1 {pack_format = #tpu.pack_format<interleaved>} : vector<32xbf16> -> vector<16xf32>
        %swap3A_645 = arith.constant 1 : i32
        %swap3A_646 = arith.constant 0 : i32
        %swap3A_647 = arith.constant 0 : i32
        %swap3A_648 = tpu.memref_slice %arg13[%swap3A_645, %swap3A_646, %swap3A_647] : memref<2x64x128xf32, #tpu.memory_space<vmem>> -> memref<1x64x128xf32, #tpu.memory_space<vmem>>
        %swap3A_649 = tpu.memref_squeeze %swap3A_648 : memref<1x64x128xf32, #tpu.memory_space<vmem>> -> memref<64x128xf32, #tpu.memory_space<vmem>>
        %swap3A_650 = arith.constant 0 : i32
        %swap3A_651 = tpu.memref_slice %swap3A_649[%scan3A_603, %swap3A_650] : memref<64x128xf32, #tpu.memory_space<vmem>> -> memref<1x128xf32, #tpu.memory_space<vmem>>
        %swap3A_652 = tpu.memref_squeeze %swap3A_651 : memref<1x128xf32, #tpu.memory_space<vmem>> -> memref<128xf32, #tpu.memory_space<vmem>>
        %swap3A_653 = arith.constant 32 : index
        %swap3A_654 = tpu.vector_load %swap3A_652[%swap3A_653] {strides = array<i32>} : memref<128xf32, #tpu.memory_space<vmem>>, vector<16xf32>,
        tpu.vector_store %swap3A_652[%swap3A_653], %unpack3A_643 {strides = array<i32>} : memref<128xf32, #tpu.memory_space<vmem>>, vector<16xf32>,
        %swap3A_655 = arith.constant 1 : i32
        %swap3A_656 = arith.constant 0 : i32
        %swap3A_657 = arith.constant 0 : i32
        %swap3A_658 = tpu.memref_slice %arg13[%swap3A_655, %swap3A_656, %swap3A_657] : memref<2x64x128xf32, #tpu.memory_space<vmem>> -> memref<1x64x128xf32, #tpu.memory_space<vmem>>
        %swap3A_659 = tpu.memref_squeeze %swap3A_658 : memref<1x64x128xf32, #tpu.memory_space<vmem>> -> memref<64x128xf32, #tpu.memory_space<vmem>>
        %swap3A_660 = arith.constant 0 : i32
        %swap3A_661 = tpu.memref_slice %swap3A_659[%scan3A_603, %swap3A_660] : memref<64x128xf32, #tpu.memory_space<vmem>> -> memref<1x128xf32, #tpu.memory_space<vmem>>
        %swap3A_662 = tpu.memref_squeeze %swap3A_661 : memref<1x128xf32, #tpu.memory_space<vmem>> -> memref<128xf32, #tpu.memory_space<vmem>>
        %swap3A_663 = arith.constant 48 : index
        %swap3A_664 = tpu.vector_load %swap3A_662[%swap3A_663] {strides = array<i32>} : memref<128xf32, #tpu.memory_space<vmem>>, vector<16xf32>,
        tpu.vector_store %swap3A_662[%swap3A_663], %unpack3A_644 {strides = array<i32>} : memref<128xf32, #tpu.memory_space<vmem>>, vector<16xf32>,
        %get3A_665 = arith.constant 1 : i32
        %get3A_666 = arith.constant 0 : i32
        %get3A_667 = arith.constant 0 : i32
        %get3A_668 = tpu.memref_slice %arg12[%get3A_665, %get3A_666, %get3A_667] : memref<2x64x128xbf16, #tpu.memory_space<vmem>> -> memref<1x64x128xbf16, #tpu.memory_space<vmem>>
        %get3A_669 = tpu.memref_squeeze %get3A_668 : memref<1x64x128xbf16, #tpu.memory_space<vmem>> -> memref<64x128xbf16, #tpu.memory_space<vmem>>
        %get3A_670 = arith.constant 0 : i32
        %get3A_671 = tpu.memref_slice %get3A_669[%scan3A_603, %get3A_670] : memref<64x128xbf16, #tpu.memory_space<vmem>> -> memref<1x128xbf16, #tpu.memory_space<vmem>>
        %get3A_672 = tpu.memref_squeeze %get3A_671 : memref<1x128xbf16, #tpu.memory_space<vmem>> -> memref<128xbf16, #tpu.memory_space<vmem>>
        %get3A_673 = arith.constant 64 : index
        %get3A_674 = tpu.vector_load %get3A_672[%get3A_673] {strides = array<i32>} : memref<128xbf16, #tpu.memory_space<vmem>>, vector<32xbf16>,
        %unpack3A_675 = tpu.unpack_subelements %get3A_674, 0 {pack_format = #tpu.pack_format<interleaved>} : vector<32xbf16> -> vector<16xf32>
        %unpack3A_676 = tpu.unpack_subelements %get3A_674, 1 {pack_format = #tpu.pack_format<interleaved>} : vector<32xbf16> -> vector<16xf32>
        %swap3A_677 = arith.constant 1 : i32
        %swap3A_678 = arith.constant 0 : i32
        %swap3A_679 = arith.constant 0 : i32
        %swap3A_680 = tpu.memref_slice %arg13[%swap3A_677, %swap3A_678, %swap3A_679] : memref<2x64x128xf32, #tpu.memory_space<vmem>> -> memref<1x64x128xf32, #tpu.memory_space<vmem>>
        %swap3A_681 = tpu.memref_squeeze %swap3A_680 : memref<1x64x128xf32, #tpu.memory_space<vmem>> -> memref<64x128xf32, #tpu.memory_space<vmem>>
        %swap3A_682 = arith.constant 0 : i32
        %swap3A_683 = tpu.memref_slice %swap3A_681[%scan3A_603, %swap3A_682] : memref<64x128xf32, #tpu.memory_space<vmem>> -> memref<1x128xf32, #tpu.memory_space<vmem>>
        %swap3A_684 = tpu.memref_squeeze %swap3A_683 : memref<1x128xf32, #tpu.memory_space<vmem>> -> memref<128xf32, #tpu.memory_space<vmem>>
        %swap3A_685 = arith.constant 64 : index
        %swap3A_686 = tpu.vector_load %swap3A_684[%swap3A_685] {strides = array<i32>} : memref<128xf32, #tpu.memory_space<vmem>>, vector<16xf32>,
        tpu.vector_store %swap3A_684[%swap3A_685], %unpack3A_675 {strides = array<i32>} : memref<128xf32, #tpu.memory_space<vmem>>, vector<16xf32>,
        %swap3A_687 = arith.constant 1 : i32
        %swap3A_688 = arith.constant 0 : i32
        %swap3A_689 = arith.constant 0 : i32
        %swap3A_690 = tpu.memref_slice %arg13[%swap3A_687, %swap3A_688, %swap3A_689] : memref<2x64x128xf32, #tpu.memory_space<vmem>> -> memref<1x64x128xf32, #tpu.memory_space<vmem>>
        %swap3A_691 = tpu.memref_squeeze %swap3A_690 : memref<1x64x128xf32, #tpu.memory_space<vmem>> -> memref<64x128xf32, #tpu.memory_space<vmem>>
        %swap3A_692 = arith.constant 0 : i32
        %swap3A_693 = tpu.memref_slice %swap3A_691[%scan3A_603, %swap3A_692] : memref<64x128xf32, #tpu.memory_space<vmem>> -> memref<1x128xf32, #tpu.memory_space<vmem>>
        %swap3A_694 = tpu.memref_squeeze %swap3A_693 : memref<1x128xf32, #tpu.memory_space<vmem>> -> memref<128xf32, #tpu.memory_space<vmem>>
        %swap3A_695 = arith.constant 80 : index
        %swap3A_696 = tpu.vector_load %swap3A_694[%swap3A_695] {strides = array<i32>} : memref<128xf32, #tpu.memory_space<vmem>>, vector<16xf32>,
        tpu.vector_store %swap3A_694[%swap3A_695], %unpack3A_676 {strides = array<i32>} : memref<128xf32, #tpu.memory_space<vmem>>, vector<16xf32>,
        %get3A_697 = arith.constant 1 : i32
        %get3A_698 = arith.constant 0 : i32
        %get3A_699 = arith.constant 0 : i32
        %get3A_700 = tpu.memref_slice %arg12[%get3A_697, %get3A_698, %get3A_699] : memref<2x64x128xbf16, #tpu.memory_space<vmem>> -> memref<1x64x128xbf16, #tpu.memory_space<vmem>>
        %get3A_701 = tpu.memref_squeeze %get3A_700 : memref<1x64x128xbf16, #tpu.memory_space<vmem>> -> memref<64x128xbf16, #tpu.memory_space<vmem>>
        %get3A_702 = arith.constant 0 : i32
        %get3A_703 = tpu.memref_slice %get3A_701[%scan3A_603, %get3A_702] : memref<64x128xbf16, #tpu.memory_space<vmem>> -> memref<1x128xbf16, #tpu.memory_space<vmem>>
        %get3A_704 = tpu.memref_squeeze %get3A_703 : memref<1x128xbf16, #tpu.memory_space<vmem>> -> memref<128xbf16, #tpu.memory_space<vmem>>
        %get3A_705 = arith.constant 96 : index
        %get3A_706 = tpu.vector_load %get3A_704[%get3A_705] {strides = array<i32>} : memref<128xbf16, #tpu.memory_space<vmem>>, vector<32xbf16>,
        %unpack3A_707 = tpu.unpack_subelements %get3A_706, 0 {pack_format = #tpu.pack_format<interleaved>} : vector<32xbf16> -> vector<16xf32>
        %unpack3A_708 = tpu.unpack_subelements %get3A_706, 1 {pack_format = #tpu.pack_format<interleaved>} : vector<32xbf16> -> vector<16xf32>
        %swap3A_709 = arith.constant 1 : i32
        %swap3A_710 = arith.constant 0 : i32
        %swap3A_711 = arith.constant 0 : i32
        %swap3A_712 = tpu.memref_slice %arg13[%swap3A_709, %swap3A_710, %swap3A_711] : memref<2x64x128xf32, #tpu.memory_space<vmem>> -> memref<1x64x128xf32, #tpu.memory_space<vmem>>
        %swap3A_713 = tpu.memref_squeeze %swap3A_712 : memref<1x64x128xf32, #tpu.memory_space<vmem>> -> memref<64x128xf32, #tpu.memory_space<vmem>>
        %swap3A_714 = arith.constant 0 : i32
        %swap3A_715 = tpu.memref_slice %swap3A_713[%scan3A_603, %swap3A_714] : memref<64x128xf32, #tpu.memory_space<vmem>> -> memref<1x128xf32, #tpu.memory_space<vmem>>
        %swap3A_716 = tpu.memref_squeeze %swap3A_715 : memref<1x128xf32, #tpu.memory_space<vmem>> -> memref<128xf32, #tpu.memory_space<vmem>>
        %swap3A_717 = arith.constant 96 : index
        %swap3A_718 = tpu.vector_load %swap3A_716[%swap3A_717] {strides = array<i32>} : memref<128xf32, #tpu.memory_space<vmem>>, vector<16xf32>,
        tpu.vector_store %swap3A_716[%swap3A_717], %unpack3A_707 {strides = array<i32>} : memref<128xf32, #tpu.memory_space<vmem>>, vector<16xf32>,
        %swap3A_719 = arith.constant 1 : i32
        %swap3A_720 = arith.constant 0 : i32
        %swap3A_721 = arith.constant 0 : i32
        %swap3A_722 = tpu.memref_slice %arg13[%swap3A_719, %swap3A_720, %swap3A_721] : memref<2x64x128xf32, #tpu.memory_space<vmem>> -> memref<1x64x128xf32, #tpu.memory_space<vmem>>
        %swap3A_723 = tpu.memref_squeeze %swap3A_722 : memref<1x64x128xf32, #tpu.memory_space<vmem>> -> memref<64x128xf32, #tpu.memory_space<vmem>>
        %swap3A_724 = arith.constant 0 : i32
        %swap3A_725 = tpu.memref_slice %swap3A_723[%scan3A_603, %swap3A_724] : memref<64x128xf32, #tpu.memory_space<vmem>> -> memref<1x128xf32, #tpu.memory_space<vmem>>
        %swap3A_726 = tpu.memref_squeeze %swap3A_725 : memref<1x128xf32, #tpu.memory_space<vmem>> -> memref<128xf32, #tpu.memory_space<vmem>>
        %swap3A_727 = arith.constant 112 : index
        %swap3A_728 = tpu.vector_load %swap3A_726[%swap3A_727] {strides = array<i32>} : memref<128xf32, #tpu.memory_space<vmem>>, vector<16xf32>,
        tpu.vector_store %swap3A_726[%swap3A_727], %unpack3A_708 {strides = array<i32>} : memref<128xf32, #tpu.memory_space<vmem>>, vector<16xf32>,
      }
      %scan3A_247 = arith.constant 64 : i32
      %dma_start3A_248 = arith.constant 1 : i32
      %dma_start3A_249 = arith.constant 1 : i32
      %dma_start3A_250 = arith.constant 0 : i32
      %dma_start3A_251 = arith.constant 0 : i32
      %dma_start3A_252 = tpu.memref_slice %arg13[%dma_start3A_248, %dma_start3A_250, %dma_start3A_251] : memref<2x64x128xf32, #tpu.memory_space<vmem>> -> memref<1x64x128xf32, #tpu.memory_space<vmem>>
      %dma_start3A_253 = tpu.memref_squeeze %dma_start3A_252 : memref<1x64x128xf32, #tpu.memory_space<vmem>> -> memref<64x128xf32, #tpu.memory_space<vmem>>
      %dma_start3A_254 = arith.constant 0 : i32
      %dma_start3A_255 = tpu.memref_slice %arg11[%dma_start3A_249, %dma_start3A_254] : memref<8x64xi32, #tpu.memory_space<vmem>> -> memref<1x64xi32, #tpu.memory_space<vmem>>
      %dma_start3A_256 = tpu.memref_squeeze %dma_start3A_255 : memref<1x64xi32, #tpu.memory_space<vmem>> -> memref<64xi32, #tpu.memory_space<vmem>>
      %dma_start3A_257 = arith.constant 0 : i32
      %dma_start3A_258 = arith.constant 0 : i32
      %dma_start3A_259 = tpu.memref_slice %arg15[%dma_start3A_257, %dma_start3A_258] : memref<10112x128xf32, #tpu.memory_space<vmem_shared>> -> memref<10112x128xf32, #tpu.memory_space<vmem_shared>>
      tpu.enqueue_indirect_dma source(%dma_start3A_253 : memref<64x128xf32, #tpu.memory_space<vmem>>) target(%dma_start3A_259 : memref<10112x128xf32, #tpu.memory_space<vmem_shared>>) offsets(%dma_start3A_256 : memref<64xi32, #tpu.memory_space<vmem>>) semaphore(%arg20 : memref<!tpu.dma_semaphore, #tpu.memory_space<semaphore_mem>>) {add = true}
      %run_scoped3A_260 = arith.constant 1 : i32
      "tpu.region"() ({
        %run_scoped3A_603 = tpu.sem_alloc : memref<!tpu.dma_semaphore, #tpu.memory_space<semaphore_mem>>
        %dma_start3A_604 = arith.constant 0 : i32
        %dma_start3A_605 = tpu.memref_slice %arg11[%run_scoped3A_260, %dma_start3A_604] : memref<8x64xi32, #tpu.memory_space<vmem>> -> memref<1x64xi32, #tpu.memory_space<vmem>>
        %dma_start3A_606 = tpu.memref_squeeze %dma_start3A_605 : memref<1x64xi32, #tpu.memory_space<vmem>> -> memref<64xi32, #tpu.memory_space<vmem>>
        %dma_start3A_607 = arith.constant 0 : i32
        %dma_start3A_608 = arith.constant 0 : i32
        %dma_start3A_609 = tpu.memref_slice %arg16[%dma_start3A_607, %dma_start3A_608] : memref<10112x16xf32, #tpu.memory_space<vmem_shared>> -> memref<10112x16xf32, #tpu.memory_space<vmem_shared>>
        tpu.enqueue_indirect_dma source(%arg14 : memref<64x16xf32, #tpu.memory_space<vmem>>) target(%dma_start3A_609 : memref<10112x16xf32, #tpu.memory_space<vmem_shared>>) offsets(%dma_start3A_606 : memref<64xi32, #tpu.memory_space<vmem>>) semaphore(%run_scoped3A_603 : memref<!tpu.dma_semaphore, #tpu.memory_space<semaphore_mem>>) {add = true}
        %dma_wait3A_610 = arith.constant 0 : i32
        %dma_wait3A_611 = tpu.memref_slice %arg11[%run_scoped3A_260, %dma_wait3A_610] : memref<8x64xi32, #tpu.memory_space<vmem>> -> memref<1x64xi32, #tpu.memory_space<vmem>>
        %dma_wait3A_612 = tpu.memref_squeeze %dma_wait3A_611 : memref<1x64xi32, #tpu.memory_space<vmem>> -> memref<64xi32, #tpu.memory_space<vmem>>
        %dma_wait3A_613 = arith.constant 0 : i32
        %dma_wait3A_614 = arith.constant 0 : i32
        %dma_wait3A_615 = tpu.memref_slice %arg16[%dma_wait3A_613, %dma_wait3A_614] : memref<10112x16xf32, #tpu.memory_space<vmem_shared>> -> memref<10112x16xf32, #tpu.memory_space<vmem_shared>>
        tpu.wait_indirect_dma semaphore(%run_scoped3A_603 : memref<!tpu.dma_semaphore, #tpu.memory_space<semaphore_mem>>) src(%arg14 : memref<64x16xf32, #tpu.memory_space<vmem>>) dst(%dma_wait3A_615 : memref<10112x16xf32, #tpu.memory_space<vmem_shared>>)
        tpu.yield
      }) : () -> ()
      %dma_start3A_261 = arith.constant 3 : i32
      %dma_start3A_262 = arith.constant 1 : i32
      %dma_start3A_263 = arith.constant 0 : i32
      %dma_start3A_264 = arith.constant 0 : i32
      %dma_start3A_265 = tpu.memref_slice %arg12[%dma_start3A_262, %dma_start3A_263, %dma_start3A_264] : memref<2x64x128xbf16, #tpu.memory_space<vmem>> -> memref<1x64x128xbf16, #tpu.memory_space<vmem>>
      %dma_start3A_266 = tpu.memref_squeeze %dma_start3A_265 : memref<1x64x128xbf16, #tpu.memory_space<vmem>> -> memref<64x128xbf16, #tpu.memory_space<vmem>>
      %dma_start3A_267 = arith.constant 0 : i32
      %dma_start3A_268 = tpu.memref_slice %arg10[%dma_start3A_261, %dma_start3A_267] : memref<8x64xi32, #tpu.memory_space<vmem>> -> memref<1x64xi32, #tpu.memory_space<vmem>>
      %dma_start3A_269 = tpu.memref_squeeze %dma_start3A_268 : memref<1x64xi32, #tpu.memory_space<vmem>> -> memref<64xi32, #tpu.memory_space<vmem>>
      %dma_start3A_270 = arith.constant 0 : i32
      %dma_start3A_271 = arith.constant 0 : i32
      %dma_start3A_272 = tpu.memref_slice %arg2[%dma_start3A_270, %dma_start3A_271] : memref<10000x128xbf16, #tpu.memory_space<hbm>> -> memref<10000x128xbf16, #tpu.memory_space<hbm>>
      tpu.enqueue_indirect_dma source(%dma_start3A_272 : memref<10000x128xbf16, #tpu.memory_space<hbm>>) target(%dma_start3A_266 : memref<64x128xbf16, #tpu.memory_space<vmem>>) offsets(%dma_start3A_269 : memref<64xi32, #tpu.memory_space<vmem>>) semaphore(%arg18 : memref<!tpu.dma_semaphore, #tpu.memory_space<semaphore_mem>>)
      %dma_wait3A_273 = arith.constant 2 : i32
      %dma_wait3A_274 = arith.constant 0 : i32
      %dma_wait3A_275 = arith.constant 0 : i32
      %dma_wait3A_276 = arith.constant 0 : i32
      %dma_wait3A_277 = tpu.memref_slice %arg12[%dma_wait3A_274, %dma_wait3A_275, %dma_wait3A_276] : memref<2x64x128xbf16, #tpu.memory_space<vmem>> -> memref<1x64x128xbf16, #tpu.memory_space<vmem>>
      %dma_wait3A_278 = tpu.memref_squeeze %dma_wait3A_277 : memref<1x64x128xbf16, #tpu.memory_space<vmem>> -> memref<64x128xbf16, #tpu.memory_space<vmem>>
      %dma_wait3A_279 = arith.constant 0 : i32
      %dma_wait3A_280 = tpu.memref_slice %arg10[%dma_wait3A_273, %dma_wait3A_279] : memref<8x64xi32, #tpu.memory_space<vmem>> -> memref<1x64xi32, #tpu.memory_space<vmem>>
      %dma_wait3A_281 = tpu.memref_squeeze %dma_wait3A_280 : memref<1x64xi32, #tpu.memory_space<vmem>> -> memref<64xi32, #tpu.memory_space<vmem>>
      %dma_wait3A_282 = arith.constant 0 : i32
      %dma_wait3A_283 = arith.constant 0 : i32
      %dma_wait3A_284 = tpu.memref_slice %arg2[%dma_wait3A_282, %dma_wait3A_283] : memref<10000x128xbf16, #tpu.memory_space<hbm>> -> memref<10000x128xbf16, #tpu.memory_space<hbm>>
      tpu.wait_indirect_dma semaphore(%arg17 : memref<!tpu.dma_semaphore, #tpu.memory_space<semaphore_mem>>) src(%dma_wait3A_284 : memref<10000x128xbf16, #tpu.memory_space<hbm>>) dst(%dma_wait3A_278 : memref<64x128xbf16, #tpu.memory_space<vmem>>)
      %dma_wait3A_285 = arith.constant 0 : i32
      %dma_wait3A_286 = arith.constant 0 : i32
      %dma_wait3A_287 = arith.constant 0 : i32
      %dma_wait3A_288 = arith.constant 0 : i32
      %dma_wait3A_289 = tpu.memref_slice %arg13[%dma_wait3A_285, %dma_wait3A_287, %dma_wait3A_288] : memref<2x64x128xf32, #tpu.memory_space<vmem>> -> memref<1x64x128xf32, #tpu.memory_space<vmem>>
      %dma_wait3A_290 = tpu.memref_squeeze %dma_wait3A_289 : memref<1x64x128xf32, #tpu.memory_space<vmem>> -> memref<64x128xf32, #tpu.memory_space<vmem>>
      %dma_wait3A_291 = arith.constant 0 : i32
      %dma_wait3A_292 = tpu.memref_slice %arg11[%dma_wait3A_286, %dma_wait3A_291] : memref<8x64xi32, #tpu.memory_space<vmem>> -> memref<1x64xi32, #tpu.memory_space<vmem>>
      %dma_wait3A_293 = tpu.memref_squeeze %dma_wait3A_292 : memref<1x64xi32, #tpu.memory_space<vmem>> -> memref<64xi32, #tpu.memory_space<vmem>>
      %dma_wait3A_294 = arith.constant 0 : i32
      %dma_wait3A_295 = arith.constant 0 : i32
      %dma_wait3A_296 = tpu.memref_slice %arg15[%dma_wait3A_294, %dma_wait3A_295] : memref<10112x128xf32, #tpu.memory_space<vmem_shared>> -> memref<10112x128xf32, #tpu.memory_space<vmem_shared>>
      tpu.wait_indirect_dma semaphore(%arg19 : memref<!tpu.dma_semaphore, #tpu.memory_space<semaphore_mem>>) src(%dma_wait3A_290 : memref<64x128xf32, #tpu.memory_space<vmem>>) dst(%dma_wait3A_296 : memref<10112x128xf32, #tpu.memory_space<vmem_shared>>)
      %scan3A_297 = arith.constant 0 : i32
      %scan3A_298 = arith.constant 0 : i32
      %scan3A_299 = arith.constant 64 : i32
      %scan3A_300 = arith.addi %scan3A_298, %scan3A_299 : i32
      %scan3A_301 = arith.constant 1 : i32
      scf.for %scan3A_603 = %scan3A_298 to %scan3A_300 step %scan3A_301  : i32 {
        %get3A = arith.constant 0 : i32
        %get3A_604 = arith.constant 0 : i32
        %get3A_605 = arith.constant 0 : i32
        %get3A_606 = tpu.memref_slice %arg12[%get3A, %get3A_604, %get3A_605] : memref<2x64x128xbf16, #tpu.memory_space<vmem>> -> memref<1x64x128xbf16, #tpu.memory_space<vmem>>
        %get3A_607 = tpu.memref_squeeze %get3A_606 : memref<1x64x128xbf16, #tpu.memory_space<vmem>> -> memref<64x128xbf16, #tpu.memory_space<vmem>>
        %get3A_608 = arith.constant 0 : i32
        %get3A_609 = tpu.memref_slice %get3A_607[%scan3A_603, %get3A_608] : memref<64x128xbf16, #tpu.memory_space<vmem>> -> memref<1x128xbf16, #tpu.memory_space<vmem>>
        %get3A_610 = tpu.memref_squeeze %get3A_609 : memref<1x128xbf16, #tpu.memory_space<vmem>> -> memref<128xbf16, #tpu.memory_space<vmem>>
        %get3A_611 = arith.constant 0 : index
        %get3A_612 = tpu.vector_load %get3A_610[%get3A_611] {strides = array<i32>} : memref<128xbf16, #tpu.memory_space<vmem>>, vector<32xbf16>,
        %unpack3A = tpu.unpack_subelements %get3A_612, 0 {pack_format = #tpu.pack_format<interleaved>} : vector<32xbf16> -> vector<16xf32>
        %unpack3A_613 = tpu.unpack_subelements %get3A_612, 1 {pack_format = #tpu.pack_format<interleaved>} : vector<32xbf16> -> vector<16xf32>
        %swap3A = arith.constant 0 : i32
        %swap3A_614 = arith.constant 0 : i32
        %swap3A_615 = arith.constant 0 : i32
        %swap3A_616 = tpu.memref_slice %arg13[%swap3A, %swap3A_614, %swap3A_615] : memref<2x64x128xf32, #tpu.memory_space<vmem>> -> memref<1x64x128xf32, #tpu.memory_space<vmem>>
        %swap3A_617 = tpu.memref_squeeze %swap3A_616 : memref<1x64x128xf32, #tpu.memory_space<vmem>> -> memref<64x128xf32, #tpu.memory_space<vmem>>
        %swap3A_618 = arith.constant 0 : i32
        %swap3A_619 = tpu.memref_slice %swap3A_617[%scan3A_603, %swap3A_618] : memref<64x128xf32, #tpu.memory_space<vmem>> -> memref<1x128xf32, #tpu.memory_space<vmem>>
        %swap3A_620 = tpu.memref_squeeze %swap3A_619 : memref<1x128xf32, #tpu.memory_space<vmem>> -> memref<128xf32, #tpu.memory_space<vmem>>
        %swap3A_621 = arith.constant 0 : index
        %swap3A_622 = tpu.vector_load %swap3A_620[%swap3A_621] {strides = array<i32>} : memref<128xf32, #tpu.memory_space<vmem>>, vector<16xf32>,
        tpu.vector_store %swap3A_620[%swap3A_621], %unpack3A {strides = array<i32>} : memref<128xf32, #tpu.memory_space<vmem>>, vector<16xf32>,
        %swap3A_623 = arith.constant 0 : i32
        %swap3A_624 = arith.constant 0 : i32
        %swap3A_625 = arith.constant 0 : i32
        %swap3A_626 = tpu.memref_slice %arg13[%swap3A_623, %swap3A_624, %swap3A_625] : memref<2x64x128xf32, #tpu.memory_space<vmem>> -> memref<1x64x128xf32, #tpu.memory_space<vmem>>
        %swap3A_627 = tpu.memref_squeeze %swap3A_626 : memref<1x64x128xf32, #tpu.memory_space<vmem>> -> memref<64x128xf32, #tpu.memory_space<vmem>>
        %swap3A_628 = arith.constant 0 : i32
        %swap3A_629 = tpu.memref_slice %swap3A_627[%scan3A_603, %swap3A_628] : memref<64x128xf32, #tpu.memory_space<vmem>> -> memref<1x128xf32, #tpu.memory_space<vmem>>
        %swap3A_630 = tpu.memref_squeeze %swap3A_629 : memref<1x128xf32, #tpu.memory_space<vmem>> -> memref<128xf32, #tpu.memory_space<vmem>>
        %swap3A_631 = arith.constant 16 : index
        %swap3A_632 = tpu.vector_load %swap3A_630[%swap3A_631] {strides = array<i32>} : memref<128xf32, #tpu.memory_space<vmem>>, vector<16xf32>,
        tpu.vector_store %swap3A_630[%swap3A_631], %unpack3A_613 {strides = array<i32>} : memref<128xf32, #tpu.memory_space<vmem>>, vector<16xf32>,
        %get3A_633 = arith.constant 0 : i32
        %get3A_634 = arith.constant 0 : i32
        %get3A_635 = arith.constant 0 : i32
        %get3A_636 = tpu.memref_slice %arg12[%get3A_633, %get3A_634, %get3A_635] : memref<2x64x128xbf16, #tpu.memory_space<vmem>> -> memref<1x64x128xbf16, #tpu.memory_space<vmem>>
        %get3A_637 = tpu.memref_squeeze %get3A_636 : memref<1x64x128xbf16, #tpu.memory_space<vmem>> -> memref<64x128xbf16, #tpu.memory_space<vmem>>
        %get3A_638 = arith.constant 0 : i32
        %get3A_639 = tpu.memref_slice %get3A_637[%scan3A_603, %get3A_638] : memref<64x128xbf16, #tpu.memory_space<vmem>> -> memref<1x128xbf16, #tpu.memory_space<vmem>>
        %get3A_640 = tpu.memref_squeeze %get3A_639 : memref<1x128xbf16, #tpu.memory_space<vmem>> -> memref<128xbf16, #tpu.memory_space<vmem>>
        %get3A_641 = arith.constant 32 : index
        %get3A_642 = tpu.vector_load %get3A_640[%get3A_641] {strides = array<i32>} : memref<128xbf16, #tpu.memory_space<vmem>>, vector<32xbf16>,
        %unpack3A_643 = tpu.unpack_subelements %get3A_642, 0 {pack_format = #tpu.pack_format<interleaved>} : vector<32xbf16> -> vector<16xf32>
        %unpack3A_644 = tpu.unpack_subelements %get3A_642, 1 {pack_format = #tpu.pack_format<interleaved>} : vector<32xbf16> -> vector<16xf32>
        %swap3A_645 = arith.constant 0 : i32
        %swap3A_646 = arith.constant 0 : i32
        %swap3A_647 = arith.constant 0 : i32
        %swap3A_648 = tpu.memref_slice %arg13[%swap3A_645, %swap3A_646, %swap3A_647] : memref<2x64x128xf32, #tpu.memory_space<vmem>> -> memref<1x64x128xf32, #tpu.memory_space<vmem>>
        %swap3A_649 = tpu.memref_squeeze %swap3A_648 : memref<1x64x128xf32, #tpu.memory_space<vmem>> -> memref<64x128xf32, #tpu.memory_space<vmem>>
        %swap3A_650 = arith.constant 0 : i32
        %swap3A_651 = tpu.memref_slice %swap3A_649[%scan3A_603, %swap3A_650] : memref<64x128xf32, #tpu.memory_space<vmem>> -> memref<1x128xf32, #tpu.memory_space<vmem>>
        %swap3A_652 = tpu.memref_squeeze %swap3A_651 : memref<1x128xf32, #tpu.memory_space<vmem>> -> memref<128xf32, #tpu.memory_space<vmem>>
        %swap3A_653 = arith.constant 32 : index
        %swap3A_654 = tpu.vector_load %swap3A_652[%swap3A_653] {strides = array<i32>} : memref<128xf32, #tpu.memory_space<vmem>>, vector<16xf32>,
        tpu.vector_store %swap3A_652[%swap3A_653], %unpack3A_643 {strides = array<i32>} : memref<128xf32, #tpu.memory_space<vmem>>, vector<16xf32>,
        %swap3A_655 = arith.constant 0 : i32
        %swap3A_656 = arith.constant 0 : i32
        %swap3A_657 = arith.constant 0 : i32
        %swap3A_658 = tpu.memref_slice %arg13[%swap3A_655, %swap3A_656, %swap3A_657] : memref<2x64x128xf32, #tpu.memory_space<vmem>> -> memref<1x64x128xf32, #tpu.memory_space<vmem>>
        %swap3A_659 = tpu.memref_squeeze %swap3A_658 : memref<1x64x128xf32, #tpu.memory_space<vmem>> -> memref<64x128xf32, #tpu.memory_space<vmem>>
        %swap3A_660 = arith.constant 0 : i32
        %swap3A_661 = tpu.memref_slice %swap3A_659[%scan3A_603, %swap3A_660] : memref<64x128xf32, #tpu.memory_space<vmem>> -> memref<1x128xf32, #tpu.memory_space<vmem>>
        %swap3A_662 = tpu.memref_squeeze %swap3A_661 : memref<1x128xf32, #tpu.memory_space<vmem>> -> memref<128xf32, #tpu.memory_space<vmem>>
        %swap3A_663 = arith.constant 48 : index
        %swap3A_664 = tpu.vector_load %swap3A_662[%swap3A_663] {strides = array<i32>} : memref<128xf32, #tpu.memory_space<vmem>>, vector<16xf32>,
        tpu.vector_store %swap3A_662[%swap3A_663], %unpack3A_644 {strides = array<i32>} : memref<128xf32, #tpu.memory_space<vmem>>, vector<16xf32>,
        %get3A_665 = arith.constant 0 : i32
        %get3A_666 = arith.constant 0 : i32
        %get3A_667 = arith.constant 0 : i32
        %get3A_668 = tpu.memref_slice %arg12[%get3A_665, %get3A_666, %get3A_667] : memref<2x64x128xbf16, #tpu.memory_space<vmem>> -> memref<1x64x128xbf16, #tpu.memory_space<vmem>>
        %get3A_669 = tpu.memref_squeeze %get3A_668 : memref<1x64x128xbf16, #tpu.memory_space<vmem>> -> memref<64x128xbf16, #tpu.memory_space<vmem>>
        %get3A_670 = arith.constant 0 : i32
        %get3A_671 = tpu.memref_slice %get3A_669[%scan3A_603, %get3A_670] : memref<64x128xbf16, #tpu.memory_space<vmem>> -> memref<1x128xbf16, #tpu.memory_space<vmem>>
        %get3A_672 = tpu.memref_squeeze %get3A_671 : memref<1x128xbf16, #tpu.memory_space<vmem>> -> memref<128xbf16, #tpu.memory_space<vmem>>
        %get3A_673 = arith.constant 64 : index
        %get3A_674 = tpu.vector_load %get3A_672[%get3A_673] {strides = array<i32>} : memref<128xbf16, #tpu.memory_space<vmem>>, vector<32xbf16>,
        %unpack3A_675 = tpu.unpack_subelements %get3A_674, 0 {pack_format = #tpu.pack_format<interleaved>} : vector<32xbf16> -> vector<16xf32>
        %unpack3A_676 = tpu.unpack_subelements %get3A_674, 1 {pack_format = #tpu.pack_format<interleaved>} : vector<32xbf16> -> vector<16xf32>
        %swap3A_677 = arith.constant 0 : i32
        %swap3A_678 = arith.constant 0 : i32
        %swap3A_679 = arith.constant 0 : i32
        %swap3A_680 = tpu.memref_slice %arg13[%swap3A_677, %swap3A_678, %swap3A_679] : memref<2x64x128xf32, #tpu.memory_space<vmem>> -> memref<1x64x128xf32, #tpu.memory_space<vmem>>
        %swap3A_681 = tpu.memref_squeeze %swap3A_680 : memref<1x64x128xf32, #tpu.memory_space<vmem>> -> memref<64x128xf32, #tpu.memory_space<vmem>>
        %swap3A_682 = arith.constant 0 : i32
        %swap3A_683 = tpu.memref_slice %swap3A_681[%scan3A_603, %swap3A_682] : memref<64x128xf32, #tpu.memory_space<vmem>> -> memref<1x128xf32, #tpu.memory_space<vmem>>
        %swap3A_684 = tpu.memref_squeeze %swap3A_683 : memref<1x128xf32, #tpu.memory_space<vmem>> -> memref<128xf32, #tpu.memory_space<vmem>>
        %swap3A_685 = arith.constant 64 : index
        %swap3A_686 = tpu.vector_load %swap3A_684[%swap3A_685] {strides = array<i32>} : memref<128xf32, #tpu.memory_space<vmem>>, vector<16xf32>,
        tpu.vector_store %swap3A_684[%swap3A_685], %unpack3A_675 {strides = array<i32>} : memref<128xf32, #tpu.memory_space<vmem>>, vector<16xf32>,
        %swap3A_687 = arith.constant 0 : i32
        %swap3A_688 = arith.constant 0 : i32
        %swap3A_689 = arith.constant 0 : i32
        %swap3A_690 = tpu.memref_slice %arg13[%swap3A_687, %swap3A_688, %swap3A_689] : memref<2x64x128xf32, #tpu.memory_space<vmem>> -> memref<1x64x128xf32, #tpu.memory_space<vmem>>
        %swap3A_691 = tpu.memref_squeeze %swap3A_690 : memref<1x64x128xf32, #tpu.memory_space<vmem>> -> memref<64x128xf32, #tpu.memory_space<vmem>>
        %swap3A_692 = arith.constant 0 : i32
        %swap3A_693 = tpu.memref_slice %swap3A_691[%scan3A_603, %swap3A_692] : memref<64x128xf32, #tpu.memory_space<vmem>> -> memref<1x128xf32, #tpu.memory_space<vmem>>
        %swap3A_694 = tpu.memref_squeeze %swap3A_693 : memref<1x128xf32, #tpu.memory_space<vmem>> -> memref<128xf32, #tpu.memory_space<vmem>>
        %swap3A_695 = arith.constant 80 : index
        %swap3A_696 = tpu.vector_load %swap3A_694[%swap3A_695] {strides = array<i32>} : memref<128xf32, #tpu.memory_space<vmem>>, vector<16xf32>,
        tpu.vector_store %swap3A_694[%swap3A_695], %unpack3A_676 {strides = array<i32>} : memref<128xf32, #tpu.memory_space<vmem>>, vector<16xf32>,
        %get3A_697 = arith.constant 0 : i32
        %get3A_698 = arith.constant 0 : i32
        %get3A_699 = arith.constant 0 : i32
        %get3A_700 = tpu.memref_slice %arg12[%get3A_697, %get3A_698, %get3A_699] : memref<2x64x128xbf16, #tpu.memory_space<vmem>> -> memref<1x64x128xbf16, #tpu.memory_space<vmem>>
        %get3A_701 = tpu.memref_squeeze %get3A_700 : memref<1x64x128xbf16, #tpu.memory_space<vmem>> -> memref<64x128xbf16, #tpu.memory_space<vmem>>
        %get3A_702 = arith.constant 0 : i32
        %get3A_703 = tpu.memref_slice %get3A_701[%scan3A_603, %get3A_702] : memref<64x128xbf16, #tpu.memory_space<vmem>> -> memref<1x128xbf16, #tpu.memory_space<vmem>>
        %get3A_704 = tpu.memref_squeeze %get3A_703 : memref<1x128xbf16, #tpu.memory_space<vmem>> -> memref<128xbf16, #tpu.memory_space<vmem>>
        %get3A_705 = arith.constant 96 : index
        %get3A_706 = tpu.vector_load %get3A_704[%get3A_705] {strides = array<i32>} : memref<128xbf16, #tpu.memory_space<vmem>>, vector<32xbf16>,
        %unpack3A_707 = tpu.unpack_subelements %get3A_706, 0 {pack_format = #tpu.pack_format<interleaved>} : vector<32xbf16> -> vector<16xf32>
        %unpack3A_708 = tpu.unpack_subelements %get3A_706, 1 {pack_format = #tpu.pack_format<interleaved>} : vector<32xbf16> -> vector<16xf32>
        %swap3A_709 = arith.constant 0 : i32
        %swap3A_710 = arith.constant 0 : i32
        %swap3A_711 = arith.constant 0 : i32
        %swap3A_712 = tpu.memref_slice %arg13[%swap3A_709, %swap3A_710, %swap3A_711] : memref<2x64x128xf32, #tpu.memory_space<vmem>> -> memref<1x64x128xf32, #tpu.memory_space<vmem>>
        %swap3A_713 = tpu.memref_squeeze %swap3A_712 : memref<1x64x128xf32, #tpu.memory_space<vmem>> -> memref<64x128xf32, #tpu.memory_space<vmem>>
        %swap3A_714 = arith.constant 0 : i32
        %swap3A_715 = tpu.memref_slice %swap3A_713[%scan3A_603, %swap3A_714] : memref<64x128xf32, #tpu.memory_space<vmem>> -> memref<1x128xf32, #tpu.memory_space<vmem>>
        %swap3A_716 = tpu.memref_squeeze %swap3A_715 : memref<1x128xf32, #tpu.memory_space<vmem>> -> memref<128xf32, #tpu.memory_space<vmem>>
        %swap3A_717 = arith.constant 96 : index
        %swap3A_718 = tpu.vector_load %swap3A_716[%swap3A_717] {strides = array<i32>} : memref<128xf32, #tpu.memory_space<vmem>>, vector<16xf32>,
        tpu.vector_store %swap3A_716[%swap3A_717], %unpack3A_707 {strides = array<i32>} : memref<128xf32, #tpu.memory_space<vmem>>, vector<16xf32>,
        %swap3A_719 = arith.constant 0 : i32
        %swap3A_720 = arith.constant 0 : i32
        %swap3A_721 = arith.constant 0 : i32
        %swap3A_722 = tpu.memref_slice %arg13[%swap3A_719, %swap3A_720, %swap3A_721] : memref<2x64x128xf32, #tpu.memory_space<vmem>> -> memref<1x64x128xf32, #tpu.memory_space<vmem>>
        %swap3A_723 = tpu.memref_squeeze %swap3A_722 : memref<1x64x128xf32, #tpu.memory_space<vmem>> -> memref<64x128xf32, #tpu.memory_space<vmem>>
        %swap3A_724 = arith.constant 0 : i32
        %swap3A_725 = tpu.memref_slice %swap3A_723[%scan3A_603, %swap3A_724] : memref<64x128xf32, #tpu.memory_space<vmem>> -> memref<1x128xf32, #tpu.memory_space<vmem>>
        %swap3A_726 = tpu.memref_squeeze %swap3A_725 : memref<1x128xf32, #tpu.memory_space<vmem>> -> memref<128xf32, #tpu.memory_space<vmem>>
        %swap3A_727 = arith.constant 112 : index
        %swap3A_728 = tpu.vector_load %swap3A_726[%swap3A_727] {strides = array<i32>} : memref<128xf32, #tpu.memory_space<vmem>>, vector<16xf32>,
        tpu.vector_store %swap3A_726[%swap3A_727], %unpack3A_708 {strides = array<i32>} : memref<128xf32, #tpu.memory_space<vmem>>, vector<16xf32>,
      }
      %scan3A_302 = arith.constant 64 : i32
      %dma_start3A_303 = arith.constant 0 : i32
      %dma_start3A_304 = arith.constant 2 : i32
      %dma_start3A_305 = arith.constant 0 : i32
      %dma_start3A_306 = arith.constant 0 : i32
      %dma_start3A_307 = tpu.memref_slice %arg13[%dma_start3A_303, %dma_start3A_305, %dma_start3A_306] : memref<2x64x128xf32, #tpu.memory_space<vmem>> -> memref<1x64x128xf32, #tpu.memory_space<vmem>>
      %dma_start3A_308 = tpu.memref_squeeze %dma_start3A_307 : memref<1x64x128xf32, #tpu.memory_space<vmem>> -> memref<64x128xf32, #tpu.memory_space<vmem>>
      %dma_start3A_309 = arith.constant 0 : i32
      %dma_start3A_310 = tpu.memref_slice %arg11[%dma_start3A_304, %dma_start3A_309] : memref<8x64xi32, #tpu.memory_space<vmem>> -> memref<1x64xi32, #tpu.memory_space<vmem>>
      %dma_start3A_311 = tpu.memref_squeeze %dma_start3A_310 : memref<1x64xi32, #tpu.memory_space<vmem>> -> memref<64xi32, #tpu.memory_space<vmem>>
      %dma_start3A_312 = arith.constant 0 : i32
      %dma_start3A_313 = arith.constant 0 : i32
      %dma_start3A_314 = tpu.memref_slice %arg15[%dma_start3A_312, %dma_start3A_313] : memref<10112x128xf32, #tpu.memory_space<vmem_shared>> -> memref<10112x128xf32, #tpu.memory_space<vmem_shared>>
      tpu.enqueue_indirect_dma source(%dma_start3A_308 : memref<64x128xf32, #tpu.memory_space<vmem>>) target(%dma_start3A_314 : memref<10112x128xf32, #tpu.memory_space<vmem_shared>>) offsets(%dma_start3A_311 : memref<64xi32, #tpu.memory_space<vmem>>) semaphore(%arg19 : memref<!tpu.dma_semaphore, #tpu.memory_space<semaphore_mem>>) {add = true}
      %run_scoped3A_315 = arith.constant 2 : i32
      "tpu.region"() ({
        %run_scoped3A_603 = tpu.sem_alloc : memref<!tpu.dma_semaphore, #tpu.memory_space<semaphore_mem>>
        %dma_start3A_604 = arith.constant 0 : i32
        %dma_start3A_605 = tpu.memref_slice %arg11[%run_scoped3A_315, %dma_start3A_604] : memref<8x64xi32, #tpu.memory_space<vmem>> -> memref<1x64xi32, #tpu.memory_space<vmem>>
        %dma_start3A_606 = tpu.memref_squeeze %dma_start3A_605 : memref<1x64xi32, #tpu.memory_space<vmem>> -> memref<64xi32, #tpu.memory_space<vmem>>
        %dma_start3A_607 = arith.constant 0 : i32
        %dma_start3A_608 = arith.constant 0 : i32
        %dma_start3A_609 = tpu.memref_slice %arg16[%dma_start3A_607, %dma_start3A_608] : memref<10112x16xf32, #tpu.memory_space<vmem_shared>> -> memref<10112x16xf32, #tpu.memory_space<vmem_shared>>
        tpu.enqueue_indirect_dma source(%arg14 : memref<64x16xf32, #tpu.memory_space<vmem>>) target(%dma_start3A_609 : memref<10112x16xf32, #tpu.memory_space<vmem_shared>>) offsets(%dma_start3A_606 : memref<64xi32, #tpu.memory_space<vmem>>) semaphore(%run_scoped3A_603 : memref<!tpu.dma_semaphore, #tpu.memory_space<semaphore_mem>>) {add = true}
        %dma_wait3A_610 = arith.constant 0 : i32
        %dma_wait3A_611 = tpu.memref_slice %arg11[%run_scoped3A_315, %dma_wait3A_610] : memref<8x64xi32, #tpu.memory_space<vmem>> -> memref<1x64xi32, #tpu.memory_space<vmem>>
        %dma_wait3A_612 = tpu.memref_squeeze %dma_wait3A_611 : memref<1x64xi32, #tpu.memory_space<vmem>> -> memref<64xi32, #tpu.memory_space<vmem>>
        %dma_wait3A_613 = arith.constant 0 : i32
        %dma_wait3A_614 = arith.constant 0 : i32
        %dma_wait3A_615 = tpu.memref_slice %arg16[%dma_wait3A_613, %dma_wait3A_614] : memref<10112x16xf32, #tpu.memory_space<vmem_shared>> -> memref<10112x16xf32, #tpu.memory_space<vmem_shared>>
        tpu.wait_indirect_dma semaphore(%run_scoped3A_603 : memref<!tpu.dma_semaphore, #tpu.memory_space<semaphore_mem>>) src(%arg14 : memref<64x16xf32, #tpu.memory_space<vmem>>) dst(%dma_wait3A_615 : memref<10112x16xf32, #tpu.memory_space<vmem_shared>>)
        tpu.yield
      }) : () -> ()
      %dma_start3A_316 = arith.constant 4 : i32
      %dma_start3A_317 = arith.constant 0 : i32
      %dma_start3A_318 = arith.constant 0 : i32
      %dma_start3A_319 = arith.constant 0 : i32
      %dma_start3A_320 = tpu.memref_slice %arg12[%dma_start3A_317, %dma_start3A_318, %dma_start3A_319] : memref<2x64x128xbf16, #tpu.memory_space<vmem>> -> memref<1x64x128xbf16, #tpu.memory_space<vmem>>
      %dma_start3A_321 = tpu.memref_squeeze %dma_start3A_320 : memref<1x64x128xbf16, #tpu.memory_space<vmem>> -> memref<64x128xbf16, #tpu.memory_space<vmem>>
      %dma_start3A_322 = arith.constant 0 : i32
      %dma_start3A_323 = tpu.memref_slice %arg10[%dma_start3A_316, %dma_start3A_322] : memref<8x64xi32, #tpu.memory_space<vmem>> -> memref<1x64xi32, #tpu.memory_space<vmem>>
      %dma_start3A_324 = tpu.memref_squeeze %dma_start3A_323 : memref<1x64xi32, #tpu.memory_space<vmem>> -> memref<64xi32, #tpu.memory_space<vmem>>
      %dma_start3A_325 = arith.constant 0 : i32
      %dma_start3A_326 = arith.constant 0 : i32
      %dma_start3A_327 = tpu.memref_slice %arg2[%dma_start3A_325, %dma_start3A_326] : memref<10000x128xbf16, #tpu.memory_space<hbm>> -> memref<10000x128xbf16, #tpu.memory_space<hbm>>
      tpu.enqueue_indirect_dma source(%dma_start3A_327 : memref<10000x128xbf16, #tpu.memory_space<hbm>>) target(%dma_start3A_321 : memref<64x128xbf16, #tpu.memory_space<vmem>>) offsets(%dma_start3A_324 : memref<64xi32, #tpu.memory_space<vmem>>) semaphore(%arg17 : memref<!tpu.dma_semaphore, #tpu.memory_space<semaphore_mem>>)
      %dma_wait3A_328 = arith.constant 3 : i32
      %dma_wait3A_329 = arith.constant 1 : i32
      %dma_wait3A_330 = arith.constant 0 : i32
      %dma_wait3A_331 = arith.constant 0 : i32
      %dma_wait3A_332 = tpu.memref_slice %arg12[%dma_wait3A_329, %dma_wait3A_330, %dma_wait3A_331] : memref<2x64x128xbf16, #tpu.memory_space<vmem>> -> memref<1x64x128xbf16, #tpu.memory_space<vmem>>
      %dma_wait3A_333 = tpu.memref_squeeze %dma_wait3A_332 : memref<1x64x128xbf16, #tpu.memory_space<vmem>> -> memref<64x128xbf16, #tpu.memory_space<vmem>>
      %dma_wait3A_334 = arith.constant 0 : i32
      %dma_wait3A_335 = tpu.memref_slice %arg10[%dma_wait3A_328, %dma_wait3A_334] : memref<8x64xi32, #tpu.memory_space<vmem>> -> memref<1x64xi32, #tpu.memory_space<vmem>>
      %dma_wait3A_336 = tpu.memref_squeeze %dma_wait3A_335 : memref<1x64xi32, #tpu.memory_space<vmem>> -> memref<64xi32, #tpu.memory_space<vmem>>
      %dma_wait3A_337 = arith.constant 0 : i32
      %dma_wait3A_338 = arith.constant 0 : i32
      %dma_wait3A_339 = tpu.memref_slice %arg2[%dma_wait3A_337, %dma_wait3A_338] : memref<10000x128xbf16, #tpu.memory_space<hbm>> -> memref<10000x128xbf16, #tpu.memory_space<hbm>>
      tpu.wait_indirect_dma semaphore(%arg18 : memref<!tpu.dma_semaphore, #tpu.memory_space<semaphore_mem>>) src(%dma_wait3A_339 : memref<10000x128xbf16, #tpu.memory_space<hbm>>) dst(%dma_wait3A_333 : memref<64x128xbf16, #tpu.memory_space<vmem>>)
      %dma_wait3A_340 = arith.constant 1 : i32
      %dma_wait3A_341 = arith.constant 1 : i32
      %dma_wait3A_342 = arith.constant 0 : i32
      %dma_wait3A_343 = arith.constant 0 : i32
      %dma_wait3A_344 = tpu.memref_slice %arg13[%dma_wait3A_340, %dma_wait3A_342, %dma_wait3A_343] : memref<2x64x128xf32, #tpu.memory_space<vmem>> -> memref<1x64x128xf32, #tpu.memory_space<vmem>>
      %dma_wait3A_345 = tpu.memref_squeeze %dma_wait3A_344 : memref<1x64x128xf32, #tpu.memory_space<vmem>> -> memref<64x128xf32, #tpu.memory_space<vmem>>
      %dma_wait3A_346 = arith.constant 0 : i32
      %dma_wait3A_347 = tpu.memref_slice %arg11[%dma_wait3A_341, %dma_wait3A_346] : memref<8x64xi32, #tpu.memory_space<vmem>> -> memref<1x64xi32, #tpu.memory_space<vmem>>
      %dma_wait3A_348 = tpu.memref_squeeze %dma_wait3A_347 : memref<1x64xi32, #tpu.memory_space<vmem>> -> memref<64xi32, #tpu.memory_space<vmem>>
      %dma_wait3A_349 = arith.constant 0 : i32
      %dma_wait3A_350 = arith.constant 0 : i32
      %dma_wait3A_351 = tpu.memref_slice %arg15[%dma_wait3A_349, %dma_wait3A_350] : memref<10112x128xf32, #tpu.memory_space<vmem_shared>> -> memref<10112x128xf32, #tpu.memory_space<vmem_shared>>
      tpu.wait_indirect_dma semaphore(%arg20 : memref<!tpu.dma_semaphore, #tpu.memory_space<semaphore_mem>>) src(%dma_wait3A_345 : memref<64x128xf32, #tpu.memory_space<vmem>>) dst(%dma_wait3A_351 : memref<10112x128xf32, #tpu.memory_space<vmem_shared>>)
      %scan3A_352 = arith.constant 0 : i32
      %scan3A_353 = arith.constant 0 : i32
      %scan3A_354 = arith.constant 64 : i32
      %scan3A_355 = arith.addi %scan3A_353, %scan3A_354 : i32
      %scan3A_356 = arith.constant 1 : i32
      scf.for %scan3A_603 = %scan3A_353 to %scan3A_355 step %scan3A_356  : i32 {
        %get3A = arith.constant 1 : i32
        %get3A_604 = arith.constant 0 : i32
        %get3A_605 = arith.constant 0 : i32
        %get3A_606 = tpu.memref_slice %arg12[%get3A, %get3A_604, %get3A_605] : memref<2x64x128xbf16, #tpu.memory_space<vmem>> -> memref<1x64x128xbf16, #tpu.memory_space<vmem>>
        %get3A_607 = tpu.memref_squeeze %get3A_606 : memref<1x64x128xbf16, #tpu.memory_space<vmem>> -> memref<64x128xbf16, #tpu.memory_space<vmem>>
        %get3A_608 = arith.constant 0 : i32
        %get3A_609 = tpu.memref_slice %get3A_607[%scan3A_603, %get3A_608] : memref<64x128xbf16, #tpu.memory_space<vmem>> -> memref<1x128xbf16, #tpu.memory_space<vmem>>
        %get3A_610 = tpu.memref_squeeze %get3A_609 : memref<1x128xbf16, #tpu.memory_space<vmem>> -> memref<128xbf16, #tpu.memory_space<vmem>>
        %get3A_611 = arith.constant 0 : index
        %get3A_612 = tpu.vector_load %get3A_610[%get3A_611] {strides = array<i32>} : memref<128xbf16, #tpu.memory_space<vmem>>, vector<32xbf16>,
        %unpack3A = tpu.unpack_subelements %get3A_612, 0 {pack_format = #tpu.pack_format<interleaved>} : vector<32xbf16> -> vector<16xf32>
        %unpack3A_613 = tpu.unpack_subelements %get3A_612, 1 {pack_format = #tpu.pack_format<interleaved>} : vector<32xbf16> -> vector<16xf32>
        %swap3A = arith.constant 1 : i32
        %swap3A_614 = arith.constant 0 : i32
        %swap3A_615 = arith.constant 0 : i32
        %swap3A_616 = tpu.memref_slice %arg13[%swap3A, %swap3A_614, %swap3A_615] : memref<2x64x128xf32, #tpu.memory_space<vmem>> -> memref<1x64x128xf32, #tpu.memory_space<vmem>>
        %swap3A_617 = tpu.memref_squeeze %swap3A_616 : memref<1x64x128xf32, #tpu.memory_space<vmem>> -> memref<64x128xf32, #tpu.memory_space<vmem>>
        %swap3A_618 = arith.constant 0 : i32
        %swap3A_619 = tpu.memref_slice %swap3A_617[%scan3A_603, %swap3A_618] : memref<64x128xf32, #tpu.memory_space<vmem>> -> memref<1x128xf32, #tpu.memory_space<vmem>>
        %swap3A_620 = tpu.memref_squeeze %swap3A_619 : memref<1x128xf32, #tpu.memory_space<vmem>> -> memref<128xf32, #tpu.memory_space<vmem>>
        %swap3A_621 = arith.constant 0 : index
        %swap3A_622 = tpu.vector_load %swap3A_620[%swap3A_621] {strides = array<i32>} : memref<128xf32, #tpu.memory_space<vmem>>, vector<16xf32>,
        tpu.vector_store %swap3A_620[%swap3A_621], %unpack3A {strides = array<i32>} : memref<128xf32, #tpu.memory_space<vmem>>, vector<16xf32>,
        %swap3A_623 = arith.constant 1 : i32
        %swap3A_624 = arith.constant 0 : i32
        %swap3A_625 = arith.constant 0 : i32
        %swap3A_626 = tpu.memref_slice %arg13[%swap3A_623, %swap3A_624, %swap3A_625] : memref<2x64x128xf32, #tpu.memory_space<vmem>> -> memref<1x64x128xf32, #tpu.memory_space<vmem>>
        %swap3A_627 = tpu.memref_squeeze %swap3A_626 : memref<1x64x128xf32, #tpu.memory_space<vmem>> -> memref<64x128xf32, #tpu.memory_space<vmem>>
        %swap3A_628 = arith.constant 0 : i32
        %swap3A_629 = tpu.memref_slice %swap3A_627[%scan3A_603, %swap3A_628] : memref<64x128xf32, #tpu.memory_space<vmem>> -> memref<1x128xf32, #tpu.memory_space<vmem>>
        %swap3A_630 = tpu.memref_squeeze %swap3A_629 : memref<1x128xf32, #tpu.memory_space<vmem>> -> memref<128xf32, #tpu.memory_space<vmem>>
        %swap3A_631 = arith.constant 16 : index
        %swap3A_632 = tpu.vector_load %swap3A_630[%swap3A_631] {strides = array<i32>} : memref<128xf32, #tpu.memory_space<vmem>>, vector<16xf32>,
        tpu.vector_store %swap3A_630[%swap3A_631], %unpack3A_613 {strides = array<i32>} : memref<128xf32, #tpu.memory_space<vmem>>, vector<16xf32>,
        %get3A_633 = arith.constant 1 : i32
        %get3A_634 = arith.constant 0 : i32
        %get3A_635 = arith.constant 0 : i32
        %get3A_636 = tpu.memref_slice %arg12[%get3A_633, %get3A_634, %get3A_635] : memref<2x64x128xbf16, #tpu.memory_space<vmem>> -> memref<1x64x128xbf16, #tpu.memory_space<vmem>>
        %get3A_637 = tpu.memref_squeeze %get3A_636 : memref<1x64x128xbf16, #tpu.memory_space<vmem>> -> memref<64x128xbf16, #tpu.memory_space<vmem>>
        %get3A_638 = arith.constant 0 : i32
        %get3A_639 = tpu.memref_slice %get3A_637[%scan3A_603, %get3A_638] : memref<64x128xbf16, #tpu.memory_space<vmem>> -> memref<1x128xbf16, #tpu.memory_space<vmem>>
        %get3A_640 = tpu.memref_squeeze %get3A_639 : memref<1x128xbf16, #tpu.memory_space<vmem>> -> memref<128xbf16, #tpu.memory_space<vmem>>
        %get3A_641 = arith.constant 32 : index
        %get3A_642 = tpu.vector_load %get3A_640[%get3A_641] {strides = array<i32>} : memref<128xbf16, #tpu.memory_space<vmem>>, vector<32xbf16>,
        %unpack3A_643 = tpu.unpack_subelements %get3A_642, 0 {pack_format = #tpu.pack_format<interleaved>} : vector<32xbf16> -> vector<16xf32>
        %unpack3A_644 = tpu.unpack_subelements %get3A_642, 1 {pack_format = #tpu.pack_format<interleaved>} : vector<32xbf16> -> vector<16xf32>
        %swap3A_645 = arith.constant 1 : i32
        %swap3A_646 = arith.constant 0 : i32
        %swap3A_647 = arith.constant 0 : i32
        %swap3A_648 = tpu.memref_slice %arg13[%swap3A_645, %swap3A_646, %swap3A_647] : memref<2x64x128xf32, #tpu.memory_space<vmem>> -> memref<1x64x128xf32, #tpu.memory_space<vmem>>
        %swap3A_649 = tpu.memref_squeeze %swap3A_648 : memref<1x64x128xf32, #tpu.memory_space<vmem>> -> memref<64x128xf32, #tpu.memory_space<vmem>>
        %swap3A_650 = arith.constant 0 : i32
        %swap3A_651 = tpu.memref_slice %swap3A_649[%scan3A_603, %swap3A_650] : memref<64x128xf32, #tpu.memory_space<vmem>> -> memref<1x128xf32, #tpu.memory_space<vmem>>
        %swap3A_652 = tpu.memref_squeeze %swap3A_651 : memref<1x128xf32, #tpu.memory_space<vmem>> -> memref<128xf32, #tpu.memory_space<vmem>>
        %swap3A_653 = arith.constant 32 : index
        %swap3A_654 = tpu.vector_load %swap3A_652[%swap3A_653] {strides = array<i32>} : memref<128xf32, #tpu.memory_space<vmem>>, vector<16xf32>,
        tpu.vector_store %swap3A_652[%swap3A_653], %unpack3A_643 {strides = array<i32>} : memref<128xf32, #tpu.memory_space<vmem>>, vector<16xf32>,
        %swap3A_655 = arith.constant 1 : i32
        %swap3A_656 = arith.constant 0 : i32
        %swap3A_657 = arith.constant 0 : i32
        %swap3A_658 = tpu.memref_slice %arg13[%swap3A_655, %swap3A_656, %swap3A_657] : memref<2x64x128xf32, #tpu.memory_space<vmem>> -> memref<1x64x128xf32, #tpu.memory_space<vmem>>
        %swap3A_659 = tpu.memref_squeeze %swap3A_658 : memref<1x64x128xf32, #tpu.memory_space<vmem>> -> memref<64x128xf32, #tpu.memory_space<vmem>>
        %swap3A_660 = arith.constant 0 : i32
        %swap3A_661 = tpu.memref_slice %swap3A_659[%scan3A_603, %swap3A_660] : memref<64x128xf32, #tpu.memory_space<vmem>> -> memref<1x128xf32, #tpu.memory_space<vmem>>
        %swap3A_662 = tpu.memref_squeeze %swap3A_661 : memref<1x128xf32, #tpu.memory_space<vmem>> -> memref<128xf32, #tpu.memory_space<vmem>>
        %swap3A_663 = arith.constant 48 : index
        %swap3A_664 = tpu.vector_load %swap3A_662[%swap3A_663] {strides = array<i32>} : memref<128xf32, #tpu.memory_space<vmem>>, vector<16xf32>,
        tpu.vector_store %swap3A_662[%swap3A_663], %unpack3A_644 {strides = array<i32>} : memref<128xf32, #tpu.memory_space<vmem>>, vector<16xf32>,
        %get3A_665 = arith.constant 1 : i32
        %get3A_666 = arith.constant 0 : i32
        %get3A_667 = arith.constant 0 : i32
        %get3A_668 = tpu.memref_slice %arg12[%get3A_665, %get3A_666, %get3A_667] : memref<2x64x128xbf16, #tpu.memory_space<vmem>> -> memref<1x64x128xbf16, #tpu.memory_space<vmem>>
        %get3A_669 = tpu.memref_squeeze %get3A_668 : memref<1x64x128xbf16, #tpu.memory_space<vmem>> -> memref<64x128xbf16, #tpu.memory_space<vmem>>
        %get3A_670 = arith.constant 0 : i32
        %get3A_671 = tpu.memref_slice %get3A_669[%scan3A_603, %get3A_670] : memref<64x128xbf16, #tpu.memory_space<vmem>> -> memref<1x128xbf16, #tpu.memory_space<vmem>>
        %get3A_672 = tpu.memref_squeeze %get3A_671 : memref<1x128xbf16, #tpu.memory_space<vmem>> -> memref<128xbf16, #tpu.memory_space<vmem>>
        %get3A_673 = arith.constant 64 : index
        %get3A_674 = tpu.vector_load %get3A_672[%get3A_673] {strides = array<i32>} : memref<128xbf16, #tpu.memory_space<vmem>>, vector<32xbf16>,
        %unpack3A_675 = tpu.unpack_subelements %get3A_674, 0 {pack_format = #tpu.pack_format<interleaved>} : vector<32xbf16> -> vector<16xf32>
        %unpack3A_676 = tpu.unpack_subelements %get3A_674, 1 {pack_format = #tpu.pack_format<interleaved>} : vector<32xbf16> -> vector<16xf32>
        %swap3A_677 = arith.constant 1 : i32
        %swap3A_678 = arith.constant 0 : i32
        %swap3A_679 = arith.constant 0 : i32
        %swap3A_680 = tpu.memref_slice %arg13[%swap3A_677, %swap3A_678, %swap3A_679] : memref<2x64x128xf32, #tpu.memory_space<vmem>> -> memref<1x64x128xf32, #tpu.memory_space<vmem>>
        %swap3A_681 = tpu.memref_squeeze %swap3A_680 : memref<1x64x128xf32, #tpu.memory_space<vmem>> -> memref<64x128xf32, #tpu.memory_space<vmem>>
        %swap3A_682 = arith.constant 0 : i32
        %swap3A_683 = tpu.memref_slice %swap3A_681[%scan3A_603, %swap3A_682] : memref<64x128xf32, #tpu.memory_space<vmem>> -> memref<1x128xf32, #tpu.memory_space<vmem>>
        %swap3A_684 = tpu.memref_squeeze %swap3A_683 : memref<1x128xf32, #tpu.memory_space<vmem>> -> memref<128xf32, #tpu.memory_space<vmem>>
        %swap3A_685 = arith.constant 64 : index
        %swap3A_686 = tpu.vector_load %swap3A_684[%swap3A_685] {strides = array<i32>} : memref<128xf32, #tpu.memory_space<vmem>>, vector<16xf32>,
        tpu.vector_store %swap3A_684[%swap3A_685], %unpack3A_675 {strides = array<i32>} : memref<128xf32, #tpu.memory_space<vmem>>, vector<16xf32>,
        %swap3A_687 = arith.constant 1 : i32
        %swap3A_688 = arith.constant 0 : i32
        %swap3A_689 = arith.constant 0 : i32
        %swap3A_690 = tpu.memref_slice %arg13[%swap3A_687, %swap3A_688, %swap3A_689] : memref<2x64x128xf32, #tpu.memory_space<vmem>> -> memref<1x64x128xf32, #tpu.memory_space<vmem>>
        %swap3A_691 = tpu.memref_squeeze %swap3A_690 : memref<1x64x128xf32, #tpu.memory_space<vmem>> -> memref<64x128xf32, #tpu.memory_space<vmem>>
        %swap3A_692 = arith.constant 0 : i32
        %swap3A_693 = tpu.memref_slice %swap3A_691[%scan3A_603, %swap3A_692] : memref<64x128xf32, #tpu.memory_space<vmem>> -> memref<1x128xf32, #tpu.memory_space<vmem>>
        %swap3A_694 = tpu.memref_squeeze %swap3A_693 : memref<1x128xf32, #tpu.memory_space<vmem>> -> memref<128xf32, #tpu.memory_space<vmem>>
        %swap3A_695 = arith.constant 80 : index
        %swap3A_696 = tpu.vector_load %swap3A_694[%swap3A_695] {strides = array<i32>} : memref<128xf32, #tpu.memory_space<vmem>>, vector<16xf32>,
        tpu.vector_store %swap3A_694[%swap3A_695], %unpack3A_676 {strides = array<i32>} : memref<128xf32, #tpu.memory_space<vmem>>, vector<16xf32>,
        %get3A_697 = arith.constant 1 : i32
        %get3A_698 = arith.constant 0 : i32
        %get3A_699 = arith.constant 0 : i32
        %get3A_700 = tpu.memref_slice %arg12[%get3A_697, %get3A_698, %get3A_699] : memref<2x64x128xbf16, #tpu.memory_space<vmem>> -> memref<1x64x128xbf16, #tpu.memory_space<vmem>>
        %get3A_701 = tpu.memref_squeeze %get3A_700 : memref<1x64x128xbf16, #tpu.memory_space<vmem>> -> memref<64x128xbf16, #tpu.memory_space<vmem>>
        %get3A_702 = arith.constant 0 : i32
        %get3A_703 = tpu.memref_slice %get3A_701[%scan3A_603, %get3A_702] : memref<64x128xbf16, #tpu.memory_space<vmem>> -> memref<1x128xbf16, #tpu.memory_space<vmem>>
        %get3A_704 = tpu.memref_squeeze %get3A_703 : memref<1x128xbf16, #tpu.memory_space<vmem>> -> memref<128xbf16, #tpu.memory_space<vmem>>
        %get3A_705 = arith.constant 96 : index
        %get3A_706 = tpu.vector_load %get3A_704[%get3A_705] {strides = array<i32>} : memref<128xbf16, #tpu.memory_space<vmem>>, vector<32xbf16>,
        %unpack3A_707 = tpu.unpack_subelements %get3A_706, 0 {pack_format = #tpu.pack_format<interleaved>} : vector<32xbf16> -> vector<16xf32>
        %unpack3A_708 = tpu.unpack_subelements %get3A_706, 1 {pack_format = #tpu.pack_format<interleaved>} : vector<32xbf16> -> vector<16xf32>
        %swap3A_709 = arith.constant 1 : i32
        %swap3A_710 = arith.constant 0 : i32
        %swap3A_711 = arith.constant 0 : i32
        %swap3A_712 = tpu.memref_slice %arg13[%swap3A_709, %swap3A_710, %swap3A_711] : memref<2x64x128xf32, #tpu.memory_space<vmem>> -> memref<1x64x128xf32, #tpu.memory_space<vmem>>
        %swap3A_713 = tpu.memref_squeeze %swap3A_712 : memref<1x64x128xf32, #tpu.memory_space<vmem>> -> memref<64x128xf32, #tpu.memory_space<vmem>>
        %swap3A_714 = arith.constant 0 : i32
        %swap3A_715 = tpu.memref_slice %swap3A_713[%scan3A_603, %swap3A_714] : memref<64x128xf32, #tpu.memory_space<vmem>> -> memref<1x128xf32, #tpu.memory_space<vmem>>
        %swap3A_716 = tpu.memref_squeeze %swap3A_715 : memref<1x128xf32, #tpu.memory_space<vmem>> -> memref<128xf32, #tpu.memory_space<vmem>>
        %swap3A_717 = arith.constant 96 : index
        %swap3A_718 = tpu.vector_load %swap3A_716[%swap3A_717] {strides = array<i32>} : memref<128xf32, #tpu.memory_space<vmem>>, vector<16xf32>,
        tpu.vector_store %swap3A_716[%swap3A_717], %unpack3A_707 {strides = array<i32>} : memref<128xf32, #tpu.memory_space<vmem>>, vector<16xf32>,
        %swap3A_719 = arith.constant 1 : i32
        %swap3A_720 = arith.constant 0 : i32
        %swap3A_721 = arith.constant 0 : i32
        %swap3A_722 = tpu.memref_slice %arg13[%swap3A_719, %swap3A_720, %swap3A_721] : memref<2x64x128xf32, #tpu.memory_space<vmem>> -> memref<1x64x128xf32, #tpu.memory_space<vmem>>
        %swap3A_723 = tpu.memref_squeeze %swap3A_722 : memref<1x64x128xf32, #tpu.memory_space<vmem>> -> memref<64x128xf32, #tpu.memory_space<vmem>>
        %swap3A_724 = arith.constant 0 : i32
        %swap3A_725 = tpu.memref_slice %swap3A_723[%scan3A_603, %swap3A_724] : memref<64x128xf32, #tpu.memory_space<vmem>> -> memref<1x128xf32, #tpu.memory_space<vmem>>
        %swap3A_726 = tpu.memref_squeeze %swap3A_725 : memref<1x128xf32, #tpu.memory_space<vmem>> -> memref<128xf32, #tpu.memory_space<vmem>>
        %swap3A_727 = arith.constant 112 : index
        %swap3A_728 = tpu.vector_load %swap3A_726[%swap3A_727] {strides = array<i32>} : memref<128xf32, #tpu.memory_space<vmem>>, vector<16xf32>,
        tpu.vector_store %swap3A_726[%swap3A_727], %unpack3A_708 {strides = array<i32>} : memref<128xf32, #tpu.memory_space<vmem>>, vector<16xf32>,
      }
      %scan3A_357 = arith.constant 64 : i32
      %dma_start3A_358 = arith.constant 1 : i32
      %dma_start3A_359 = arith.constant 3 : i32
      %dma_start3A_360 = arith.constant 0 : i32
      %dma_start3A_361 = arith.constant 0 : i32
      %dma_start3A_362 = tpu.memref_slice %arg13[%dma_start3A_358, %dma_start3A_360, %dma_start3A_361] : memref<2x64x128xf32, #tpu.memory_space<vmem>> -> memref<1x64x128xf32, #tpu.memory_space<vmem>>
      %dma_start3A_363 = tpu.memref_squeeze %dma_start3A_362 : memref<1x64x128xf32, #tpu.memory_space<vmem>> -> memref<64x128xf32, #tpu.memory_space<vmem>>
      %dma_start3A_364 = arith.constant 0 : i32
      %dma_start3A_365 = tpu.memref_slice %arg11[%dma_start3A_359, %dma_start3A_364] : memref<8x64xi32, #tpu.memory_space<vmem>> -> memref<1x64xi32, #tpu.memory_space<vmem>>
      %dma_start3A_366 = tpu.memref_squeeze %dma_start3A_365 : memref<1x64xi32, #tpu.memory_space<vmem>> -> memref<64xi32, #tpu.memory_space<vmem>>
      %dma_start3A_367 = arith.constant 0 : i32
      %dma_start3A_368 = arith.constant 0 : i32
      %dma_start3A_369 = tpu.memref_slice %arg15[%dma_start3A_367, %dma_start3A_368] : memref<10112x128xf32, #tpu.memory_space<vmem_shared>> -> memref<10112x128xf32, #tpu.memory_space<vmem_shared>>
      tpu.enqueue_indirect_dma source(%dma_start3A_363 : memref<64x128xf32, #tpu.memory_space<vmem>>) target(%dma_start3A_369 : memref<10112x128xf32, #tpu.memory_space<vmem_shared>>) offsets(%dma_start3A_366 : memref<64xi32, #tpu.memory_space<vmem>>) semaphore(%arg20 : memref<!tpu.dma_semaphore, #tpu.memory_space<semaphore_mem>>) {add = true}
      %run_scoped3A_370 = arith.constant 3 : i32
      "tpu.region"() ({
        %run_scoped3A_603 = tpu.sem_alloc : memref<!tpu.dma_semaphore, #tpu.memory_space<semaphore_mem>>
        %dma_start3A_604 = arith.constant 0 : i32
        %dma_start3A_605 = tpu.memref_slice %arg11[%run_scoped3A_370, %dma_start3A_604] : memref<8x64xi32, #tpu.memory_space<vmem>> -> memref<1x64xi32, #tpu.memory_space<vmem>>
        %dma_start3A_606 = tpu.memref_squeeze %dma_start3A_605 : memref<1x64xi32, #tpu.memory_space<vmem>> -> memref<64xi32, #tpu.memory_space<vmem>>
        %dma_start3A_607 = arith.constant 0 : i32
        %dma_start3A_608 = arith.constant 0 : i32
        %dma_start3A_609 = tpu.memref_slice %arg16[%dma_start3A_607, %dma_start3A_608] : memref<10112x16xf32, #tpu.memory_space<vmem_shared>> -> memref<10112x16xf32, #tpu.memory_space<vmem_shared>>
        tpu.enqueue_indirect_dma source(%arg14 : memref<64x16xf32, #tpu.memory_space<vmem>>) target(%dma_start3A_609 : memref<10112x16xf32, #tpu.memory_space<vmem_shared>>) offsets(%dma_start3A_606 : memref<64xi32, #tpu.memory_space<vmem>>) semaphore(%run_scoped3A_603 : memref<!tpu.dma_semaphore, #tpu.memory_space<semaphore_mem>>) {add = true}
        %dma_wait3A_610 = arith.constant 0 : i32
        %dma_wait3A_611 = tpu.memref_slice %arg11[%run_scoped3A_370, %dma_wait3A_610] : memref<8x64xi32, #tpu.memory_space<vmem>> -> memref<1x64xi32, #tpu.memory_space<vmem>>
        %dma_wait3A_612 = tpu.memref_squeeze %dma_wait3A_611 : memref<1x64xi32, #tpu.memory_space<vmem>> -> memref<64xi32, #tpu.memory_space<vmem>>
        %dma_wait3A_613 = arith.constant 0 : i32
        %dma_wait3A_614 = arith.constant 0 : i32
        %dma_wait3A_615 = tpu.memref_slice %arg16[%dma_wait3A_613, %dma_wait3A_614] : memref<10112x16xf32, #tpu.memory_space<vmem_shared>> -> memref<10112x16xf32, #tpu.memory_space<vmem_shared>>
        tpu.wait_indirect_dma semaphore(%run_scoped3A_603 : memref<!tpu.dma_semaphore, #tpu.memory_space<semaphore_mem>>) src(%arg14 : memref<64x16xf32, #tpu.memory_space<vmem>>) dst(%dma_wait3A_615 : memref<10112x16xf32, #tpu.memory_space<vmem_shared>>)
        tpu.yield
      }) : () -> ()
      %dma_start3A_371 = arith.constant 5 : i32
      %dma_start3A_372 = arith.constant 1 : i32
      %dma_start3A_373 = arith.constant 0 : i32
      %dma_start3A_374 = arith.constant 0 : i32
      %dma_start3A_375 = tpu.memref_slice %arg12[%dma_start3A_372, %dma_start3A_373, %dma_start3A_374] : memref<2x64x128xbf16, #tpu.memory_space<vmem>> -> memref<1x64x128xbf16, #tpu.memory_space<vmem>>
      %dma_start3A_376 = tpu.memref_squeeze %dma_start3A_375 : memref<1x64x128xbf16, #tpu.memory_space<vmem>> -> memref<64x128xbf16, #tpu.memory_space<vmem>>
      %dma_start3A_377 = arith.constant 0 : i32
      %dma_start3A_378 = tpu.memref_slice %arg10[%dma_start3A_371, %dma_start3A_377] : memref<8x64xi32, #tpu.memory_space<vmem>> -> memref<1x64xi32, #tpu.memory_space<vmem>>
      %dma_start3A_379 = tpu.memref_squeeze %dma_start3A_378 : memref<1x64xi32, #tpu.memory_space<vmem>> -> memref<64xi32, #tpu.memory_space<vmem>>
      %dma_start3A_380 = arith.constant 0 : i32
      %dma_start3A_381 = arith.constant 0 : i32
      %dma_start3A_382 = tpu.memref_slice %arg2[%dma_start3A_380, %dma_start3A_381] : memref<10000x128xbf16, #tpu.memory_space<hbm>> -> memref<10000x128xbf16, #tpu.memory_space<hbm>>
      tpu.enqueue_indirect_dma source(%dma_start3A_382 : memref<10000x128xbf16, #tpu.memory_space<hbm>>) target(%dma_start3A_376 : memref<64x128xbf16, #tpu.memory_space<vmem>>) offsets(%dma_start3A_379 : memref<64xi32, #tpu.memory_space<vmem>>) semaphore(%arg18 : memref<!tpu.dma_semaphore, #tpu.memory_space<semaphore_mem>>)
      %dma_wait3A_383 = arith.constant 4 : i32
      %dma_wait3A_384 = arith.constant 0 : i32
      %dma_wait3A_385 = arith.constant 0 : i32
      %dma_wait3A_386 = arith.constant 0 : i32
      %dma_wait3A_387 = tpu.memref_slice %arg12[%dma_wait3A_384, %dma_wait3A_385, %dma_wait3A_386] : memref<2x64x128xbf16, #tpu.memory_space<vmem>> -> memref<1x64x128xbf16, #tpu.memory_space<vmem>>
      %dma_wait3A_388 = tpu.memref_squeeze %dma_wait3A_387 : memref<1x64x128xbf16, #tpu.memory_space<vmem>> -> memref<64x128xbf16, #tpu.memory_space<vmem>>
      %dma_wait3A_389 = arith.constant 0 : i32
      %dma_wait3A_390 = tpu.memref_slice %arg10[%dma_wait3A_383, %dma_wait3A_389] : memref<8x64xi32, #tpu.memory_space<vmem>> -> memref<1x64xi32, #tpu.memory_space<vmem>>
      %dma_wait3A_391 = tpu.memref_squeeze %dma_wait3A_390 : memref<1x64xi32, #tpu.memory_space<vmem>> -> memref<64xi32, #tpu.memory_space<vmem>>
      %dma_wait3A_392 = arith.constant 0 : i32
      %dma_wait3A_393 = arith.constant 0 : i32
      %dma_wait3A_394 = tpu.memref_slice %arg2[%dma_wait3A_392, %dma_wait3A_393] : memref<10000x128xbf16, #tpu.memory_space<hbm>> -> memref<10000x128xbf16, #tpu.memory_space<hbm>>
      tpu.wait_indirect_dma semaphore(%arg17 : memref<!tpu.dma_semaphore, #tpu.memory_space<semaphore_mem>>) src(%dma_wait3A_394 : memref<10000x128xbf16, #tpu.memory_space<hbm>>) dst(%dma_wait3A_388 : memref<64x128xbf16, #tpu.memory_space<vmem>>)
      %dma_wait3A_395 = arith.constant 0 : i32
      %dma_wait3A_396 = arith.constant 2 : i32
      %dma_wait3A_397 = arith.constant 0 : i32
      %dma_wait3A_398 = arith.constant 0 : i32
      %dma_wait3A_399 = tpu.memref_slice %arg13[%dma_wait3A_395, %dma_wait3A_397, %dma_wait3A_398] : memref<2x64x128xf32, #tpu.memory_space<vmem>> -> memref<1x64x128xf32, #tpu.memory_space<vmem>>
      %dma_wait3A_400 = tpu.memref_squeeze %dma_wait3A_399 : memref<1x64x128xf32, #tpu.memory_space<vmem>> -> memref<64x128xf32, #tpu.memory_space<vmem>>
      %dma_wait3A_401 = arith.constant 0 : i32
      %dma_wait3A_402 = tpu.memref_slice %arg11[%dma_wait3A_396, %dma_wait3A_401] : memref<8x64xi32, #tpu.memory_space<vmem>> -> memref<1x64xi32, #tpu.memory_space<vmem>>
      %dma_wait3A_403 = tpu.memref_squeeze %dma_wait3A_402 : memref<1x64xi32, #tpu.memory_space<vmem>> -> memref<64xi32, #tpu.memory_space<vmem>>
      %dma_wait3A_404 = arith.constant 0 : i32
      %dma_wait3A_405 = arith.constant 0 : i32
      %dma_wait3A_406 = tpu.memref_slice %arg15[%dma_wait3A_404, %dma_wait3A_405] : memref<10112x128xf32, #tpu.memory_space<vmem_shared>> -> memref<10112x128xf32, #tpu.memory_space<vmem_shared>>
      tpu.wait_indirect_dma semaphore(%arg19 : memref<!tpu.dma_semaphore, #tpu.memory_space<semaphore_mem>>) src(%dma_wait3A_400 : memref<64x128xf32, #tpu.memory_space<vmem>>) dst(%dma_wait3A_406 : memref<10112x128xf32, #tpu.memory_space<vmem_shared>>)
      %scan3A_407 = arith.constant 0 : i32
      %scan3A_408 = arith.constant 0 : i32
      %scan3A_409 = arith.constant 64 : i32
      %scan3A_410 = arith.addi %scan3A_408, %scan3A_409 : i32
      %scan3A_411 = arith.constant 1 : i32
      scf.for %scan3A_603 = %scan3A_408 to %scan3A_410 step %scan3A_411  : i32 {
        %get3A = arith.constant 0 : i32
        %get3A_604 = arith.constant 0 : i32
        %get3A_605 = arith.constant 0 : i32
        %get3A_606 = tpu.memref_slice %arg12[%get3A, %get3A_604, %get3A_605] : memref<2x64x128xbf16, #tpu.memory_space<vmem>> -> memref<1x64x128xbf16, #tpu.memory_space<vmem>>
        %get3A_607 = tpu.memref_squeeze %get3A_606 : memref<1x64x128xbf16, #tpu.memory_space<vmem>> -> memref<64x128xbf16, #tpu.memory_space<vmem>>
        %get3A_608 = arith.constant 0 : i32
        %get3A_609 = tpu.memref_slice %get3A_607[%scan3A_603, %get3A_608] : memref<64x128xbf16, #tpu.memory_space<vmem>> -> memref<1x128xbf16, #tpu.memory_space<vmem>>
        %get3A_610 = tpu.memref_squeeze %get3A_609 : memref<1x128xbf16, #tpu.memory_space<vmem>> -> memref<128xbf16, #tpu.memory_space<vmem>>
        %get3A_611 = arith.constant 0 : index
        %get3A_612 = tpu.vector_load %get3A_610[%get3A_611] {strides = array<i32>} : memref<128xbf16, #tpu.memory_space<vmem>>, vector<32xbf16>,
        %unpack3A = tpu.unpack_subelements %get3A_612, 0 {pack_format = #tpu.pack_format<interleaved>} : vector<32xbf16> -> vector<16xf32>
        %unpack3A_613 = tpu.unpack_subelements %get3A_612, 1 {pack_format = #tpu.pack_format<interleaved>} : vector<32xbf16> -> vector<16xf32>
        %swap3A = arith.constant 0 : i32
        %swap3A_614 = arith.constant 0 : i32
        %swap3A_615 = arith.constant 0 : i32
        %swap3A_616 = tpu.memref_slice %arg13[%swap3A, %swap3A_614, %swap3A_615] : memref<2x64x128xf32, #tpu.memory_space<vmem>> -> memref<1x64x128xf32, #tpu.memory_space<vmem>>
        %swap3A_617 = tpu.memref_squeeze %swap3A_616 : memref<1x64x128xf32, #tpu.memory_space<vmem>> -> memref<64x128xf32, #tpu.memory_space<vmem>>
        %swap3A_618 = arith.constant 0 : i32
        %swap3A_619 = tpu.memref_slice %swap3A_617[%scan3A_603, %swap3A_618] : memref<64x128xf32, #tpu.memory_space<vmem>> -> memref<1x128xf32, #tpu.memory_space<vmem>>
        %swap3A_620 = tpu.memref_squeeze %swap3A_619 : memref<1x128xf32, #tpu.memory_space<vmem>> -> memref<128xf32, #tpu.memory_space<vmem>>
        %swap3A_621 = arith.constant 0 : index
        %swap3A_622 = tpu.vector_load %swap3A_620[%swap3A_621] {strides = array<i32>} : memref<128xf32, #tpu.memory_space<vmem>>, vector<16xf32>,
        tpu.vector_store %swap3A_620[%swap3A_621], %unpack3A {strides = array<i32>} : memref<128xf32, #tpu.memory_space<vmem>>, vector<16xf32>,
        %swap3A_623 = arith.constant 0 : i32
        %swap3A_624 = arith.constant 0 : i32
        %swap3A_625 = arith.constant 0 : i32
        %swap3A_626 = tpu.memref_slice %arg13[%swap3A_623, %swap3A_624, %swap3A_625] : memref<2x64x128xf32, #tpu.memory_space<vmem>> -> memref<1x64x128xf32, #tpu.memory_space<vmem>>
        %swap3A_627 = tpu.memref_squeeze %swap3A_626 : memref<1x64x128xf32, #tpu.memory_space<vmem>> -> memref<64x128xf32, #tpu.memory_space<vmem>>
        %swap3A_628 = arith.constant 0 : i32
        %swap3A_629 = tpu.memref_slice %swap3A_627[%scan3A_603, %swap3A_628] : memref<64x128xf32, #tpu.memory_space<vmem>> -> memref<1x128xf32, #tpu.memory_space<vmem>>
        %swap3A_630 = tpu.memref_squeeze %swap3A_629 : memref<1x128xf32, #tpu.memory_space<vmem>> -> memref<128xf32, #tpu.memory_space<vmem>>
        %swap3A_631 = arith.constant 16 : index
        %swap3A_632 = tpu.vector_load %swap3A_630[%swap3A_631] {strides = array<i32>} : memref<128xf32, #tpu.memory_space<vmem>>, vector<16xf32>,
        tpu.vector_store %swap3A_630[%swap3A_631], %unpack3A_613 {strides = array<i32>} : memref<128xf32, #tpu.memory_space<vmem>>, vector<16xf32>,
        %get3A_633 = arith.constant 0 : i32
        %get3A_634 = arith.constant 0 : i32
        %get3A_635 = arith.constant 0 : i32
        %get3A_636 = tpu.memref_slice %arg12[%get3A_633, %get3A_634, %get3A_635] : memref<2x64x128xbf16, #tpu.memory_space<vmem>> -> memref<1x64x128xbf16, #tpu.memory_space<vmem>>
        %get3A_637 = tpu.memref_squeeze %get3A_636 : memref<1x64x128xbf16, #tpu.memory_space<vmem>> -> memref<64x128xbf16, #tpu.memory_space<vmem>>
        %get3A_638 = arith.constant 0 : i32
        %get3A_639 = tpu.memref_slice %get3A_637[%scan3A_603, %get3A_638] : memref<64x128xbf16, #tpu.memory_space<vmem>> -> memref<1x128xbf16, #tpu.memory_space<vmem>>
        %get3A_640 = tpu.memref_squeeze %get3A_639 : memref<1x128xbf16, #tpu.memory_space<vmem>> -> memref<128xbf16, #tpu.memory_space<vmem>>
        %get3A_641 = arith.constant 32 : index
        %get3A_642 = tpu.vector_load %get3A_640[%get3A_641] {strides = array<i32>} : memref<128xbf16, #tpu.memory_space<vmem>>, vector<32xbf16>,
        %unpack3A_643 = tpu.unpack_subelements %get3A_642, 0 {pack_format = #tpu.pack_format<interleaved>} : vector<32xbf16> -> vector<16xf32>
        %unpack3A_644 = tpu.unpack_subelements %get3A_642, 1 {pack_format = #tpu.pack_format<interleaved>} : vector<32xbf16> -> vector<16xf32>
        %swap3A_645 = arith.constant 0 : i32
        %swap3A_646 = arith.constant 0 : i32
        %swap3A_647 = arith.constant 0 : i32
        %swap3A_648 = tpu.memref_slice %arg13[%swap3A_645, %swap3A_646, %swap3A_647] : memref<2x64x128xf32, #tpu.memory_space<vmem>> -> memref<1x64x128xf32, #tpu.memory_space<vmem>>
        %swap3A_649 = tpu.memref_squeeze %swap3A_648 : memref<1x64x128xf32, #tpu.memory_space<vmem>> -> memref<64x128xf32, #tpu.memory_space<vmem>>
        %swap3A_650 = arith.constant 0 : i32
        %swap3A_651 = tpu.memref_slice %swap3A_649[%scan3A_603, %swap3A_650] : memref<64x128xf32, #tpu.memory_space<vmem>> -> memref<1x128xf32, #tpu.memory_space<vmem>>
        %swap3A_652 = tpu.memref_squeeze %swap3A_651 : memref<1x128xf32, #tpu.memory_space<vmem>> -> memref<128xf32, #tpu.memory_space<vmem>>
        %swap3A_653 = arith.constant 32 : index
        %swap3A_654 = tpu.vector_load %swap3A_652[%swap3A_653] {strides = array<i32>} : memref<128xf32, #tpu.memory_space<vmem>>, vector<16xf32>,
        tpu.vector_store %swap3A_652[%swap3A_653], %unpack3A_643 {strides = array<i32>} : memref<128xf32, #tpu.memory_space<vmem>>, vector<16xf32>,
        %swap3A_655 = arith.constant 0 : i32
        %swap3A_656 = arith.constant 0 : i32
        %swap3A_657 = arith.constant 0 : i32
        %swap3A_658 = tpu.memref_slice %arg13[%swap3A_655, %swap3A_656, %swap3A_657] : memref<2x64x128xf32, #tpu.memory_space<vmem>> -> memref<1x64x128xf32, #tpu.memory_space<vmem>>
        %swap3A_659 = tpu.memref_squeeze %swap3A_658 : memref<1x64x128xf32, #tpu.memory_space<vmem>> -> memref<64x128xf32, #tpu.memory_space<vmem>>
        %swap3A_660 = arith.constant 0 : i32
        %swap3A_661 = tpu.memref_slice %swap3A_659[%scan3A_603, %swap3A_660] : memref<64x128xf32, #tpu.memory_space<vmem>> -> memref<1x128xf32, #tpu.memory_space<vmem>>
        %swap3A_662 = tpu.memref_squeeze %swap3A_661 : memref<1x128xf32, #tpu.memory_space<vmem>> -> memref<128xf32, #tpu.memory_space<vmem>>
        %swap3A_663 = arith.constant 48 : index
        %swap3A_664 = tpu.vector_load %swap3A_662[%swap3A_663] {strides = array<i32>} : memref<128xf32, #tpu.memory_space<vmem>>, vector<16xf32>,
        tpu.vector_store %swap3A_662[%swap3A_663], %unpack3A_644 {strides = array<i32>} : memref<128xf32, #tpu.memory_space<vmem>>, vector<16xf32>,
        %get3A_665 = arith.constant 0 : i32
        %get3A_666 = arith.constant 0 : i32
        %get3A_667 = arith.constant 0 : i32
        %get3A_668 = tpu.memref_slice %arg12[%get3A_665, %get3A_666, %get3A_667] : memref<2x64x128xbf16, #tpu.memory_space<vmem>> -> memref<1x64x128xbf16, #tpu.memory_space<vmem>>
        %get3A_669 = tpu.memref_squeeze %get3A_668 : memref<1x64x128xbf16, #tpu.memory_space<vmem>> -> memref<64x128xbf16, #tpu.memory_space<vmem>>
        %get3A_670 = arith.constant 0 : i32
        %get3A_671 = tpu.memref_slice %get3A_669[%scan3A_603, %get3A_670] : memref<64x128xbf16, #tpu.memory_space<vmem>> -> memref<1x128xbf16, #tpu.memory_space<vmem>>
        %get3A_672 = tpu.memref_squeeze %get3A_671 : memref<1x128xbf16, #tpu.memory_space<vmem>> -> memref<128xbf16, #tpu.memory_space<vmem>>
        %get3A_673 = arith.constant 64 : index
        %get3A_674 = tpu.vector_load %get3A_672[%get3A_673] {strides = array<i32>} : memref<128xbf16, #tpu.memory_space<vmem>>, vector<32xbf16>,
        %unpack3A_675 = tpu.unpack_subelements %get3A_674, 0 {pack_format = #tpu.pack_format<interleaved>} : vector<32xbf16> -> vector<16xf32>
        %unpack3A_676 = tpu.unpack_subelements %get3A_674, 1 {pack_format = #tpu.pack_format<interleaved>} : vector<32xbf16> -> vector<16xf32>
        %swap3A_677 = arith.constant 0 : i32
        %swap3A_678 = arith.constant 0 : i32
        %swap3A_679 = arith.constant 0 : i32
        %swap3A_680 = tpu.memref_slice %arg13[%swap3A_677, %swap3A_678, %swap3A_679] : memref<2x64x128xf32, #tpu.memory_space<vmem>> -> memref<1x64x128xf32, #tpu.memory_space<vmem>>
        %swap3A_681 = tpu.memref_squeeze %swap3A_680 : memref<1x64x128xf32, #tpu.memory_space<vmem>> -> memref<64x128xf32, #tpu.memory_space<vmem>>
        %swap3A_682 = arith.constant 0 : i32
        %swap3A_683 = tpu.memref_slice %swap3A_681[%scan3A_603, %swap3A_682] : memref<64x128xf32, #tpu.memory_space<vmem>> -> memref<1x128xf32, #tpu.memory_space<vmem>>
        %swap3A_684 = tpu.memref_squeeze %swap3A_683 : memref<1x128xf32, #tpu.memory_space<vmem>> -> memref<128xf32, #tpu.memory_space<vmem>>
        %swap3A_685 = arith.constant 64 : index
        %swap3A_686 = tpu.vector_load %swap3A_684[%swap3A_685] {strides = array<i32>} : memref<128xf32, #tpu.memory_space<vmem>>, vector<16xf32>,
        tpu.vector_store %swap3A_684[%swap3A_685], %unpack3A_675 {strides = array<i32>} : memref<128xf32, #tpu.memory_space<vmem>>, vector<16xf32>,
        %swap3A_687 = arith.constant 0 : i32
        %swap3A_688 = arith.constant 0 : i32
        %swap3A_689 = arith.constant 0 : i32
        %swap3A_690 = tpu.memref_slice %arg13[%swap3A_687, %swap3A_688, %swap3A_689] : memref<2x64x128xf32, #tpu.memory_space<vmem>> -> memref<1x64x128xf32, #tpu.memory_space<vmem>>
        %swap3A_691 = tpu.memref_squeeze %swap3A_690 : memref<1x64x128xf32, #tpu.memory_space<vmem>> -> memref<64x128xf32, #tpu.memory_space<vmem>>
        %swap3A_692 = arith.constant 0 : i32
        %swap3A_693 = tpu.memref_slice %swap3A_691[%scan3A_603, %swap3A_692] : memref<64x128xf32, #tpu.memory_space<vmem>> -> memref<1x128xf32, #tpu.memory_space<vmem>>
        %swap3A_694 = tpu.memref_squeeze %swap3A_693 : memref<1x128xf32, #tpu.memory_space<vmem>> -> memref<128xf32, #tpu.memory_space<vmem>>
        %swap3A_695 = arith.constant 80 : index
        %swap3A_696 = tpu.vector_load %swap3A_694[%swap3A_695] {strides = array<i32>} : memref<128xf32, #tpu.memory_space<vmem>>, vector<16xf32>,
        tpu.vector_store %swap3A_694[%swap3A_695], %unpack3A_676 {strides = array<i32>} : memref<128xf32, #tpu.memory_space<vmem>>, vector<16xf32>,
        %get3A_697 = arith.constant 0 : i32
        %get3A_698 = arith.constant 0 : i32
        %get3A_699 = arith.constant 0 : i32
        %get3A_700 = tpu.memref_slice %arg12[%get3A_697, %get3A_698, %get3A_699] : memref<2x64x128xbf16, #tpu.memory_space<vmem>> -> memref<1x64x128xbf16, #tpu.memory_space<vmem>>
        %get3A_701 = tpu.memref_squeeze %get3A_700 : memref<1x64x128xbf16, #tpu.memory_space<vmem>> -> memref<64x128xbf16, #tpu.memory_space<vmem>>
        %get3A_702 = arith.constant 0 : i32
        %get3A_703 = tpu.memref_slice %get3A_701[%scan3A_603, %get3A_702] : memref<64x128xbf16, #tpu.memory_space<vmem>> -> memref<1x128xbf16, #tpu.memory_space<vmem>>
        %get3A_704 = tpu.memref_squeeze %get3A_703 : memref<1x128xbf16, #tpu.memory_space<vmem>> -> memref<128xbf16, #tpu.memory_space<vmem>>
        %get3A_705 = arith.constant 96 : index
        %get3A_706 = tpu.vector_load %get3A_704[%get3A_705] {strides = array<i32>} : memref<128xbf16, #tpu.memory_space<vmem>>, vector<32xbf16>,
        %unpack3A_707 = tpu.unpack_subelements %get3A_706, 0 {pack_format = #tpu.pack_format<interleaved>} : vector<32xbf16> -> vector<16xf32>
        %unpack3A_708 = tpu.unpack_subelements %get3A_706, 1 {pack_format = #tpu.pack_format<interleaved>} : vector<32xbf16> -> vector<16xf32>
        %swap3A_709 = arith.constant 0 : i32
        %swap3A_710 = arith.constant 0 : i32
        %swap3A_711 = arith.constant 0 : i32
        %swap3A_712 = tpu.memref_slice %arg13[%swap3A_709, %swap3A_710, %swap3A_711] : memref<2x64x128xf32, #tpu.memory_space<vmem>> -> memref<1x64x128xf32, #tpu.memory_space<vmem>>
        %swap3A_713 = tpu.memref_squeeze %swap3A_712 : memref<1x64x128xf32, #tpu.memory_space<vmem>> -> memref<64x128xf32, #tpu.memory_space<vmem>>
        %swap3A_714 = arith.constant 0 : i32
        %swap3A_715 = tpu.memref_slice %swap3A_713[%scan3A_603, %swap3A_714] : memref<64x128xf32, #tpu.memory_space<vmem>> -> memref<1x128xf32, #tpu.memory_space<vmem>>
        %swap3A_716 = tpu.memref_squeeze %swap3A_715 : memref<1x128xf32, #tpu.memory_space<vmem>> -> memref<128xf32, #tpu.memory_space<vmem>>
        %swap3A_717 = arith.constant 96 : index
        %swap3A_718 = tpu.vector_load %swap3A_716[%swap3A_717] {strides = array<i32>} : memref<128xf32, #tpu.memory_space<vmem>>, vector<16xf32>,
        tpu.vector_store %swap3A_716[%swap3A_717], %unpack3A_707 {strides = array<i32>} : memref<128xf32, #tpu.memory_space<vmem>>, vector<16xf32>,
        %swap3A_719 = arith.constant 0 : i32
        %swap3A_720 = arith.constant 0 : i32
        %swap3A_721 = arith.constant 0 : i32
        %swap3A_722 = tpu.memref_slice %arg13[%swap3A_719, %swap3A_720, %swap3A_721] : memref<2x64x128xf32, #tpu.memory_space<vmem>> -> memref<1x64x128xf32, #tpu.memory_space<vmem>>
        %swap3A_723 = tpu.memref_squeeze %swap3A_722 : memref<1x64x128xf32, #tpu.memory_space<vmem>> -> memref<64x128xf32, #tpu.memory_space<vmem>>
        %swap3A_724 = arith.constant 0 : i32
        %swap3A_725 = tpu.memref_slice %swap3A_723[%scan3A_603, %swap3A_724] : memref<64x128xf32, #tpu.memory_space<vmem>> -> memref<1x128xf32, #tpu.memory_space<vmem>>
        %swap3A_726 = tpu.memref_squeeze %swap3A_725 : memref<1x128xf32, #tpu.memory_space<vmem>> -> memref<128xf32, #tpu.memory_space<vmem>>
        %swap3A_727 = arith.constant 112 : index
        %swap3A_728 = tpu.vector_load %swap3A_726[%swap3A_727] {strides = array<i32>} : memref<128xf32, #tpu.memory_space<vmem>>, vector<16xf32>,
        tpu.vector_store %swap3A_726[%swap3A_727], %unpack3A_708 {strides = array<i32>} : memref<128xf32, #tpu.memory_space<vmem>>, vector<16xf32>,
      }
      %scan3A_412 = arith.constant 64 : i32
      %dma_start3A_413 = arith.constant 0 : i32
      %dma_start3A_414 = arith.constant 4 : i32
      %dma_start3A_415 = arith.constant 0 : i32
      %dma_start3A_416 = arith.constant 0 : i32
      %dma_start3A_417 = tpu.memref_slice %arg13[%dma_start3A_413, %dma_start3A_415, %dma_start3A_416] : memref<2x64x128xf32, #tpu.memory_space<vmem>> -> memref<1x64x128xf32, #tpu.memory_space<vmem>>
      %dma_start3A_418 = tpu.memref_squeeze %dma_start3A_417 : memref<1x64x128xf32, #tpu.memory_space<vmem>> -> memref<64x128xf32, #tpu.memory_space<vmem>>
      %dma_start3A_419 = arith.constant 0 : i32
      %dma_start3A_420 = tpu.memref_slice %arg11[%dma_start3A_414, %dma_start3A_419] : memref<8x64xi32, #tpu.memory_space<vmem>> -> memref<1x64xi32, #tpu.memory_space<vmem>>
      %dma_start3A_421 = tpu.memref_squeeze %dma_start3A_420 : memref<1x64xi32, #tpu.memory_space<vmem>> -> memref<64xi32, #tpu.memory_space<vmem>>
      %dma_start3A_422 = arith.constant 0 : i32
      %dma_start3A_423 = arith.constant 0 : i32
      %dma_start3A_424 = tpu.memref_slice %arg15[%dma_start3A_422, %dma_start3A_423] : memref<10112x128xf32, #tpu.memory_space<vmem_shared>> -> memref<10112x128xf32, #tpu.memory_space<vmem_shared>>
      tpu.enqueue_indirect_dma source(%dma_start3A_418 : memref<64x128xf32, #tpu.memory_space<vmem>>) target(%dma_start3A_424 : memref<10112x128xf32, #tpu.memory_space<vmem_shared>>) offsets(%dma_start3A_421 : memref<64xi32, #tpu.memory_space<vmem>>) semaphore(%arg19 : memref<!tpu.dma_semaphore, #tpu.memory_space<semaphore_mem>>) {add = true}
      %run_scoped3A_425 = arith.constant 4 : i32
      "tpu.region"() ({
        %run_scoped3A_603 = tpu.sem_alloc : memref<!tpu.dma_semaphore, #tpu.memory_space<semaphore_mem>>
        %dma_start3A_604 = arith.constant 0 : i32
        %dma_start3A_605 = tpu.memref_slice %arg11[%run_scoped3A_425, %dma_start3A_604] : memref<8x64xi32, #tpu.memory_space<vmem>> -> memref<1x64xi32, #tpu.memory_space<vmem>>
        %dma_start3A_606 = tpu.memref_squeeze %dma_start3A_605 : memref<1x64xi32, #tpu.memory_space<vmem>> -> memref<64xi32, #tpu.memory_space<vmem>>
        %dma_start3A_607 = arith.constant 0 : i32
        %dma_start3A_608 = arith.constant 0 : i32
        %dma_start3A_609 = tpu.memref_slice %arg16[%dma_start3A_607, %dma_start3A_608] : memref<10112x16xf32, #tpu.memory_space<vmem_shared>> -> memref<10112x16xf32, #tpu.memory_space<vmem_shared>>
        tpu.enqueue_indirect_dma source(%arg14 : memref<64x16xf32, #tpu.memory_space<vmem>>) target(%dma_start3A_609 : memref<10112x16xf32, #tpu.memory_space<vmem_shared>>) offsets(%dma_start3A_606 : memref<64xi32, #tpu.memory_space<vmem>>) semaphore(%run_scoped3A_603 : memref<!tpu.dma_semaphore, #tpu.memory_space<semaphore_mem>>) {add = true}
        %dma_wait3A_610 = arith.constant 0 : i32
        %dma_wait3A_611 = tpu.memref_slice %arg11[%run_scoped3A_425, %dma_wait3A_610] : memref<8x64xi32, #tpu.memory_space<vmem>> -> memref<1x64xi32, #tpu.memory_space<vmem>>
        %dma_wait3A_612 = tpu.memref_squeeze %dma_wait3A_611 : memref<1x64xi32, #tpu.memory_space<vmem>> -> memref<64xi32, #tpu.memory_space<vmem>>
        %dma_wait3A_613 = arith.constant 0 : i32
        %dma_wait3A_614 = arith.constant 0 : i32
        %dma_wait3A_615 = tpu.memref_slice %arg16[%dma_wait3A_613, %dma_wait3A_614] : memref<10112x16xf32, #tpu.memory_space<vmem_shared>> -> memref<10112x16xf32, #tpu.memory_space<vmem_shared>>
        tpu.wait_indirect_dma semaphore(%run_scoped3A_603 : memref<!tpu.dma_semaphore, #tpu.memory_space<semaphore_mem>>) src(%arg14 : memref<64x16xf32, #tpu.memory_space<vmem>>) dst(%dma_wait3A_615 : memref<10112x16xf32, #tpu.memory_space<vmem_shared>>)
        tpu.yield
      }) : () -> ()
      %dma_start3A_426 = arith.constant 6 : i32
      %dma_start3A_427 = arith.constant 0 : i32
      %dma_start3A_428 = arith.constant 0 : i32
      %dma_start3A_429 = arith.constant 0 : i32
      %dma_start3A_430 = tpu.memref_slice %arg12[%dma_start3A_427, %dma_start3A_428, %dma_start3A_429] : memref<2x64x128xbf16, #tpu.memory_space<vmem>> -> memref<1x64x128xbf16, #tpu.memory_space<vmem>>
      %dma_start3A_431 = tpu.memref_squeeze %dma_start3A_430 : memref<1x64x128xbf16, #tpu.memory_space<vmem>> -> memref<64x128xbf16, #tpu.memory_space<vmem>>
      %dma_start3A_432 = arith.constant 0 : i32
      %dma_start3A_433 = tpu.memref_slice %arg10[%dma_start3A_426, %dma_start3A_432] : memref<8x64xi32, #tpu.memory_space<vmem>> -> memref<1x64xi32, #tpu.memory_space<vmem>>
      %dma_start3A_434 = tpu.memref_squeeze %dma_start3A_433 : memref<1x64xi32, #tpu.memory_space<vmem>> -> memref<64xi32, #tpu.memory_space<vmem>>
      %dma_start3A_435 = arith.constant 0 : i32
      %dma_start3A_436 = arith.constant 0 : i32
      %dma_start3A_437 = tpu.memref_slice %arg2[%dma_start3A_435, %dma_start3A_436] : memref<10000x128xbf16, #tpu.memory_space<hbm>> -> memref<10000x128xbf16, #tpu.memory_space<hbm>>
      tpu.enqueue_indirect_dma source(%dma_start3A_437 : memref<10000x128xbf16, #tpu.memory_space<hbm>>) target(%dma_start3A_431 : memref<64x128xbf16, #tpu.memory_space<vmem>>) offsets(%dma_start3A_434 : memref<64xi32, #tpu.memory_space<vmem>>) semaphore(%arg17 : memref<!tpu.dma_semaphore, #tpu.memory_space<semaphore_mem>>)
      %dma_wait3A_438 = arith.constant 5 : i32
      %dma_wait3A_439 = arith.constant 1 : i32
      %dma_wait3A_440 = arith.constant 0 : i32
      %dma_wait3A_441 = arith.constant 0 : i32
      %dma_wait3A_442 = tpu.memref_slice %arg12[%dma_wait3A_439, %dma_wait3A_440, %dma_wait3A_441] : memref<2x64x128xbf16, #tpu.memory_space<vmem>> -> memref<1x64x128xbf16, #tpu.memory_space<vmem>>
      %dma_wait3A_443 = tpu.memref_squeeze %dma_wait3A_442 : memref<1x64x128xbf16, #tpu.memory_space<vmem>> -> memref<64x128xbf16, #tpu.memory_space<vmem>>
      %dma_wait3A_444 = arith.constant 0 : i32
      %dma_wait3A_445 = tpu.memref_slice %arg10[%dma_wait3A_438, %dma_wait3A_444] : memref<8x64xi32, #tpu.memory_space<vmem>> -> memref<1x64xi32, #tpu.memory_space<vmem>>
      %dma_wait3A_446 = tpu.memref_squeeze %dma_wait3A_445 : memref<1x64xi32, #tpu.memory_space<vmem>> -> memref<64xi32, #tpu.memory_space<vmem>>
      %dma_wait3A_447 = arith.constant 0 : i32
      %dma_wait3A_448 = arith.constant 0 : i32
      %dma_wait3A_449 = tpu.memref_slice %arg2[%dma_wait3A_447, %dma_wait3A_448] : memref<10000x128xbf16, #tpu.memory_space<hbm>> -> memref<10000x128xbf16, #tpu.memory_space<hbm>>
      tpu.wait_indirect_dma semaphore(%arg18 : memref<!tpu.dma_semaphore, #tpu.memory_space<semaphore_mem>>) src(%dma_wait3A_449 : memref<10000x128xbf16, #tpu.memory_space<hbm>>) dst(%dma_wait3A_443 : memref<64x128xbf16, #tpu.memory_space<vmem>>)
      %dma_wait3A_450 = arith.constant 1 : i32
      %dma_wait3A_451 = arith.constant 3 : i32
      %dma_wait3A_452 = arith.constant 0 : i32
      %dma_wait3A_453 = arith.constant 0 : i32
      %dma_wait3A_454 = tpu.memref_slice %arg13[%dma_wait3A_450, %dma_wait3A_452, %dma_wait3A_453] : memref<2x64x128xf32, #tpu.memory_space<vmem>> -> memref<1x64x128xf32, #tpu.memory_space<vmem>>
      %dma_wait3A_455 = tpu.memref_squeeze %dma_wait3A_454 : memref<1x64x128xf32, #tpu.memory_space<vmem>> -> memref<64x128xf32, #tpu.memory_space<vmem>>
      %dma_wait3A_456 = arith.constant 0 : i32
      %dma_wait3A_457 = tpu.memref_slice %arg11[%dma_wait3A_451, %dma_wait3A_456] : memref<8x64xi32, #tpu.memory_space<vmem>> -> memref<1x64xi32, #tpu.memory_space<vmem>>
      %dma_wait3A_458 = tpu.memref_squeeze %dma_wait3A_457 : memref<1x64xi32, #tpu.memory_space<vmem>> -> memref<64xi32, #tpu.memory_space<vmem>>
      %dma_wait3A_459 = arith.constant 0 : i32
      %dma_wait3A_460 = arith.constant 0 : i32
      %dma_wait3A_461 = tpu.memref_slice %arg15[%dma_wait3A_459, %dma_wait3A_460] : memref<10112x128xf32, #tpu.memory_space<vmem_shared>> -> memref<10112x128xf32, #tpu.memory_space<vmem_shared>>
      tpu.wait_indirect_dma semaphore(%arg20 : memref<!tpu.dma_semaphore, #tpu.memory_space<semaphore_mem>>) src(%dma_wait3A_455 : memref<64x128xf32, #tpu.memory_space<vmem>>) dst(%dma_wait3A_461 : memref<10112x128xf32, #tpu.memory_space<vmem_shared>>)
      %scan3A_462 = arith.constant 0 : i32
      %scan3A_463 = arith.constant 0 : i32
      %scan3A_464 = arith.constant 64 : i32
      %scan3A_465 = arith.addi %scan3A_463, %scan3A_464 : i32
      %scan3A_466 = arith.constant 1 : i32
      scf.for %scan3A_603 = %scan3A_463 to %scan3A_465 step %scan3A_466  : i32 {
        %get3A = arith.constant 1 : i32
        %get3A_604 = arith.constant 0 : i32
        %get3A_605 = arith.constant 0 : i32
        %get3A_606 = tpu.memref_slice %arg12[%get3A, %get3A_604, %get3A_605] : memref<2x64x128xbf16, #tpu.memory_space<vmem>> -> memref<1x64x128xbf16, #tpu.memory_space<vmem>>
        %get3A_607 = tpu.memref_squeeze %get3A_606 : memref<1x64x128xbf16, #tpu.memory_space<vmem>> -> memref<64x128xbf16, #tpu.memory_space<vmem>>
        %get3A_608 = arith.constant 0 : i32
        %get3A_609 = tpu.memref_slice %get3A_607[%scan3A_603, %get3A_608] : memref<64x128xbf16, #tpu.memory_space<vmem>> -> memref<1x128xbf16, #tpu.memory_space<vmem>>
        %get3A_610 = tpu.memref_squeeze %get3A_609 : memref<1x128xbf16, #tpu.memory_space<vmem>> -> memref<128xbf16, #tpu.memory_space<vmem>>
        %get3A_611 = arith.constant 0 : index
        %get3A_612 = tpu.vector_load %get3A_610[%get3A_611] {strides = array<i32>} : memref<128xbf16, #tpu.memory_space<vmem>>, vector<32xbf16>,
        %unpack3A = tpu.unpack_subelements %get3A_612, 0 {pack_format = #tpu.pack_format<interleaved>} : vector<32xbf16> -> vector<16xf32>
        %unpack3A_613 = tpu.unpack_subelements %get3A_612, 1 {pack_format = #tpu.pack_format<interleaved>} : vector<32xbf16> -> vector<16xf32>
        %swap3A = arith.constant 1 : i32
        %swap3A_614 = arith.constant 0 : i32
        %swap3A_615 = arith.constant 0 : i32
        %swap3A_616 = tpu.memref_slice %arg13[%swap3A, %swap3A_614, %swap3A_615] : memref<2x64x128xf32, #tpu.memory_space<vmem>> -> memref<1x64x128xf32, #tpu.memory_space<vmem>>
        %swap3A_617 = tpu.memref_squeeze %swap3A_616 : memref<1x64x128xf32, #tpu.memory_space<vmem>> -> memref<64x128xf32, #tpu.memory_space<vmem>>
        %swap3A_618 = arith.constant 0 : i32
        %swap3A_619 = tpu.memref_slice %swap3A_617[%scan3A_603, %swap3A_618] : memref<64x128xf32, #tpu.memory_space<vmem>> -> memref<1x128xf32, #tpu.memory_space<vmem>>
        %swap3A_620 = tpu.memref_squeeze %swap3A_619 : memref<1x128xf32, #tpu.memory_space<vmem>> -> memref<128xf32, #tpu.memory_space<vmem>>
        %swap3A_621 = arith.constant 0 : index
        %swap3A_622 = tpu.vector_load %swap3A_620[%swap3A_621] {strides = array<i32>} : memref<128xf32, #tpu.memory_space<vmem>>, vector<16xf32>,
        tpu.vector_store %swap3A_620[%swap3A_621], %unpack3A {strides = array<i32>} : memref<128xf32, #tpu.memory_space<vmem>>, vector<16xf32>,
        %swap3A_623 = arith.constant 1 : i32
        %swap3A_624 = arith.constant 0 : i32
        %swap3A_625 = arith.constant 0 : i32
        %swap3A_626 = tpu.memref_slice %arg13[%swap3A_623, %swap3A_624, %swap3A_625] : memref<2x64x128xf32, #tpu.memory_space<vmem>> -> memref<1x64x128xf32, #tpu.memory_space<vmem>>
        %swap3A_627 = tpu.memref_squeeze %swap3A_626 : memref<1x64x128xf32, #tpu.memory_space<vmem>> -> memref<64x128xf32, #tpu.memory_space<vmem>>
        %swap3A_628 = arith.constant 0 : i32
        %swap3A_629 = tpu.memref_slice %swap3A_627[%scan3A_603, %swap3A_628] : memref<64x128xf32, #tpu.memory_space<vmem>> -> memref<1x128xf32, #tpu.memory_space<vmem>>
        %swap3A_630 = tpu.memref_squeeze %swap3A_629 : memref<1x128xf32, #tpu.memory_space<vmem>> -> memref<128xf32, #tpu.memory_space<vmem>>
        %swap3A_631 = arith.constant 16 : index
        %swap3A_632 = tpu.vector_load %swap3A_630[%swap3A_631] {strides = array<i32>} : memref<128xf32, #tpu.memory_space<vmem>>, vector<16xf32>,
        tpu.vector_store %swap3A_630[%swap3A_631], %unpack3A_613 {strides = array<i32>} : memref<128xf32, #tpu.memory_space<vmem>>, vector<16xf32>,
        %get3A_633 = arith.constant 1 : i32
        %get3A_634 = arith.constant 0 : i32
        %get3A_635 = arith.constant 0 : i32
        %get3A_636 = tpu.memref_slice %arg12[%get3A_633, %get3A_634, %get3A_635] : memref<2x64x128xbf16, #tpu.memory_space<vmem>> -> memref<1x64x128xbf16, #tpu.memory_space<vmem>>
        %get3A_637 = tpu.memref_squeeze %get3A_636 : memref<1x64x128xbf16, #tpu.memory_space<vmem>> -> memref<64x128xbf16, #tpu.memory_space<vmem>>
        %get3A_638 = arith.constant 0 : i32
        %get3A_639 = tpu.memref_slice %get3A_637[%scan3A_603, %get3A_638] : memref<64x128xbf16, #tpu.memory_space<vmem>> -> memref<1x128xbf16, #tpu.memory_space<vmem>>
        %get3A_640 = tpu.memref_squeeze %get3A_639 : memref<1x128xbf16, #tpu.memory_space<vmem>> -> memref<128xbf16, #tpu.memory_space<vmem>>
        %get3A_641 = arith.constant 32 : index
        %get3A_642 = tpu.vector_load %get3A_640[%get3A_641] {strides = array<i32>} : memref<128xbf16, #tpu.memory_space<vmem>>, vector<32xbf16>,
        %unpack3A_643 = tpu.unpack_subelements %get3A_642, 0 {pack_format = #tpu.pack_format<interleaved>} : vector<32xbf16> -> vector<16xf32>
        %unpack3A_644 = tpu.unpack_subelements %get3A_642, 1 {pack_format = #tpu.pack_format<interleaved>} : vector<32xbf16> -> vector<16xf32>
        %swap3A_645 = arith.constant 1 : i32
        %swap3A_646 = arith.constant 0 : i32
        %swap3A_647 = arith.constant 0 : i32
        %swap3A_648 = tpu.memref_slice %arg13[%swap3A_645, %swap3A_646, %swap3A_647] : memref<2x64x128xf32, #tpu.memory_space<vmem>> -> memref<1x64x128xf32, #tpu.memory_space<vmem>>
        %swap3A_649 = tpu.memref_squeeze %swap3A_648 : memref<1x64x128xf32, #tpu.memory_space<vmem>> -> memref<64x128xf32, #tpu.memory_space<vmem>>
        %swap3A_650 = arith.constant 0 : i32
        %swap3A_651 = tpu.memref_slice %swap3A_649[%scan3A_603, %swap3A_650] : memref<64x128xf32, #tpu.memory_space<vmem>> -> memref<1x128xf32, #tpu.memory_space<vmem>>
        %swap3A_652 = tpu.memref_squeeze %swap3A_651 : memref<1x128xf32, #tpu.memory_space<vmem>> -> memref<128xf32, #tpu.memory_space<vmem>>
        %swap3A_653 = arith.constant 32 : index
        %swap3A_654 = tpu.vector_load %swap3A_652[%swap3A_653] {strides = array<i32>} : memref<128xf32, #tpu.memory_space<vmem>>, vector<16xf32>,
        tpu.vector_store %swap3A_652[%swap3A_653], %unpack3A_643 {strides = array<i32>} : memref<128xf32, #tpu.memory_space<vmem>>, vector<16xf32>,
        %swap3A_655 = arith.constant 1 : i32
        %swap3A_656 = arith.constant 0 : i32
        %swap3A_657 = arith.constant 0 : i32
        %swap3A_658 = tpu.memref_slice %arg13[%swap3A_655, %swap3A_656, %swap3A_657] : memref<2x64x128xf32, #tpu.memory_space<vmem>> -> memref<1x64x128xf32, #tpu.memory_space<vmem>>
        %swap3A_659 = tpu.memref_squeeze %swap3A_658 : memref<1x64x128xf32, #tpu.memory_space<vmem>> -> memref<64x128xf32, #tpu.memory_space<vmem>>
        %swap3A_660 = arith.constant 0 : i32
        %swap3A_661 = tpu.memref_slice %swap3A_659[%scan3A_603, %swap3A_660] : memref<64x128xf32, #tpu.memory_space<vmem>> -> memref<1x128xf32, #tpu.memory_space<vmem>>
        %swap3A_662 = tpu.memref_squeeze %swap3A_661 : memref<1x128xf32, #tpu.memory_space<vmem>> -> memref<128xf32, #tpu.memory_space<vmem>>
        %swap3A_663 = arith.constant 48 : index
        %swap3A_664 = tpu.vector_load %swap3A_662[%swap3A_663] {strides = array<i32>} : memref<128xf32, #tpu.memory_space<vmem>>, vector<16xf32>,
        tpu.vector_store %swap3A_662[%swap3A_663], %unpack3A_644 {strides = array<i32>} : memref<128xf32, #tpu.memory_space<vmem>>, vector<16xf32>,
        %get3A_665 = arith.constant 1 : i32
        %get3A_666 = arith.constant 0 : i32
        %get3A_667 = arith.constant 0 : i32
        %get3A_668 = tpu.memref_slice %arg12[%get3A_665, %get3A_666, %get3A_667] : memref<2x64x128xbf16, #tpu.memory_space<vmem>> -> memref<1x64x128xbf16, #tpu.memory_space<vmem>>
        %get3A_669 = tpu.memref_squeeze %get3A_668 : memref<1x64x128xbf16, #tpu.memory_space<vmem>> -> memref<64x128xbf16, #tpu.memory_space<vmem>>
        %get3A_670 = arith.constant 0 : i32
        %get3A_671 = tpu.memref_slice %get3A_669[%scan3A_603, %get3A_670] : memref<64x128xbf16, #tpu.memory_space<vmem>> -> memref<1x128xbf16, #tpu.memory_space<vmem>>
        %get3A_672 = tpu.memref_squeeze %get3A_671 : memref<1x128xbf16, #tpu.memory_space<vmem>> -> memref<128xbf16, #tpu.memory_space<vmem>>
        %get3A_673 = arith.constant 64 : index
        %get3A_674 = tpu.vector_load %get3A_672[%get3A_673] {strides = array<i32>} : memref<128xbf16, #tpu.memory_space<vmem>>, vector<32xbf16>,
        %unpack3A_675 = tpu.unpack_subelements %get3A_674, 0 {pack_format = #tpu.pack_format<interleaved>} : vector<32xbf16> -> vector<16xf32>
        %unpack3A_676 = tpu.unpack_subelements %get3A_674, 1 {pack_format = #tpu.pack_format<interleaved>} : vector<32xbf16> -> vector<16xf32>
        %swap3A_677 = arith.constant 1 : i32
        %swap3A_678 = arith.constant 0 : i32
        %swap3A_679 = arith.constant 0 : i32
        %swap3A_680 = tpu.memref_slice %arg13[%swap3A_677, %swap3A_678, %swap3A_679] : memref<2x64x128xf32, #tpu.memory_space<vmem>> -> memref<1x64x128xf32, #tpu.memory_space<vmem>>
        %swap3A_681 = tpu.memref_squeeze %swap3A_680 : memref<1x64x128xf32, #tpu.memory_space<vmem>> -> memref<64x128xf32, #tpu.memory_space<vmem>>
        %swap3A_682 = arith.constant 0 : i32
        %swap3A_683 = tpu.memref_slice %swap3A_681[%scan3A_603, %swap3A_682] : memref<64x128xf32, #tpu.memory_space<vmem>> -> memref<1x128xf32, #tpu.memory_space<vmem>>
        %swap3A_684 = tpu.memref_squeeze %swap3A_683 : memref<1x128xf32, #tpu.memory_space<vmem>> -> memref<128xf32, #tpu.memory_space<vmem>>
        %swap3A_685 = arith.constant 64 : index
        %swap3A_686 = tpu.vector_load %swap3A_684[%swap3A_685] {strides = array<i32>} : memref<128xf32, #tpu.memory_space<vmem>>, vector<16xf32>,
        tpu.vector_store %swap3A_684[%swap3A_685], %unpack3A_675 {strides = array<i32>} : memref<128xf32, #tpu.memory_space<vmem>>, vector<16xf32>,
        %swap3A_687 = arith.constant 1 : i32
        %swap3A_688 = arith.constant 0 : i32
        %swap3A_689 = arith.constant 0 : i32
        %swap3A_690 = tpu.memref_slice %arg13[%swap3A_687, %swap3A_688, %swap3A_689] : memref<2x64x128xf32, #tpu.memory_space<vmem>> -> memref<1x64x128xf32, #tpu.memory_space<vmem>>
        %swap3A_691 = tpu.memref_squeeze %swap3A_690 : memref<1x64x128xf32, #tpu.memory_space<vmem>> -> memref<64x128xf32, #tpu.memory_space<vmem>>
        %swap3A_692 = arith.constant 0 : i32
        %swap3A_693 = tpu.memref_slice %swap3A_691[%scan3A_603, %swap3A_692] : memref<64x128xf32, #tpu.memory_space<vmem>> -> memref<1x128xf32, #tpu.memory_space<vmem>>
        %swap3A_694 = tpu.memref_squeeze %swap3A_693 : memref<1x128xf32, #tpu.memory_space<vmem>> -> memref<128xf32, #tpu.memory_space<vmem>>
        %swap3A_695 = arith.constant 80 : index
        %swap3A_696 = tpu.vector_load %swap3A_694[%swap3A_695] {strides = array<i32>} : memref<128xf32, #tpu.memory_space<vmem>>, vector<16xf32>,
        tpu.vector_store %swap3A_694[%swap3A_695], %unpack3A_676 {strides = array<i32>} : memref<128xf32, #tpu.memory_space<vmem>>, vector<16xf32>,
        %get3A_697 = arith.constant 1 : i32
        %get3A_698 = arith.constant 0 : i32
        %get3A_699 = arith.constant 0 : i32
        %get3A_700 = tpu.memref_slice %arg12[%get3A_697, %get3A_698, %get3A_699] : memref<2x64x128xbf16, #tpu.memory_space<vmem>> -> memref<1x64x128xbf16, #tpu.memory_space<vmem>>
        %get3A_701 = tpu.memref_squeeze %get3A_700 : memref<1x64x128xbf16, #tpu.memory_space<vmem>> -> memref<64x128xbf16, #tpu.memory_space<vmem>>
        %get3A_702 = arith.constant 0 : i32
        %get3A_703 = tpu.memref_slice %get3A_701[%scan3A_603, %get3A_702] : memref<64x128xbf16, #tpu.memory_space<vmem>> -> memref<1x128xbf16, #tpu.memory_space<vmem>>
        %get3A_704 = tpu.memref_squeeze %get3A_703 : memref<1x128xbf16, #tpu.memory_space<vmem>> -> memref<128xbf16, #tpu.memory_space<vmem>>
        %get3A_705 = arith.constant 96 : index
        %get3A_706 = tpu.vector_load %get3A_704[%get3A_705] {strides = array<i32>} : memref<128xbf16, #tpu.memory_space<vmem>>, vector<32xbf16>,
        %unpack3A_707 = tpu.unpack_subelements %get3A_706, 0 {pack_format = #tpu.pack_format<interleaved>} : vector<32xbf16> -> vector<16xf32>
        %unpack3A_708 = tpu.unpack_subelements %get3A_706, 1 {pack_format = #tpu.pack_format<interleaved>} : vector<32xbf16> -> vector<16xf32>
        %swap3A_709 = arith.constant 1 : i32
        %swap3A_710 = arith.constant 0 : i32
        %swap3A_711 = arith.constant 0 : i32
        %swap3A_712 = tpu.memref_slice %arg13[%swap3A_709, %swap3A_710, %swap3A_711] : memref<2x64x128xf32, #tpu.memory_space<vmem>> -> memref<1x64x128xf32, #tpu.memory_space<vmem>>
        %swap3A_713 = tpu.memref_squeeze %swap3A_712 : memref<1x64x128xf32, #tpu.memory_space<vmem>> -> memref<64x128xf32, #tpu.memory_space<vmem>>
        %swap3A_714 = arith.constant 0 : i32
        %swap3A_715 = tpu.memref_slice %swap3A_713[%scan3A_603, %swap3A_714] : memref<64x128xf32, #tpu.memory_space<vmem>> -> memref<1x128xf32, #tpu.memory_space<vmem>>
        %swap3A_716 = tpu.memref_squeeze %swap3A_715 : memref<1x128xf32, #tpu.memory_space<vmem>> -> memref<128xf32, #tpu.memory_space<vmem>>
        %swap3A_717 = arith.constant 96 : index
        %swap3A_718 = tpu.vector_load %swap3A_716[%swap3A_717] {strides = array<i32>} : memref<128xf32, #tpu.memory_space<vmem>>, vector<16xf32>,
        tpu.vector_store %swap3A_716[%swap3A_717], %unpack3A_707 {strides = array<i32>} : memref<128xf32, #tpu.memory_space<vmem>>, vector<16xf32>,
        %swap3A_719 = arith.constant 1 : i32
        %swap3A_720 = arith.constant 0 : i32
        %swap3A_721 = arith.constant 0 : i32
        %swap3A_722 = tpu.memref_slice %arg13[%swap3A_719, %swap3A_720, %swap3A_721] : memref<2x64x128xf32, #tpu.memory_space<vmem>> -> memref<1x64x128xf32, #tpu.memory_space<vmem>>
        %swap3A_723 = tpu.memref_squeeze %swap3A_722 : memref<1x64x128xf32, #tpu.memory_space<vmem>> -> memref<64x128xf32, #tpu.memory_space<vmem>>
        %swap3A_724 = arith.constant 0 : i32
        %swap3A_725 = tpu.memref_slice %swap3A_723[%scan3A_603, %swap3A_724] : memref<64x128xf32, #tpu.memory_space<vmem>> -> memref<1x128xf32, #tpu.memory_space<vmem>>
        %swap3A_726 = tpu.memref_squeeze %swap3A_725 : memref<1x128xf32, #tpu.memory_space<vmem>> -> memref<128xf32, #tpu.memory_space<vmem>>
        %swap3A_727 = arith.constant 112 : index
        %swap3A_728 = tpu.vector_load %swap3A_726[%swap3A_727] {strides = array<i32>} : memref<128xf32, #tpu.memory_space<vmem>>, vector<16xf32>,
        tpu.vector_store %swap3A_726[%swap3A_727], %unpack3A_708 {strides = array<i32>} : memref<128xf32, #tpu.memory_space<vmem>>, vector<16xf32>,
      }
      %scan3A_467 = arith.constant 64 : i32
      %dma_start3A_468 = arith.constant 1 : i32
      %dma_start3A_469 = arith.constant 5 : i32
      %dma_start3A_470 = arith.constant 0 : i32
      %dma_start3A_471 = arith.constant 0 : i32
      %dma_start3A_472 = tpu.memref_slice %arg13[%dma_start3A_468, %dma_start3A_470, %dma_start3A_471] : memref<2x64x128xf32, #tpu.memory_space<vmem>> -> memref<1x64x128xf32, #tpu.memory_space<vmem>>
      %dma_start3A_473 = tpu.memref_squeeze %dma_start3A_472 : memref<1x64x128xf32, #tpu.memory_space<vmem>> -> memref<64x128xf32, #tpu.memory_space<vmem>>
      %dma_start3A_474 = arith.constant 0 : i32
      %dma_start3A_475 = tpu.memref_slice %arg11[%dma_start3A_469, %dma_start3A_474] : memref<8x64xi32, #tpu.memory_space<vmem>> -> memref<1x64xi32, #tpu.memory_space<vmem>>
      %dma_start3A_476 = tpu.memref_squeeze %dma_start3A_475 : memref<1x64xi32, #tpu.memory_space<vmem>> -> memref<64xi32, #tpu.memory_space<vmem>>
      %dma_start3A_477 = arith.constant 0 : i32
      %dma_start3A_478 = arith.constant 0 : i32
      %dma_start3A_479 = tpu.memref_slice %arg15[%dma_start3A_477, %dma_start3A_478] : memref<10112x128xf32, #tpu.memory_space<vmem_shared>> -> memref<10112x128xf32, #tpu.memory_space<vmem_shared>>
      tpu.enqueue_indirect_dma source(%dma_start3A_473 : memref<64x128xf32, #tpu.memory_space<vmem>>) target(%dma_start3A_479 : memref<10112x128xf32, #tpu.memory_space<vmem_shared>>) offsets(%dma_start3A_476 : memref<64xi32, #tpu.memory_space<vmem>>) semaphore(%arg20 : memref<!tpu.dma_semaphore, #tpu.memory_space<semaphore_mem>>) {add = true}
      %run_scoped3A_480 = arith.constant 5 : i32
      "tpu.region"() ({
        %run_scoped3A_603 = tpu.sem_alloc : memref<!tpu.dma_semaphore, #tpu.memory_space<semaphore_mem>>
        %dma_start3A_604 = arith.constant 0 : i32
        %dma_start3A_605 = tpu.memref_slice %arg11[%run_scoped3A_480, %dma_start3A_604] : memref<8x64xi32, #tpu.memory_space<vmem>> -> memref<1x64xi32, #tpu.memory_space<vmem>>
        %dma_start3A_606 = tpu.memref_squeeze %dma_start3A_605 : memref<1x64xi32, #tpu.memory_space<vmem>> -> memref<64xi32, #tpu.memory_space<vmem>>
        %dma_start3A_607 = arith.constant 0 : i32
        %dma_start3A_608 = arith.constant 0 : i32
        %dma_start3A_609 = tpu.memref_slice %arg16[%dma_start3A_607, %dma_start3A_608] : memref<10112x16xf32, #tpu.memory_space<vmem_shared>> -> memref<10112x16xf32, #tpu.memory_space<vmem_shared>>
        tpu.enqueue_indirect_dma source(%arg14 : memref<64x16xf32, #tpu.memory_space<vmem>>) target(%dma_start3A_609 : memref<10112x16xf32, #tpu.memory_space<vmem_shared>>) offsets(%dma_start3A_606 : memref<64xi32, #tpu.memory_space<vmem>>) semaphore(%run_scoped3A_603 : memref<!tpu.dma_semaphore, #tpu.memory_space<semaphore_mem>>) {add = true}
        %dma_wait3A_610 = arith.constant 0 : i32
        %dma_wait3A_611 = tpu.memref_slice %arg11[%run_scoped3A_480, %dma_wait3A_610] : memref<8x64xi32, #tpu.memory_space<vmem>> -> memref<1x64xi32, #tpu.memory_space<vmem>>
        %dma_wait3A_612 = tpu.memref_squeeze %dma_wait3A_611 : memref<1x64xi32, #tpu.memory_space<vmem>> -> memref<64xi32, #tpu.memory_space<vmem>>
        %dma_wait3A_613 = arith.constant 0 : i32
        %dma_wait3A_614 = arith.constant 0 : i32
        %dma_wait3A_615 = tpu.memref_slice %arg16[%dma_wait3A_613, %dma_wait3A_614] : memref<10112x16xf32, #tpu.memory_space<vmem_shared>> -> memref<10112x16xf32, #tpu.memory_space<vmem_shared>>
        tpu.wait_indirect_dma semaphore(%run_scoped3A_603 : memref<!tpu.dma_semaphore, #tpu.memory_space<semaphore_mem>>) src(%arg14 : memref<64x16xf32, #tpu.memory_space<vmem>>) dst(%dma_wait3A_615 : memref<10112x16xf32, #tpu.memory_space<vmem_shared>>)
        tpu.yield
      }) : () -> ()
      %dma_start3A_481 = arith.constant 7 : i32
      %dma_start3A_482 = arith.constant 1 : i32
      %dma_start3A_483 = arith.constant 0 : i32
      %dma_start3A_484 = arith.constant 0 : i32
      %dma_start3A_485 = tpu.memref_slice %arg12[%dma_start3A_482, %dma_start3A_483, %dma_start3A_484] : memref<2x64x128xbf16, #tpu.memory_space<vmem>> -> memref<1x64x128xbf16, #tpu.memory_space<vmem>>
      %dma_start3A_486 = tpu.memref_squeeze %dma_start3A_485 : memref<1x64x128xbf16, #tpu.memory_space<vmem>> -> memref<64x128xbf16, #tpu.memory_space<vmem>>
      %dma_start3A_487 = arith.constant 0 : i32
      %dma_start3A_488 = tpu.memref_slice %arg10[%dma_start3A_481, %dma_start3A_487] : memref<8x64xi32, #tpu.memory_space<vmem>> -> memref<1x64xi32, #tpu.memory_space<vmem>>
      %dma_start3A_489 = tpu.memref_squeeze %dma_start3A_488 : memref<1x64xi32, #tpu.memory_space<vmem>> -> memref<64xi32, #tpu.memory_space<vmem>>
      %dma_start3A_490 = arith.constant 0 : i32
      %dma_start3A_491 = arith.constant 0 : i32
      %dma_start3A_492 = tpu.memref_slice %arg2[%dma_start3A_490, %dma_start3A_491] : memref<10000x128xbf16, #tpu.memory_space<hbm>> -> memref<10000x128xbf16, #tpu.memory_space<hbm>>
      tpu.enqueue_indirect_dma source(%dma_start3A_492 : memref<10000x128xbf16, #tpu.memory_space<hbm>>) target(%dma_start3A_486 : memref<64x128xbf16, #tpu.memory_space<vmem>>) offsets(%dma_start3A_489 : memref<64xi32, #tpu.memory_space<vmem>>) semaphore(%arg18 : memref<!tpu.dma_semaphore, #tpu.memory_space<semaphore_mem>>)
      %dma_wait3A_493 = arith.constant 6 : i32
      %dma_wait3A_494 = arith.constant 0 : i32
      %dma_wait3A_495 = arith.constant 0 : i32
      %dma_wait3A_496 = arith.constant 0 : i32
      %dma_wait3A_497 = tpu.memref_slice %arg12[%dma_wait3A_494, %dma_wait3A_495, %dma_wait3A_496] : memref<2x64x128xbf16, #tpu.memory_space<vmem>> -> memref<1x64x128xbf16, #tpu.memory_space<vmem>>
      %dma_wait3A_498 = tpu.memref_squeeze %dma_wait3A_497 : memref<1x64x128xbf16, #tpu.memory_space<vmem>> -> memref<64x128xbf16, #tpu.memory_space<vmem>>
      %dma_wait3A_499 = arith.constant 0 : i32
      %dma_wait3A_500 = tpu.memref_slice %arg10[%dma_wait3A_493, %dma_wait3A_499] : memref<8x64xi32, #tpu.memory_space<vmem>> -> memref<1x64xi32, #tpu.memory_space<vmem>>
      %dma_wait3A_501 = tpu.memref_squeeze %dma_wait3A_500 : memref<1x64xi32, #tpu.memory_space<vmem>> -> memref<64xi32, #tpu.memory_space<vmem>>
      %dma_wait3A_502 = arith.constant 0 : i32
      %dma_wait3A_503 = arith.constant 0 : i32
      %dma_wait3A_504 = tpu.memref_slice %arg2[%dma_wait3A_502, %dma_wait3A_503] : memref<10000x128xbf16, #tpu.memory_space<hbm>> -> memref<10000x128xbf16, #tpu.memory_space<hbm>>
      tpu.wait_indirect_dma semaphore(%arg17 : memref<!tpu.dma_semaphore, #tpu.memory_space<semaphore_mem>>) src(%dma_wait3A_504 : memref<10000x128xbf16, #tpu.memory_space<hbm>>) dst(%dma_wait3A_498 : memref<64x128xbf16, #tpu.memory_space<vmem>>)
      %dma_wait3A_505 = arith.constant 0 : i32
      %dma_wait3A_506 = arith.constant 4 : i32
      %dma_wait3A_507 = arith.constant 0 : i32
      %dma_wait3A_508 = arith.constant 0 : i32
      %dma_wait3A_509 = tpu.memref_slice %arg13[%dma_wait3A_505, %dma_wait3A_507, %dma_wait3A_508] : memref<2x64x128xf32, #tpu.memory_space<vmem>> -> memref<1x64x128xf32, #tpu.memory_space<vmem>>
      %dma_wait3A_510 = tpu.memref_squeeze %dma_wait3A_509 : memref<1x64x128xf32, #tpu.memory_space<vmem>> -> memref<64x128xf32, #tpu.memory_space<vmem>>
      %dma_wait3A_511 = arith.constant 0 : i32
      %dma_wait3A_512 = tpu.memref_slice %arg11[%dma_wait3A_506, %dma_wait3A_511] : memref<8x64xi32, #tpu.memory_space<vmem>> -> memref<1x64xi32, #tpu.memory_space<vmem>>
      %dma_wait3A_513 = tpu.memref_squeeze %dma_wait3A_512 : memref<1x64xi32, #tpu.memory_space<vmem>> -> memref<64xi32, #tpu.memory_space<vmem>>
      %dma_wait3A_514 = arith.constant 0 : i32
      %dma_wait3A_515 = arith.constant 0 : i32
      %dma_wait3A_516 = tpu.memref_slice %arg15[%dma_wait3A_514, %dma_wait3A_515] : memref<10112x128xf32, #tpu.memory_space<vmem_shared>> -> memref<10112x128xf32, #tpu.memory_space<vmem_shared>>
      tpu.wait_indirect_dma semaphore(%arg19 : memref<!tpu.dma_semaphore, #tpu.memory_space<semaphore_mem>>) src(%dma_wait3A_510 : memref<64x128xf32, #tpu.memory_space<vmem>>) dst(%dma_wait3A_516 : memref<10112x128xf32, #tpu.memory_space<vmem_shared>>)
      %scan3A_517 = arith.constant 0 : i32
      %scan3A_518 = arith.constant 0 : i32
      %scan3A_519 = arith.constant 64 : i32
      %scan3A_520 = arith.addi %scan3A_518, %scan3A_519 : i32
      %scan3A_521 = arith.constant 1 : i32
      scf.for %scan3A_603 = %scan3A_518 to %scan3A_520 step %scan3A_521  : i32 {
        %get3A = arith.constant 0 : i32
        %get3A_604 = arith.constant 0 : i32
        %get3A_605 = arith.constant 0 : i32
        %get3A_606 = tpu.memref_slice %arg12[%get3A, %get3A_604, %get3A_605] : memref<2x64x128xbf16, #tpu.memory_space<vmem>> -> memref<1x64x128xbf16, #tpu.memory_space<vmem>>
        %get3A_607 = tpu.memref_squeeze %get3A_606 : memref<1x64x128xbf16, #tpu.memory_space<vmem>> -> memref<64x128xbf16, #tpu.memory_space<vmem>>
        %get3A_608 = arith.constant 0 : i32
        %get3A_609 = tpu.memref_slice %get3A_607[%scan3A_603, %get3A_608] : memref<64x128xbf16, #tpu.memory_space<vmem>> -> memref<1x128xbf16, #tpu.memory_space<vmem>>
        %get3A_610 = tpu.memref_squeeze %get3A_609 : memref<1x128xbf16, #tpu.memory_space<vmem>> -> memref<128xbf16, #tpu.memory_space<vmem>>
        %get3A_611 = arith.constant 0 : index
        %get3A_612 = tpu.vector_load %get3A_610[%get3A_611] {strides = array<i32>} : memref<128xbf16, #tpu.memory_space<vmem>>, vector<32xbf16>,
        %unpack3A = tpu.unpack_subelements %get3A_612, 0 {pack_format = #tpu.pack_format<interleaved>} : vector<32xbf16> -> vector<16xf32>
        %unpack3A_613 = tpu.unpack_subelements %get3A_612, 1 {pack_format = #tpu.pack_format<interleaved>} : vector<32xbf16> -> vector<16xf32>
        %swap3A = arith.constant 0 : i32
        %swap3A_614 = arith.constant 0 : i32
        %swap3A_615 = arith.constant 0 : i32
        %swap3A_616 = tpu.memref_slice %arg13[%swap3A, %swap3A_614, %swap3A_615] : memref<2x64x128xf32, #tpu.memory_space<vmem>> -> memref<1x64x128xf32, #tpu.memory_space<vmem>>
        %swap3A_617 = tpu.memref_squeeze %swap3A_616 : memref<1x64x128xf32, #tpu.memory_space<vmem>> -> memref<64x128xf32, #tpu.memory_space<vmem>>
        %swap3A_618 = arith.constant 0 : i32
        %swap3A_619 = tpu.memref_slice %swap3A_617[%scan3A_603, %swap3A_618] : memref<64x128xf32, #tpu.memory_space<vmem>> -> memref<1x128xf32, #tpu.memory_space<vmem>>
        %swap3A_620 = tpu.memref_squeeze %swap3A_619 : memref<1x128xf32, #tpu.memory_space<vmem>> -> memref<128xf32, #tpu.memory_space<vmem>>
        %swap3A_621 = arith.constant 0 : index
        %swap3A_622 = tpu.vector_load %swap3A_620[%swap3A_621] {strides = array<i32>} : memref<128xf32, #tpu.memory_space<vmem>>, vector<16xf32>,
        tpu.vector_store %swap3A_620[%swap3A_621], %unpack3A {strides = array<i32>} : memref<128xf32, #tpu.memory_space<vmem>>, vector<16xf32>,
        %swap3A_623 = arith.constant 0 : i32
        %swap3A_624 = arith.constant 0 : i32
        %swap3A_625 = arith.constant 0 : i32
        %swap3A_626 = tpu.memref_slice %arg13[%swap3A_623, %swap3A_624, %swap3A_625] : memref<2x64x128xf32, #tpu.memory_space<vmem>> -> memref<1x64x128xf32, #tpu.memory_space<vmem>>
        %swap3A_627 = tpu.memref_squeeze %swap3A_626 : memref<1x64x128xf32, #tpu.memory_space<vmem>> -> memref<64x128xf32, #tpu.memory_space<vmem>>
        %swap3A_628 = arith.constant 0 : i32
        %swap3A_629 = tpu.memref_slice %swap3A_627[%scan3A_603, %swap3A_628] : memref<64x128xf32, #tpu.memory_space<vmem>> -> memref<1x128xf32, #tpu.memory_space<vmem>>
        %swap3A_630 = tpu.memref_squeeze %swap3A_629 : memref<1x128xf32, #tpu.memory_space<vmem>> -> memref<128xf32, #tpu.memory_space<vmem>>
        %swap3A_631 = arith.constant 16 : index
        %swap3A_632 = tpu.vector_load %swap3A_630[%swap3A_631] {strides = array<i32>} : memref<128xf32, #tpu.memory_space<vmem>>, vector<16xf32>,
        tpu.vector_store %swap3A_630[%swap3A_631], %unpack3A_613 {strides = array<i32>} : memref<128xf32, #tpu.memory_space<vmem>>, vector<16xf32>,
        %get3A_633 = arith.constant 0 : i32
        %get3A_634 = arith.constant 0 : i32
        %get3A_635 = arith.constant 0 : i32
        %get3A_636 = tpu.memref_slice %arg12[%get3A_633, %get3A_634, %get3A_635] : memref<2x64x128xbf16, #tpu.memory_space<vmem>> -> memref<1x64x128xbf16, #tpu.memory_space<vmem>>
        %get3A_637 = tpu.memref_squeeze %get3A_636 : memref<1x64x128xbf16, #tpu.memory_space<vmem>> -> memref<64x128xbf16, #tpu.memory_space<vmem>>
        %get3A_638 = arith.constant 0 : i32
        %get3A_639 = tpu.memref_slice %get3A_637[%scan3A_603, %get3A_638] : memref<64x128xbf16, #tpu.memory_space<vmem>> -> memref<1x128xbf16, #tpu.memory_space<vmem>>
        %get3A_640 = tpu.memref_squeeze %get3A_639 : memref<1x128xbf16, #tpu.memory_space<vmem>> -> memref<128xbf16, #tpu.memory_space<vmem>>
        %get3A_641 = arith.constant 32 : index
        %get3A_642 = tpu.vector_load %get3A_640[%get3A_641] {strides = array<i32>} : memref<128xbf16, #tpu.memory_space<vmem>>, vector<32xbf16>,
        %unpack3A_643 = tpu.unpack_subelements %get3A_642, 0 {pack_format = #tpu.pack_format<interleaved>} : vector<32xbf16> -> vector<16xf32>
        %unpack3A_644 = tpu.unpack_subelements %get3A_642, 1 {pack_format = #tpu.pack_format<interleaved>} : vector<32xbf16> -> vector<16xf32>
        %swap3A_645 = arith.constant 0 : i32
        %swap3A_646 = arith.constant 0 : i32
        %swap3A_647 = arith.constant 0 : i32
        %swap3A_648 = tpu.memref_slice %arg13[%swap3A_645, %swap3A_646, %swap3A_647] : memref<2x64x128xf32, #tpu.memory_space<vmem>> -> memref<1x64x128xf32, #tpu.memory_space<vmem>>
        %swap3A_649 = tpu.memref_squeeze %swap3A_648 : memref<1x64x128xf32, #tpu.memory_space<vmem>> -> memref<64x128xf32, #tpu.memory_space<vmem>>
        %swap3A_650 = arith.constant 0 : i32
        %swap3A_651 = tpu.memref_slice %swap3A_649[%scan3A_603, %swap3A_650] : memref<64x128xf32, #tpu.memory_space<vmem>> -> memref<1x128xf32, #tpu.memory_space<vmem>>
        %swap3A_652 = tpu.memref_squeeze %swap3A_651 : memref<1x128xf32, #tpu.memory_space<vmem>> -> memref<128xf32, #tpu.memory_space<vmem>>
        %swap3A_653 = arith.constant 32 : index
        %swap3A_654 = tpu.vector_load %swap3A_652[%swap3A_653] {strides = array<i32>} : memref<128xf32, #tpu.memory_space<vmem>>, vector<16xf32>,
        tpu.vector_store %swap3A_652[%swap3A_653], %unpack3A_643 {strides = array<i32>} : memref<128xf32, #tpu.memory_space<vmem>>, vector<16xf32>,
        %swap3A_655 = arith.constant 0 : i32
        %swap3A_656 = arith.constant 0 : i32
        %swap3A_657 = arith.constant 0 : i32
        %swap3A_658 = tpu.memref_slice %arg13[%swap3A_655, %swap3A_656, %swap3A_657] : memref<2x64x128xf32, #tpu.memory_space<vmem>> -> memref<1x64x128xf32, #tpu.memory_space<vmem>>
        %swap3A_659 = tpu.memref_squeeze %swap3A_658 : memref<1x64x128xf32, #tpu.memory_space<vmem>> -> memref<64x128xf32, #tpu.memory_space<vmem>>
        %swap3A_660 = arith.constant 0 : i32
        %swap3A_661 = tpu.memref_slice %swap3A_659[%scan3A_603, %swap3A_660] : memref<64x128xf32, #tpu.memory_space<vmem>> -> memref<1x128xf32, #tpu.memory_space<vmem>>
        %swap3A_662 = tpu.memref_squeeze %swap3A_661 : memref<1x128xf32, #tpu.memory_space<vmem>> -> memref<128xf32, #tpu.memory_space<vmem>>
        %swap3A_663 = arith.constant 48 : index
        %swap3A_664 = tpu.vector_load %swap3A_662[%swap3A_663] {strides = array<i32>} : memref<128xf32, #tpu.memory_space<vmem>>, vector<16xf32>,
        tpu.vector_store %swap3A_662[%swap3A_663], %unpack3A_644 {strides = array<i32>} : memref<128xf32, #tpu.memory_space<vmem>>, vector<16xf32>,
        %get3A_665 = arith.constant 0 : i32
        %get3A_666 = arith.constant 0 : i32
        %get3A_667 = arith.constant 0 : i32
        %get3A_668 = tpu.memref_slice %arg12[%get3A_665, %get3A_666, %get3A_667] : memref<2x64x128xbf16, #tpu.memory_space<vmem>> -> memref<1x64x128xbf16, #tpu.memory_space<vmem>>
        %get3A_669 = tpu.memref_squeeze %get3A_668 : memref<1x64x128xbf16, #tpu.memory_space<vmem>> -> memref<64x128xbf16, #tpu.memory_space<vmem>>
        %get3A_670 = arith.constant 0 : i32
        %get3A_671 = tpu.memref_slice %get3A_669[%scan3A_603, %get3A_670] : memref<64x128xbf16, #tpu.memory_space<vmem>> -> memref<1x128xbf16, #tpu.memory_space<vmem>>
        %get3A_672 = tpu.memref_squeeze %get3A_671 : memref<1x128xbf16, #tpu.memory_space<vmem>> -> memref<128xbf16, #tpu.memory_space<vmem>>
        %get3A_673 = arith.constant 64 : index
        %get3A_674 = tpu.vector_load %get3A_672[%get3A_673] {strides = array<i32>} : memref<128xbf16, #tpu.memory_space<vmem>>, vector<32xbf16>,
        %unpack3A_675 = tpu.unpack_subelements %get3A_674, 0 {pack_format = #tpu.pack_format<interleaved>} : vector<32xbf16> -> vector<16xf32>
        %unpack3A_676 = tpu.unpack_subelements %get3A_674, 1 {pack_format = #tpu.pack_format<interleaved>} : vector<32xbf16> -> vector<16xf32>
        %swap3A_677 = arith.constant 0 : i32
        %swap3A_678 = arith.constant 0 : i32
        %swap3A_679 = arith.constant 0 : i32
        %swap3A_680 = tpu.memref_slice %arg13[%swap3A_677, %swap3A_678, %swap3A_679] : memref<2x64x128xf32, #tpu.memory_space<vmem>> -> memref<1x64x128xf32, #tpu.memory_space<vmem>>
        %swap3A_681 = tpu.memref_squeeze %swap3A_680 : memref<1x64x128xf32, #tpu.memory_space<vmem>> -> memref<64x128xf32, #tpu.memory_space<vmem>>
        %swap3A_682 = arith.constant 0 : i32
        %swap3A_683 = tpu.memref_slice %swap3A_681[%scan3A_603, %swap3A_682] : memref<64x128xf32, #tpu.memory_space<vmem>> -> memref<1x128xf32, #tpu.memory_space<vmem>>
        %swap3A_684 = tpu.memref_squeeze %swap3A_683 : memref<1x128xf32, #tpu.memory_space<vmem>> -> memref<128xf32, #tpu.memory_space<vmem>>
        %swap3A_685 = arith.constant 64 : index
        %swap3A_686 = tpu.vector_load %swap3A_684[%swap3A_685] {strides = array<i32>} : memref<128xf32, #tpu.memory_space<vmem>>, vector<16xf32>,
        tpu.vector_store %swap3A_684[%swap3A_685], %unpack3A_675 {strides = array<i32>} : memref<128xf32, #tpu.memory_space<vmem>>, vector<16xf32>,
        %swap3A_687 = arith.constant 0 : i32
        %swap3A_688 = arith.constant 0 : i32
        %swap3A_689 = arith.constant 0 : i32
        %swap3A_690 = tpu.memref_slice %arg13[%swap3A_687, %swap3A_688, %swap3A_689] : memref<2x64x128xf32, #tpu.memory_space<vmem>> -> memref<1x64x128xf32, #tpu.memory_space<vmem>>
        %swap3A_691 = tpu.memref_squeeze %swap3A_690 : memref<1x64x128xf32, #tpu.memory_space<vmem>> -> memref<64x128xf32, #tpu.memory_space<vmem>>
        %swap3A_692 = arith.constant 0 : i32
        %swap3A_693 = tpu.memref_slice %swap3A_691[%scan3A_603, %swap3A_692] : memref<64x128xf32, #tpu.memory_space<vmem>> -> memref<1x128xf32, #tpu.memory_space<vmem>>
        %swap3A_694 = tpu.memref_squeeze %swap3A_693 : memref<1x128xf32, #tpu.memory_space<vmem>> -> memref<128xf32, #tpu.memory_space<vmem>>
        %swap3A_695 = arith.constant 80 : index
        %swap3A_696 = tpu.vector_load %swap3A_694[%swap3A_695] {strides = array<i32>} : memref<128xf32, #tpu.memory_space<vmem>>, vector<16xf32>,
        tpu.vector_store %swap3A_694[%swap3A_695], %unpack3A_676 {strides = array<i32>} : memref<128xf32, #tpu.memory_space<vmem>>, vector<16xf32>,
        %get3A_697 = arith.constant 0 : i32
        %get3A_698 = arith.constant 0 : i32
        %get3A_699 = arith.constant 0 : i32
        %get3A_700 = tpu.memref_slice %arg12[%get3A_697, %get3A_698, %get3A_699] : memref<2x64x128xbf16, #tpu.memory_space<vmem>> -> memref<1x64x128xbf16, #tpu.memory_space<vmem>>
        %get3A_701 = tpu.memref_squeeze %get3A_700 : memref<1x64x128xbf16, #tpu.memory_space<vmem>> -> memref<64x128xbf16, #tpu.memory_space<vmem>>
        %get3A_702 = arith.constant 0 : i32
        %get3A_703 = tpu.memref_slice %get3A_701[%scan3A_603, %get3A_702] : memref<64x128xbf16, #tpu.memory_space<vmem>> -> memref<1x128xbf16, #tpu.memory_space<vmem>>
        %get3A_704 = tpu.memref_squeeze %get3A_703 : memref<1x128xbf16, #tpu.memory_space<vmem>> -> memref<128xbf16, #tpu.memory_space<vmem>>
        %get3A_705 = arith.constant 96 : index
        %get3A_706 = tpu.vector_load %get3A_704[%get3A_705] {strides = array<i32>} : memref<128xbf16, #tpu.memory_space<vmem>>, vector<32xbf16>,
        %unpack3A_707 = tpu.unpack_subelements %get3A_706, 0 {pack_format = #tpu.pack_format<interleaved>} : vector<32xbf16> -> vector<16xf32>
        %unpack3A_708 = tpu.unpack_subelements %get3A_706, 1 {pack_format = #tpu.pack_format<interleaved>} : vector<32xbf16> -> vector<16xf32>
        %swap3A_709 = arith.constant 0 : i32
        %swap3A_710 = arith.constant 0 : i32
        %swap3A_711 = arith.constant 0 : i32
        %swap3A_712 = tpu.memref_slice %arg13[%swap3A_709, %swap3A_710, %swap3A_711] : memref<2x64x128xf32, #tpu.memory_space<vmem>> -> memref<1x64x128xf32, #tpu.memory_space<vmem>>
        %swap3A_713 = tpu.memref_squeeze %swap3A_712 : memref<1x64x128xf32, #tpu.memory_space<vmem>> -> memref<64x128xf32, #tpu.memory_space<vmem>>
        %swap3A_714 = arith.constant 0 : i32
        %swap3A_715 = tpu.memref_slice %swap3A_713[%scan3A_603, %swap3A_714] : memref<64x128xf32, #tpu.memory_space<vmem>> -> memref<1x128xf32, #tpu.memory_space<vmem>>
        %swap3A_716 = tpu.memref_squeeze %swap3A_715 : memref<1x128xf32, #tpu.memory_space<vmem>> -> memref<128xf32, #tpu.memory_space<vmem>>
        %swap3A_717 = arith.constant 96 : index
        %swap3A_718 = tpu.vector_load %swap3A_716[%swap3A_717] {strides = array<i32>} : memref<128xf32, #tpu.memory_space<vmem>>, vector<16xf32>,
        tpu.vector_store %swap3A_716[%swap3A_717], %unpack3A_707 {strides = array<i32>} : memref<128xf32, #tpu.memory_space<vmem>>, vector<16xf32>,
        %swap3A_719 = arith.constant 0 : i32
        %swap3A_720 = arith.constant 0 : i32
        %swap3A_721 = arith.constant 0 : i32
        %swap3A_722 = tpu.memref_slice %arg13[%swap3A_719, %swap3A_720, %swap3A_721] : memref<2x64x128xf32, #tpu.memory_space<vmem>> -> memref<1x64x128xf32, #tpu.memory_space<vmem>>
        %swap3A_723 = tpu.memref_squeeze %swap3A_722 : memref<1x64x128xf32, #tpu.memory_space<vmem>> -> memref<64x128xf32, #tpu.memory_space<vmem>>
        %swap3A_724 = arith.constant 0 : i32
        %swap3A_725 = tpu.memref_slice %swap3A_723[%scan3A_603, %swap3A_724] : memref<64x128xf32, #tpu.memory_space<vmem>> -> memref<1x128xf32, #tpu.memory_space<vmem>>
        %swap3A_726 = tpu.memref_squeeze %swap3A_725 : memref<1x128xf32, #tpu.memory_space<vmem>> -> memref<128xf32, #tpu.memory_space<vmem>>
        %swap3A_727 = arith.constant 112 : index
        %swap3A_728 = tpu.vector_load %swap3A_726[%swap3A_727] {strides = array<i32>} : memref<128xf32, #tpu.memory_space<vmem>>, vector<16xf32>,
        tpu.vector_store %swap3A_726[%swap3A_727], %unpack3A_708 {strides = array<i32>} : memref<128xf32, #tpu.memory_space<vmem>>, vector<16xf32>,
      }
      %scan3A_522 = arith.constant 64 : i32
      %dma_start3A_523 = arith.constant 0 : i32
      %dma_start3A_524 = arith.constant 6 : i32
      %dma_start3A_525 = arith.constant 0 : i32
      %dma_start3A_526 = arith.constant 0 : i32
      %dma_start3A_527 = tpu.memref_slice %arg13[%dma_start3A_523, %dma_start3A_525, %dma_start3A_526] : memref<2x64x128xf32, #tpu.memory_space<vmem>> -> memref<1x64x128xf32, #tpu.memory_space<vmem>>
      %dma_start3A_528 = tpu.memref_squeeze %dma_start3A_527 : memref<1x64x128xf32, #tpu.memory_space<vmem>> -> memref<64x128xf32, #tpu.memory_space<vmem>>
      %dma_start3A_529 = arith.constant 0 : i32
      %dma_start3A_530 = tpu.memref_slice %arg11[%dma_start3A_524, %dma_start3A_529] : memref<8x64xi32, #tpu.memory_space<vmem>> -> memref<1x64xi32, #tpu.memory_space<vmem>>
      %dma_start3A_531 = tpu.memref_squeeze %dma_start3A_530 : memref<1x64xi32, #tpu.memory_space<vmem>> -> memref<64xi32, #tpu.memory_space<vmem>>
      %dma_start3A_532 = arith.constant 0 : i32
      %dma_start3A_533 = arith.constant 0 : i32
      %dma_start3A_534 = tpu.memref_slice %arg15[%dma_start3A_532, %dma_start3A_533] : memref<10112x128xf32, #tpu.memory_space<vmem_shared>> -> memref<10112x128xf32, #tpu.memory_space<vmem_shared>>
      tpu.enqueue_indirect_dma source(%dma_start3A_528 : memref<64x128xf32, #tpu.memory_space<vmem>>) target(%dma_start3A_534 : memref<10112x128xf32, #tpu.memory_space<vmem_shared>>) offsets(%dma_start3A_531 : memref<64xi32, #tpu.memory_space<vmem>>) semaphore(%arg19 : memref<!tpu.dma_semaphore, #tpu.memory_space<semaphore_mem>>) {add = true}
      %run_scoped3A_535 = arith.constant 6 : i32
      "tpu.region"() ({
        %run_scoped3A_603 = tpu.sem_alloc : memref<!tpu.dma_semaphore, #tpu.memory_space<semaphore_mem>>
        %dma_start3A_604 = arith.constant 0 : i32
        %dma_start3A_605 = tpu.memref_slice %arg11[%run_scoped3A_535, %dma_start3A_604] : memref<8x64xi32, #tpu.memory_space<vmem>> -> memref<1x64xi32, #tpu.memory_space<vmem>>
        %dma_start3A_606 = tpu.memref_squeeze %dma_start3A_605 : memref<1x64xi32, #tpu.memory_space<vmem>> -> memref<64xi32, #tpu.memory_space<vmem>>
        %dma_start3A_607 = arith.constant 0 : i32
        %dma_start3A_608 = arith.constant 0 : i32
        %dma_start3A_609 = tpu.memref_slice %arg16[%dma_start3A_607, %dma_start3A_608] : memref<10112x16xf32, #tpu.memory_space<vmem_shared>> -> memref<10112x16xf32, #tpu.memory_space<vmem_shared>>
        tpu.enqueue_indirect_dma source(%arg14 : memref<64x16xf32, #tpu.memory_space<vmem>>) target(%dma_start3A_609 : memref<10112x16xf32, #tpu.memory_space<vmem_shared>>) offsets(%dma_start3A_606 : memref<64xi32, #tpu.memory_space<vmem>>) semaphore(%run_scoped3A_603 : memref<!tpu.dma_semaphore, #tpu.memory_space<semaphore_mem>>) {add = true}
        %dma_wait3A_610 = arith.constant 0 : i32
        %dma_wait3A_611 = tpu.memref_slice %arg11[%run_scoped3A_535, %dma_wait3A_610] : memref<8x64xi32, #tpu.memory_space<vmem>> -> memref<1x64xi32, #tpu.memory_space<vmem>>
        %dma_wait3A_612 = tpu.memref_squeeze %dma_wait3A_611 : memref<1x64xi32, #tpu.memory_space<vmem>> -> memref<64xi32, #tpu.memory_space<vmem>>
        %dma_wait3A_613 = arith.constant 0 : i32
        %dma_wait3A_614 = arith.constant 0 : i32
        %dma_wait3A_615 = tpu.memref_slice %arg16[%dma_wait3A_613, %dma_wait3A_614] : memref<10112x16xf32, #tpu.memory_space<vmem_shared>> -> memref<10112x16xf32, #tpu.memory_space<vmem_shared>>
        tpu.wait_indirect_dma semaphore(%run_scoped3A_603 : memref<!tpu.dma_semaphore, #tpu.memory_space<semaphore_mem>>) src(%arg14 : memref<64x16xf32, #tpu.memory_space<vmem>>) dst(%dma_wait3A_615 : memref<10112x16xf32, #tpu.memory_space<vmem_shared>>)
        tpu.yield
      }) : () -> ()
      %dma_wait3A_536 = arith.constant 7 : i32
      %dma_wait3A_537 = arith.constant 1 : i32
      %dma_wait3A_538 = arith.constant 0 : i32
      %dma_wait3A_539 = arith.constant 0 : i32
      %dma_wait3A_540 = tpu.memref_slice %arg12[%dma_wait3A_537, %dma_wait3A_538, %dma_wait3A_539] : memref<2x64x128xbf16, #tpu.memory_space<vmem>> -> memref<1x64x128xbf16, #tpu.memory_space<vmem>>
      %dma_wait3A_541 = tpu.memref_squeeze %dma_wait3A_540 : memref<1x64x128xbf16, #tpu.memory_space<vmem>> -> memref<64x128xbf16, #tpu.memory_space<vmem>>
      %dma_wait3A_542 = arith.constant 0 : i32
      %dma_wait3A_543 = tpu.memref_slice %arg10[%dma_wait3A_536, %dma_wait3A_542] : memref<8x64xi32, #tpu.memory_space<vmem>> -> memref<1x64xi32, #tpu.memory_space<vmem>>
      %dma_wait3A_544 = tpu.memref_squeeze %dma_wait3A_543 : memref<1x64xi32, #tpu.memory_space<vmem>> -> memref<64xi32, #tpu.memory_space<vmem>>
      %dma_wait3A_545 = arith.constant 0 : i32
      %dma_wait3A_546 = arith.constant 0 : i32
      %dma_wait3A_547 = tpu.memref_slice %arg2[%dma_wait3A_545, %dma_wait3A_546] : memref<10000x128xbf16, #tpu.memory_space<hbm>> -> memref<10000x128xbf16, #tpu.memory_space<hbm>>
      tpu.wait_indirect_dma semaphore(%arg18 : memref<!tpu.dma_semaphore, #tpu.memory_space<semaphore_mem>>) src(%dma_wait3A_547 : memref<10000x128xbf16, #tpu.memory_space<hbm>>) dst(%dma_wait3A_541 : memref<64x128xbf16, #tpu.memory_space<vmem>>)
      %dma_wait3A_548 = arith.constant 1 : i32
      %dma_wait3A_549 = arith.constant 5 : i32
      %dma_wait3A_550 = arith.constant 0 : i32
      %dma_wait3A_551 = arith.constant 0 : i32
      %dma_wait3A_552 = tpu.memref_slice %arg13[%dma_wait3A_548, %dma_wait3A_550, %dma_wait3A_551] : memref<2x64x128xf32, #tpu.memory_space<vmem>> -> memref<1x64x128xf32, #tpu.memory_space<vmem>>
      %dma_wait3A_553 = tpu.memref_squeeze %dma_wait3A_552 : memref<1x64x128xf32, #tpu.memory_space<vmem>> -> memref<64x128xf32, #tpu.memory_space<vmem>>
      %dma_wait3A_554 = arith.constant 0 : i32
      %dma_wait3A_555 = tpu.memref_slice %arg11[%dma_wait3A_549, %dma_wait3A_554] : memref<8x64xi32, #tpu.memory_space<vmem>> -> memref<1x64xi32, #tpu.memory_space<vmem>>
      %dma_wait3A_556 = tpu.memref_squeeze %dma_wait3A_555 : memref<1x64xi32, #tpu.memory_space<vmem>> -> memref<64xi32, #tpu.memory_space<vmem>>
      %dma_wait3A_557 = arith.constant 0 : i32
      %dma_wait3A_558 = arith.constant 0 : i32
      %dma_wait3A_559 = tpu.memref_slice %arg15[%dma_wait3A_557, %dma_wait3A_558] : memref<10112x128xf32, #tpu.memory_space<vmem_shared>> -> memref<10112x128xf32, #tpu.memory_space<vmem_shared>>
      tpu.wait_indirect_dma semaphore(%arg20 : memref<!tpu.dma_semaphore, #tpu.memory_space<semaphore_mem>>) src(%dma_wait3A_553 : memref<64x128xf32, #tpu.memory_space<vmem>>) dst(%dma_wait3A_559 : memref<10112x128xf32, #tpu.memory_space<vmem_shared>>)
      %scan3A_560 = arith.constant 0 : i32
      %scan3A_561 = arith.constant 0 : i32
      %scan3A_562 = arith.constant 64 : i32
      %scan3A_563 = arith.addi %scan3A_561, %scan3A_562 : i32
      %scan3A_564 = arith.constant 1 : i32
      scf.for %scan3A_603 = %scan3A_561 to %scan3A_563 step %scan3A_564  : i32 {
        %get3A = arith.constant 1 : i32
        %get3A_604 = arith.constant 0 : i32
        %get3A_605 = arith.constant 0 : i32
        %get3A_606 = tpu.memref_slice %arg12[%get3A, %get3A_604, %get3A_605] : memref<2x64x128xbf16, #tpu.memory_space<vmem>> -> memref<1x64x128xbf16, #tpu.memory_space<vmem>>
        %get3A_607 = tpu.memref_squeeze %get3A_606 : memref<1x64x128xbf16, #tpu.memory_space<vmem>> -> memref<64x128xbf16, #tpu.memory_space<vmem>>
        %get3A_608 = arith.constant 0 : i32
        %get3A_609 = tpu.memref_slice %get3A_607[%scan3A_603, %get3A_608] : memref<64x128xbf16, #tpu.memory_space<vmem>> -> memref<1x128xbf16, #tpu.memory_space<vmem>>
        %get3A_610 = tpu.memref_squeeze %get3A_609 : memref<1x128xbf16, #tpu.memory_space<vmem>> -> memref<128xbf16, #tpu.memory_space<vmem>>
        %get3A_611 = arith.constant 0 : index
        %get3A_612 = tpu.vector_load %get3A_610[%get3A_611] {strides = array<i32>} : memref<128xbf16, #tpu.memory_space<vmem>>, vector<32xbf16>,
        %unpack3A = tpu.unpack_subelements %get3A_612, 0 {pack_format = #tpu.pack_format<interleaved>} : vector<32xbf16> -> vector<16xf32>
        %unpack3A_613 = tpu.unpack_subelements %get3A_612, 1 {pack_format = #tpu.pack_format<interleaved>} : vector<32xbf16> -> vector<16xf32>
        %swap3A = arith.constant 1 : i32
        %swap3A_614 = arith.constant 0 : i32
        %swap3A_615 = arith.constant 0 : i32
        %swap3A_616 = tpu.memref_slice %arg13[%swap3A, %swap3A_614, %swap3A_615] : memref<2x64x128xf32, #tpu.memory_space<vmem>> -> memref<1x64x128xf32, #tpu.memory_space<vmem>>
        %swap3A_617 = tpu.memref_squeeze %swap3A_616 : memref<1x64x128xf32, #tpu.memory_space<vmem>> -> memref<64x128xf32, #tpu.memory_space<vmem>>
        %swap3A_618 = arith.constant 0 : i32
        %swap3A_619 = tpu.memref_slice %swap3A_617[%scan3A_603, %swap3A_618] : memref<64x128xf32, #tpu.memory_space<vmem>> -> memref<1x128xf32, #tpu.memory_space<vmem>>
        %swap3A_620 = tpu.memref_squeeze %swap3A_619 : memref<1x128xf32, #tpu.memory_space<vmem>> -> memref<128xf32, #tpu.memory_space<vmem>>
        %swap3A_621 = arith.constant 0 : index
        %swap3A_622 = tpu.vector_load %swap3A_620[%swap3A_621] {strides = array<i32>} : memref<128xf32, #tpu.memory_space<vmem>>, vector<16xf32>,
        tpu.vector_store %swap3A_620[%swap3A_621], %unpack3A {strides = array<i32>} : memref<128xf32, #tpu.memory_space<vmem>>, vector<16xf32>,
        %swap3A_623 = arith.constant 1 : i32
        %swap3A_624 = arith.constant 0 : i32
        %swap3A_625 = arith.constant 0 : i32
        %swap3A_626 = tpu.memref_slice %arg13[%swap3A_623, %swap3A_624, %swap3A_625] : memref<2x64x128xf32, #tpu.memory_space<vmem>> -> memref<1x64x128xf32, #tpu.memory_space<vmem>>
        %swap3A_627 = tpu.memref_squeeze %swap3A_626 : memref<1x64x128xf32, #tpu.memory_space<vmem>> -> memref<64x128xf32, #tpu.memory_space<vmem>>
        %swap3A_628 = arith.constant 0 : i32
        %swap3A_629 = tpu.memref_slice %swap3A_627[%scan3A_603, %swap3A_628] : memref<64x128xf32, #tpu.memory_space<vmem>> -> memref<1x128xf32, #tpu.memory_space<vmem>>
        %swap3A_630 = tpu.memref_squeeze %swap3A_629 : memref<1x128xf32, #tpu.memory_space<vmem>> -> memref<128xf32, #tpu.memory_space<vmem>>
        %swap3A_631 = arith.constant 16 : index
        %swap3A_632 = tpu.vector_load %swap3A_630[%swap3A_631] {strides = array<i32>} : memref<128xf32, #tpu.memory_space<vmem>>, vector<16xf32>,
        tpu.vector_store %swap3A_630[%swap3A_631], %unpack3A_613 {strides = array<i32>} : memref<128xf32, #tpu.memory_space<vmem>>, vector<16xf32>,
        %get3A_633 = arith.constant 1 : i32
        %get3A_634 = arith.constant 0 : i32
        %get3A_635 = arith.constant 0 : i32
        %get3A_636 = tpu.memref_slice %arg12[%get3A_633, %get3A_634, %get3A_635] : memref<2x64x128xbf16, #tpu.memory_space<vmem>> -> memref<1x64x128xbf16, #tpu.memory_space<vmem>>
        %get3A_637 = tpu.memref_squeeze %get3A_636 : memref<1x64x128xbf16, #tpu.memory_space<vmem>> -> memref<64x128xbf16, #tpu.memory_space<vmem>>
        %get3A_638 = arith.constant 0 : i32
        %get3A_639 = tpu.memref_slice %get3A_637[%scan3A_603, %get3A_638] : memref<64x128xbf16, #tpu.memory_space<vmem>> -> memref<1x128xbf16, #tpu.memory_space<vmem>>
        %get3A_640 = tpu.memref_squeeze %get3A_639 : memref<1x128xbf16, #tpu.memory_space<vmem>> -> memref<128xbf16, #tpu.memory_space<vmem>>
        %get3A_641 = arith.constant 32 : index
        %get3A_642 = tpu.vector_load %get3A_640[%get3A_641] {strides = array<i32>} : memref<128xbf16, #tpu.memory_space<vmem>>, vector<32xbf16>,
        %unpack3A_643 = tpu.unpack_subelements %get3A_642, 0 {pack_format = #tpu.pack_format<interleaved>} : vector<32xbf16> -> vector<16xf32>
        %unpack3A_644 = tpu.unpack_subelements %get3A_642, 1 {pack_format = #tpu.pack_format<interleaved>} : vector<32xbf16> -> vector<16xf32>
        %swap3A_645 = arith.constant 1 : i32
        %swap3A_646 = arith.constant 0 : i32
        %swap3A_647 = arith.constant 0 : i32
        %swap3A_648 = tpu.memref_slice %arg13[%swap3A_645, %swap3A_646, %swap3A_647] : memref<2x64x128xf32, #tpu.memory_space<vmem>> -> memref<1x64x128xf32, #tpu.memory_space<vmem>>
        %swap3A_649 = tpu.memref_squeeze %swap3A_648 : memref<1x64x128xf32, #tpu.memory_space<vmem>> -> memref<64x128xf32, #tpu.memory_space<vmem>>
        %swap3A_650 = arith.constant 0 : i32
        %swap3A_651 = tpu.memref_slice %swap3A_649[%scan3A_603, %swap3A_650] : memref<64x128xf32, #tpu.memory_space<vmem>> -> memref<1x128xf32, #tpu.memory_space<vmem>>
        %swap3A_652 = tpu.memref_squeeze %swap3A_651 : memref<1x128xf32, #tpu.memory_space<vmem>> -> memref<128xf32, #tpu.memory_space<vmem>>
        %swap3A_653 = arith.constant 32 : index
        %swap3A_654 = tpu.vector_load %swap3A_652[%swap3A_653] {strides = array<i32>} : memref<128xf32, #tpu.memory_space<vmem>>, vector<16xf32>,
        tpu.vector_store %swap3A_652[%swap3A_653], %unpack3A_643 {strides = array<i32>} : memref<128xf32, #tpu.memory_space<vmem>>, vector<16xf32>,
        %swap3A_655 = arith.constant 1 : i32
        %swap3A_656 = arith.constant 0 : i32
        %swap3A_657 = arith.constant 0 : i32
        %swap3A_658 = tpu.memref_slice %arg13[%swap3A_655, %swap3A_656, %swap3A_657] : memref<2x64x128xf32, #tpu.memory_space<vmem>> -> memref<1x64x128xf32, #tpu.memory_space<vmem>>
        %swap3A_659 = tpu.memref_squeeze %swap3A_658 : memref<1x64x128xf32, #tpu.memory_space<vmem>> -> memref<64x128xf32, #tpu.memory_space<vmem>>
        %swap3A_660 = arith.constant 0 : i32
        %swap3A_661 = tpu.memref_slice %swap3A_659[%scan3A_603, %swap3A_660] : memref<64x128xf32, #tpu.memory_space<vmem>> -> memref<1x128xf32, #tpu.memory_space<vmem>>
        %swap3A_662 = tpu.memref_squeeze %swap3A_661 : memref<1x128xf32, #tpu.memory_space<vmem>> -> memref<128xf32, #tpu.memory_space<vmem>>
        %swap3A_663 = arith.constant 48 : index
        %swap3A_664 = tpu.vector_load %swap3A_662[%swap3A_663] {strides = array<i32>} : memref<128xf32, #tpu.memory_space<vmem>>, vector<16xf32>,
        tpu.vector_store %swap3A_662[%swap3A_663], %unpack3A_644 {strides = array<i32>} : memref<128xf32, #tpu.memory_space<vmem>>, vector<16xf32>,
        %get3A_665 = arith.constant 1 : i32
        %get3A_666 = arith.constant 0 : i32
        %get3A_667 = arith.constant 0 : i32
        %get3A_668 = tpu.memref_slice %arg12[%get3A_665, %get3A_666, %get3A_667] : memref<2x64x128xbf16, #tpu.memory_space<vmem>> -> memref<1x64x128xbf16, #tpu.memory_space<vmem>>
        %get3A_669 = tpu.memref_squeeze %get3A_668 : memref<1x64x128xbf16, #tpu.memory_space<vmem>> -> memref<64x128xbf16, #tpu.memory_space<vmem>>
        %get3A_670 = arith.constant 0 : i32
        %get3A_671 = tpu.memref_slice %get3A_669[%scan3A_603, %get3A_670] : memref<64x128xbf16, #tpu.memory_space<vmem>> -> memref<1x128xbf16, #tpu.memory_space<vmem>>
        %get3A_672 = tpu.memref_squeeze %get3A_671 : memref<1x128xbf16, #tpu.memory_space<vmem>> -> memref<128xbf16, #tpu.memory_space<vmem>>
        %get3A_673 = arith.constant 64 : index
        %get3A_674 = tpu.vector_load %get3A_672[%get3A_673] {strides = array<i32>} : memref<128xbf16, #tpu.memory_space<vmem>>, vector<32xbf16>,
        %unpack3A_675 = tpu.unpack_subelements %get3A_674, 0 {pack_format = #tpu.pack_format<interleaved>} : vector<32xbf16> -> vector<16xf32>
        %unpack3A_676 = tpu.unpack_subelements %get3A_674, 1 {pack_format = #tpu.pack_format<interleaved>} : vector<32xbf16> -> vector<16xf32>
        %swap3A_677 = arith.constant 1 : i32
        %swap3A_678 = arith.constant 0 : i32
        %swap3A_679 = arith.constant 0 : i32
        %swap3A_680 = tpu.memref_slice %arg13[%swap3A_677, %swap3A_678, %swap3A_679] : memref<2x64x128xf32, #tpu.memory_space<vmem>> -> memref<1x64x128xf32, #tpu.memory_space<vmem>>
        %swap3A_681 = tpu.memref_squeeze %swap3A_680 : memref<1x64x128xf32, #tpu.memory_space<vmem>> -> memref<64x128xf32, #tpu.memory_space<vmem>>
        %swap3A_682 = arith.constant 0 : i32
        %swap3A_683 = tpu.memref_slice %swap3A_681[%scan3A_603, %swap3A_682] : memref<64x128xf32, #tpu.memory_space<vmem>> -> memref<1x128xf32, #tpu.memory_space<vmem>>
        %swap3A_684 = tpu.memref_squeeze %swap3A_683 : memref<1x128xf32, #tpu.memory_space<vmem>> -> memref<128xf32, #tpu.memory_space<vmem>>
        %swap3A_685 = arith.constant 64 : index
        %swap3A_686 = tpu.vector_load %swap3A_684[%swap3A_685] {strides = array<i32>} : memref<128xf32, #tpu.memory_space<vmem>>, vector<16xf32>,
        tpu.vector_store %swap3A_684[%swap3A_685], %unpack3A_675 {strides = array<i32>} : memref<128xf32, #tpu.memory_space<vmem>>, vector<16xf32>,
        %swap3A_687 = arith.constant 1 : i32
        %swap3A_688 = arith.constant 0 : i32
        %swap3A_689 = arith.constant 0 : i32
        %swap3A_690 = tpu.memref_slice %arg13[%swap3A_687, %swap3A_688, %swap3A_689] : memref<2x64x128xf32, #tpu.memory_space<vmem>> -> memref<1x64x128xf32, #tpu.memory_space<vmem>>
        %swap3A_691 = tpu.memref_squeeze %swap3A_690 : memref<1x64x128xf32, #tpu.memory_space<vmem>> -> memref<64x128xf32, #tpu.memory_space<vmem>>
        %swap3A_692 = arith.constant 0 : i32
        %swap3A_693 = tpu.memref_slice %swap3A_691[%scan3A_603, %swap3A_692] : memref<64x128xf32, #tpu.memory_space<vmem>> -> memref<1x128xf32, #tpu.memory_space<vmem>>
        %swap3A_694 = tpu.memref_squeeze %swap3A_693 : memref<1x128xf32, #tpu.memory_space<vmem>> -> memref<128xf32, #tpu.memory_space<vmem>>
        %swap3A_695 = arith.constant 80 : index
        %swap3A_696 = tpu.vector_load %swap3A_694[%swap3A_695] {strides = array<i32>} : memref<128xf32, #tpu.memory_space<vmem>>, vector<16xf32>,
        tpu.vector_store %swap3A_694[%swap3A_695], %unpack3A_676 {strides = array<i32>} : memref<128xf32, #tpu.memory_space<vmem>>, vector<16xf32>,
        %get3A_697 = arith.constant 1 : i32
        %get3A_698 = arith.constant 0 : i32
        %get3A_699 = arith.constant 0 : i32
        %get3A_700 = tpu.memref_slice %arg12[%get3A_697, %get3A_698, %get3A_699] : memref<2x64x128xbf16, #tpu.memory_space<vmem>> -> memref<1x64x128xbf16, #tpu.memory_space<vmem>>
        %get3A_701 = tpu.memref_squeeze %get3A_700 : memref<1x64x128xbf16, #tpu.memory_space<vmem>> -> memref<64x128xbf16, #tpu.memory_space<vmem>>
        %get3A_702 = arith.constant 0 : i32
        %get3A_703 = tpu.memref_slice %get3A_701[%scan3A_603, %get3A_702] : memref<64x128xbf16, #tpu.memory_space<vmem>> -> memref<1x128xbf16, #tpu.memory_space<vmem>>
        %get3A_704 = tpu.memref_squeeze %get3A_703 : memref<1x128xbf16, #tpu.memory_space<vmem>> -> memref<128xbf16, #tpu.memory_space<vmem>>
        %get3A_705 = arith.constant 96 : index
        %get3A_706 = tpu.vector_load %get3A_704[%get3A_705] {strides = array<i32>} : memref<128xbf16, #tpu.memory_space<vmem>>, vector<32xbf16>,
        %unpack3A_707 = tpu.unpack_subelements %get3A_706, 0 {pack_format = #tpu.pack_format<interleaved>} : vector<32xbf16> -> vector<16xf32>
        %unpack3A_708 = tpu.unpack_subelements %get3A_706, 1 {pack_format = #tpu.pack_format<interleaved>} : vector<32xbf16> -> vector<16xf32>
        %swap3A_709 = arith.constant 1 : i32
        %swap3A_710 = arith.constant 0 : i32
        %swap3A_711 = arith.constant 0 : i32
        %swap3A_712 = tpu.memref_slice %arg13[%swap3A_709, %swap3A_710, %swap3A_711] : memref<2x64x128xf32, #tpu.memory_space<vmem>> -> memref<1x64x128xf32, #tpu.memory_space<vmem>>
        %swap3A_713 = tpu.memref_squeeze %swap3A_712 : memref<1x64x128xf32, #tpu.memory_space<vmem>> -> memref<64x128xf32, #tpu.memory_space<vmem>>
        %swap3A_714 = arith.constant 0 : i32
        %swap3A_715 = tpu.memref_slice %swap3A_713[%scan3A_603, %swap3A_714] : memref<64x128xf32, #tpu.memory_space<vmem>> -> memref<1x128xf32, #tpu.memory_space<vmem>>
        %swap3A_716 = tpu.memref_squeeze %swap3A_715 : memref<1x128xf32, #tpu.memory_space<vmem>> -> memref<128xf32, #tpu.memory_space<vmem>>
        %swap3A_717 = arith.constant 96 : index
        %swap3A_718 = tpu.vector_load %swap3A_716[%swap3A_717] {strides = array<i32>} : memref<128xf32, #tpu.memory_space<vmem>>, vector<16xf32>,
        tpu.vector_store %swap3A_716[%swap3A_717], %unpack3A_707 {strides = array<i32>} : memref<128xf32, #tpu.memory_space<vmem>>, vector<16xf32>,
        %swap3A_719 = arith.constant 1 : i32
        %swap3A_720 = arith.constant 0 : i32
        %swap3A_721 = arith.constant 0 : i32
        %swap3A_722 = tpu.memref_slice %arg13[%swap3A_719, %swap3A_720, %swap3A_721] : memref<2x64x128xf32, #tpu.memory_space<vmem>> -> memref<1x64x128xf32, #tpu.memory_space<vmem>>
        %swap3A_723 = tpu.memref_squeeze %swap3A_722 : memref<1x64x128xf32, #tpu.memory_space<vmem>> -> memref<64x128xf32, #tpu.memory_space<vmem>>
        %swap3A_724 = arith.constant 0 : i32
        %swap3A_725 = tpu.memref_slice %swap3A_723[%scan3A_603, %swap3A_724] : memref<64x128xf32, #tpu.memory_space<vmem>> -> memref<1x128xf32, #tpu.memory_space<vmem>>
        %swap3A_726 = tpu.memref_squeeze %swap3A_725 : memref<1x128xf32, #tpu.memory_space<vmem>> -> memref<128xf32, #tpu.memory_space<vmem>>
        %swap3A_727 = arith.constant 112 : index
        %swap3A_728 = tpu.vector_load %swap3A_726[%swap3A_727] {strides = array<i32>} : memref<128xf32, #tpu.memory_space<vmem>>, vector<16xf32>,
        tpu.vector_store %swap3A_726[%swap3A_727], %unpack3A_708 {strides = array<i32>} : memref<128xf32, #tpu.memory_space<vmem>>, vector<16xf32>,
      }
      %scan3A_565 = arith.constant 64 : i32
      %dma_start3A_566 = arith.constant 1 : i32
      %dma_start3A_567 = arith.constant 7 : i32
      %dma_start3A_568 = arith.constant 0 : i32
      %dma_start3A_569 = arith.constant 0 : i32
      %dma_start3A_570 = tpu.memref_slice %arg13[%dma_start3A_566, %dma_start3A_568, %dma_start3A_569] : memref<2x64x128xf32, #tpu.memory_space<vmem>> -> memref<1x64x128xf32, #tpu.memory_space<vmem>>
      %dma_start3A_571 = tpu.memref_squeeze %dma_start3A_570 : memref<1x64x128xf32, #tpu.memory_space<vmem>> -> memref<64x128xf32, #tpu.memory_space<vmem>>
      %dma_start3A_572 = arith.constant 0 : i32
      %dma_start3A_573 = tpu.memref_slice %arg11[%dma_start3A_567, %dma_start3A_572] : memref<8x64xi32, #tpu.memory_space<vmem>> -> memref<1x64xi32, #tpu.memory_space<vmem>>
      %dma_start3A_574 = tpu.memref_squeeze %dma_start3A_573 : memref<1x64xi32, #tpu.memory_space<vmem>> -> memref<64xi32, #tpu.memory_space<vmem>>
      %dma_start3A_575 = arith.constant 0 : i32
      %dma_start3A_576 = arith.constant 0 : i32
      %dma_start3A_577 = tpu.memref_slice %arg15[%dma_start3A_575, %dma_start3A_576] : memref<10112x128xf32, #tpu.memory_space<vmem_shared>> -> memref<10112x128xf32, #tpu.memory_space<vmem_shared>>
      tpu.enqueue_indirect_dma source(%dma_start3A_571 : memref<64x128xf32, #tpu.memory_space<vmem>>) target(%dma_start3A_577 : memref<10112x128xf32, #tpu.memory_space<vmem_shared>>) offsets(%dma_start3A_574 : memref<64xi32, #tpu.memory_space<vmem>>) semaphore(%arg20 : memref<!tpu.dma_semaphore, #tpu.memory_space<semaphore_mem>>) {add = true}
      %run_scoped3A_578 = arith.constant 7 : i32
      "tpu.region"() ({
        %run_scoped3A_603 = tpu.sem_alloc : memref<!tpu.dma_semaphore, #tpu.memory_space<semaphore_mem>>
        %dma_start3A_604 = arith.constant 0 : i32
        %dma_start3A_605 = tpu.memref_slice %arg11[%run_scoped3A_578, %dma_start3A_604] : memref<8x64xi32, #tpu.memory_space<vmem>> -> memref<1x64xi32, #tpu.memory_space<vmem>>
        %dma_start3A_606 = tpu.memref_squeeze %dma_start3A_605 : memref<1x64xi32, #tpu.memory_space<vmem>> -> memref<64xi32, #tpu.memory_space<vmem>>
        %dma_start3A_607 = arith.constant 0 : i32
        %dma_start3A_608 = arith.constant 0 : i32
        %dma_start3A_609 = tpu.memref_slice %arg16[%dma_start3A_607, %dma_start3A_608] : memref<10112x16xf32, #tpu.memory_space<vmem_shared>> -> memref<10112x16xf32, #tpu.memory_space<vmem_shared>>
        tpu.enqueue_indirect_dma source(%arg14 : memref<64x16xf32, #tpu.memory_space<vmem>>) target(%dma_start3A_609 : memref<10112x16xf32, #tpu.memory_space<vmem_shared>>) offsets(%dma_start3A_606 : memref<64xi32, #tpu.memory_space<vmem>>) semaphore(%run_scoped3A_603 : memref<!tpu.dma_semaphore, #tpu.memory_space<semaphore_mem>>) {add = true}
        %dma_wait3A_610 = arith.constant 0 : i32
        %dma_wait3A_611 = tpu.memref_slice %arg11[%run_scoped3A_578, %dma_wait3A_610] : memref<8x64xi32, #tpu.memory_space<vmem>> -> memref<1x64xi32, #tpu.memory_space<vmem>>
        %dma_wait3A_612 = tpu.memref_squeeze %dma_wait3A_611 : memref<1x64xi32, #tpu.memory_space<vmem>> -> memref<64xi32, #tpu.memory_space<vmem>>
        %dma_wait3A_613 = arith.constant 0 : i32
        %dma_wait3A_614 = arith.constant 0 : i32
        %dma_wait3A_615 = tpu.memref_slice %arg16[%dma_wait3A_613, %dma_wait3A_614] : memref<10112x16xf32, #tpu.memory_space<vmem_shared>> -> memref<10112x16xf32, #tpu.memory_space<vmem_shared>>
        tpu.wait_indirect_dma semaphore(%run_scoped3A_603 : memref<!tpu.dma_semaphore, #tpu.memory_space<semaphore_mem>>) src(%arg14 : memref<64x16xf32, #tpu.memory_space<vmem>>) dst(%dma_wait3A_615 : memref<10112x16xf32, #tpu.memory_space<vmem_shared>>)
        tpu.yield
      }) : () -> ()
      %dma_wait3A_579 = arith.constant 0 : i32
      %dma_wait3A_580 = arith.constant 6 : i32
      %dma_wait3A_581 = arith.constant 0 : i32
      %dma_wait3A_582 = arith.constant 0 : i32
      %dma_wait3A_583 = tpu.memref_slice %arg13[%dma_wait3A_579, %dma_wait3A_581, %dma_wait3A_582] : memref<2x64x128xf32, #tpu.memory_space<vmem>> -> memref<1x64x128xf32, #tpu.memory_space<vmem>>
      %dma_wait3A_584 = tpu.memref_squeeze %dma_wait3A_583 : memref<1x64x128xf32, #tpu.memory_space<vmem>> -> memref<64x128xf32, #tpu.memory_space<vmem>>
      %dma_wait3A_585 = arith.constant 0 : i32
      %dma_wait3A_586 = tpu.memref_slice %arg11[%dma_wait3A_580, %dma_wait3A_585] : memref<8x64xi32, #tpu.memory_space<vmem>> -> memref<1x64xi32, #tpu.memory_space<vmem>>
      %dma_wait3A_587 = tpu.memref_squeeze %dma_wait3A_586 : memref<1x64xi32, #tpu.memory_space<vmem>> -> memref<64xi32, #tpu.memory_space<vmem>>
      %dma_wait3A_588 = arith.constant 0 : i32
      %dma_wait3A_589 = arith.constant 0 : i32
      %dma_wait3A_590 = tpu.memref_slice %arg15[%dma_wait3A_588, %dma_wait3A_589] : memref<10112x128xf32, #tpu.memory_space<vmem_shared>> -> memref<10112x128xf32, #tpu.memory_space<vmem_shared>>
      tpu.wait_indirect_dma semaphore(%arg19 : memref<!tpu.dma_semaphore, #tpu.memory_space<semaphore_mem>>) src(%dma_wait3A_584 : memref<64x128xf32, #tpu.memory_space<vmem>>) dst(%dma_wait3A_590 : memref<10112x128xf32, #tpu.memory_space<vmem_shared>>)
      %dma_wait3A_591 = arith.constant 1 : i32
      %dma_wait3A_592 = arith.constant 7 : i32
      %dma_wait3A_593 = arith.constant 0 : i32
      %dma_wait3A_594 = arith.constant 0 : i32
      %dma_wait3A_595 = tpu.memref_slice %arg13[%dma_wait3A_591, %dma_wait3A_593, %dma_wait3A_594] : memref<2x64x128xf32, #tpu.memory_space<vmem>> -> memref<1x64x128xf32, #tpu.memory_space<vmem>>
      %dma_wait3A_596 = tpu.memref_squeeze %dma_wait3A_595 : memref<1x64x128xf32, #tpu.memory_space<vmem>> -> memref<64x128xf32, #tpu.memory_space<vmem>>
      %dma_wait3A_597 = arith.constant 0 : i32
      %dma_wait3A_598 = tpu.memref_slice %arg11[%dma_wait3A_592, %dma_wait3A_597] : memref<8x64xi32, #tpu.memory_space<vmem>> -> memref<1x64xi32, #tpu.memory_space<vmem>>
      %dma_wait3A_599 = tpu.memref_squeeze %dma_wait3A_598 : memref<1x64xi32, #tpu.memory_space<vmem>> -> memref<64xi32, #tpu.memory_space<vmem>>
      %dma_wait3A_600 = arith.constant 0 : i32
      %dma_wait3A_601 = arith.constant 0 : i32
      %dma_wait3A_602 = tpu.memref_slice %arg15[%dma_wait3A_600, %dma_wait3A_601] : memref<10112x128xf32, #tpu.memory_space<vmem_shared>> -> memref<10112x128xf32, #tpu.memory_space<vmem_shared>>
      tpu.wait_indirect_dma semaphore(%arg20 : memref<!tpu.dma_semaphore, #tpu.memory_space<semaphore_mem>>) src(%dma_wait3A_596 : memref<64x128xf32, #tpu.memory_space<vmem>>) dst(%dma_wait3A_602 : memref<10112x128xf32, #tpu.memory_space<vmem_shared>>)
    }
    %scan3A_57 = arith.constant 20 : i32
    %barrier3A_58 = arith.constant 0 : index
    tpu.barrier barrier_id(%barrier3A_58)
    %add3A_59 = arith.constant 0 : i32
    %add3A_60 = arith.addi %mul3A_2, %add3A_59 : i32
    %run_scoped3A_61 = arith.constant 0 : i32
    "tpu.region"() ({
      %run_scoped3A_159 = tpu.sem_alloc : memref<!tpu.dma_semaphore, #tpu.memory_space<semaphore_mem>>
      %dma_start3A = arith.constant 0 : i32
      %dma_start3A_160 = arith.constant 0 : i32
      %dma_start3A_161 = tpu.memref_slice %arg13[%run_scoped3A_61, %dma_start3A, %dma_start3A_160] : memref<2x64x128xf32, #tpu.memory_space<vmem>> -> memref<1x64x128xf32, #tpu.memory_space<vmem>>
      %dma_start3A_162 = tpu.memref_squeeze %dma_start3A_161 : memref<1x64x128xf32, #tpu.memory_space<vmem>> -> memref<64x128xf32, #tpu.memory_space<vmem>>
      %dma_start3A_163 = arith.constant 0 : i32
      %dma_start3A_164 = arith.constant 0 : i32
      %dma_start3A_165 = tpu.memref_slice %dma_start3A_162[%dma_start3A_163, %dma_start3A_164] : memref<64x128xf32, #tpu.memory_space<vmem>> -> memref<64x128xf32, #tpu.memory_space<vmem>>
      %dma_start3A_166 = arith.constant 0 : i32
      %dma_start3A_167 = tpu.memref_slice %arg15[%add3A_60, %dma_start3A_166] : memref<10112x128xf32, #tpu.memory_space<vmem_shared>> -> memref<64x128xf32, #tpu.memory_space<vmem_shared>>
      %dma_start3A_168 = arith.constant 0 : i32
      %dma_start3A_169 = arith.constant 0 : i32
      %dma_start3A_170 = tpu.memref_slice %arg13[%run_scoped3A_61, %dma_start3A_168, %dma_start3A_169] : memref<2x64x128xf32, #tpu.memory_space<vmem>> -> memref<1x64x128xf32, #tpu.memory_space<vmem>>
      %dma_start3A_171 = tpu.memref_squeeze %dma_start3A_170 : memref<1x64x128xf32, #tpu.memory_space<vmem>> -> memref<64x128xf32, #tpu.memory_space<vmem>>
      %dma_start3A_172 = arith.constant 0 : i32
      %dma_start3A_173 = arith.constant 0 : i32
      %dma_start3A_174 = tpu.memref_slice %dma_start3A_171[%dma_start3A_172, %dma_start3A_173] : memref<64x128xf32, #tpu.memory_space<vmem>> -> memref<64x128xf32, #tpu.memory_space<vmem>>
      %dma_start3A_175 = arith.constant 0 : i32
      %dma_start3A_176 = tpu.memref_slice %arg15[%add3A_60, %dma_start3A_175] : memref<10112x128xf32, #tpu.memory_space<vmem_shared>> -> memref<64x128xf32, #tpu.memory_space<vmem_shared>>
      tpu.enqueue_dma source(%dma_start3A_176 : memref<64x128xf32, #tpu.memory_space<vmem_shared>>) target(%dma_start3A_174 : memref<64x128xf32, #tpu.memory_space<vmem>>) target_semaphore(%run_scoped3A_159 : memref<!tpu.dma_semaphore, #tpu.memory_space<semaphore_mem>>)
      %dma_wait3A = arith.constant 0 : i32
      %dma_wait3A_177 = arith.constant 0 : i32
      %dma_wait3A_178 = tpu.memref_slice %arg13[%run_scoped3A_61, %dma_wait3A, %dma_wait3A_177] : memref<2x64x128xf32, #tpu.memory_space<vmem>> -> memref<1x64x128xf32, #tpu.memory_space<vmem>>
      %dma_wait3A_179 = tpu.memref_squeeze %dma_wait3A_178 : memref<1x64x128xf32, #tpu.memory_space<vmem>> -> memref<64x128xf32, #tpu.memory_space<vmem>>
      %dma_wait3A_180 = arith.constant 0 : i32
      %dma_wait3A_181 = arith.constant 0 : i32
      %dma_wait3A_182 = tpu.memref_slice %dma_wait3A_179[%dma_wait3A_180, %dma_wait3A_181] : memref<64x128xf32, #tpu.memory_space<vmem>> -> memref<64x128xf32, #tpu.memory_space<vmem>>
      %dma_wait3A_183 = arith.constant 0 : i32
      %dma_wait3A_184 = tpu.memref_slice %arg15[%add3A_60, %dma_wait3A_183] : memref<10112x128xf32, #tpu.memory_space<vmem_shared>> -> memref<64x128xf32, #tpu.memory_space<vmem_shared>>
      %dma_wait3A_185 = arith.constant 0 : i32
      %dma_wait3A_186 = arith.constant 0 : i32
      %dma_wait3A_187 = tpu.memref_slice %arg13[%run_scoped3A_61, %dma_wait3A_185, %dma_wait3A_186] : memref<2x64x128xf32, #tpu.memory_space<vmem>> -> memref<1x64x128xf32, #tpu.memory_space<vmem>>
      %dma_wait3A_188 = tpu.memref_squeeze %dma_wait3A_187 : memref<1x64x128xf32, #tpu.memory_space<vmem>> -> memref<64x128xf32, #tpu.memory_space<vmem>>
      %dma_wait3A_189 = arith.constant 0 : i32
      %dma_wait3A_190 = arith.constant 0 : i32
      %dma_wait3A_191 = tpu.memref_slice %dma_wait3A_188[%dma_wait3A_189, %dma_wait3A_190] : memref<64x128xf32, #tpu.memory_space<vmem>> -> memref<64x128xf32, #tpu.memory_space<vmem>>
      %dma_wait3A_192 = arith.constant 0 : i32
      %dma_wait3A_193 = tpu.memref_slice %arg15[%add3A_60, %dma_wait3A_192] : memref<10112x128xf32, #tpu.memory_space<vmem_shared>> -> memref<64x128xf32, #tpu.memory_space<vmem_shared>>
      tpu.wait_dma2 semaphore(%run_scoped3A_159 : memref<!tpu.dma_semaphore, #tpu.memory_space<semaphore_mem>>) src(%dma_wait3A_193 : memref<64x128xf32, #tpu.memory_space<vmem_shared>>) dst(%dma_wait3A_191 : memref<64x128xf32, #tpu.memory_space<vmem>>)
      tpu.yield
    }) : () -> ()
    %add3A_62 = arith.constant 0 : i32
    %add3A_63 = arith.addi %mul3A_2, %add3A_62 : i32
    %run_scoped3A_64 = arith.constant 0 : i32
    "tpu.region"() ({
      %run_scoped3A_159 = tpu.sem_alloc : memref<!tpu.dma_semaphore, #tpu.memory_space<semaphore_mem>>
      %dma_start3A = arith.constant 0 : i32
      %dma_start3A_160 = arith.constant 0 : i32
      %dma_start3A_161 = tpu.memref_slice %arg13[%run_scoped3A_64, %dma_start3A, %dma_start3A_160] : memref<2x64x128xf32, #tpu.memory_space<vmem>> -> memref<1x64x128xf32, #tpu.memory_space<vmem>>
      %dma_start3A_162 = tpu.memref_squeeze %dma_start3A_161 : memref<1x64x128xf32, #tpu.memory_space<vmem>> -> memref<64x128xf32, #tpu.memory_space<vmem>>
      %dma_start3A_163 = arith.constant 0 : i32
      %dma_start3A_164 = arith.constant 0 : i32
      %dma_start3A_165 = tpu.memref_slice %dma_start3A_162[%dma_start3A_163, %dma_start3A_164] : memref<64x128xf32, #tpu.memory_space<vmem>> -> memref<64x128xf32, #tpu.memory_space<vmem>>
      %dma_start3A_166 = arith.constant 0 : i32
      %dma_start3A_167 = arith.constant 0 : i32
      %dma_start3A_168 = tpu.memref_slice %arg8[%arg0, %dma_start3A_166, %dma_start3A_167] : memref<2x10112x128xf32, #tpu.memory_space<hbm>> -> memref<1x10112x128xf32, #tpu.memory_space<hbm>>
      %dma_start3A_169 = tpu.memref_squeeze %dma_start3A_168 : memref<1x10112x128xf32, #tpu.memory_space<hbm>> -> memref<10112x128xf32, #tpu.memory_space<hbm>>
      %dma_start3A_170 = arith.constant 0 : i32
      %dma_start3A_171 = tpu.memref_slice %dma_start3A_169[%add3A_63, %dma_start3A_170] : memref<10112x128xf32, #tpu.memory_space<hbm>> -> memref<64x128xf32, #tpu.memory_space<hbm>>
      %dma_start3A_172 = arith.constant 0 : i32
      %dma_start3A_173 = arith.constant 0 : i32
      %dma_start3A_174 = tpu.memref_slice %arg8[%arg0, %dma_start3A_172, %dma_start3A_173] : memref<2x10112x128xf32, #tpu.memory_space<hbm>> -> memref<1x10112x128xf32, #tpu.memory_space<hbm>>
      %dma_start3A_175 = tpu.memref_squeeze %dma_start3A_174 : memref<1x10112x128xf32, #tpu.memory_space<hbm>> -> memref<10112x128xf32, #tpu.memory_space<hbm>>
      %dma_start3A_176 = arith.constant 0 : i32
      %dma_start3A_177 = tpu.memref_slice %dma_start3A_175[%add3A_63, %dma_start3A_176] : memref<10112x128xf32, #tpu.memory_space<hbm>> -> memref<64x128xf32, #tpu.memory_space<hbm>>
      %dma_start3A_178 = arith.constant 0 : i32
      %dma_start3A_179 = arith.constant 0 : i32
      %dma_start3A_180 = tpu.memref_slice %arg13[%run_scoped3A_64, %dma_start3A_178, %dma_start3A_179] : memref<2x64x128xf32, #tpu.memory_space<vmem>> -> memref<1x64x128xf32, #tpu.memory_space<vmem>>
      %dma_start3A_181 = tpu.memref_squeeze %dma_start3A_180 : memref<1x64x128xf32, #tpu.memory_space<vmem>> -> memref<64x128xf32, #tpu.memory_space<vmem>>
      %dma_start3A_182 = arith.constant 0 : i32
      %dma_start3A_183 = arith.constant 0 : i32
      %dma_start3A_184 = tpu.memref_slice %dma_start3A_181[%dma_start3A_182, %dma_start3A_183] : memref<64x128xf32, #tpu.memory_space<vmem>> -> memref<64x128xf32, #tpu.memory_space<vmem>>
      tpu.enqueue_dma source(%dma_start3A_184 : memref<64x128xf32, #tpu.memory_space<vmem>>) target(%dma_start3A_177 : memref<64x128xf32, #tpu.memory_space<hbm>>) target_semaphore(%run_scoped3A_159 : memref<!tpu.dma_semaphore, #tpu.memory_space<semaphore_mem>>)
      %dma_wait3A = arith.constant 0 : i32
      %dma_wait3A_185 = arith.constant 0 : i32
      %dma_wait3A_186 = tpu.memref_slice %arg13[%run_scoped3A_64, %dma_wait3A, %dma_wait3A_185] : memref<2x64x128xf32, #tpu.memory_space<vmem>> -> memref<1x64x128xf32, #tpu.memory_space<vmem>>
      %dma_wait3A_187 = tpu.memref_squeeze %dma_wait3A_186 : memref<1x64x128xf32, #tpu.memory_space<vmem>> -> memref<64x128xf32, #tpu.memory_space<vmem>>
      %dma_wait3A_188 = arith.constant 0 : i32
      %dma_wait3A_189 = arith.constant 0 : i32
      %dma_wait3A_190 = tpu.memref_slice %dma_wait3A_187[%dma_wait3A_188, %dma_wait3A_189] : memref<64x128xf32, #tpu.memory_space<vmem>> -> memref<64x128xf32, #tpu.memory_space<vmem>>
      %dma_wait3A_191 = arith.constant 0 : i32
      %dma_wait3A_192 = arith.constant 0 : i32
      %dma_wait3A_193 = tpu.memref_slice %arg8[%arg0, %dma_wait3A_191, %dma_wait3A_192] : memref<2x10112x128xf32, #tpu.memory_space<hbm>> -> memref<1x10112x128xf32, #tpu.memory_space<hbm>>
      %dma_wait3A_194 = tpu.memref_squeeze %dma_wait3A_193 : memref<1x10112x128xf32, #tpu.memory_space<hbm>> -> memref<10112x128xf32, #tpu.memory_space<hbm>>
      %dma_wait3A_195 = arith.constant 0 : i32
      %dma_wait3A_196 = tpu.memref_slice %dma_wait3A_194[%add3A_63, %dma_wait3A_195] : memref<10112x128xf32, #tpu.memory_space<hbm>> -> memref<64x128xf32, #tpu.memory_space<hbm>>
      %dma_wait3A_197 = arith.constant 0 : i32
      %dma_wait3A_198 = arith.constant 0 : i32
      %dma_wait3A_199 = tpu.memref_slice %arg8[%arg0, %dma_wait3A_197, %dma_wait3A_198] : memref<2x10112x128xf32, #tpu.memory_space<hbm>> -> memref<1x10112x128xf32, #tpu.memory_space<hbm>>
      %dma_wait3A_200 = tpu.memref_squeeze %dma_wait3A_199 : memref<1x10112x128xf32, #tpu.memory_space<hbm>> -> memref<10112x128xf32, #tpu.memory_space<hbm>>
      %dma_wait3A_201 = arith.constant 0 : i32
      %dma_wait3A_202 = tpu.memref_slice %dma_wait3A_200[%add3A_63, %dma_wait3A_201] : memref<10112x128xf32, #tpu.memory_space<hbm>> -> memref<64x128xf32, #tpu.memory_space<hbm>>
      %dma_wait3A_203 = arith.constant 0 : i32
      %dma_wait3A_204 = arith.constant 0 : i32
      %dma_wait3A_205 = tpu.memref_slice %arg13[%run_scoped3A_64, %dma_wait3A_203, %dma_wait3A_204] : memref<2x64x128xf32, #tpu.memory_space<vmem>> -> memref<1x64x128xf32, #tpu.memory_space<vmem>>
      %dma_wait3A_206 = tpu.memref_squeeze %dma_wait3A_205 : memref<1x64x128xf32, #tpu.memory_space<vmem>> -> memref<64x128xf32, #tpu.memory_space<vmem>>
      %dma_wait3A_207 = arith.constant 0 : i32
      %dma_wait3A_208 = arith.constant 0 : i32
      %dma_wait3A_209 = tpu.memref_slice %dma_wait3A_206[%dma_wait3A_207, %dma_wait3A_208] : memref<64x128xf32, #tpu.memory_space<vmem>> -> memref<64x128xf32, #tpu.memory_space<vmem>>
      tpu.wait_dma2 semaphore(%run_scoped3A_159 : memref<!tpu.dma_semaphore, #tpu.memory_space<semaphore_mem>>) src(%dma_wait3A_209 : memref<64x128xf32, #tpu.memory_space<vmem>>) dst(%dma_wait3A_202 : memref<64x128xf32, #tpu.memory_space<hbm>>)
      tpu.yield
    }) : () -> ()
    %add3A_65 = arith.constant 0 : i32
    %add3A_66 = arith.addi %mul3A_2, %add3A_65 : i32
    "tpu.region"() ({
      %run_scoped3A_159 = tpu.sem_alloc : memref<!tpu.dma_semaphore, #tpu.memory_space<semaphore_mem>>
      %dma_start3A = arith.constant 0 : i32
      %dma_start3A_160 = arith.constant 0 : i32
      %dma_start3A_161 = tpu.memref_slice %arg14[%dma_start3A, %dma_start3A_160] : memref<64x16xf32, #tpu.memory_space<vmem>> -> memref<64x16xf32, #tpu.memory_space<vmem>>
      %dma_start3A_162 = arith.constant 0 : i32
      %dma_start3A_163 = tpu.memref_slice %arg16[%add3A_66, %dma_start3A_162] : memref<10112x16xf32, #tpu.memory_space<vmem_shared>> -> memref<64x16xf32, #tpu.memory_space<vmem_shared>>
      %dma_start3A_164 = arith.constant 0 : i32
      %dma_start3A_165 = arith.constant 0 : i32
      %dma_start3A_166 = tpu.memref_slice %arg14[%dma_start3A_164, %dma_start3A_165] : memref<64x16xf32, #tpu.memory_space<vmem>> -> memref<64x16xf32, #tpu.memory_space<vmem>>
      %dma_start3A_167 = arith.constant 0 : i32
      %dma_start3A_168 = tpu.memref_slice %arg16[%add3A_66, %dma_start3A_167] : memref<10112x16xf32, #tpu.memory_space<vmem_shared>> -> memref<64x16xf32, #tpu.memory_space<vmem_shared>>
      tpu.enqueue_dma source(%dma_start3A_168 : memref<64x16xf32, #tpu.memory_space<vmem_shared>>) target(%dma_start3A_166 : memref<64x16xf32, #tpu.memory_space<vmem>>) target_semaphore(%run_scoped3A_159 : memref<!tpu.dma_semaphore, #tpu.memory_space<semaphore_mem>>)
      %dma_wait3A = arith.constant 0 : i32
      %dma_wait3A_169 = arith.constant 0 : i32
      %dma_wait3A_170 = tpu.memref_slice %arg14[%dma_wait3A, %dma_wait3A_169] : memref<64x16xf32, #tpu.memory_space<vmem>> -> memref<64x16xf32, #tpu.memory_space<vmem>>
      %dma_wait3A_171 = arith.constant 0 : i32
      %dma_wait3A_172 = tpu.memref_slice %arg16[%add3A_66, %dma_wait3A_171] : memref<10112x16xf32, #tpu.memory_space<vmem_shared>> -> memref<64x16xf32, #tpu.memory_space<vmem_shared>>
      %dma_wait3A_173 = arith.constant 0 : i32
      %dma_wait3A_174 = arith.constant 0 : i32
      %dma_wait3A_175 = tpu.memref_slice %arg14[%dma_wait3A_173, %dma_wait3A_174] : memref<64x16xf32, #tpu.memory_space<vmem>> -> memref<64x16xf32, #tpu.memory_space<vmem>>
      %dma_wait3A_176 = arith.constant 0 : i32
      %dma_wait3A_177 = tpu.memref_slice %arg16[%add3A_66, %dma_wait3A_176] : memref<10112x16xf32, #tpu.memory_space<vmem_shared>> -> memref<64x16xf32, #tpu.memory_space<vmem_shared>>
      tpu.wait_dma2 semaphore(%run_scoped3A_159 : memref<!tpu.dma_semaphore, #tpu.memory_space<semaphore_mem>>) src(%dma_wait3A_177 : memref<64x16xf32, #tpu.memory_space<vmem_shared>>) dst(%dma_wait3A_175 : memref<64x16xf32, #tpu.memory_space<vmem>>)
      tpu.yield
    }) : () -> ()
    %add3A_67 = arith.constant 0 : i32
    %add3A_68 = arith.addi %mul3A_2, %add3A_67 : i32
    "tpu.region"() ({
      %run_scoped3A_159 = tpu.sem_alloc : memref<!tpu.dma_semaphore, #tpu.memory_space<semaphore_mem>>
      %dma_start3A = arith.constant 0 : i32
      %dma_start3A_160 = arith.constant 0 : i32
      %dma_start3A_161 = tpu.memref_slice %arg14[%dma_start3A, %dma_start3A_160] : memref<64x16xf32, #tpu.memory_space<vmem>> -> memref<64x16xf32, #tpu.memory_space<vmem>>
      %dma_start3A_162 = arith.constant 0 : i32
      %dma_start3A_163 = arith.constant 0 : i32
      %dma_start3A_164 = tpu.memref_slice %arg9[%arg0, %dma_start3A_162, %dma_start3A_163] : memref<2x10112x16xf32, #tpu.memory_space<hbm>> -> memref<1x10112x16xf32, #tpu.memory_space<hbm>>
      %dma_start3A_165 = tpu.memref_squeeze %dma_start3A_164 : memref<1x10112x16xf32, #tpu.memory_space<hbm>> -> memref<10112x16xf32, #tpu.memory_space<hbm>>
      %dma_start3A_166 = arith.constant 0 : i32
      %dma_start3A_167 = tpu.memref_slice %dma_start3A_165[%add3A_68, %dma_start3A_166] : memref<10112x16xf32, #tpu.memory_space<hbm>> -> memref<64x16xf32, #tpu.memory_space<hbm>>
      %dma_start3A_168 = arith.constant 0 : i32
      %dma_start3A_169 = arith.constant 0 : i32
      %dma_start3A_170 = tpu.memref_slice %arg9[%arg0, %dma_start3A_168, %dma_start3A_169] : memref<2x10112x16xf32, #tpu.memory_space<hbm>> -> memref<1x10112x16xf32, #tpu.memory_space<hbm>>
      %dma_start3A_171 = tpu.memref_squeeze %dma_start3A_170 : memref<1x10112x16xf32, #tpu.memory_space<hbm>> -> memref<10112x16xf32, #tpu.memory_space<hbm>>
      %dma_start3A_172 = arith.constant 0 : i32
      %dma_start3A_173 = tpu.memref_slice %dma_start3A_171[%add3A_68, %dma_start3A_172] : memref<10112x16xf32, #tpu.memory_space<hbm>> -> memref<64x16xf32, #tpu.memory_space<hbm>>
      %dma_start3A_174 = arith.constant 0 : i32
      %dma_start3A_175 = arith.constant 0 : i32
      %dma_start3A_176 = tpu.memref_slice %arg14[%dma_start3A_174, %dma_start3A_175] : memref<64x16xf32, #tpu.memory_space<vmem>> -> memref<64x16xf32, #tpu.memory_space<vmem>>
      tpu.enqueue_dma source(%dma_start3A_176 : memref<64x16xf32, #tpu.memory_space<vmem>>) target(%dma_start3A_173 : memref<64x16xf32, #tpu.memory_space<hbm>>) target_semaphore(%run_scoped3A_159 : memref<!tpu.dma_semaphore, #tpu.memory_space<semaphore_mem>>)
      %dma_wait3A = arith.constant 0 : i32
      %dma_wait3A_177 = arith.constant 0 : i32
      %dma_wait3A_178 = tpu.memref_slice %arg14[%dma_wait3A, %dma_wait3A_177] : memref<64x16xf32, #tpu.memory_space<vmem>> -> memref<64x16xf32, #tpu.memory_space<vmem>>
      %dma_wait3A_179 = arith.constant 0 : i32
      %dma_wait3A_180 = arith.constant 0 : i32
      %dma_wait3A_181 = tpu.memref_slice %arg9[%arg0, %dma_wait3A_179, %dma_wait3A_180] : memref<2x10112x16xf32, #tpu.memory_space<hbm>> -> memref<1x10112x16xf32, #tpu.memory_space<hbm>>
      %dma_wait3A_182 = tpu.memref_squeeze %dma_wait3A_181 : memref<1x10112x16xf32, #tpu.memory_space<hbm>> -> memref<10112x16xf32, #tpu.memory_space<hbm>>
      %dma_wait3A_183 = arith.constant 0 : i32
      %dma_wait3A_184 = tpu.memref_slice %dma_wait3A_182[%add3A_68, %dma_wait3A_183] : memref<10112x16xf32, #tpu.memory_space<hbm>> -> memref<64x16xf32, #tpu.memory_space<hbm>>
      %dma_wait3A_185 = arith.constant 0 : i32
      %dma_wait3A_186 = arith.constant 0 : i32
      %dma_wait3A_187 = tpu.memref_slice %arg9[%arg0, %dma_wait3A_185, %dma_wait3A_186] : memref<2x10112x16xf32, #tpu.memory_space<hbm>> -> memref<1x10112x16xf32, #tpu.memory_space<hbm>>
      %dma_wait3A_188 = tpu.memref_squeeze %dma_wait3A_187 : memref<1x10112x16xf32, #tpu.memory_space<hbm>> -> memref<10112x16xf32, #tpu.memory_space<hbm>>
      %dma_wait3A_189 = arith.constant 0 : i32
      %dma_wait3A_190 = tpu.memref_slice %dma_wait3A_188[%add3A_68, %dma_wait3A_189] : memref<10112x16xf32, #tpu.memory_space<hbm>> -> memref<64x16xf32, #tpu.memory_space<hbm>>
      %dma_wait3A_191 = arith.constant 0 : i32
      %dma_wait3A_192 = arith.constant 0 : i32
      %dma_wait3A_193 = tpu.memref_slice %arg14[%dma_wait3A_191, %dma_wait3A_192] : memref<64x16xf32, #tpu.memory_space<vmem>> -> memref<64x16xf32, #tpu.memory_space<vmem>>
      tpu.wait_dma2 semaphore(%run_scoped3A_159 : memref<!tpu.dma_semaphore, #tpu.memory_space<semaphore_mem>>) src(%dma_wait3A_193 : memref<64x16xf32, #tpu.memory_space<vmem>>) dst(%dma_wait3A_190 : memref<64x16xf32, #tpu.memory_space<hbm>>)
      tpu.yield
    }) : () -> ()
    %add3A_69 = arith.constant 64 : i32
    %add3A_70 = arith.addi %mul3A_2, %add3A_69 : i32
    %run_scoped3A_71 = arith.constant 0 : i32
    "tpu.region"() ({
      %run_scoped3A_159 = tpu.sem_alloc : memref<!tpu.dma_semaphore, #tpu.memory_space<semaphore_mem>>
      %dma_start3A = arith.constant 0 : i32
      %dma_start3A_160 = arith.constant 0 : i32
      %dma_start3A_161 = tpu.memref_slice %arg13[%run_scoped3A_71, %dma_start3A, %dma_start3A_160] : memref<2x64x128xf32, #tpu.memory_space<vmem>> -> memref<1x64x128xf32, #tpu.memory_space<vmem>>
      %dma_start3A_162 = tpu.memref_squeeze %dma_start3A_161 : memref<1x64x128xf32, #tpu.memory_space<vmem>> -> memref<64x128xf32, #tpu.memory_space<vmem>>
      %dma_start3A_163 = arith.constant 0 : i32
      %dma_start3A_164 = arith.constant 0 : i32
      %dma_start3A_165 = tpu.memref_slice %dma_start3A_162[%dma_start3A_163, %dma_start3A_164] : memref<64x128xf32, #tpu.memory_space<vmem>> -> memref<64x128xf32, #tpu.memory_space<vmem>>
      %dma_start3A_166 = arith.constant 0 : i32
      %dma_start3A_167 = tpu.memref_slice %arg15[%add3A_70, %dma_start3A_166] : memref<10112x128xf32, #tpu.memory_space<vmem_shared>> -> memref<64x128xf32, #tpu.memory_space<vmem_shared>>
      %dma_start3A_168 = arith.constant 0 : i32
      %dma_start3A_169 = arith.constant 0 : i32
      %dma_start3A_170 = tpu.memref_slice %arg13[%run_scoped3A_71, %dma_start3A_168, %dma_start3A_169] : memref<2x64x128xf32, #tpu.memory_space<vmem>> -> memref<1x64x128xf32, #tpu.memory_space<vmem>>
      %dma_start3A_171 = tpu.memref_squeeze %dma_start3A_170 : memref<1x64x128xf32, #tpu.memory_space<vmem>> -> memref<64x128xf32, #tpu.memory_space<vmem>>
      %dma_start3A_172 = arith.constant 0 : i32
      %dma_start3A_173 = arith.constant 0 : i32
      %dma_start3A_174 = tpu.memref_slice %dma_start3A_171[%dma_start3A_172, %dma_start3A_173] : memref<64x128xf32, #tpu.memory_space<vmem>> -> memref<64x128xf32, #tpu.memory_space<vmem>>
      %dma_start3A_175 = arith.constant 0 : i32
      %dma_start3A_176 = tpu.memref_slice %arg15[%add3A_70, %dma_start3A_175] : memref<10112x128xf32, #tpu.memory_space<vmem_shared>> -> memref<64x128xf32, #tpu.memory_space<vmem_shared>>
      tpu.enqueue_dma source(%dma_start3A_176 : memref<64x128xf32, #tpu.memory_space<vmem_shared>>) target(%dma_start3A_174 : memref<64x128xf32, #tpu.memory_space<vmem>>) target_semaphore(%run_scoped3A_159 : memref<!tpu.dma_semaphore, #tpu.memory_space<semaphore_mem>>)
      %dma_wait3A = arith.constant 0 : i32
      %dma_wait3A_177 = arith.constant 0 : i32
      %dma_wait3A_178 = tpu.memref_slice %arg13[%run_scoped3A_71, %dma_wait3A, %dma_wait3A_177] : memref<2x64x128xf32, #tpu.memory_space<vmem>> -> memref<1x64x128xf32, #tpu.memory_space<vmem>>
      %dma_wait3A_179 = tpu.memref_squeeze %dma_wait3A_178 : memref<1x64x128xf32, #tpu.memory_space<vmem>> -> memref<64x128xf32, #tpu.memory_space<vmem>>
      %dma_wait3A_180 = arith.constant 0 : i32
      %dma_wait3A_181 = arith.constant 0 : i32
      %dma_wait3A_182 = tpu.memref_slice %dma_wait3A_179[%dma_wait3A_180, %dma_wait3A_181] : memref<64x128xf32, #tpu.memory_space<vmem>> -> memref<64x128xf32, #tpu.memory_space<vmem>>
      %dma_wait3A_183 = arith.constant 0 : i32
      %dma_wait3A_184 = tpu.memref_slice %arg15[%add3A_70, %dma_wait3A_183] : memref<10112x128xf32, #tpu.memory_space<vmem_shared>> -> memref<64x128xf32, #tpu.memory_space<vmem_shared>>
      %dma_wait3A_185 = arith.constant 0 : i32
      %dma_wait3A_186 = arith.constant 0 : i32
      %dma_wait3A_187 = tpu.memref_slice %arg13[%run_scoped3A_71, %dma_wait3A_185, %dma_wait3A_186] : memref<2x64x128xf32, #tpu.memory_space<vmem>> -> memref<1x64x128xf32, #tpu.memory_space<vmem>>
      %dma_wait3A_188 = tpu.memref_squeeze %dma_wait3A_187 : memref<1x64x128xf32, #tpu.memory_space<vmem>> -> memref<64x128xf32, #tpu.memory_space<vmem>>
      %dma_wait3A_189 = arith.constant 0 : i32
      %dma_wait3A_190 = arith.constant 0 : i32
      %dma_wait3A_191 = tpu.memref_slice %dma_wait3A_188[%dma_wait3A_189, %dma_wait3A_190] : memref<64x128xf32, #tpu.memory_space<vmem>> -> memref<64x128xf32, #tpu.memory_space<vmem>>
      %dma_wait3A_192 = arith.constant 0 : i32
      %dma_wait3A_193 = tpu.memref_slice %arg15[%add3A_70, %dma_wait3A_192] : memref<10112x128xf32, #tpu.memory_space<vmem_shared>> -> memref<64x128xf32, #tpu.memory_space<vmem_shared>>
      tpu.wait_dma2 semaphore(%run_scoped3A_159 : memref<!tpu.dma_semaphore, #tpu.memory_space<semaphore_mem>>) src(%dma_wait3A_193 : memref<64x128xf32, #tpu.memory_space<vmem_shared>>) dst(%dma_wait3A_191 : memref<64x128xf32, #tpu.memory_space<vmem>>)
      tpu.yield
    }) : () -> ()
    %add3A_72 = arith.constant 64 : i32
    %add3A_73 = arith.addi %mul3A_2, %add3A_72 : i32
    %run_scoped3A_74 = arith.constant 0 : i32
    "tpu.region"() ({
      %run_scoped3A_159 = tpu.sem_alloc : memref<!tpu.dma_semaphore, #tpu.memory_space<semaphore_mem>>
      %dma_start3A = arith.constant 0 : i32
      %dma_start3A_160 = arith.constant 0 : i32
      %dma_start3A_161 = tpu.memref_slice %arg13[%run_scoped3A_74, %dma_start3A, %dma_start3A_160] : memref<2x64x128xf32, #tpu.memory_space<vmem>> -> memref<1x64x128xf32, #tpu.memory_space<vmem>>
      %dma_start3A_162 = tpu.memref_squeeze %dma_start3A_161 : memref<1x64x128xf32, #tpu.memory_space<vmem>> -> memref<64x128xf32, #tpu.memory_space<vmem>>
      %dma_start3A_163 = arith.constant 0 : i32
      %dma_start3A_164 = arith.constant 0 : i32
      %dma_start3A_165 = tpu.memref_slice %dma_start3A_162[%dma_start3A_163, %dma_start3A_164] : memref<64x128xf32, #tpu.memory_space<vmem>> -> memref<64x128xf32, #tpu.memory_space<vmem>>
      %dma_start3A_166 = arith.constant 0 : i32
      %dma_start3A_167 = arith.constant 0 : i32
      %dma_start3A_168 = tpu.memref_slice %arg8[%arg0, %dma_start3A_166, %dma_start3A_167] : memref<2x10112x128xf32, #tpu.memory_space<hbm>> -> memref<1x10112x128xf32, #tpu.memory_space<hbm>>
      %dma_start3A_169 = tpu.memref_squeeze %dma_start3A_168 : memref<1x10112x128xf32, #tpu.memory_space<hbm>> -> memref<10112x128xf32, #tpu.memory_space<hbm>>
      %dma_start3A_170 = arith.constant 0 : i32
      %dma_start3A_171 = tpu.memref_slice %dma_start3A_169[%add3A_73, %dma_start3A_170] : memref<10112x128xf32, #tpu.memory_space<hbm>> -> memref<64x128xf32, #tpu.memory_space<hbm>>
      %dma_start3A_172 = arith.constant 0 : i32
      %dma_start3A_173 = arith.constant 0 : i32
      %dma_start3A_174 = tpu.memref_slice %arg8[%arg0, %dma_start3A_172, %dma_start3A_173] : memref<2x10112x128xf32, #tpu.memory_space<hbm>> -> memref<1x10112x128xf32, #tpu.memory_space<hbm>>
      %dma_start3A_175 = tpu.memref_squeeze %dma_start3A_174 : memref<1x10112x128xf32, #tpu.memory_space<hbm>> -> memref<10112x128xf32, #tpu.memory_space<hbm>>
      %dma_start3A_176 = arith.constant 0 : i32
      %dma_start3A_177 = tpu.memref_slice %dma_start3A_175[%add3A_73, %dma_start3A_176] : memref<10112x128xf32, #tpu.memory_space<hbm>> -> memref<64x128xf32, #tpu.memory_space<hbm>>
      %dma_start3A_178 = arith.constant 0 : i32
      %dma_start3A_179 = arith.constant 0 : i32
      %dma_start3A_180 = tpu.memref_slice %arg13[%run_scoped3A_74, %dma_start3A_178, %dma_start3A_179] : memref<2x64x128xf32, #tpu.memory_space<vmem>> -> memref<1x64x128xf32, #tpu.memory_space<vmem>>
      %dma_start3A_181 = tpu.memref_squeeze %dma_start3A_180 : memref<1x64x128xf32, #tpu.memory_space<vmem>> -> memref<64x128xf32, #tpu.memory_space<vmem>>
      %dma_start3A_182 = arith.constant 0 : i32
      %dma_start3A_183 = arith.constant 0 : i32
      %dma_start3A_184 = tpu.memref_slice %dma_start3A_181[%dma_start3A_182, %dma_start3A_183] : memref<64x128xf32, #tpu.memory_space<vmem>> -> memref<64x128xf32, #tpu.memory_space<vmem>>
      tpu.enqueue_dma source(%dma_start3A_184 : memref<64x128xf32, #tpu.memory_space<vmem>>) target(%dma_start3A_177 : memref<64x128xf32, #tpu.memory_space<hbm>>) target_semaphore(%run_scoped3A_159 : memref<!tpu.dma_semaphore, #tpu.memory_space<semaphore_mem>>)
      %dma_wait3A = arith.constant 0 : i32
      %dma_wait3A_185 = arith.constant 0 : i32
      %dma_wait3A_186 = tpu.memref_slice %arg13[%run_scoped3A_74, %dma_wait3A, %dma_wait3A_185] : memref<2x64x128xf32, #tpu.memory_space<vmem>> -> memref<1x64x128xf32, #tpu.memory_space<vmem>>
      %dma_wait3A_187 = tpu.memref_squeeze %dma_wait3A_186 : memref<1x64x128xf32, #tpu.memory_space<vmem>> -> memref<64x128xf32, #tpu.memory_space<vmem>>
      %dma_wait3A_188 = arith.constant 0 : i32
      %dma_wait3A_189 = arith.constant 0 : i32
      %dma_wait3A_190 = tpu.memref_slice %dma_wait3A_187[%dma_wait3A_188, %dma_wait3A_189] : memref<64x128xf32, #tpu.memory_space<vmem>> -> memref<64x128xf32, #tpu.memory_space<vmem>>
      %dma_wait3A_191 = arith.constant 0 : i32
      %dma_wait3A_192 = arith.constant 0 : i32
      %dma_wait3A_193 = tpu.memref_slice %arg8[%arg0, %dma_wait3A_191, %dma_wait3A_192] : memref<2x10112x128xf32, #tpu.memory_space<hbm>> -> memref<1x10112x128xf32, #tpu.memory_space<hbm>>
      %dma_wait3A_194 = tpu.memref_squeeze %dma_wait3A_193 : memref<1x10112x128xf32, #tpu.memory_space<hbm>> -> memref<10112x128xf32, #tpu.memory_space<hbm>>
      %dma_wait3A_195 = arith.constant 0 : i32
      %dma_wait3A_196 = tpu.memref_slice %dma_wait3A_194[%add3A_73, %dma_wait3A_195] : memref<10112x128xf32, #tpu.memory_space<hbm>> -> memref<64x128xf32, #tpu.memory_space<hbm>>
      %dma_wait3A_197 = arith.constant 0 : i32
      %dma_wait3A_198 = arith.constant 0 : i32
      %dma_wait3A_199 = tpu.memref_slice %arg8[%arg0, %dma_wait3A_197, %dma_wait3A_198] : memref<2x10112x128xf32, #tpu.memory_space<hbm>> -> memref<1x10112x128xf32, #tpu.memory_space<hbm>>
      %dma_wait3A_200 = tpu.memref_squeeze %dma_wait3A_199 : memref<1x10112x128xf32, #tpu.memory_space<hbm>> -> memref<10112x128xf32, #tpu.memory_space<hbm>>
      %dma_wait3A_201 = arith.constant 0 : i32
      %dma_wait3A_202 = tpu.memref_slice %dma_wait3A_200[%add3A_73, %dma_wait3A_201] : memref<10112x128xf32, #tpu.memory_space<hbm>> -> memref<64x128xf32, #tpu.memory_space<hbm>>
      %dma_wait3A_203 = arith.constant 0 : i32
      %dma_wait3A_204 = arith.constant 0 : i32
      %dma_wait3A_205 = tpu.memref_slice %arg13[%run_scoped3A_74, %dma_wait3A_203, %dma_wait3A_204] : memref<2x64x128xf32, #tpu.memory_space<vmem>> -> memref<1x64x128xf32, #tpu.memory_space<vmem>>
      %dma_wait3A_206 = tpu.memref_squeeze %dma_wait3A_205 : memref<1x64x128xf32, #tpu.memory_space<vmem>> -> memref<64x128xf32, #tpu.memory_space<vmem>>
      %dma_wait3A_207 = arith.constant 0 : i32
      %dma_wait3A_208 = arith.constant 0 : i32
      %dma_wait3A_209 = tpu.memref_slice %dma_wait3A_206[%dma_wait3A_207, %dma_wait3A_208] : memref<64x128xf32, #tpu.memory_space<vmem>> -> memref<64x128xf32, #tpu.memory_space<vmem>>
      tpu.wait_dma2 semaphore(%run_scoped3A_159 : memref<!tpu.dma_semaphore, #tpu.memory_space<semaphore_mem>>) src(%dma_wait3A_209 : memref<64x128xf32, #tpu.memory_space<vmem>>) dst(%dma_wait3A_202 : memref<64x128xf32, #tpu.memory_space<hbm>>)
      tpu.yield
    }) : () -> ()
    %add3A_75 = arith.constant 64 : i32
    %add3A_76 = arith.addi %mul3A_2, %add3A_75 : i32
    "tpu.region"() ({
      %run_scoped3A_159 = tpu.sem_alloc : memref<!tpu.dma_semaphore, #tpu.memory_space<semaphore_mem>>
      %dma_start3A = arith.constant 0 : i32
      %dma_start3A_160 = arith.constant 0 : i32
      %dma_start3A_161 = tpu.memref_slice %arg14[%dma_start3A, %dma_start3A_160] : memref<64x16xf32, #tpu.memory_space<vmem>> -> memref<64x16xf32, #tpu.memory_space<vmem>>
      %dma_start3A_162 = arith.constant 0 : i32
      %dma_start3A_163 = tpu.memref_slice %arg16[%add3A_76, %dma_start3A_162] : memref<10112x16xf32, #tpu.memory_space<vmem_shared>> -> memref<64x16xf32, #tpu.memory_space<vmem_shared>>
      %dma_start3A_164 = arith.constant 0 : i32
      %dma_start3A_165 = arith.constant 0 : i32
      %dma_start3A_166 = tpu.memref_slice %arg14[%dma_start3A_164, %dma_start3A_165] : memref<64x16xf32, #tpu.memory_space<vmem>> -> memref<64x16xf32, #tpu.memory_space<vmem>>
      %dma_start3A_167 = arith.constant 0 : i32
      %dma_start3A_168 = tpu.memref_slice %arg16[%add3A_76, %dma_start3A_167] : memref<10112x16xf32, #tpu.memory_space<vmem_shared>> -> memref<64x16xf32, #tpu.memory_space<vmem_shared>>
      tpu.enqueue_dma source(%dma_start3A_168 : memref<64x16xf32, #tpu.memory_space<vmem_shared>>) target(%dma_start3A_166 : memref<64x16xf32, #tpu.memory_space<vmem>>) target_semaphore(%run_scoped3A_159 : memref<!tpu.dma_semaphore, #tpu.memory_space<semaphore_mem>>)
      %dma_wait3A = arith.constant 0 : i32
      %dma_wait3A_169 = arith.constant 0 : i32
      %dma_wait3A_170 = tpu.memref_slice %arg14[%dma_wait3A, %dma_wait3A_169] : memref<64x16xf32, #tpu.memory_space<vmem>> -> memref<64x16xf32, #tpu.memory_space<vmem>>
      %dma_wait3A_171 = arith.constant 0 : i32
      %dma_wait3A_172 = tpu.memref_slice %arg16[%add3A_76, %dma_wait3A_171] : memref<10112x16xf32, #tpu.memory_space<vmem_shared>> -> memref<64x16xf32, #tpu.memory_space<vmem_shared>>
      %dma_wait3A_173 = arith.constant 0 : i32
      %dma_wait3A_174 = arith.constant 0 : i32
      %dma_wait3A_175 = tpu.memref_slice %arg14[%dma_wait3A_173, %dma_wait3A_174] : memref<64x16xf32, #tpu.memory_space<vmem>> -> memref<64x16xf32, #tpu.memory_space<vmem>>
      %dma_wait3A_176 = arith.constant 0 : i32
      %dma_wait3A_177 = tpu.memref_slice %arg16[%add3A_76, %dma_wait3A_176] : memref<10112x16xf32, #tpu.memory_space<vmem_shared>> -> memref<64x16xf32, #tpu.memory_space<vmem_shared>>
      tpu.wait_dma2 semaphore(%run_scoped3A_159 : memref<!tpu.dma_semaphore, #tpu.memory_space<semaphore_mem>>) src(%dma_wait3A_177 : memref<64x16xf32, #tpu.memory_space<vmem_shared>>) dst(%dma_wait3A_175 : memref<64x16xf32, #tpu.memory_space<vmem>>)
      tpu.yield
    }) : () -> ()
    %add3A_77 = arith.constant 64 : i32
    %add3A_78 = arith.addi %mul3A_2, %add3A_77 : i32
    "tpu.region"() ({
      %run_scoped3A_159 = tpu.sem_alloc : memref<!tpu.dma_semaphore, #tpu.memory_space<semaphore_mem>>
      %dma_start3A = arith.constant 0 : i32
      %dma_start3A_160 = arith.constant 0 : i32
      %dma_start3A_161 = tpu.memref_slice %arg14[%dma_start3A, %dma_start3A_160] : memref<64x16xf32, #tpu.memory_space<vmem>> -> memref<64x16xf32, #tpu.memory_space<vmem>>
      %dma_start3A_162 = arith.constant 0 : i32
      %dma_start3A_163 = arith.constant 0 : i32
      %dma_start3A_164 = tpu.memref_slice %arg9[%arg0, %dma_start3A_162, %dma_start3A_163] : memref<2x10112x16xf32, #tpu.memory_space<hbm>> -> memref<1x10112x16xf32, #tpu.memory_space<hbm>>
      %dma_start3A_165 = tpu.memref_squeeze %dma_start3A_164 : memref<1x10112x16xf32, #tpu.memory_space<hbm>> -> memref<10112x16xf32, #tpu.memory_space<hbm>>
      %dma_start3A_166 = arith.constant 0 : i32
      %dma_start3A_167 = tpu.memref_slice %dma_start3A_165[%add3A_78, %dma_start3A_166] : memref<10112x16xf32, #tpu.memory_space<hbm>> -> memref<64x16xf32, #tpu.memory_space<hbm>>
      %dma_start3A_168 = arith.constant 0 : i32
      %dma_start3A_169 = arith.constant 0 : i32
      %dma_start3A_170 = tpu.memref_slice %arg9[%arg0, %dma_start3A_168, %dma_start3A_169] : memref<2x10112x16xf32, #tpu.memory_space<hbm>> -> memref<1x10112x16xf32, #tpu.memory_space<hbm>>
      %dma_start3A_171 = tpu.memref_squeeze %dma_start3A_170 : memref<1x10112x16xf32, #tpu.memory_space<hbm>> -> memref<10112x16xf32, #tpu.memory_space<hbm>>
      %dma_start3A_172 = arith.constant 0 : i32
      %dma_start3A_173 = tpu.memref_slice %dma_start3A_171[%add3A_78, %dma_start3A_172] : memref<10112x16xf32, #tpu.memory_space<hbm>> -> memref<64x16xf32, #tpu.memory_space<hbm>>
      %dma_start3A_174 = arith.constant 0 : i32
      %dma_start3A_175 = arith.constant 0 : i32
      %dma_start3A_176 = tpu.memref_slice %arg14[%dma_start3A_174, %dma_start3A_175] : memref<64x16xf32, #tpu.memory_space<vmem>> -> memref<64x16xf32, #tpu.memory_space<vmem>>
      tpu.enqueue_dma source(%dma_start3A_176 : memref<64x16xf32, #tpu.memory_space<vmem>>) target(%dma_start3A_173 : memref<64x16xf32, #tpu.memory_space<hbm>>) target_semaphore(%run_scoped3A_159 : memref<!tpu.dma_semaphore, #tpu.memory_space<semaphore_mem>>)
      %dma_wait3A = arith.constant 0 : i32
      %dma_wait3A_177 = arith.constant 0 : i32
      %dma_wait3A_178 = tpu.memref_slice %arg14[%dma_wait3A, %dma_wait3A_177] : memref<64x16xf32, #tpu.memory_space<vmem>> -> memref<64x16xf32, #tpu.memory_space<vmem>>
      %dma_wait3A_179 = arith.constant 0 : i32
      %dma_wait3A_180 = arith.constant 0 : i32
      %dma_wait3A_181 = tpu.memref_slice %arg9[%arg0, %dma_wait3A_179, %dma_wait3A_180] : memref<2x10112x16xf32, #tpu.memory_space<hbm>> -> memref<1x10112x16xf32, #tpu.memory_space<hbm>>
      %dma_wait3A_182 = tpu.memref_squeeze %dma_wait3A_181 : memref<1x10112x16xf32, #tpu.memory_space<hbm>> -> memref<10112x16xf32, #tpu.memory_space<hbm>>
      %dma_wait3A_183 = arith.constant 0 : i32
      %dma_wait3A_184 = tpu.memref_slice %dma_wait3A_182[%add3A_78, %dma_wait3A_183] : memref<10112x16xf32, #tpu.memory_space<hbm>> -> memref<64x16xf32, #tpu.memory_space<hbm>>
      %dma_wait3A_185 = arith.constant 0 : i32
      %dma_wait3A_186 = arith.constant 0 : i32
      %dma_wait3A_187 = tpu.memref_slice %arg9[%arg0, %dma_wait3A_185, %dma_wait3A_186] : memref<2x10112x16xf32, #tpu.memory_space<hbm>> -> memref<1x10112x16xf32, #tpu.memory_space<hbm>>
      %dma_wait3A_188 = tpu.memref_squeeze %dma_wait3A_187 : memref<1x10112x16xf32, #tpu.memory_space<hbm>> -> memref<10112x16xf32, #tpu.memory_space<hbm>>
      %dma_wait3A_189 = arith.constant 0 : i32
      %dma_wait3A_190 = tpu.memref_slice %dma_wait3A_188[%add3A_78, %dma_wait3A_189] : memref<10112x16xf32, #tpu.memory_space<hbm>> -> memref<64x16xf32, #tpu.memory_space<hbm>>
      %dma_wait3A_191 = arith.constant 0 : i32
      %dma_wait3A_192 = arith.constant 0 : i32
      %dma_wait3A_193 = tpu.memref_slice %arg14[%dma_wait3A_191, %dma_wait3A_192] : memref<64x16xf32, #tpu.memory_space<vmem>> -> memref<64x16xf32, #tpu.memory_space<vmem>>
      tpu.wait_dma2 semaphore(%run_scoped3A_159 : memref<!tpu.dma_semaphore, #tpu.memory_space<semaphore_mem>>) src(%dma_wait3A_193 : memref<64x16xf32, #tpu.memory_space<vmem>>) dst(%dma_wait3A_190 : memref<64x16xf32, #tpu.memory_space<hbm>>)
      tpu.yield
    }) : () -> ()
    %add3A_79 = arith.constant 128 : i32
    %add3A_80 = arith.addi %mul3A_2, %add3A_79 : i32
    %run_scoped3A_81 = arith.constant 0 : i32
    "tpu.region"() ({
      %run_scoped3A_159 = tpu.sem_alloc : memref<!tpu.dma_semaphore, #tpu.memory_space<semaphore_mem>>
      %dma_start3A = arith.constant 0 : i32
      %dma_start3A_160 = arith.constant 0 : i32
      %dma_start3A_161 = tpu.memref_slice %arg13[%run_scoped3A_81, %dma_start3A, %dma_start3A_160] : memref<2x64x128xf32, #tpu.memory_space<vmem>> -> memref<1x64x128xf32, #tpu.memory_space<vmem>>
      %dma_start3A_162 = tpu.memref_squeeze %dma_start3A_161 : memref<1x64x128xf32, #tpu.memory_space<vmem>> -> memref<64x128xf32, #tpu.memory_space<vmem>>
      %dma_start3A_163 = arith.constant 0 : i32
      %dma_start3A_164 = arith.constant 0 : i32
      %dma_start3A_165 = tpu.memref_slice %dma_start3A_162[%dma_start3A_163, %dma_start3A_164] : memref<64x128xf32, #tpu.memory_space<vmem>> -> memref<64x128xf32, #tpu.memory_space<vmem>>
      %dma_start3A_166 = arith.constant 0 : i32
      %dma_start3A_167 = tpu.memref_slice %arg15[%add3A_80, %dma_start3A_166] : memref<10112x128xf32, #tpu.memory_space<vmem_shared>> -> memref<64x128xf32, #tpu.memory_space<vmem_shared>>
      %dma_start3A_168 = arith.constant 0 : i32
      %dma_start3A_169 = arith.constant 0 : i32
      %dma_start3A_170 = tpu.memref_slice %arg13[%run_scoped3A_81, %dma_start3A_168, %dma_start3A_169] : memref<2x64x128xf32, #tpu.memory_space<vmem>> -> memref<1x64x128xf32, #tpu.memory_space<vmem>>
      %dma_start3A_171 = tpu.memref_squeeze %dma_start3A_170 : memref<1x64x128xf32, #tpu.memory_space<vmem>> -> memref<64x128xf32, #tpu.memory_space<vmem>>
      %dma_start3A_172 = arith.constant 0 : i32
      %dma_start3A_173 = arith.constant 0 : i32
      %dma_start3A_174 = tpu.memref_slice %dma_start3A_171[%dma_start3A_172, %dma_start3A_173] : memref<64x128xf32, #tpu.memory_space<vmem>> -> memref<64x128xf32, #tpu.memory_space<vmem>>
      %dma_start3A_175 = arith.constant 0 : i32
      %dma_start3A_176 = tpu.memref_slice %arg15[%add3A_80, %dma_start3A_175] : memref<10112x128xf32, #tpu.memory_space<vmem_shared>> -> memref<64x128xf32, #tpu.memory_space<vmem_shared>>
      tpu.enqueue_dma source(%dma_start3A_176 : memref<64x128xf32, #tpu.memory_space<vmem_shared>>) target(%dma_start3A_174 : memref<64x128xf32, #tpu.memory_space<vmem>>) target_semaphore(%run_scoped3A_159 : memref<!tpu.dma_semaphore, #tpu.memory_space<semaphore_mem>>)
      %dma_wait3A = arith.constant 0 : i32
      %dma_wait3A_177 = arith.constant 0 : i32
      %dma_wait3A_178 = tpu.memref_slice %arg13[%run_scoped3A_81, %dma_wait3A, %dma_wait3A_177] : memref<2x64x128xf32, #tpu.memory_space<vmem>> -> memref<1x64x128xf32, #tpu.memory_space<vmem>>
      %dma_wait3A_179 = tpu.memref_squeeze %dma_wait3A_178 : memref<1x64x128xf32, #tpu.memory_space<vmem>> -> memref<64x128xf32, #tpu.memory_space<vmem>>
      %dma_wait3A_180 = arith.constant 0 : i32
      %dma_wait3A_181 = arith.constant 0 : i32
      %dma_wait3A_182 = tpu.memref_slice %dma_wait3A_179[%dma_wait3A_180, %dma_wait3A_181] : memref<64x128xf32, #tpu.memory_space<vmem>> -> memref<64x128xf32, #tpu.memory_space<vmem>>
      %dma_wait3A_183 = arith.constant 0 : i32
      %dma_wait3A_184 = tpu.memref_slice %arg15[%add3A_80, %dma_wait3A_183] : memref<10112x128xf32, #tpu.memory_space<vmem_shared>> -> memref<64x128xf32, #tpu.memory_space<vmem_shared>>
      %dma_wait3A_185 = arith.constant 0 : i32
      %dma_wait3A_186 = arith.constant 0 : i32
      %dma_wait3A_187 = tpu.memref_slice %arg13[%run_scoped3A_81, %dma_wait3A_185, %dma_wait3A_186] : memref<2x64x128xf32, #tpu.memory_space<vmem>> -> memref<1x64x128xf32, #tpu.memory_space<vmem>>
      %dma_wait3A_188 = tpu.memref_squeeze %dma_wait3A_187 : memref<1x64x128xf32, #tpu.memory_space<vmem>> -> memref<64x128xf32, #tpu.memory_space<vmem>>
      %dma_wait3A_189 = arith.constant 0 : i32
      %dma_wait3A_190 = arith.constant 0 : i32
      %dma_wait3A_191 = tpu.memref_slice %dma_wait3A_188[%dma_wait3A_189, %dma_wait3A_190] : memref<64x128xf32, #tpu.memory_space<vmem>> -> memref<64x128xf32, #tpu.memory_space<vmem>>
      %dma_wait3A_192 = arith.constant 0 : i32
      %dma_wait3A_193 = tpu.memref_slice %arg15[%add3A_80, %dma_wait3A_192] : memref<10112x128xf32, #tpu.memory_space<vmem_shared>> -> memref<64x128xf32, #tpu.memory_space<vmem_shared>>
      tpu.wait_dma2 semaphore(%run_scoped3A_159 : memref<!tpu.dma_semaphore, #tpu.memory_space<semaphore_mem>>) src(%dma_wait3A_193 : memref<64x128xf32, #tpu.memory_space<vmem_shared>>) dst(%dma_wait3A_191 : memref<64x128xf32, #tpu.memory_space<vmem>>)
      tpu.yield
    }) : () -> ()
    %add3A_82 = arith.constant 128 : i32
    %add3A_83 = arith.addi %mul3A_2, %add3A_82 : i32
    %run_scoped3A_84 = arith.constant 0 : i32
    "tpu.region"() ({
      %run_scoped3A_159 = tpu.sem_alloc : memref<!tpu.dma_semaphore, #tpu.memory_space<semaphore_mem>>
      %dma_start3A = arith.constant 0 : i32
      %dma_start3A_160 = arith.constant 0 : i32
      %dma_start3A_161 = tpu.memref_slice %arg13[%run_scoped3A_84, %dma_start3A, %dma_start3A_160] : memref<2x64x128xf32, #tpu.memory_space<vmem>> -> memref<1x64x128xf32, #tpu.memory_space<vmem>>
      %dma_start3A_162 = tpu.memref_squeeze %dma_start3A_161 : memref<1x64x128xf32, #tpu.memory_space<vmem>> -> memref<64x128xf32, #tpu.memory_space<vmem>>
      %dma_start3A_163 = arith.constant 0 : i32
      %dma_start3A_164 = arith.constant 0 : i32
      %dma_start3A_165 = tpu.memref_slice %dma_start3A_162[%dma_start3A_163, %dma_start3A_164] : memref<64x128xf32, #tpu.memory_space<vmem>> -> memref<64x128xf32, #tpu.memory_space<vmem>>
      %dma_start3A_166 = arith.constant 0 : i32
      %dma_start3A_167 = arith.constant 0 : i32
      %dma_start3A_168 = tpu.memref_slice %arg8[%arg0, %dma_start3A_166, %dma_start3A_167] : memref<2x10112x128xf32, #tpu.memory_space<hbm>> -> memref<1x10112x128xf32, #tpu.memory_space<hbm>>
      %dma_start3A_169 = tpu.memref_squeeze %dma_start3A_168 : memref<1x10112x128xf32, #tpu.memory_space<hbm>> -> memref<10112x128xf32, #tpu.memory_space<hbm>>
      %dma_start3A_170 = arith.constant 0 : i32
      %dma_start3A_171 = tpu.memref_slice %dma_start3A_169[%add3A_83, %dma_start3A_170] : memref<10112x128xf32, #tpu.memory_space<hbm>> -> memref<64x128xf32, #tpu.memory_space<hbm>>
      %dma_start3A_172 = arith.constant 0 : i32
      %dma_start3A_173 = arith.constant 0 : i32
      %dma_start3A_174 = tpu.memref_slice %arg8[%arg0, %dma_start3A_172, %dma_start3A_173] : memref<2x10112x128xf32, #tpu.memory_space<hbm>> -> memref<1x10112x128xf32, #tpu.memory_space<hbm>>
      %dma_start3A_175 = tpu.memref_squeeze %dma_start3A_174 : memref<1x10112x128xf32, #tpu.memory_space<hbm>> -> memref<10112x128xf32, #tpu.memory_space<hbm>>
      %dma_start3A_176 = arith.constant 0 : i32
      %dma_start3A_177 = tpu.memref_slice %dma_start3A_175[%add3A_83, %dma_start3A_176] : memref<10112x128xf32, #tpu.memory_space<hbm>> -> memref<64x128xf32, #tpu.memory_space<hbm>>
      %dma_start3A_178 = arith.constant 0 : i32
      %dma_start3A_179 = arith.constant 0 : i32
      %dma_start3A_180 = tpu.memref_slice %arg13[%run_scoped3A_84, %dma_start3A_178, %dma_start3A_179] : memref<2x64x128xf32, #tpu.memory_space<vmem>> -> memref<1x64x128xf32, #tpu.memory_space<vmem>>
      %dma_start3A_181 = tpu.memref_squeeze %dma_start3A_180 : memref<1x64x128xf32, #tpu.memory_space<vmem>> -> memref<64x128xf32, #tpu.memory_space<vmem>>
      %dma_start3A_182 = arith.constant 0 : i32
      %dma_start3A_183 = arith.constant 0 : i32
      %dma_start3A_184 = tpu.memref_slice %dma_start3A_181[%dma_start3A_182, %dma_start3A_183] : memref<64x128xf32, #tpu.memory_space<vmem>> -> memref<64x128xf32, #tpu.memory_space<vmem>>
      tpu.enqueue_dma source(%dma_start3A_184 : memref<64x128xf32, #tpu.memory_space<vmem>>) target(%dma_start3A_177 : memref<64x128xf32, #tpu.memory_space<hbm>>) target_semaphore(%run_scoped3A_159 : memref<!tpu.dma_semaphore, #tpu.memory_space<semaphore_mem>>)
      %dma_wait3A = arith.constant 0 : i32
      %dma_wait3A_185 = arith.constant 0 : i32
      %dma_wait3A_186 = tpu.memref_slice %arg13[%run_scoped3A_84, %dma_wait3A, %dma_wait3A_185] : memref<2x64x128xf32, #tpu.memory_space<vmem>> -> memref<1x64x128xf32, #tpu.memory_space<vmem>>
      %dma_wait3A_187 = tpu.memref_squeeze %dma_wait3A_186 : memref<1x64x128xf32, #tpu.memory_space<vmem>> -> memref<64x128xf32, #tpu.memory_space<vmem>>
      %dma_wait3A_188 = arith.constant 0 : i32
      %dma_wait3A_189 = arith.constant 0 : i32
      %dma_wait3A_190 = tpu.memref_slice %dma_wait3A_187[%dma_wait3A_188, %dma_wait3A_189] : memref<64x128xf32, #tpu.memory_space<vmem>> -> memref<64x128xf32, #tpu.memory_space<vmem>>
      %dma_wait3A_191 = arith.constant 0 : i32
      %dma_wait3A_192 = arith.constant 0 : i32
      %dma_wait3A_193 = tpu.memref_slice %arg8[%arg0, %dma_wait3A_191, %dma_wait3A_192] : memref<2x10112x128xf32, #tpu.memory_space<hbm>> -> memref<1x10112x128xf32, #tpu.memory_space<hbm>>
      %dma_wait3A_194 = tpu.memref_squeeze %dma_wait3A_193 : memref<1x10112x128xf32, #tpu.memory_space<hbm>> -> memref<10112x128xf32, #tpu.memory_space<hbm>>
      %dma_wait3A_195 = arith.constant 0 : i32
      %dma_wait3A_196 = tpu.memref_slice %dma_wait3A_194[%add3A_83, %dma_wait3A_195] : memref<10112x128xf32, #tpu.memory_space<hbm>> -> memref<64x128xf32, #tpu.memory_space<hbm>>
      %dma_wait3A_197 = arith.constant 0 : i32
      %dma_wait3A_198 = arith.constant 0 : i32
      %dma_wait3A_199 = tpu.memref_slice %arg8[%arg0, %dma_wait3A_197, %dma_wait3A_198] : memref<2x10112x128xf32, #tpu.memory_space<hbm>> -> memref<1x10112x128xf32, #tpu.memory_space<hbm>>
      %dma_wait3A_200 = tpu.memref_squeeze %dma_wait3A_199 : memref<1x10112x128xf32, #tpu.memory_space<hbm>> -> memref<10112x128xf32, #tpu.memory_space<hbm>>
      %dma_wait3A_201 = arith.constant 0 : i32
      %dma_wait3A_202 = tpu.memref_slice %dma_wait3A_200[%add3A_83, %dma_wait3A_201] : memref<10112x128xf32, #tpu.memory_space<hbm>> -> memref<64x128xf32, #tpu.memory_space<hbm>>
      %dma_wait3A_203 = arith.constant 0 : i32
      %dma_wait3A_204 = arith.constant 0 : i32
      %dma_wait3A_205 = tpu.memref_slice %arg13[%run_scoped3A_84, %dma_wait3A_203, %dma_wait3A_204] : memref<2x64x128xf32, #tpu.memory_space<vmem>> -> memref<1x64x128xf32, #tpu.memory_space<vmem>>
      %dma_wait3A_206 = tpu.memref_squeeze %dma_wait3A_205 : memref<1x64x128xf32, #tpu.memory_space<vmem>> -> memref<64x128xf32, #tpu.memory_space<vmem>>
      %dma_wait3A_207 = arith.constant 0 : i32
      %dma_wait3A_208 = arith.constant 0 : i32
      %dma_wait3A_209 = tpu.memref_slice %dma_wait3A_206[%dma_wait3A_207, %dma_wait3A_208] : memref<64x128xf32, #tpu.memory_space<vmem>> -> memref<64x128xf32, #tpu.memory_space<vmem>>
      tpu.wait_dma2 semaphore(%run_scoped3A_159 : memref<!tpu.dma_semaphore, #tpu.memory_space<semaphore_mem>>) src(%dma_wait3A_209 : memref<64x128xf32, #tpu.memory_space<vmem>>) dst(%dma_wait3A_202 : memref<64x128xf32, #tpu.memory_space<hbm>>)
      tpu.yield
    }) : () -> ()
    %add3A_85 = arith.constant 128 : i32
    %add3A_86 = arith.addi %mul3A_2, %add3A_85 : i32
    "tpu.region"() ({
      %run_scoped3A_159 = tpu.sem_alloc : memref<!tpu.dma_semaphore, #tpu.memory_space<semaphore_mem>>
      %dma_start3A = arith.constant 0 : i32
      %dma_start3A_160 = arith.constant 0 : i32
      %dma_start3A_161 = tpu.memref_slice %arg14[%dma_start3A, %dma_start3A_160] : memref<64x16xf32, #tpu.memory_space<vmem>> -> memref<64x16xf32, #tpu.memory_space<vmem>>
      %dma_start3A_162 = arith.constant 0 : i32
      %dma_start3A_163 = tpu.memref_slice %arg16[%add3A_86, %dma_start3A_162] : memref<10112x16xf32, #tpu.memory_space<vmem_shared>> -> memref<64x16xf32, #tpu.memory_space<vmem_shared>>
      %dma_start3A_164 = arith.constant 0 : i32
      %dma_start3A_165 = arith.constant 0 : i32
      %dma_start3A_166 = tpu.memref_slice %arg14[%dma_start3A_164, %dma_start3A_165] : memref<64x16xf32, #tpu.memory_space<vmem>> -> memref<64x16xf32, #tpu.memory_space<vmem>>
      %dma_start3A_167 = arith.constant 0 : i32
      %dma_start3A_168 = tpu.memref_slice %arg16[%add3A_86, %dma_start3A_167] : memref<10112x16xf32, #tpu.memory_space<vmem_shared>> -> memref<64x16xf32, #tpu.memory_space<vmem_shared>>
      tpu.enqueue_dma source(%dma_start3A_168 : memref<64x16xf32, #tpu.memory_space<vmem_shared>>) target(%dma_start3A_166 : memref<64x16xf32, #tpu.memory_space<vmem>>) target_semaphore(%run_scoped3A_159 : memref<!tpu.dma_semaphore, #tpu.memory_space<semaphore_mem>>)
      %dma_wait3A = arith.constant 0 : i32
      %dma_wait3A_169 = arith.constant 0 : i32
      %dma_wait3A_170 = tpu.memref_slice %arg14[%dma_wait3A, %dma_wait3A_169] : memref<64x16xf32, #tpu.memory_space<vmem>> -> memref<64x16xf32, #tpu.memory_space<vmem>>
      %dma_wait3A_171 = arith.constant 0 : i32
      %dma_wait3A_172 = tpu.memref_slice %arg16[%add3A_86, %dma_wait3A_171] : memref<10112x16xf32, #tpu.memory_space<vmem_shared>> -> memref<64x16xf32, #tpu.memory_space<vmem_shared>>
      %dma_wait3A_173 = arith.constant 0 : i32
      %dma_wait3A_174 = arith.constant 0 : i32
      %dma_wait3A_175 = tpu.memref_slice %arg14[%dma_wait3A_173, %dma_wait3A_174] : memref<64x16xf32, #tpu.memory_space<vmem>> -> memref<64x16xf32, #tpu.memory_space<vmem>>
      %dma_wait3A_176 = arith.constant 0 : i32
      %dma_wait3A_177 = tpu.memref_slice %arg16[%add3A_86, %dma_wait3A_176] : memref<10112x16xf32, #tpu.memory_space<vmem_shared>> -> memref<64x16xf32, #tpu.memory_space<vmem_shared>>
      tpu.wait_dma2 semaphore(%run_scoped3A_159 : memref<!tpu.dma_semaphore, #tpu.memory_space<semaphore_mem>>) src(%dma_wait3A_177 : memref<64x16xf32, #tpu.memory_space<vmem_shared>>) dst(%dma_wait3A_175 : memref<64x16xf32, #tpu.memory_space<vmem>>)
      tpu.yield
    }) : () -> ()
    %add3A_87 = arith.constant 128 : i32
    %add3A_88 = arith.addi %mul3A_2, %add3A_87 : i32
    "tpu.region"() ({
      %run_scoped3A_159 = tpu.sem_alloc : memref<!tpu.dma_semaphore, #tpu.memory_space<semaphore_mem>>
      %dma_start3A = arith.constant 0 : i32
      %dma_start3A_160 = arith.constant 0 : i32
      %dma_start3A_161 = tpu.memref_slice %arg14[%dma_start3A, %dma_start3A_160] : memref<64x16xf32, #tpu.memory_space<vmem>> -> memref<64x16xf32, #tpu.memory_space<vmem>>
      %dma_start3A_162 = arith.constant 0 : i32
      %dma_start3A_163 = arith.constant 0 : i32
      %dma_start3A_164 = tpu.memref_slice %arg9[%arg0, %dma_start3A_162, %dma_start3A_163] : memref<2x10112x16xf32, #tpu.memory_space<hbm>> -> memref<1x10112x16xf32, #tpu.memory_space<hbm>>
      %dma_start3A_165 = tpu.memref_squeeze %dma_start3A_164 : memref<1x10112x16xf32, #tpu.memory_space<hbm>> -> memref<10112x16xf32, #tpu.memory_space<hbm>>
      %dma_start3A_166 = arith.constant 0 : i32
      %dma_start3A_167 = tpu.memref_slice %dma_start3A_165[%add3A_88, %dma_start3A_166] : memref<10112x16xf32, #tpu.memory_space<hbm>> -> memref<64x16xf32, #tpu.memory_space<hbm>>
      %dma_start3A_168 = arith.constant 0 : i32
      %dma_start3A_169 = arith.constant 0 : i32
      %dma_start3A_170 = tpu.memref_slice %arg9[%arg0, %dma_start3A_168, %dma_start3A_169] : memref<2x10112x16xf32, #tpu.memory_space<hbm>> -> memref<1x10112x16xf32, #tpu.memory_space<hbm>>
      %dma_start3A_171 = tpu.memref_squeeze %dma_start3A_170 : memref<1x10112x16xf32, #tpu.memory_space<hbm>> -> memref<10112x16xf32, #tpu.memory_space<hbm>>
      %dma_start3A_172 = arith.constant 0 : i32
      %dma_start3A_173 = tpu.memref_slice %dma_start3A_171[%add3A_88, %dma_start3A_172] : memref<10112x16xf32, #tpu.memory_space<hbm>> -> memref<64x16xf32, #tpu.memory_space<hbm>>
      %dma_start3A_174 = arith.constant 0 : i32
      %dma_start3A_175 = arith.constant 0 : i32
      %dma_start3A_176 = tpu.memref_slice %arg14[%dma_start3A_174, %dma_start3A_175] : memref<64x16xf32, #tpu.memory_space<vmem>> -> memref<64x16xf32, #tpu.memory_space<vmem>>
      tpu.enqueue_dma source(%dma_start3A_176 : memref<64x16xf32, #tpu.memory_space<vmem>>) target(%dma_start3A_173 : memref<64x16xf32, #tpu.memory_space<hbm>>) target_semaphore(%run_scoped3A_159 : memref<!tpu.dma_semaphore, #tpu.memory_space<semaphore_mem>>)
      %dma_wait3A = arith.constant 0 : i32
      %dma_wait3A_177 = arith.constant 0 : i32
      %dma_wait3A_178 = tpu.memref_slice %arg14[%dma_wait3A, %dma_wait3A_177] : memref<64x16xf32, #tpu.memory_space<vmem>> -> memref<64x16xf32, #tpu.memory_space<vmem>>
      %dma_wait3A_179 = arith.constant 0 : i32
      %dma_wait3A_180 = arith.constant 0 : i32
      %dma_wait3A_181 = tpu.memref_slice %arg9[%arg0, %dma_wait3A_179, %dma_wait3A_180] : memref<2x10112x16xf32, #tpu.memory_space<hbm>> -> memref<1x10112x16xf32, #tpu.memory_space<hbm>>
      %dma_wait3A_182 = tpu.memref_squeeze %dma_wait3A_181 : memref<1x10112x16xf32, #tpu.memory_space<hbm>> -> memref<10112x16xf32, #tpu.memory_space<hbm>>
      %dma_wait3A_183 = arith.constant 0 : i32
      %dma_wait3A_184 = tpu.memref_slice %dma_wait3A_182[%add3A_88, %dma_wait3A_183] : memref<10112x16xf32, #tpu.memory_space<hbm>> -> memref<64x16xf32, #tpu.memory_space<hbm>>
      %dma_wait3A_185 = arith.constant 0 : i32
      %dma_wait3A_186 = arith.constant 0 : i32
      %dma_wait3A_187 = tpu.memref_slice %arg9[%arg0, %dma_wait3A_185, %dma_wait3A_186] : memref<2x10112x16xf32, #tpu.memory_space<hbm>> -> memref<1x10112x16xf32, #tpu.memory_space<hbm>>
      %dma_wait3A_188 = tpu.memref_squeeze %dma_wait3A_187 : memref<1x10112x16xf32, #tpu.memory_space<hbm>> -> memref<10112x16xf32, #tpu.memory_space<hbm>>
      %dma_wait3A_189 = arith.constant 0 : i32
      %dma_wait3A_190 = tpu.memref_slice %dma_wait3A_188[%add3A_88, %dma_wait3A_189] : memref<10112x16xf32, #tpu.memory_space<hbm>> -> memref<64x16xf32, #tpu.memory_space<hbm>>
      %dma_wait3A_191 = arith.constant 0 : i32
      %dma_wait3A_192 = arith.constant 0 : i32
      %dma_wait3A_193 = tpu.memref_slice %arg14[%dma_wait3A_191, %dma_wait3A_192] : memref<64x16xf32, #tpu.memory_space<vmem>> -> memref<64x16xf32, #tpu.memory_space<vmem>>
      tpu.wait_dma2 semaphore(%run_scoped3A_159 : memref<!tpu.dma_semaphore, #tpu.memory_space<semaphore_mem>>) src(%dma_wait3A_193 : memref<64x16xf32, #tpu.memory_space<vmem>>) dst(%dma_wait3A_190 : memref<64x16xf32, #tpu.memory_space<hbm>>)
      tpu.yield
    }) : () -> ()
    %add3A_89 = arith.constant 192 : i32
    %add3A_90 = arith.addi %mul3A_2, %add3A_89 : i32
    %run_scoped3A_91 = arith.constant 0 : i32
    "tpu.region"() ({
      %run_scoped3A_159 = tpu.sem_alloc : memref<!tpu.dma_semaphore, #tpu.memory_space<semaphore_mem>>
      %dma_start3A = arith.constant 0 : i32
      %dma_start3A_160 = arith.constant 0 : i32
      %dma_start3A_161 = tpu.memref_slice %arg13[%run_scoped3A_91, %dma_start3A, %dma_start3A_160] : memref<2x64x128xf32, #tpu.memory_space<vmem>> -> memref<1x64x128xf32, #tpu.memory_space<vmem>>
      %dma_start3A_162 = tpu.memref_squeeze %dma_start3A_161 : memref<1x64x128xf32, #tpu.memory_space<vmem>> -> memref<64x128xf32, #tpu.memory_space<vmem>>
      %dma_start3A_163 = arith.constant 0 : i32
      %dma_start3A_164 = arith.constant 0 : i32
      %dma_start3A_165 = tpu.memref_slice %dma_start3A_162[%dma_start3A_163, %dma_start3A_164] : memref<64x128xf32, #tpu.memory_space<vmem>> -> memref<64x128xf32, #tpu.memory_space<vmem>>
      %dma_start3A_166 = arith.constant 0 : i32
      %dma_start3A_167 = tpu.memref_slice %arg15[%add3A_90, %dma_start3A_166] : memref<10112x128xf32, #tpu.memory_space<vmem_shared>> -> memref<64x128xf32, #tpu.memory_space<vmem_shared>>
      %dma_start3A_168 = arith.constant 0 : i32
      %dma_start3A_169 = arith.constant 0 : i32
      %dma_start3A_170 = tpu.memref_slice %arg13[%run_scoped3A_91, %dma_start3A_168, %dma_start3A_169] : memref<2x64x128xf32, #tpu.memory_space<vmem>> -> memref<1x64x128xf32, #tpu.memory_space<vmem>>
      %dma_start3A_171 = tpu.memref_squeeze %dma_start3A_170 : memref<1x64x128xf32, #tpu.memory_space<vmem>> -> memref<64x128xf32, #tpu.memory_space<vmem>>
      %dma_start3A_172 = arith.constant 0 : i32
      %dma_start3A_173 = arith.constant 0 : i32
      %dma_start3A_174 = tpu.memref_slice %dma_start3A_171[%dma_start3A_172, %dma_start3A_173] : memref<64x128xf32, #tpu.memory_space<vmem>> -> memref<64x128xf32, #tpu.memory_space<vmem>>
      %dma_start3A_175 = arith.constant 0 : i32
      %dma_start3A_176 = tpu.memref_slice %arg15[%add3A_90, %dma_start3A_175] : memref<10112x128xf32, #tpu.memory_space<vmem_shared>> -> memref<64x128xf32, #tpu.memory_space<vmem_shared>>
      tpu.enqueue_dma source(%dma_start3A_176 : memref<64x128xf32, #tpu.memory_space<vmem_shared>>) target(%dma_start3A_174 : memref<64x128xf32, #tpu.memory_space<vmem>>) target_semaphore(%run_scoped3A_159 : memref<!tpu.dma_semaphore, #tpu.memory_space<semaphore_mem>>)
      %dma_wait3A = arith.constant 0 : i32
      %dma_wait3A_177 = arith.constant 0 : i32
      %dma_wait3A_178 = tpu.memref_slice %arg13[%run_scoped3A_91, %dma_wait3A, %dma_wait3A_177] : memref<2x64x128xf32, #tpu.memory_space<vmem>> -> memref<1x64x128xf32, #tpu.memory_space<vmem>>
      %dma_wait3A_179 = tpu.memref_squeeze %dma_wait3A_178 : memref<1x64x128xf32, #tpu.memory_space<vmem>> -> memref<64x128xf32, #tpu.memory_space<vmem>>
      %dma_wait3A_180 = arith.constant 0 : i32
      %dma_wait3A_181 = arith.constant 0 : i32
      %dma_wait3A_182 = tpu.memref_slice %dma_wait3A_179[%dma_wait3A_180, %dma_wait3A_181] : memref<64x128xf32, #tpu.memory_space<vmem>> -> memref<64x128xf32, #tpu.memory_space<vmem>>
      %dma_wait3A_183 = arith.constant 0 : i32
      %dma_wait3A_184 = tpu.memref_slice %arg15[%add3A_90, %dma_wait3A_183] : memref<10112x128xf32, #tpu.memory_space<vmem_shared>> -> memref<64x128xf32, #tpu.memory_space<vmem_shared>>
      %dma_wait3A_185 = arith.constant 0 : i32
      %dma_wait3A_186 = arith.constant 0 : i32
      %dma_wait3A_187 = tpu.memref_slice %arg13[%run_scoped3A_91, %dma_wait3A_185, %dma_wait3A_186] : memref<2x64x128xf32, #tpu.memory_space<vmem>> -> memref<1x64x128xf32, #tpu.memory_space<vmem>>
      %dma_wait3A_188 = tpu.memref_squeeze %dma_wait3A_187 : memref<1x64x128xf32, #tpu.memory_space<vmem>> -> memref<64x128xf32, #tpu.memory_space<vmem>>
      %dma_wait3A_189 = arith.constant 0 : i32
      %dma_wait3A_190 = arith.constant 0 : i32
      %dma_wait3A_191 = tpu.memref_slice %dma_wait3A_188[%dma_wait3A_189, %dma_wait3A_190] : memref<64x128xf32, #tpu.memory_space<vmem>> -> memref<64x128xf32, #tpu.memory_space<vmem>>
      %dma_wait3A_192 = arith.constant 0 : i32
      %dma_wait3A_193 = tpu.memref_slice %arg15[%add3A_90, %dma_wait3A_192] : memref<10112x128xf32, #tpu.memory_space<vmem_shared>> -> memref<64x128xf32, #tpu.memory_space<vmem_shared>>
      tpu.wait_dma2 semaphore(%run_scoped3A_159 : memref<!tpu.dma_semaphore, #tpu.memory_space<semaphore_mem>>) src(%dma_wait3A_193 : memref<64x128xf32, #tpu.memory_space<vmem_shared>>) dst(%dma_wait3A_191 : memref<64x128xf32, #tpu.memory_space<vmem>>)
      tpu.yield
    }) : () -> ()
    %add3A_92 = arith.constant 192 : i32
    %add3A_93 = arith.addi %mul3A_2, %add3A_92 : i32
    %run_scoped3A_94 = arith.constant 0 : i32
    "tpu.region"() ({
      %run_scoped3A_159 = tpu.sem_alloc : memref<!tpu.dma_semaphore, #tpu.memory_space<semaphore_mem>>
      %dma_start3A = arith.constant 0 : i32
      %dma_start3A_160 = arith.constant 0 : i32
      %dma_start3A_161 = tpu.memref_slice %arg13[%run_scoped3A_94, %dma_start3A, %dma_start3A_160] : memref<2x64x128xf32, #tpu.memory_space<vmem>> -> memref<1x64x128xf32, #tpu.memory_space<vmem>>
      %dma_start3A_162 = tpu.memref_squeeze %dma_start3A_161 : memref<1x64x128xf32, #tpu.memory_space<vmem>> -> memref<64x128xf32, #tpu.memory_space<vmem>>
      %dma_start3A_163 = arith.constant 0 : i32
      %dma_start3A_164 = arith.constant 0 : i32
      %dma_start3A_165 = tpu.memref_slice %dma_start3A_162[%dma_start3A_163, %dma_start3A_164] : memref<64x128xf32, #tpu.memory_space<vmem>> -> memref<64x128xf32, #tpu.memory_space<vmem>>
      %dma_start3A_166 = arith.constant 0 : i32
      %dma_start3A_167 = arith.constant 0 : i32
      %dma_start3A_168 = tpu.memref_slice %arg8[%arg0, %dma_start3A_166, %dma_start3A_167] : memref<2x10112x128xf32, #tpu.memory_space<hbm>> -> memref<1x10112x128xf32, #tpu.memory_space<hbm>>
      %dma_start3A_169 = tpu.memref_squeeze %dma_start3A_168 : memref<1x10112x128xf32, #tpu.memory_space<hbm>> -> memref<10112x128xf32, #tpu.memory_space<hbm>>
      %dma_start3A_170 = arith.constant 0 : i32
      %dma_start3A_171 = tpu.memref_slice %dma_start3A_169[%add3A_93, %dma_start3A_170] : memref<10112x128xf32, #tpu.memory_space<hbm>> -> memref<64x128xf32, #tpu.memory_space<hbm>>
      %dma_start3A_172 = arith.constant 0 : i32
      %dma_start3A_173 = arith.constant 0 : i32
      %dma_start3A_174 = tpu.memref_slice %arg8[%arg0, %dma_start3A_172, %dma_start3A_173] : memref<2x10112x128xf32, #tpu.memory_space<hbm>> -> memref<1x10112x128xf32, #tpu.memory_space<hbm>>
      %dma_start3A_175 = tpu.memref_squeeze %dma_start3A_174 : memref<1x10112x128xf32, #tpu.memory_space<hbm>> -> memref<10112x128xf32, #tpu.memory_space<hbm>>
      %dma_start3A_176 = arith.constant 0 : i32
      %dma_start3A_177 = tpu.memref_slice %dma_start3A_175[%add3A_93, %dma_start3A_176] : memref<10112x128xf32, #tpu.memory_space<hbm>> -> memref<64x128xf32, #tpu.memory_space<hbm>>
      %dma_start3A_178 = arith.constant 0 : i32
      %dma_start3A_179 = arith.constant 0 : i32
      %dma_start3A_180 = tpu.memref_slice %arg13[%run_scoped3A_94, %dma_start3A_178, %dma_start3A_179] : memref<2x64x128xf32, #tpu.memory_space<vmem>> -> memref<1x64x128xf32, #tpu.memory_space<vmem>>
      %dma_start3A_181 = tpu.memref_squeeze %dma_start3A_180 : memref<1x64x128xf32, #tpu.memory_space<vmem>> -> memref<64x128xf32, #tpu.memory_space<vmem>>
      %dma_start3A_182 = arith.constant 0 : i32
      %dma_start3A_183 = arith.constant 0 : i32
      %dma_start3A_184 = tpu.memref_slice %dma_start3A_181[%dma_start3A_182, %dma_start3A_183] : memref<64x128xf32, #tpu.memory_space<vmem>> -> memref<64x128xf32, #tpu.memory_space<vmem>>
      tpu.enqueue_dma source(%dma_start3A_184 : memref<64x128xf32, #tpu.memory_space<vmem>>) target(%dma_start3A_177 : memref<64x128xf32, #tpu.memory_space<hbm>>) target_semaphore(%run_scoped3A_159 : memref<!tpu.dma_semaphore, #tpu.memory_space<semaphore_mem>>)
      %dma_wait3A = arith.constant 0 : i32
      %dma_wait3A_185 = arith.constant 0 : i32
      %dma_wait3A_186 = tpu.memref_slice %arg13[%run_scoped3A_94, %dma_wait3A, %dma_wait3A_185] : memref<2x64x128xf32, #tpu.memory_space<vmem>> -> memref<1x64x128xf32, #tpu.memory_space<vmem>>
      %dma_wait3A_187 = tpu.memref_squeeze %dma_wait3A_186 : memref<1x64x128xf32, #tpu.memory_space<vmem>> -> memref<64x128xf32, #tpu.memory_space<vmem>>
      %dma_wait3A_188 = arith.constant 0 : i32
      %dma_wait3A_189 = arith.constant 0 : i32
      %dma_wait3A_190 = tpu.memref_slice %dma_wait3A_187[%dma_wait3A_188, %dma_wait3A_189] : memref<64x128xf32, #tpu.memory_space<vmem>> -> memref<64x128xf32, #tpu.memory_space<vmem>>
      %dma_wait3A_191 = arith.constant 0 : i32
      %dma_wait3A_192 = arith.constant 0 : i32
      %dma_wait3A_193 = tpu.memref_slice %arg8[%arg0, %dma_wait3A_191, %dma_wait3A_192] : memref<2x10112x128xf32, #tpu.memory_space<hbm>> -> memref<1x10112x128xf32, #tpu.memory_space<hbm>>
      %dma_wait3A_194 = tpu.memref_squeeze %dma_wait3A_193 : memref<1x10112x128xf32, #tpu.memory_space<hbm>> -> memref<10112x128xf32, #tpu.memory_space<hbm>>
      %dma_wait3A_195 = arith.constant 0 : i32
      %dma_wait3A_196 = tpu.memref_slice %dma_wait3A_194[%add3A_93, %dma_wait3A_195] : memref<10112x128xf32, #tpu.memory_space<hbm>> -> memref<64x128xf32, #tpu.memory_space<hbm>>
      %dma_wait3A_197 = arith.constant 0 : i32
      %dma_wait3A_198 = arith.constant 0 : i32
      %dma_wait3A_199 = tpu.memref_slice %arg8[%arg0, %dma_wait3A_197, %dma_wait3A_198] : memref<2x10112x128xf32, #tpu.memory_space<hbm>> -> memref<1x10112x128xf32, #tpu.memory_space<hbm>>
      %dma_wait3A_200 = tpu.memref_squeeze %dma_wait3A_199 : memref<1x10112x128xf32, #tpu.memory_space<hbm>> -> memref<10112x128xf32, #tpu.memory_space<hbm>>
      %dma_wait3A_201 = arith.constant 0 : i32
      %dma_wait3A_202 = tpu.memref_slice %dma_wait3A_200[%add3A_93, %dma_wait3A_201] : memref<10112x128xf32, #tpu.memory_space<hbm>> -> memref<64x128xf32, #tpu.memory_space<hbm>>
      %dma_wait3A_203 = arith.constant 0 : i32
      %dma_wait3A_204 = arith.constant 0 : i32
      %dma_wait3A_205 = tpu.memref_slice %arg13[%run_scoped3A_94, %dma_wait3A_203, %dma_wait3A_204] : memref<2x64x128xf32, #tpu.memory_space<vmem>> -> memref<1x64x128xf32, #tpu.memory_space<vmem>>
      %dma_wait3A_206 = tpu.memref_squeeze %dma_wait3A_205 : memref<1x64x128xf32, #tpu.memory_space<vmem>> -> memref<64x128xf32, #tpu.memory_space<vmem>>
      %dma_wait3A_207 = arith.constant 0 : i32
      %dma_wait3A_208 = arith.constant 0 : i32
      %dma_wait3A_209 = tpu.memref_slice %dma_wait3A_206[%dma_wait3A_207, %dma_wait3A_208] : memref<64x128xf32, #tpu.memory_space<vmem>> -> memref<64x128xf32, #tpu.memory_space<vmem>>
      tpu.wait_dma2 semaphore(%run_scoped3A_159 : memref<!tpu.dma_semaphore, #tpu.memory_space<semaphore_mem>>) src(%dma_wait3A_209 : memref<64x128xf32, #tpu.memory_space<vmem>>) dst(%dma_wait3A_202 : memref<64x128xf32, #tpu.memory_space<hbm>>)
      tpu.yield
    }) : () -> ()
    %add3A_95 = arith.constant 192 : i32
    %add3A_96 = arith.addi %mul3A_2, %add3A_95 : i32
    "tpu.region"() ({
      %run_scoped3A_159 = tpu.sem_alloc : memref<!tpu.dma_semaphore, #tpu.memory_space<semaphore_mem>>
      %dma_start3A = arith.constant 0 : i32
      %dma_start3A_160 = arith.constant 0 : i32
      %dma_start3A_161 = tpu.memref_slice %arg14[%dma_start3A, %dma_start3A_160] : memref<64x16xf32, #tpu.memory_space<vmem>> -> memref<64x16xf32, #tpu.memory_space<vmem>>
      %dma_start3A_162 = arith.constant 0 : i32
      %dma_start3A_163 = tpu.memref_slice %arg16[%add3A_96, %dma_start3A_162] : memref<10112x16xf32, #tpu.memory_space<vmem_shared>> -> memref<64x16xf32, #tpu.memory_space<vmem_shared>>
      %dma_start3A_164 = arith.constant 0 : i32
      %dma_start3A_165 = arith.constant 0 : i32
      %dma_start3A_166 = tpu.memref_slice %arg14[%dma_start3A_164, %dma_start3A_165] : memref<64x16xf32, #tpu.memory_space<vmem>> -> memref<64x16xf32, #tpu.memory_space<vmem>>
      %dma_start3A_167 = arith.constant 0 : i32
      %dma_start3A_168 = tpu.memref_slice %arg16[%add3A_96, %dma_start3A_167] : memref<10112x16xf32, #tpu.memory_space<vmem_shared>> -> memref<64x16xf32, #tpu.memory_space<vmem_shared>>
      tpu.enqueue_dma source(%dma_start3A_168 : memref<64x16xf32, #tpu.memory_space<vmem_shared>>) target(%dma_start3A_166 : memref<64x16xf32, #tpu.memory_space<vmem>>) target_semaphore(%run_scoped3A_159 : memref<!tpu.dma_semaphore, #tpu.memory_space<semaphore_mem>>)
      %dma_wait3A = arith.constant 0 : i32
      %dma_wait3A_169 = arith.constant 0 : i32
      %dma_wait3A_170 = tpu.memref_slice %arg14[%dma_wait3A, %dma_wait3A_169] : memref<64x16xf32, #tpu.memory_space<vmem>> -> memref<64x16xf32, #tpu.memory_space<vmem>>
      %dma_wait3A_171 = arith.constant 0 : i32
      %dma_wait3A_172 = tpu.memref_slice %arg16[%add3A_96, %dma_wait3A_171] : memref<10112x16xf32, #tpu.memory_space<vmem_shared>> -> memref<64x16xf32, #tpu.memory_space<vmem_shared>>
      %dma_wait3A_173 = arith.constant 0 : i32
      %dma_wait3A_174 = arith.constant 0 : i32
      %dma_wait3A_175 = tpu.memref_slice %arg14[%dma_wait3A_173, %dma_wait3A_174] : memref<64x16xf32, #tpu.memory_space<vmem>> -> memref<64x16xf32, #tpu.memory_space<vmem>>
      %dma_wait3A_176 = arith.constant 0 : i32
      %dma_wait3A_177 = tpu.memref_slice %arg16[%add3A_96, %dma_wait3A_176] : memref<10112x16xf32, #tpu.memory_space<vmem_shared>> -> memref<64x16xf32, #tpu.memory_space<vmem_shared>>
      tpu.wait_dma2 semaphore(%run_scoped3A_159 : memref<!tpu.dma_semaphore, #tpu.memory_space<semaphore_mem>>) src(%dma_wait3A_177 : memref<64x16xf32, #tpu.memory_space<vmem_shared>>) dst(%dma_wait3A_175 : memref<64x16xf32, #tpu.memory_space<vmem>>)
      tpu.yield
    }) : () -> ()
    %add3A_97 = arith.constant 192 : i32
    %add3A_98 = arith.addi %mul3A_2, %add3A_97 : i32
    "tpu.region"() ({
      %run_scoped3A_159 = tpu.sem_alloc : memref<!tpu.dma_semaphore, #tpu.memory_space<semaphore_mem>>
      %dma_start3A = arith.constant 0 : i32
      %dma_start3A_160 = arith.constant 0 : i32
      %dma_start3A_161 = tpu.memref_slice %arg14[%dma_start3A, %dma_start3A_160] : memref<64x16xf32, #tpu.memory_space<vmem>> -> memref<64x16xf32, #tpu.memory_space<vmem>>
      %dma_start3A_162 = arith.constant 0 : i32
      %dma_start3A_163 = arith.constant 0 : i32
      %dma_start3A_164 = tpu.memref_slice %arg9[%arg0, %dma_start3A_162, %dma_start3A_163] : memref<2x10112x16xf32, #tpu.memory_space<hbm>> -> memref<1x10112x16xf32, #tpu.memory_space<hbm>>
      %dma_start3A_165 = tpu.memref_squeeze %dma_start3A_164 : memref<1x10112x16xf32, #tpu.memory_space<hbm>> -> memref<10112x16xf32, #tpu.memory_space<hbm>>
      %dma_start3A_166 = arith.constant 0 : i32
      %dma_start3A_167 = tpu.memref_slice %dma_start3A_165[%add3A_98, %dma_start3A_166] : memref<10112x16xf32, #tpu.memory_space<hbm>> -> memref<64x16xf32, #tpu.memory_space<hbm>>
      %dma_start3A_168 = arith.constant 0 : i32
      %dma_start3A_169 = arith.constant 0 : i32
      %dma_start3A_170 = tpu.memref_slice %arg9[%arg0, %dma_start3A_168, %dma_start3A_169] : memref<2x10112x16xf32, #tpu.memory_space<hbm>> -> memref<1x10112x16xf32, #tpu.memory_space<hbm>>
      %dma_start3A_171 = tpu.memref_squeeze %dma_start3A_170 : memref<1x10112x16xf32, #tpu.memory_space<hbm>> -> memref<10112x16xf32, #tpu.memory_space<hbm>>
      %dma_start3A_172 = arith.constant 0 : i32
      %dma_start3A_173 = tpu.memref_slice %dma_start3A_171[%add3A_98, %dma_start3A_172] : memref<10112x16xf32, #tpu.memory_space<hbm>> -> memref<64x16xf32, #tpu.memory_space<hbm>>
      %dma_start3A_174 = arith.constant 0 : i32
      %dma_start3A_175 = arith.constant 0 : i32
      %dma_start3A_176 = tpu.memref_slice %arg14[%dma_start3A_174, %dma_start3A_175] : memref<64x16xf32, #tpu.memory_space<vmem>> -> memref<64x16xf32, #tpu.memory_space<vmem>>
      tpu.enqueue_dma source(%dma_start3A_176 : memref<64x16xf32, #tpu.memory_space<vmem>>) target(%dma_start3A_173 : memref<64x16xf32, #tpu.memory_space<hbm>>) target_semaphore(%run_scoped3A_159 : memref<!tpu.dma_semaphore, #tpu.memory_space<semaphore_mem>>)
      %dma_wait3A = arith.constant 0 : i32
      %dma_wait3A_177 = arith.constant 0 : i32
      %dma_wait3A_178 = tpu.memref_slice %arg14[%dma_wait3A, %dma_wait3A_177] : memref<64x16xf32, #tpu.memory_space<vmem>> -> memref<64x16xf32, #tpu.memory_space<vmem>>
      %dma_wait3A_179 = arith.constant 0 : i32
      %dma_wait3A_180 = arith.constant 0 : i32
      %dma_wait3A_181 = tpu.memref_slice %arg9[%arg0, %dma_wait3A_179, %dma_wait3A_180] : memref<2x10112x16xf32, #tpu.memory_space<hbm>> -> memref<1x10112x16xf32, #tpu.memory_space<hbm>>
      %dma_wait3A_182 = tpu.memref_squeeze %dma_wait3A_181 : memref<1x10112x16xf32, #tpu.memory_space<hbm>> -> memref<10112x16xf32, #tpu.memory_space<hbm>>
      %dma_wait3A_183 = arith.constant 0 : i32
      %dma_wait3A_184 = tpu.memref_slice %dma_wait3A_182[%add3A_98, %dma_wait3A_183] : memref<10112x16xf32, #tpu.memory_space<hbm>> -> memref<64x16xf32, #tpu.memory_space<hbm>>
      %dma_wait3A_185 = arith.constant 0 : i32
      %dma_wait3A_186 = arith.constant 0 : i32
      %dma_wait3A_187 = tpu.memref_slice %arg9[%arg0, %dma_wait3A_185, %dma_wait3A_186] : memref<2x10112x16xf32, #tpu.memory_space<hbm>> -> memref<1x10112x16xf32, #tpu.memory_space<hbm>>
      %dma_wait3A_188 = tpu.memref_squeeze %dma_wait3A_187 : memref<1x10112x16xf32, #tpu.memory_space<hbm>> -> memref<10112x16xf32, #tpu.memory_space<hbm>>
      %dma_wait3A_189 = arith.constant 0 : i32
      %dma_wait3A_190 = tpu.memref_slice %dma_wait3A_188[%add3A_98, %dma_wait3A_189] : memref<10112x16xf32, #tpu.memory_space<hbm>> -> memref<64x16xf32, #tpu.memory_space<hbm>>
      %dma_wait3A_191 = arith.constant 0 : i32
      %dma_wait3A_192 = arith.constant 0 : i32
      %dma_wait3A_193 = tpu.memref_slice %arg14[%dma_wait3A_191, %dma_wait3A_192] : memref<64x16xf32, #tpu.memory_space<vmem>> -> memref<64x16xf32, #tpu.memory_space<vmem>>
      tpu.wait_dma2 semaphore(%run_scoped3A_159 : memref<!tpu.dma_semaphore, #tpu.memory_space<semaphore_mem>>) src(%dma_wait3A_193 : memref<64x16xf32, #tpu.memory_space<vmem>>) dst(%dma_wait3A_190 : memref<64x16xf32, #tpu.memory_space<hbm>>)
      tpu.yield
    }) : () -> ()
    %add3A_99 = arith.constant 256 : i32
    %add3A_100 = arith.addi %mul3A_2, %add3A_99 : i32
    %run_scoped3A_101 = arith.constant 0 : i32
    "tpu.region"() ({
      %run_scoped3A_159 = tpu.sem_alloc : memref<!tpu.dma_semaphore, #tpu.memory_space<semaphore_mem>>
      %dma_start3A = arith.constant 0 : i32
      %dma_start3A_160 = arith.constant 0 : i32
      %dma_start3A_161 = tpu.memref_slice %arg13[%run_scoped3A_101, %dma_start3A, %dma_start3A_160] : memref<2x64x128xf32, #tpu.memory_space<vmem>> -> memref<1x64x128xf32, #tpu.memory_space<vmem>>
      %dma_start3A_162 = tpu.memref_squeeze %dma_start3A_161 : memref<1x64x128xf32, #tpu.memory_space<vmem>> -> memref<64x128xf32, #tpu.memory_space<vmem>>
      %dma_start3A_163 = arith.constant 0 : i32
      %dma_start3A_164 = arith.constant 0 : i32
      %dma_start3A_165 = tpu.memref_slice %dma_start3A_162[%dma_start3A_163, %dma_start3A_164] : memref<64x128xf32, #tpu.memory_space<vmem>> -> memref<64x128xf32, #tpu.memory_space<vmem>>
      %dma_start3A_166 = arith.constant 0 : i32
      %dma_start3A_167 = tpu.memref_slice %arg15[%add3A_100, %dma_start3A_166] : memref<10112x128xf32, #tpu.memory_space<vmem_shared>> -> memref<64x128xf32, #tpu.memory_space<vmem_shared>>
      %dma_start3A_168 = arith.constant 0 : i32
      %dma_start3A_169 = arith.constant 0 : i32
      %dma_start3A_170 = tpu.memref_slice %arg13[%run_scoped3A_101, %dma_start3A_168, %dma_start3A_169] : memref<2x64x128xf32, #tpu.memory_space<vmem>> -> memref<1x64x128xf32, #tpu.memory_space<vmem>>
      %dma_start3A_171 = tpu.memref_squeeze %dma_start3A_170 : memref<1x64x128xf32, #tpu.memory_space<vmem>> -> memref<64x128xf32, #tpu.memory_space<vmem>>
      %dma_start3A_172 = arith.constant 0 : i32
      %dma_start3A_173 = arith.constant 0 : i32
      %dma_start3A_174 = tpu.memref_slice %dma_start3A_171[%dma_start3A_172, %dma_start3A_173] : memref<64x128xf32, #tpu.memory_space<vmem>> -> memref<64x128xf32, #tpu.memory_space<vmem>>
      %dma_start3A_175 = arith.constant 0 : i32
      %dma_start3A_176 = tpu.memref_slice %arg15[%add3A_100, %dma_start3A_175] : memref<10112x128xf32, #tpu.memory_space<vmem_shared>> -> memref<64x128xf32, #tpu.memory_space<vmem_shared>>
      tpu.enqueue_dma source(%dma_start3A_176 : memref<64x128xf32, #tpu.memory_space<vmem_shared>>) target(%dma_start3A_174 : memref<64x128xf32, #tpu.memory_space<vmem>>) target_semaphore(%run_scoped3A_159 : memref<!tpu.dma_semaphore, #tpu.memory_space<semaphore_mem>>)
      %dma_wait3A = arith.constant 0 : i32
      %dma_wait3A_177 = arith.constant 0 : i32
      %dma_wait3A_178 = tpu.memref_slice %arg13[%run_scoped3A_101, %dma_wait3A, %dma_wait3A_177] : memref<2x64x128xf32, #tpu.memory_space<vmem>> -> memref<1x64x128xf32, #tpu.memory_space<vmem>>
      %dma_wait3A_179 = tpu.memref_squeeze %dma_wait3A_178 : memref<1x64x128xf32, #tpu.memory_space<vmem>> -> memref<64x128xf32, #tpu.memory_space<vmem>>
      %dma_wait3A_180 = arith.constant 0 : i32
      %dma_wait3A_181 = arith.constant 0 : i32
      %dma_wait3A_182 = tpu.memref_slice %dma_wait3A_179[%dma_wait3A_180, %dma_wait3A_181] : memref<64x128xf32, #tpu.memory_space<vmem>> -> memref<64x128xf32, #tpu.memory_space<vmem>>
      %dma_wait3A_183 = arith.constant 0 : i32
      %dma_wait3A_184 = tpu.memref_slice %arg15[%add3A_100, %dma_wait3A_183] : memref<10112x128xf32, #tpu.memory_space<vmem_shared>> -> memref<64x128xf32, #tpu.memory_space<vmem_shared>>
      %dma_wait3A_185 = arith.constant 0 : i32
      %dma_wait3A_186 = arith.constant 0 : i32
      %dma_wait3A_187 = tpu.memref_slice %arg13[%run_scoped3A_101, %dma_wait3A_185, %dma_wait3A_186] : memref<2x64x128xf32, #tpu.memory_space<vmem>> -> memref<1x64x128xf32, #tpu.memory_space<vmem>>
      %dma_wait3A_188 = tpu.memref_squeeze %dma_wait3A_187 : memref<1x64x128xf32, #tpu.memory_space<vmem>> -> memref<64x128xf32, #tpu.memory_space<vmem>>
      %dma_wait3A_189 = arith.constant 0 : i32
      %dma_wait3A_190 = arith.constant 0 : i32
      %dma_wait3A_191 = tpu.memref_slice %dma_wait3A_188[%dma_wait3A_189, %dma_wait3A_190] : memref<64x128xf32, #tpu.memory_space<vmem>> -> memref<64x128xf32, #tpu.memory_space<vmem>>
      %dma_wait3A_192 = arith.constant 0 : i32
      %dma_wait3A_193 = tpu.memref_slice %arg15[%add3A_100, %dma_wait3A_192] : memref<10112x128xf32, #tpu.memory_space<vmem_shared>> -> memref<64x128xf32, #tpu.memory_space<vmem_shared>>
      tpu.wait_dma2 semaphore(%run_scoped3A_159 : memref<!tpu.dma_semaphore, #tpu.memory_space<semaphore_mem>>) src(%dma_wait3A_193 : memref<64x128xf32, #tpu.memory_space<vmem_shared>>) dst(%dma_wait3A_191 : memref<64x128xf32, #tpu.memory_space<vmem>>)
      tpu.yield
    }) : () -> ()
    %add3A_102 = arith.constant 256 : i32
    %add3A_103 = arith.addi %mul3A_2, %add3A_102 : i32
    %run_scoped3A_104 = arith.constant 0 : i32
    "tpu.region"() ({
      %run_scoped3A_159 = tpu.sem_alloc : memref<!tpu.dma_semaphore, #tpu.memory_space<semaphore_mem>>
      %dma_start3A = arith.constant 0 : i32
      %dma_start3A_160 = arith.constant 0 : i32
      %dma_start3A_161 = tpu.memref_slice %arg13[%run_scoped3A_104, %dma_start3A, %dma_start3A_160] : memref<2x64x128xf32, #tpu.memory_space<vmem>> -> memref<1x64x128xf32, #tpu.memory_space<vmem>>
      %dma_start3A_162 = tpu.memref_squeeze %dma_start3A_161 : memref<1x64x128xf32, #tpu.memory_space<vmem>> -> memref<64x128xf32, #tpu.memory_space<vmem>>
      %dma_start3A_163 = arith.constant 0 : i32
      %dma_start3A_164 = arith.constant 0 : i32
      %dma_start3A_165 = tpu.memref_slice %dma_start3A_162[%dma_start3A_163, %dma_start3A_164] : memref<64x128xf32, #tpu.memory_space<vmem>> -> memref<64x128xf32, #tpu.memory_space<vmem>>
      %dma_start3A_166 = arith.constant 0 : i32
      %dma_start3A_167 = arith.constant 0 : i32
      %dma_start3A_168 = tpu.memref_slice %arg8[%arg0, %dma_start3A_166, %dma_start3A_167] : memref<2x10112x128xf32, #tpu.memory_space<hbm>> -> memref<1x10112x128xf32, #tpu.memory_space<hbm>>
      %dma_start3A_169 = tpu.memref_squeeze %dma_start3A_168 : memref<1x10112x128xf32, #tpu.memory_space<hbm>> -> memref<10112x128xf32, #tpu.memory_space<hbm>>
      %dma_start3A_170 = arith.constant 0 : i32
      %dma_start3A_171 = tpu.memref_slice %dma_start3A_169[%add3A_103, %dma_start3A_170] : memref<10112x128xf32, #tpu.memory_space<hbm>> -> memref<64x128xf32, #tpu.memory_space<hbm>>
      %dma_start3A_172 = arith.constant 0 : i32
      %dma_start3A_173 = arith.constant 0 : i32
      %dma_start3A_174 = tpu.memref_slice %arg8[%arg0, %dma_start3A_172, %dma_start3A_173] : memref<2x10112x128xf32, #tpu.memory_space<hbm>> -> memref<1x10112x128xf32, #tpu.memory_space<hbm>>
      %dma_start3A_175 = tpu.memref_squeeze %dma_start3A_174 : memref<1x10112x128xf32, #tpu.memory_space<hbm>> -> memref<10112x128xf32, #tpu.memory_space<hbm>>
      %dma_start3A_176 = arith.constant 0 : i32
      %dma_start3A_177 = tpu.memref_slice %dma_start3A_175[%add3A_103, %dma_start3A_176] : memref<10112x128xf32, #tpu.memory_space<hbm>> -> memref<64x128xf32, #tpu.memory_space<hbm>>
      %dma_start3A_178 = arith.constant 0 : i32
      %dma_start3A_179 = arith.constant 0 : i32
      %dma_start3A_180 = tpu.memref_slice %arg13[%run_scoped3A_104, %dma_start3A_178, %dma_start3A_179] : memref<2x64x128xf32, #tpu.memory_space<vmem>> -> memref<1x64x128xf32, #tpu.memory_space<vmem>>
      %dma_start3A_181 = tpu.memref_squeeze %dma_start3A_180 : memref<1x64x128xf32, #tpu.memory_space<vmem>> -> memref<64x128xf32, #tpu.memory_space<vmem>>
      %dma_start3A_182 = arith.constant 0 : i32
      %dma_start3A_183 = arith.constant 0 : i32
      %dma_start3A_184 = tpu.memref_slice %dma_start3A_181[%dma_start3A_182, %dma_start3A_183] : memref<64x128xf32, #tpu.memory_space<vmem>> -> memref<64x128xf32, #tpu.memory_space<vmem>>
      tpu.enqueue_dma source(%dma_start3A_184 : memref<64x128xf32, #tpu.memory_space<vmem>>) target(%dma_start3A_177 : memref<64x128xf32, #tpu.memory_space<hbm>>) target_semaphore(%run_scoped3A_159 : memref<!tpu.dma_semaphore, #tpu.memory_space<semaphore_mem>>)
      %dma_wait3A = arith.constant 0 : i32
      %dma_wait3A_185 = arith.constant 0 : i32
      %dma_wait3A_186 = tpu.memref_slice %arg13[%run_scoped3A_104, %dma_wait3A, %dma_wait3A_185] : memref<2x64x128xf32, #tpu.memory_space<vmem>> -> memref<1x64x128xf32, #tpu.memory_space<vmem>>
      %dma_wait3A_187 = tpu.memref_squeeze %dma_wait3A_186 : memref<1x64x128xf32, #tpu.memory_space<vmem>> -> memref<64x128xf32, #tpu.memory_space<vmem>>
      %dma_wait3A_188 = arith.constant 0 : i32
      %dma_wait3A_189 = arith.constant 0 : i32
      %dma_wait3A_190 = tpu.memref_slice %dma_wait3A_187[%dma_wait3A_188, %dma_wait3A_189] : memref<64x128xf32, #tpu.memory_space<vmem>> -> memref<64x128xf32, #tpu.memory_space<vmem>>
      %dma_wait3A_191 = arith.constant 0 : i32
      %dma_wait3A_192 = arith.constant 0 : i32
      %dma_wait3A_193 = tpu.memref_slice %arg8[%arg0, %dma_wait3A_191, %dma_wait3A_192] : memref<2x10112x128xf32, #tpu.memory_space<hbm>> -> memref<1x10112x128xf32, #tpu.memory_space<hbm>>
      %dma_wait3A_194 = tpu.memref_squeeze %dma_wait3A_193 : memref<1x10112x128xf32, #tpu.memory_space<hbm>> -> memref<10112x128xf32, #tpu.memory_space<hbm>>
      %dma_wait3A_195 = arith.constant 0 : i32
      %dma_wait3A_196 = tpu.memref_slice %dma_wait3A_194[%add3A_103, %dma_wait3A_195] : memref<10112x128xf32, #tpu.memory_space<hbm>> -> memref<64x128xf32, #tpu.memory_space<hbm>>
      %dma_wait3A_197 = arith.constant 0 : i32
      %dma_wait3A_198 = arith.constant 0 : i32
      %dma_wait3A_199 = tpu.memref_slice %arg8[%arg0, %dma_wait3A_197, %dma_wait3A_198] : memref<2x10112x128xf32, #tpu.memory_space<hbm>> -> memref<1x10112x128xf32, #tpu.memory_space<hbm>>
      %dma_wait3A_200 = tpu.memref_squeeze %dma_wait3A_199 : memref<1x10112x128xf32, #tpu.memory_space<hbm>> -> memref<10112x128xf32, #tpu.memory_space<hbm>>
      %dma_wait3A_201 = arith.constant 0 : i32
      %dma_wait3A_202 = tpu.memref_slice %dma_wait3A_200[%add3A_103, %dma_wait3A_201] : memref<10112x128xf32, #tpu.memory_space<hbm>> -> memref<64x128xf32, #tpu.memory_space<hbm>>
      %dma_wait3A_203 = arith.constant 0 : i32
      %dma_wait3A_204 = arith.constant 0 : i32
      %dma_wait3A_205 = tpu.memref_slice %arg13[%run_scoped3A_104, %dma_wait3A_203, %dma_wait3A_204] : memref<2x64x128xf32, #tpu.memory_space<vmem>> -> memref<1x64x128xf32, #tpu.memory_space<vmem>>
      %dma_wait3A_206 = tpu.memref_squeeze %dma_wait3A_205 : memref<1x64x128xf32, #tpu.memory_space<vmem>> -> memref<64x128xf32, #tpu.memory_space<vmem>>
      %dma_wait3A_207 = arith.constant 0 : i32
      %dma_wait3A_208 = arith.constant 0 : i32
      %dma_wait3A_209 = tpu.memref_slice %dma_wait3A_206[%dma_wait3A_207, %dma_wait3A_208] : memref<64x128xf32, #tpu.memory_space<vmem>> -> memref<64x128xf32, #tpu.memory_space<vmem>>
      tpu.wait_dma2 semaphore(%run_scoped3A_159 : memref<!tpu.dma_semaphore, #tpu.memory_space<semaphore_mem>>) src(%dma_wait3A_209 : memref<64x128xf32, #tpu.memory_space<vmem>>) dst(%dma_wait3A_202 : memref<64x128xf32, #tpu.memory_space<hbm>>)
      tpu.yield
    }) : () -> ()
    %add3A_105 = arith.constant 256 : i32
    %add3A_106 = arith.addi %mul3A_2, %add3A_105 : i32
    "tpu.region"() ({
      %run_scoped3A_159 = tpu.sem_alloc : memref<!tpu.dma_semaphore, #tpu.memory_space<semaphore_mem>>
      %dma_start3A = arith.constant 0 : i32
      %dma_start3A_160 = arith.constant 0 : i32
      %dma_start3A_161 = tpu.memref_slice %arg14[%dma_start3A, %dma_start3A_160] : memref<64x16xf32, #tpu.memory_space<vmem>> -> memref<64x16xf32, #tpu.memory_space<vmem>>
      %dma_start3A_162 = arith.constant 0 : i32
      %dma_start3A_163 = tpu.memref_slice %arg16[%add3A_106, %dma_start3A_162] : memref<10112x16xf32, #tpu.memory_space<vmem_shared>> -> memref<64x16xf32, #tpu.memory_space<vmem_shared>>
      %dma_start3A_164 = arith.constant 0 : i32
      %dma_start3A_165 = arith.constant 0 : i32
      %dma_start3A_166 = tpu.memref_slice %arg14[%dma_start3A_164, %dma_start3A_165] : memref<64x16xf32, #tpu.memory_space<vmem>> -> memref<64x16xf32, #tpu.memory_space<vmem>>
      %dma_start3A_167 = arith.constant 0 : i32
      %dma_start3A_168 = tpu.memref_slice %arg16[%add3A_106, %dma_start3A_167] : memref<10112x16xf32, #tpu.memory_space<vmem_shared>> -> memref<64x16xf32, #tpu.memory_space<vmem_shared>>
      tpu.enqueue_dma source(%dma_start3A_168 : memref<64x16xf32, #tpu.memory_space<vmem_shared>>) target(%dma_start3A_166 : memref<64x16xf32, #tpu.memory_space<vmem>>) target_semaphore(%run_scoped3A_159 : memref<!tpu.dma_semaphore, #tpu.memory_space<semaphore_mem>>)
      %dma_wait3A = arith.constant 0 : i32
      %dma_wait3A_169 = arith.constant 0 : i32
      %dma_wait3A_170 = tpu.memref_slice %arg14[%dma_wait3A, %dma_wait3A_169] : memref<64x16xf32, #tpu.memory_space<vmem>> -> memref<64x16xf32, #tpu.memory_space<vmem>>
      %dma_wait3A_171 = arith.constant 0 : i32
      %dma_wait3A_172 = tpu.memref_slice %arg16[%add3A_106, %dma_wait3A_171] : memref<10112x16xf32, #tpu.memory_space<vmem_shared>> -> memref<64x16xf32, #tpu.memory_space<vmem_shared>>
      %dma_wait3A_173 = arith.constant 0 : i32
      %dma_wait3A_174 = arith.constant 0 : i32
      %dma_wait3A_175 = tpu.memref_slice %arg14[%dma_wait3A_173, %dma_wait3A_174] : memref<64x16xf32, #tpu.memory_space<vmem>> -> memref<64x16xf32, #tpu.memory_space<vmem>>
      %dma_wait3A_176 = arith.constant 0 : i32
      %dma_wait3A_177 = tpu.memref_slice %arg16[%add3A_106, %dma_wait3A_176] : memref<10112x16xf32, #tpu.memory_space<vmem_shared>> -> memref<64x16xf32, #tpu.memory_space<vmem_shared>>
      tpu.wait_dma2 semaphore(%run_scoped3A_159 : memref<!tpu.dma_semaphore, #tpu.memory_space<semaphore_mem>>) src(%dma_wait3A_177 : memref<64x16xf32, #tpu.memory_space<vmem_shared>>) dst(%dma_wait3A_175 : memref<64x16xf32, #tpu.memory_space<vmem>>)
      tpu.yield
    }) : () -> ()
    %add3A_107 = arith.constant 256 : i32
    %add3A_108 = arith.addi %mul3A_2, %add3A_107 : i32
    "tpu.region"() ({
      %run_scoped3A_159 = tpu.sem_alloc : memref<!tpu.dma_semaphore, #tpu.memory_space<semaphore_mem>>
      %dma_start3A = arith.constant 0 : i32
      %dma_start3A_160 = arith.constant 0 : i32
      %dma_start3A_161 = tpu.memref_slice %arg14[%dma_start3A, %dma_start3A_160] : memref<64x16xf32, #tpu.memory_space<vmem>> -> memref<64x16xf32, #tpu.memory_space<vmem>>
      %dma_start3A_162 = arith.constant 0 : i32
      %dma_start3A_163 = arith.constant 0 : i32
      %dma_start3A_164 = tpu.memref_slice %arg9[%arg0, %dma_start3A_162, %dma_start3A_163] : memref<2x10112x16xf32, #tpu.memory_space<hbm>> -> memref<1x10112x16xf32, #tpu.memory_space<hbm>>
      %dma_start3A_165 = tpu.memref_squeeze %dma_start3A_164 : memref<1x10112x16xf32, #tpu.memory_space<hbm>> -> memref<10112x16xf32, #tpu.memory_space<hbm>>
      %dma_start3A_166 = arith.constant 0 : i32
      %dma_start3A_167 = tpu.memref_slice %dma_start3A_165[%add3A_108, %dma_start3A_166] : memref<10112x16xf32, #tpu.memory_space<hbm>> -> memref<64x16xf32, #tpu.memory_space<hbm>>
      %dma_start3A_168 = arith.constant 0 : i32
      %dma_start3A_169 = arith.constant 0 : i32
      %dma_start3A_170 = tpu.memref_slice %arg9[%arg0, %dma_start3A_168, %dma_start3A_169] : memref<2x10112x16xf32, #tpu.memory_space<hbm>> -> memref<1x10112x16xf32, #tpu.memory_space<hbm>>
      %dma_start3A_171 = tpu.memref_squeeze %dma_start3A_170 : memref<1x10112x16xf32, #tpu.memory_space<hbm>> -> memref<10112x16xf32, #tpu.memory_space<hbm>>
      %dma_start3A_172 = arith.constant 0 : i32
      %dma_start3A_173 = tpu.memref_slice %dma_start3A_171[%add3A_108, %dma_start3A_172] : memref<10112x16xf32, #tpu.memory_space<hbm>> -> memref<64x16xf32, #tpu.memory_space<hbm>>
      %dma_start3A_174 = arith.constant 0 : i32
      %dma_start3A_175 = arith.constant 0 : i32
      %dma_start3A_176 = tpu.memref_slice %arg14[%dma_start3A_174, %dma_start3A_175] : memref<64x16xf32, #tpu.memory_space<vmem>> -> memref<64x16xf32, #tpu.memory_space<vmem>>
      tpu.enqueue_dma source(%dma_start3A_176 : memref<64x16xf32, #tpu.memory_space<vmem>>) target(%dma_start3A_173 : memref<64x16xf32, #tpu.memory_space<hbm>>) target_semaphore(%run_scoped3A_159 : memref<!tpu.dma_semaphore, #tpu.memory_space<semaphore_mem>>)
      %dma_wait3A = arith.constant 0 : i32
      %dma_wait3A_177 = arith.constant 0 : i32
      %dma_wait3A_178 = tpu.memref_slice %arg14[%dma_wait3A, %dma_wait3A_177] : memref<64x16xf32, #tpu.memory_space<vmem>> -> memref<64x16xf32, #tpu.memory_space<vmem>>
      %dma_wait3A_179 = arith.constant 0 : i32
      %dma_wait3A_180 = arith.constant 0 : i32
      %dma_wait3A_181 = tpu.memref_slice %arg9[%arg0, %dma_wait3A_179, %dma_wait3A_180] : memref<2x10112x16xf32, #tpu.memory_space<hbm>> -> memref<1x10112x16xf32, #tpu.memory_space<hbm>>
      %dma_wait3A_182 = tpu.memref_squeeze %dma_wait3A_181 : memref<1x10112x16xf32, #tpu.memory_space<hbm>> -> memref<10112x16xf32, #tpu.memory_space<hbm>>
      %dma_wait3A_183 = arith.constant 0 : i32
      %dma_wait3A_184 = tpu.memref_slice %dma_wait3A_182[%add3A_108, %dma_wait3A_183] : memref<10112x16xf32, #tpu.memory_space<hbm>> -> memref<64x16xf32, #tpu.memory_space<hbm>>
      %dma_wait3A_185 = arith.constant 0 : i32
      %dma_wait3A_186 = arith.constant 0 : i32
      %dma_wait3A_187 = tpu.memref_slice %arg9[%arg0, %dma_wait3A_185, %dma_wait3A_186] : memref<2x10112x16xf32, #tpu.memory_space<hbm>> -> memref<1x10112x16xf32, #tpu.memory_space<hbm>>
      %dma_wait3A_188 = tpu.memref_squeeze %dma_wait3A_187 : memref<1x10112x16xf32, #tpu.memory_space<hbm>> -> memref<10112x16xf32, #tpu.memory_space<hbm>>
      %dma_wait3A_189 = arith.constant 0 : i32
      %dma_wait3A_190 = tpu.memref_slice %dma_wait3A_188[%add3A_108, %dma_wait3A_189] : memref<10112x16xf32, #tpu.memory_space<hbm>> -> memref<64x16xf32, #tpu.memory_space<hbm>>
      %dma_wait3A_191 = arith.constant 0 : i32
      %dma_wait3A_192 = arith.constant 0 : i32
      %dma_wait3A_193 = tpu.memref_slice %arg14[%dma_wait3A_191, %dma_wait3A_192] : memref<64x16xf32, #tpu.memory_space<vmem>> -> memref<64x16xf32, #tpu.memory_space<vmem>>
      tpu.wait_dma2 semaphore(%run_scoped3A_159 : memref<!tpu.dma_semaphore, #tpu.memory_space<semaphore_mem>>) src(%dma_wait3A_193 : memref<64x16xf32, #tpu.memory_space<vmem>>) dst(%dma_wait3A_190 : memref<64x16xf32, #tpu.memory_space<hbm>>)
      tpu.yield
    }) : () -> ()
    %add3A_109 = arith.constant 320 : i32
    %add3A_110 = arith.addi %mul3A_2, %add3A_109 : i32
    %run_scoped3A_111 = arith.constant 0 : i32
    "tpu.region"() ({
      %run_scoped3A_159 = tpu.sem_alloc : memref<!tpu.dma_semaphore, #tpu.memory_space<semaphore_mem>>
      %dma_start3A = arith.constant 0 : i32
      %dma_start3A_160 = arith.constant 0 : i32
      %dma_start3A_161 = tpu.memref_slice %arg13[%run_scoped3A_111, %dma_start3A, %dma_start3A_160] : memref<2x64x128xf32, #tpu.memory_space<vmem>> -> memref<1x64x128xf32, #tpu.memory_space<vmem>>
      %dma_start3A_162 = tpu.memref_squeeze %dma_start3A_161 : memref<1x64x128xf32, #tpu.memory_space<vmem>> -> memref<64x128xf32, #tpu.memory_space<vmem>>
      %dma_start3A_163 = arith.constant 0 : i32
      %dma_start3A_164 = arith.constant 0 : i32
      %dma_start3A_165 = tpu.memref_slice %dma_start3A_162[%dma_start3A_163, %dma_start3A_164] : memref<64x128xf32, #tpu.memory_space<vmem>> -> memref<64x128xf32, #tpu.memory_space<vmem>>
      %dma_start3A_166 = arith.constant 0 : i32
      %dma_start3A_167 = tpu.memref_slice %arg15[%add3A_110, %dma_start3A_166] : memref<10112x128xf32, #tpu.memory_space<vmem_shared>> -> memref<64x128xf32, #tpu.memory_space<vmem_shared>>
      %dma_start3A_168 = arith.constant 0 : i32
      %dma_start3A_169 = arith.constant 0 : i32
      %dma_start3A_170 = tpu.memref_slice %arg13[%run_scoped3A_111, %dma_start3A_168, %dma_start3A_169] : memref<2x64x128xf32, #tpu.memory_space<vmem>> -> memref<1x64x128xf32, #tpu.memory_space<vmem>>
      %dma_start3A_171 = tpu.memref_squeeze %dma_start3A_170 : memref<1x64x128xf32, #tpu.memory_space<vmem>> -> memref<64x128xf32, #tpu.memory_space<vmem>>
      %dma_start3A_172 = arith.constant 0 : i32
      %dma_start3A_173 = arith.constant 0 : i32
      %dma_start3A_174 = tpu.memref_slice %dma_start3A_171[%dma_start3A_172, %dma_start3A_173] : memref<64x128xf32, #tpu.memory_space<vmem>> -> memref<64x128xf32, #tpu.memory_space<vmem>>
      %dma_start3A_175 = arith.constant 0 : i32
      %dma_start3A_176 = tpu.memref_slice %arg15[%add3A_110, %dma_start3A_175] : memref<10112x128xf32, #tpu.memory_space<vmem_shared>> -> memref<64x128xf32, #tpu.memory_space<vmem_shared>>
      tpu.enqueue_dma source(%dma_start3A_176 : memref<64x128xf32, #tpu.memory_space<vmem_shared>>) target(%dma_start3A_174 : memref<64x128xf32, #tpu.memory_space<vmem>>) target_semaphore(%run_scoped3A_159 : memref<!tpu.dma_semaphore, #tpu.memory_space<semaphore_mem>>)
      %dma_wait3A = arith.constant 0 : i32
      %dma_wait3A_177 = arith.constant 0 : i32
      %dma_wait3A_178 = tpu.memref_slice %arg13[%run_scoped3A_111, %dma_wait3A, %dma_wait3A_177] : memref<2x64x128xf32, #tpu.memory_space<vmem>> -> memref<1x64x128xf32, #tpu.memory_space<vmem>>
      %dma_wait3A_179 = tpu.memref_squeeze %dma_wait3A_178 : memref<1x64x128xf32, #tpu.memory_space<vmem>> -> memref<64x128xf32, #tpu.memory_space<vmem>>
      %dma_wait3A_180 = arith.constant 0 : i32
      %dma_wait3A_181 = arith.constant 0 : i32
      %dma_wait3A_182 = tpu.memref_slice %dma_wait3A_179[%dma_wait3A_180, %dma_wait3A_181] : memref<64x128xf32, #tpu.memory_space<vmem>> -> memref<64x128xf32, #tpu.memory_space<vmem>>
      %dma_wait3A_183 = arith.constant 0 : i32
      %dma_wait3A_184 = tpu.memref_slice %arg15[%add3A_110, %dma_wait3A_183] : memref<10112x128xf32, #tpu.memory_space<vmem_shared>> -> memref<64x128xf32, #tpu.memory_space<vmem_shared>>
      %dma_wait3A_185 = arith.constant 0 : i32
      %dma_wait3A_186 = arith.constant 0 : i32
      %dma_wait3A_187 = tpu.memref_slice %arg13[%run_scoped3A_111, %dma_wait3A_185, %dma_wait3A_186] : memref<2x64x128xf32, #tpu.memory_space<vmem>> -> memref<1x64x128xf32, #tpu.memory_space<vmem>>
      %dma_wait3A_188 = tpu.memref_squeeze %dma_wait3A_187 : memref<1x64x128xf32, #tpu.memory_space<vmem>> -> memref<64x128xf32, #tpu.memory_space<vmem>>
      %dma_wait3A_189 = arith.constant 0 : i32
      %dma_wait3A_190 = arith.constant 0 : i32
      %dma_wait3A_191 = tpu.memref_slice %dma_wait3A_188[%dma_wait3A_189, %dma_wait3A_190] : memref<64x128xf32, #tpu.memory_space<vmem>> -> memref<64x128xf32, #tpu.memory_space<vmem>>
      %dma_wait3A_192 = arith.constant 0 : i32
      %dma_wait3A_193 = tpu.memref_slice %arg15[%add3A_110, %dma_wait3A_192] : memref<10112x128xf32, #tpu.memory_space<vmem_shared>> -> memref<64x128xf32, #tpu.memory_space<vmem_shared>>
      tpu.wait_dma2 semaphore(%run_scoped3A_159 : memref<!tpu.dma_semaphore, #tpu.memory_space<semaphore_mem>>) src(%dma_wait3A_193 : memref<64x128xf32, #tpu.memory_space<vmem_shared>>) dst(%dma_wait3A_191 : memref<64x128xf32, #tpu.memory_space<vmem>>)
      tpu.yield
    }) : () -> ()
    %add3A_112 = arith.constant 320 : i32
    %add3A_113 = arith.addi %mul3A_2, %add3A_112 : i32
    %run_scoped3A_114 = arith.constant 0 : i32
    "tpu.region"() ({
      %run_scoped3A_159 = tpu.sem_alloc : memref<!tpu.dma_semaphore, #tpu.memory_space<semaphore_mem>>
      %dma_start3A = arith.constant 0 : i32
      %dma_start3A_160 = arith.constant 0 : i32
      %dma_start3A_161 = tpu.memref_slice %arg13[%run_scoped3A_114, %dma_start3A, %dma_start3A_160] : memref<2x64x128xf32, #tpu.memory_space<vmem>> -> memref<1x64x128xf32, #tpu.memory_space<vmem>>
      %dma_start3A_162 = tpu.memref_squeeze %dma_start3A_161 : memref<1x64x128xf32, #tpu.memory_space<vmem>> -> memref<64x128xf32, #tpu.memory_space<vmem>>
      %dma_start3A_163 = arith.constant 0 : i32
      %dma_start3A_164 = arith.constant 0 : i32
      %dma_start3A_165 = tpu.memref_slice %dma_start3A_162[%dma_start3A_163, %dma_start3A_164] : memref<64x128xf32, #tpu.memory_space<vmem>> -> memref<64x128xf32, #tpu.memory_space<vmem>>
      %dma_start3A_166 = arith.constant 0 : i32
      %dma_start3A_167 = arith.constant 0 : i32
      %dma_start3A_168 = tpu.memref_slice %arg8[%arg0, %dma_start3A_166, %dma_start3A_167] : memref<2x10112x128xf32, #tpu.memory_space<hbm>> -> memref<1x10112x128xf32, #tpu.memory_space<hbm>>
      %dma_start3A_169 = tpu.memref_squeeze %dma_start3A_168 : memref<1x10112x128xf32, #tpu.memory_space<hbm>> -> memref<10112x128xf32, #tpu.memory_space<hbm>>
      %dma_start3A_170 = arith.constant 0 : i32
      %dma_start3A_171 = tpu.memref_slice %dma_start3A_169[%add3A_113, %dma_start3A_170] : memref<10112x128xf32, #tpu.memory_space<hbm>> -> memref<64x128xf32, #tpu.memory_space<hbm>>
      %dma_start3A_172 = arith.constant 0 : i32
      %dma_start3A_173 = arith.constant 0 : i32
      %dma_start3A_174 = tpu.memref_slice %arg8[%arg0, %dma_start3A_172, %dma_start3A_173] : memref<2x10112x128xf32, #tpu.memory_space<hbm>> -> memref<1x10112x128xf32, #tpu.memory_space<hbm>>
      %dma_start3A_175 = tpu.memref_squeeze %dma_start3A_174 : memref<1x10112x128xf32, #tpu.memory_space<hbm>> -> memref<10112x128xf32, #tpu.memory_space<hbm>>
      %dma_start3A_176 = arith.constant 0 : i32
      %dma_start3A_177 = tpu.memref_slice %dma_start3A_175[%add3A_113, %dma_start3A_176] : memref<10112x128xf32, #tpu.memory_space<hbm>> -> memref<64x128xf32, #tpu.memory_space<hbm>>
      %dma_start3A_178 = arith.constant 0 : i32
      %dma_start3A_179 = arith.constant 0 : i32
      %dma_start3A_180 = tpu.memref_slice %arg13[%run_scoped3A_114, %dma_start3A_178, %dma_start3A_179] : memref<2x64x128xf32, #tpu.memory_space<vmem>> -> memref<1x64x128xf32, #tpu.memory_space<vmem>>
      %dma_start3A_181 = tpu.memref_squeeze %dma_start3A_180 : memref<1x64x128xf32, #tpu.memory_space<vmem>> -> memref<64x128xf32, #tpu.memory_space<vmem>>
      %dma_start3A_182 = arith.constant 0 : i32
      %dma_start3A_183 = arith.constant 0 : i32
      %dma_start3A_184 = tpu.memref_slice %dma_start3A_181[%dma_start3A_182, %dma_start3A_183] : memref<64x128xf32, #tpu.memory_space<vmem>> -> memref<64x128xf32, #tpu.memory_space<vmem>>
      tpu.enqueue_dma source(%dma_start3A_184 : memref<64x128xf32, #tpu.memory_space<vmem>>) target(%dma_start3A_177 : memref<64x128xf32, #tpu.memory_space<hbm>>) target_semaphore(%run_scoped3A_159 : memref<!tpu.dma_semaphore, #tpu.memory_space<semaphore_mem>>)
      %dma_wait3A = arith.constant 0 : i32
      %dma_wait3A_185 = arith.constant 0 : i32
      %dma_wait3A_186 = tpu.memref_slice %arg13[%run_scoped3A_114, %dma_wait3A, %dma_wait3A_185] : memref<2x64x128xf32, #tpu.memory_space<vmem>> -> memref<1x64x128xf32, #tpu.memory_space<vmem>>
      %dma_wait3A_187 = tpu.memref_squeeze %dma_wait3A_186 : memref<1x64x128xf32, #tpu.memory_space<vmem>> -> memref<64x128xf32, #tpu.memory_space<vmem>>
      %dma_wait3A_188 = arith.constant 0 : i32
      %dma_wait3A_189 = arith.constant 0 : i32
      %dma_wait3A_190 = tpu.memref_slice %dma_wait3A_187[%dma_wait3A_188, %dma_wait3A_189] : memref<64x128xf32, #tpu.memory_space<vmem>> -> memref<64x128xf32, #tpu.memory_space<vmem>>
      %dma_wait3A_191 = arith.constant 0 : i32
      %dma_wait3A_192 = arith.constant 0 : i32
      %dma_wait3A_193 = tpu.memref_slice %arg8[%arg0, %dma_wait3A_191, %dma_wait3A_192] : memref<2x10112x128xf32, #tpu.memory_space<hbm>> -> memref<1x10112x128xf32, #tpu.memory_space<hbm>>
      %dma_wait3A_194 = tpu.memref_squeeze %dma_wait3A_193 : memref<1x10112x128xf32, #tpu.memory_space<hbm>> -> memref<10112x128xf32, #tpu.memory_space<hbm>>
      %dma_wait3A_195 = arith.constant 0 : i32
      %dma_wait3A_196 = tpu.memref_slice %dma_wait3A_194[%add3A_113, %dma_wait3A_195] : memref<10112x128xf32, #tpu.memory_space<hbm>> -> memref<64x128xf32, #tpu.memory_space<hbm>>
      %dma_wait3A_197 = arith.constant 0 : i32
      %dma_wait3A_198 = arith.constant 0 : i32
      %dma_wait3A_199 = tpu.memref_slice %arg8[%arg0, %dma_wait3A_197, %dma_wait3A_198] : memref<2x10112x128xf32, #tpu.memory_space<hbm>> -> memref<1x10112x128xf32, #tpu.memory_space<hbm>>
      %dma_wait3A_200 = tpu.memref_squeeze %dma_wait3A_199 : memref<1x10112x128xf32, #tpu.memory_space<hbm>> -> memref<10112x128xf32, #tpu.memory_space<hbm>>
      %dma_wait3A_201 = arith.constant 0 : i32
      %dma_wait3A_202 = tpu.memref_slice %dma_wait3A_200[%add3A_113, %dma_wait3A_201] : memref<10112x128xf32, #tpu.memory_space<hbm>> -> memref<64x128xf32, #tpu.memory_space<hbm>>
      %dma_wait3A_203 = arith.constant 0 : i32
      %dma_wait3A_204 = arith.constant 0 : i32
      %dma_wait3A_205 = tpu.memref_slice %arg13[%run_scoped3A_114, %dma_wait3A_203, %dma_wait3A_204] : memref<2x64x128xf32, #tpu.memory_space<vmem>> -> memref<1x64x128xf32, #tpu.memory_space<vmem>>
      %dma_wait3A_206 = tpu.memref_squeeze %dma_wait3A_205 : memref<1x64x128xf32, #tpu.memory_space<vmem>> -> memref<64x128xf32, #tpu.memory_space<vmem>>
      %dma_wait3A_207 = arith.constant 0 : i32
      %dma_wait3A_208 = arith.constant 0 : i32
      %dma_wait3A_209 = tpu.memref_slice %dma_wait3A_206[%dma_wait3A_207, %dma_wait3A_208] : memref<64x128xf32, #tpu.memory_space<vmem>> -> memref<64x128xf32, #tpu.memory_space<vmem>>
      tpu.wait_dma2 semaphore(%run_scoped3A_159 : memref<!tpu.dma_semaphore, #tpu.memory_space<semaphore_mem>>) src(%dma_wait3A_209 : memref<64x128xf32, #tpu.memory_space<vmem>>) dst(%dma_wait3A_202 : memref<64x128xf32, #tpu.memory_space<hbm>>)
      tpu.yield
    }) : () -> ()
    %add3A_115 = arith.constant 320 : i32
    %add3A_116 = arith.addi %mul3A_2, %add3A_115 : i32
    "tpu.region"() ({
      %run_scoped3A_159 = tpu.sem_alloc : memref<!tpu.dma_semaphore, #tpu.memory_space<semaphore_mem>>
      %dma_start3A = arith.constant 0 : i32
      %dma_start3A_160 = arith.constant 0 : i32
      %dma_start3A_161 = tpu.memref_slice %arg14[%dma_start3A, %dma_start3A_160] : memref<64x16xf32, #tpu.memory_space<vmem>> -> memref<64x16xf32, #tpu.memory_space<vmem>>
      %dma_start3A_162 = arith.constant 0 : i32
      %dma_start3A_163 = tpu.memref_slice %arg16[%add3A_116, %dma_start3A_162] : memref<10112x16xf32, #tpu.memory_space<vmem_shared>> -> memref<64x16xf32, #tpu.memory_space<vmem_shared>>
      %dma_start3A_164 = arith.constant 0 : i32
      %dma_start3A_165 = arith.constant 0 : i32
      %dma_start3A_166 = tpu.memref_slice %arg14[%dma_start3A_164, %dma_start3A_165] : memref<64x16xf32, #tpu.memory_space<vmem>> -> memref<64x16xf32, #tpu.memory_space<vmem>>
      %dma_start3A_167 = arith.constant 0 : i32
      %dma_start3A_168 = tpu.memref_slice %arg16[%add3A_116, %dma_start3A_167] : memref<10112x16xf32, #tpu.memory_space<vmem_shared>> -> memref<64x16xf32, #tpu.memory_space<vmem_shared>>
      tpu.enqueue_dma source(%dma_start3A_168 : memref<64x16xf32, #tpu.memory_space<vmem_shared>>) target(%dma_start3A_166 : memref<64x16xf32, #tpu.memory_space<vmem>>) target_semaphore(%run_scoped3A_159 : memref<!tpu.dma_semaphore, #tpu.memory_space<semaphore_mem>>)
      %dma_wait3A = arith.constant 0 : i32
      %dma_wait3A_169 = arith.constant 0 : i32
      %dma_wait3A_170 = tpu.memref_slice %arg14[%dma_wait3A, %dma_wait3A_169] : memref<64x16xf32, #tpu.memory_space<vmem>> -> memref<64x16xf32, #tpu.memory_space<vmem>>
      %dma_wait3A_171 = arith.constant 0 : i32
      %dma_wait3A_172 = tpu.memref_slice %arg16[%add3A_116, %dma_wait3A_171] : memref<10112x16xf32, #tpu.memory_space<vmem_shared>> -> memref<64x16xf32, #tpu.memory_space<vmem_shared>>
      %dma_wait3A_173 = arith.constant 0 : i32
      %dma_wait3A_174 = arith.constant 0 : i32
      %dma_wait3A_175 = tpu.memref_slice %arg14[%dma_wait3A_173, %dma_wait3A_174] : memref<64x16xf32, #tpu.memory_space<vmem>> -> memref<64x16xf32, #tpu.memory_space<vmem>>
      %dma_wait3A_176 = arith.constant 0 : i32
      %dma_wait3A_177 = tpu.memref_slice %arg16[%add3A_116, %dma_wait3A_176] : memref<10112x16xf32, #tpu.memory_space<vmem_shared>> -> memref<64x16xf32, #tpu.memory_space<vmem_shared>>
      tpu.wait_dma2 semaphore(%run_scoped3A_159 : memref<!tpu.dma_semaphore, #tpu.memory_space<semaphore_mem>>) src(%dma_wait3A_177 : memref<64x16xf32, #tpu.memory_space<vmem_shared>>) dst(%dma_wait3A_175 : memref<64x16xf32, #tpu.memory_space<vmem>>)
      tpu.yield
    }) : () -> ()
    %add3A_117 = arith.constant 320 : i32
    %add3A_118 = arith.addi %mul3A_2, %add3A_117 : i32
    "tpu.region"() ({
      %run_scoped3A_159 = tpu.sem_alloc : memref<!tpu.dma_semaphore, #tpu.memory_space<semaphore_mem>>
      %dma_start3A = arith.constant 0 : i32
      %dma_start3A_160 = arith.constant 0 : i32
      %dma_start3A_161 = tpu.memref_slice %arg14[%dma_start3A, %dma_start3A_160] : memref<64x16xf32, #tpu.memory_space<vmem>> -> memref<64x16xf32, #tpu.memory_space<vmem>>
      %dma_start3A_162 = arith.constant 0 : i32
      %dma_start3A_163 = arith.constant 0 : i32
      %dma_start3A_164 = tpu.memref_slice %arg9[%arg0, %dma_start3A_162, %dma_start3A_163] : memref<2x10112x16xf32, #tpu.memory_space<hbm>> -> memref<1x10112x16xf32, #tpu.memory_space<hbm>>
      %dma_start3A_165 = tpu.memref_squeeze %dma_start3A_164 : memref<1x10112x16xf32, #tpu.memory_space<hbm>> -> memref<10112x16xf32, #tpu.memory_space<hbm>>
      %dma_start3A_166 = arith.constant 0 : i32
      %dma_start3A_167 = tpu.memref_slice %dma_start3A_165[%add3A_118, %dma_start3A_166] : memref<10112x16xf32, #tpu.memory_space<hbm>> -> memref<64x16xf32, #tpu.memory_space<hbm>>
      %dma_start3A_168 = arith.constant 0 : i32
      %dma_start3A_169 = arith.constant 0 : i32
      %dma_start3A_170 = tpu.memref_slice %arg9[%arg0, %dma_start3A_168, %dma_start3A_169] : memref<2x10112x16xf32, #tpu.memory_space<hbm>> -> memref<1x10112x16xf32, #tpu.memory_space<hbm>>
      %dma_start3A_171 = tpu.memref_squeeze %dma_start3A_170 : memref<1x10112x16xf32, #tpu.memory_space<hbm>> -> memref<10112x16xf32, #tpu.memory_space<hbm>>
      %dma_start3A_172 = arith.constant 0 : i32
      %dma_start3A_173 = tpu.memref_slice %dma_start3A_171[%add3A_118, %dma_start3A_172] : memref<10112x16xf32, #tpu.memory_space<hbm>> -> memref<64x16xf32, #tpu.memory_space<hbm>>
      %dma_start3A_174 = arith.constant 0 : i32
      %dma_start3A_175 = arith.constant 0 : i32
      %dma_start3A_176 = tpu.memref_slice %arg14[%dma_start3A_174, %dma_start3A_175] : memref<64x16xf32, #tpu.memory_space<vmem>> -> memref<64x16xf32, #tpu.memory_space<vmem>>
      tpu.enqueue_dma source(%dma_start3A_176 : memref<64x16xf32, #tpu.memory_space<vmem>>) target(%dma_start3A_173 : memref<64x16xf32, #tpu.memory_space<hbm>>) target_semaphore(%run_scoped3A_159 : memref<!tpu.dma_semaphore, #tpu.memory_space<semaphore_mem>>)
      %dma_wait3A = arith.constant 0 : i32
      %dma_wait3A_177 = arith.constant 0 : i32
      %dma_wait3A_178 = tpu.memref_slice %arg14[%dma_wait3A, %dma_wait3A_177] : memref<64x16xf32, #tpu.memory_space<vmem>> -> memref<64x16xf32, #tpu.memory_space<vmem>>
      %dma_wait3A_179 = arith.constant 0 : i32
      %dma_wait3A_180 = arith.constant 0 : i32
      %dma_wait3A_181 = tpu.memref_slice %arg9[%arg0, %dma_wait3A_179, %dma_wait3A_180] : memref<2x10112x16xf32, #tpu.memory_space<hbm>> -> memref<1x10112x16xf32, #tpu.memory_space<hbm>>
      %dma_wait3A_182 = tpu.memref_squeeze %dma_wait3A_181 : memref<1x10112x16xf32, #tpu.memory_space<hbm>> -> memref<10112x16xf32, #tpu.memory_space<hbm>>
      %dma_wait3A_183 = arith.constant 0 : i32
      %dma_wait3A_184 = tpu.memref_slice %dma_wait3A_182[%add3A_118, %dma_wait3A_183] : memref<10112x16xf32, #tpu.memory_space<hbm>> -> memref<64x16xf32, #tpu.memory_space<hbm>>
      %dma_wait3A_185 = arith.constant 0 : i32
      %dma_wait3A_186 = arith.constant 0 : i32
      %dma_wait3A_187 = tpu.memref_slice %arg9[%arg0, %dma_wait3A_185, %dma_wait3A_186] : memref<2x10112x16xf32, #tpu.memory_space<hbm>> -> memref<1x10112x16xf32, #tpu.memory_space<hbm>>
      %dma_wait3A_188 = tpu.memref_squeeze %dma_wait3A_187 : memref<1x10112x16xf32, #tpu.memory_space<hbm>> -> memref<10112x16xf32, #tpu.memory_space<hbm>>
      %dma_wait3A_189 = arith.constant 0 : i32
      %dma_wait3A_190 = tpu.memref_slice %dma_wait3A_188[%add3A_118, %dma_wait3A_189] : memref<10112x16xf32, #tpu.memory_space<hbm>> -> memref<64x16xf32, #tpu.memory_space<hbm>>
      %dma_wait3A_191 = arith.constant 0 : i32
      %dma_wait3A_192 = arith.constant 0 : i32
      %dma_wait3A_193 = tpu.memref_slice %arg14[%dma_wait3A_191, %dma_wait3A_192] : memref<64x16xf32, #tpu.memory_space<vmem>> -> memref<64x16xf32, #tpu.memory_space<vmem>>
      tpu.wait_dma2 semaphore(%run_scoped3A_159 : memref<!tpu.dma_semaphore, #tpu.memory_space<semaphore_mem>>) src(%dma_wait3A_193 : memref<64x16xf32, #tpu.memory_space<vmem>>) dst(%dma_wait3A_190 : memref<64x16xf32, #tpu.memory_space<hbm>>)
      tpu.yield
    }) : () -> ()
    %add3A_119 = arith.constant 384 : i32
    %add3A_120 = arith.addi %mul3A_2, %add3A_119 : i32
    %run_scoped3A_121 = arith.constant 0 : i32
    "tpu.region"() ({
      %run_scoped3A_159 = tpu.sem_alloc : memref<!tpu.dma_semaphore, #tpu.memory_space<semaphore_mem>>
      %dma_start3A = arith.constant 0 : i32
      %dma_start3A_160 = arith.constant 0 : i32
      %dma_start3A_161 = tpu.memref_slice %arg13[%run_scoped3A_121, %dma_start3A, %dma_start3A_160] : memref<2x64x128xf32, #tpu.memory_space<vmem>> -> memref<1x64x128xf32, #tpu.memory_space<vmem>>
      %dma_start3A_162 = tpu.memref_squeeze %dma_start3A_161 : memref<1x64x128xf32, #tpu.memory_space<vmem>> -> memref<64x128xf32, #tpu.memory_space<vmem>>
      %dma_start3A_163 = arith.constant 0 : i32
      %dma_start3A_164 = arith.constant 0 : i32
      %dma_start3A_165 = tpu.memref_slice %dma_start3A_162[%dma_start3A_163, %dma_start3A_164] : memref<64x128xf32, #tpu.memory_space<vmem>> -> memref<64x128xf32, #tpu.memory_space<vmem>>
      %dma_start3A_166 = arith.constant 0 : i32
      %dma_start3A_167 = tpu.memref_slice %arg15[%add3A_120, %dma_start3A_166] : memref<10112x128xf32, #tpu.memory_space<vmem_shared>> -> memref<64x128xf32, #tpu.memory_space<vmem_shared>>
      %dma_start3A_168 = arith.constant 0 : i32
      %dma_start3A_169 = arith.constant 0 : i32
      %dma_start3A_170 = tpu.memref_slice %arg13[%run_scoped3A_121, %dma_start3A_168, %dma_start3A_169] : memref<2x64x128xf32, #tpu.memory_space<vmem>> -> memref<1x64x128xf32, #tpu.memory_space<vmem>>
      %dma_start3A_171 = tpu.memref_squeeze %dma_start3A_170 : memref<1x64x128xf32, #tpu.memory_space<vmem>> -> memref<64x128xf32, #tpu.memory_space<vmem>>
      %dma_start3A_172 = arith.constant 0 : i32
      %dma_start3A_173 = arith.constant 0 : i32
      %dma_start3A_174 = tpu.memref_slice %dma_start3A_171[%dma_start3A_172, %dma_start3A_173] : memref<64x128xf32, #tpu.memory_space<vmem>> -> memref<64x128xf32, #tpu.memory_space<vmem>>
      %dma_start3A_175 = arith.constant 0 : i32
      %dma_start3A_176 = tpu.memref_slice %arg15[%add3A_120, %dma_start3A_175] : memref<10112x128xf32, #tpu.memory_space<vmem_shared>> -> memref<64x128xf32, #tpu.memory_space<vmem_shared>>
      tpu.enqueue_dma source(%dma_start3A_176 : memref<64x128xf32, #tpu.memory_space<vmem_shared>>) target(%dma_start3A_174 : memref<64x128xf32, #tpu.memory_space<vmem>>) target_semaphore(%run_scoped3A_159 : memref<!tpu.dma_semaphore, #tpu.memory_space<semaphore_mem>>)
      %dma_wait3A = arith.constant 0 : i32
      %dma_wait3A_177 = arith.constant 0 : i32
      %dma_wait3A_178 = tpu.memref_slice %arg13[%run_scoped3A_121, %dma_wait3A, %dma_wait3A_177] : memref<2x64x128xf32, #tpu.memory_space<vmem>> -> memref<1x64x128xf32, #tpu.memory_space<vmem>>
      %dma_wait3A_179 = tpu.memref_squeeze %dma_wait3A_178 : memref<1x64x128xf32, #tpu.memory_space<vmem>> -> memref<64x128xf32, #tpu.memory_space<vmem>>
      %dma_wait3A_180 = arith.constant 0 : i32
      %dma_wait3A_181 = arith.constant 0 : i32
      %dma_wait3A_182 = tpu.memref_slice %dma_wait3A_179[%dma_wait3A_180, %dma_wait3A_181] : memref<64x128xf32, #tpu.memory_space<vmem>> -> memref<64x128xf32, #tpu.memory_space<vmem>>
      %dma_wait3A_183 = arith.constant 0 : i32
      %dma_wait3A_184 = tpu.memref_slice %arg15[%add3A_120, %dma_wait3A_183] : memref<10112x128xf32, #tpu.memory_space<vmem_shared>> -> memref<64x128xf32, #tpu.memory_space<vmem_shared>>
      %dma_wait3A_185 = arith.constant 0 : i32
      %dma_wait3A_186 = arith.constant 0 : i32
      %dma_wait3A_187 = tpu.memref_slice %arg13[%run_scoped3A_121, %dma_wait3A_185, %dma_wait3A_186] : memref<2x64x128xf32, #tpu.memory_space<vmem>> -> memref<1x64x128xf32, #tpu.memory_space<vmem>>
      %dma_wait3A_188 = tpu.memref_squeeze %dma_wait3A_187 : memref<1x64x128xf32, #tpu.memory_space<vmem>> -> memref<64x128xf32, #tpu.memory_space<vmem>>
      %dma_wait3A_189 = arith.constant 0 : i32
      %dma_wait3A_190 = arith.constant 0 : i32
      %dma_wait3A_191 = tpu.memref_slice %dma_wait3A_188[%dma_wait3A_189, %dma_wait3A_190] : memref<64x128xf32, #tpu.memory_space<vmem>> -> memref<64x128xf32, #tpu.memory_space<vmem>>
      %dma_wait3A_192 = arith.constant 0 : i32
      %dma_wait3A_193 = tpu.memref_slice %arg15[%add3A_120, %dma_wait3A_192] : memref<10112x128xf32, #tpu.memory_space<vmem_shared>> -> memref<64x128xf32, #tpu.memory_space<vmem_shared>>
      tpu.wait_dma2 semaphore(%run_scoped3A_159 : memref<!tpu.dma_semaphore, #tpu.memory_space<semaphore_mem>>) src(%dma_wait3A_193 : memref<64x128xf32, #tpu.memory_space<vmem_shared>>) dst(%dma_wait3A_191 : memref<64x128xf32, #tpu.memory_space<vmem>>)
      tpu.yield
    }) : () -> ()
    %add3A_122 = arith.constant 384 : i32
    %add3A_123 = arith.addi %mul3A_2, %add3A_122 : i32
    %run_scoped3A_124 = arith.constant 0 : i32
    "tpu.region"() ({
      %run_scoped3A_159 = tpu.sem_alloc : memref<!tpu.dma_semaphore, #tpu.memory_space<semaphore_mem>>
      %dma_start3A = arith.constant 0 : i32
      %dma_start3A_160 = arith.constant 0 : i32
      %dma_start3A_161 = tpu.memref_slice %arg13[%run_scoped3A_124, %dma_start3A, %dma_start3A_160] : memref<2x64x128xf32, #tpu.memory_space<vmem>> -> memref<1x64x128xf32, #tpu.memory_space<vmem>>
      %dma_start3A_162 = tpu.memref_squeeze %dma_start3A_161 : memref<1x64x128xf32, #tpu.memory_space<vmem>> -> memref<64x128xf32, #tpu.memory_space<vmem>>
      %dma_start3A_163 = arith.constant 0 : i32
      %dma_start3A_164 = arith.constant 0 : i32
      %dma_start3A_165 = tpu.memref_slice %dma_start3A_162[%dma_start3A_163, %dma_start3A_164] : memref<64x128xf32, #tpu.memory_space<vmem>> -> memref<64x128xf32, #tpu.memory_space<vmem>>
      %dma_start3A_166 = arith.constant 0 : i32
      %dma_start3A_167 = arith.constant 0 : i32
      %dma_start3A_168 = tpu.memref_slice %arg8[%arg0, %dma_start3A_166, %dma_start3A_167] : memref<2x10112x128xf32, #tpu.memory_space<hbm>> -> memref<1x10112x128xf32, #tpu.memory_space<hbm>>
      %dma_start3A_169 = tpu.memref_squeeze %dma_start3A_168 : memref<1x10112x128xf32, #tpu.memory_space<hbm>> -> memref<10112x128xf32, #tpu.memory_space<hbm>>
      %dma_start3A_170 = arith.constant 0 : i32
      %dma_start3A_171 = tpu.memref_slice %dma_start3A_169[%add3A_123, %dma_start3A_170] : memref<10112x128xf32, #tpu.memory_space<hbm>> -> memref<64x128xf32, #tpu.memory_space<hbm>>
      %dma_start3A_172 = arith.constant 0 : i32
      %dma_start3A_173 = arith.constant 0 : i32
      %dma_start3A_174 = tpu.memref_slice %arg8[%arg0, %dma_start3A_172, %dma_start3A_173] : memref<2x10112x128xf32, #tpu.memory_space<hbm>> -> memref<1x10112x128xf32, #tpu.memory_space<hbm>>
      %dma_start3A_175 = tpu.memref_squeeze %dma_start3A_174 : memref<1x10112x128xf32, #tpu.memory_space<hbm>> -> memref<10112x128xf32, #tpu.memory_space<hbm>>
      %dma_start3A_176 = arith.constant 0 : i32
      %dma_start3A_177 = tpu.memref_slice %dma_start3A_175[%add3A_123, %dma_start3A_176] : memref<10112x128xf32, #tpu.memory_space<hbm>> -> memref<64x128xf32, #tpu.memory_space<hbm>>
      %dma_start3A_178 = arith.constant 0 : i32
      %dma_start3A_179 = arith.constant 0 : i32
      %dma_start3A_180 = tpu.memref_slice %arg13[%run_scoped3A_124, %dma_start3A_178, %dma_start3A_179] : memref<2x64x128xf32, #tpu.memory_space<vmem>> -> memref<1x64x128xf32, #tpu.memory_space<vmem>>
      %dma_start3A_181 = tpu.memref_squeeze %dma_start3A_180 : memref<1x64x128xf32, #tpu.memory_space<vmem>> -> memref<64x128xf32, #tpu.memory_space<vmem>>
      %dma_start3A_182 = arith.constant 0 : i32
      %dma_start3A_183 = arith.constant 0 : i32
      %dma_start3A_184 = tpu.memref_slice %dma_start3A_181[%dma_start3A_182, %dma_start3A_183] : memref<64x128xf32, #tpu.memory_space<vmem>> -> memref<64x128xf32, #tpu.memory_space<vmem>>
      tpu.enqueue_dma source(%dma_start3A_184 : memref<64x128xf32, #tpu.memory_space<vmem>>) target(%dma_start3A_177 : memref<64x128xf32, #tpu.memory_space<hbm>>) target_semaphore(%run_scoped3A_159 : memref<!tpu.dma_semaphore, #tpu.memory_space<semaphore_mem>>)
      %dma_wait3A = arith.constant 0 : i32
      %dma_wait3A_185 = arith.constant 0 : i32
      %dma_wait3A_186 = tpu.memref_slice %arg13[%run_scoped3A_124, %dma_wait3A, %dma_wait3A_185] : memref<2x64x128xf32, #tpu.memory_space<vmem>> -> memref<1x64x128xf32, #tpu.memory_space<vmem>>
      %dma_wait3A_187 = tpu.memref_squeeze %dma_wait3A_186 : memref<1x64x128xf32, #tpu.memory_space<vmem>> -> memref<64x128xf32, #tpu.memory_space<vmem>>
      %dma_wait3A_188 = arith.constant 0 : i32
      %dma_wait3A_189 = arith.constant 0 : i32
      %dma_wait3A_190 = tpu.memref_slice %dma_wait3A_187[%dma_wait3A_188, %dma_wait3A_189] : memref<64x128xf32, #tpu.memory_space<vmem>> -> memref<64x128xf32, #tpu.memory_space<vmem>>
      %dma_wait3A_191 = arith.constant 0 : i32
      %dma_wait3A_192 = arith.constant 0 : i32
      %dma_wait3A_193 = tpu.memref_slice %arg8[%arg0, %dma_wait3A_191, %dma_wait3A_192] : memref<2x10112x128xf32, #tpu.memory_space<hbm>> -> memref<1x10112x128xf32, #tpu.memory_space<hbm>>
      %dma_wait3A_194 = tpu.memref_squeeze %dma_wait3A_193 : memref<1x10112x128xf32, #tpu.memory_space<hbm>> -> memref<10112x128xf32, #tpu.memory_space<hbm>>
      %dma_wait3A_195 = arith.constant 0 : i32
      %dma_wait3A_196 = tpu.memref_slice %dma_wait3A_194[%add3A_123, %dma_wait3A_195] : memref<10112x128xf32, #tpu.memory_space<hbm>> -> memref<64x128xf32, #tpu.memory_space<hbm>>
      %dma_wait3A_197 = arith.constant 0 : i32
      %dma_wait3A_198 = arith.constant 0 : i32
      %dma_wait3A_199 = tpu.memref_slice %arg8[%arg0, %dma_wait3A_197, %dma_wait3A_198] : memref<2x10112x128xf32, #tpu.memory_space<hbm>> -> memref<1x10112x128xf32, #tpu.memory_space<hbm>>
      %dma_wait3A_200 = tpu.memref_squeeze %dma_wait3A_199 : memref<1x10112x128xf32, #tpu.memory_space<hbm>> -> memref<10112x128xf32, #tpu.memory_space<hbm>>
      %dma_wait3A_201 = arith.constant 0 : i32
      %dma_wait3A_202 = tpu.memref_slice %dma_wait3A_200[%add3A_123, %dma_wait3A_201] : memref<10112x128xf32, #tpu.memory_space<hbm>> -> memref<64x128xf32, #tpu.memory_space<hbm>>
      %dma_wait3A_203 = arith.constant 0 : i32
      %dma_wait3A_204 = arith.constant 0 : i32
      %dma_wait3A_205 = tpu.memref_slice %arg13[%run_scoped3A_124, %dma_wait3A_203, %dma_wait3A_204] : memref<2x64x128xf32, #tpu.memory_space<vmem>> -> memref<1x64x128xf32, #tpu.memory_space<vmem>>
      %dma_wait3A_206 = tpu.memref_squeeze %dma_wait3A_205 : memref<1x64x128xf32, #tpu.memory_space<vmem>> -> memref<64x128xf32, #tpu.memory_space<vmem>>
      %dma_wait3A_207 = arith.constant 0 : i32
      %dma_wait3A_208 = arith.constant 0 : i32
      %dma_wait3A_209 = tpu.memref_slice %dma_wait3A_206[%dma_wait3A_207, %dma_wait3A_208] : memref<64x128xf32, #tpu.memory_space<vmem>> -> memref<64x128xf32, #tpu.memory_space<vmem>>
      tpu.wait_dma2 semaphore(%run_scoped3A_159 : memref<!tpu.dma_semaphore, #tpu.memory_space<semaphore_mem>>) src(%dma_wait3A_209 : memref<64x128xf32, #tpu.memory_space<vmem>>) dst(%dma_wait3A_202 : memref<64x128xf32, #tpu.memory_space<hbm>>)
      tpu.yield
    }) : () -> ()
    %add3A_125 = arith.constant 384 : i32
    %add3A_126 = arith.addi %mul3A_2, %add3A_125 : i32
    "tpu.region"() ({
      %run_scoped3A_159 = tpu.sem_alloc : memref<!tpu.dma_semaphore, #tpu.memory_space<semaphore_mem>>
      %dma_start3A = arith.constant 0 : i32
      %dma_start3A_160 = arith.constant 0 : i32
      %dma_start3A_161 = tpu.memref_slice %arg14[%dma_start3A, %dma_start3A_160] : memref<64x16xf32, #tpu.memory_space<vmem>> -> memref<64x16xf32, #tpu.memory_space<vmem>>
      %dma_start3A_162 = arith.constant 0 : i32
      %dma_start3A_163 = tpu.memref_slice %arg16[%add3A_126, %dma_start3A_162] : memref<10112x16xf32, #tpu.memory_space<vmem_shared>> -> memref<64x16xf32, #tpu.memory_space<vmem_shared>>
      %dma_start3A_164 = arith.constant 0 : i32
      %dma_start3A_165 = arith.constant 0 : i32
      %dma_start3A_166 = tpu.memref_slice %arg14[%dma_start3A_164, %dma_start3A_165] : memref<64x16xf32, #tpu.memory_space<vmem>> -> memref<64x16xf32, #tpu.memory_space<vmem>>
      %dma_start3A_167 = arith.constant 0 : i32
      %dma_start3A_168 = tpu.memref_slice %arg16[%add3A_126, %dma_start3A_167] : memref<10112x16xf32, #tpu.memory_space<vmem_shared>> -> memref<64x16xf32, #tpu.memory_space<vmem_shared>>
      tpu.enqueue_dma source(%dma_start3A_168 : memref<64x16xf32, #tpu.memory_space<vmem_shared>>) target(%dma_start3A_166 : memref<64x16xf32, #tpu.memory_space<vmem>>) target_semaphore(%run_scoped3A_159 : memref<!tpu.dma_semaphore, #tpu.memory_space<semaphore_mem>>)
      %dma_wait3A = arith.constant 0 : i32
      %dma_wait3A_169 = arith.constant 0 : i32
      %dma_wait3A_170 = tpu.memref_slice %arg14[%dma_wait3A, %dma_wait3A_169] : memref<64x16xf32, #tpu.memory_space<vmem>> -> memref<64x16xf32, #tpu.memory_space<vmem>>
      %dma_wait3A_171 = arith.constant 0 : i32
      %dma_wait3A_172 = tpu.memref_slice %arg16[%add3A_126, %dma_wait3A_171] : memref<10112x16xf32, #tpu.memory_space<vmem_shared>> -> memref<64x16xf32, #tpu.memory_space<vmem_shared>>
      %dma_wait3A_173 = arith.constant 0 : i32
      %dma_wait3A_174 = arith.constant 0 : i32
      %dma_wait3A_175 = tpu.memref_slice %arg14[%dma_wait3A_173, %dma_wait3A_174] : memref<64x16xf32, #tpu.memory_space<vmem>> -> memref<64x16xf32, #tpu.memory_space<vmem>>
      %dma_wait3A_176 = arith.constant 0 : i32
      %dma_wait3A_177 = tpu.memref_slice %arg16[%add3A_126, %dma_wait3A_176] : memref<10112x16xf32, #tpu.memory_space<vmem_shared>> -> memref<64x16xf32, #tpu.memory_space<vmem_shared>>
      tpu.wait_dma2 semaphore(%run_scoped3A_159 : memref<!tpu.dma_semaphore, #tpu.memory_space<semaphore_mem>>) src(%dma_wait3A_177 : memref<64x16xf32, #tpu.memory_space<vmem_shared>>) dst(%dma_wait3A_175 : memref<64x16xf32, #tpu.memory_space<vmem>>)
      tpu.yield
    }) : () -> ()
    %add3A_127 = arith.constant 384 : i32
    %add3A_128 = arith.addi %mul3A_2, %add3A_127 : i32
    "tpu.region"() ({
      %run_scoped3A_159 = tpu.sem_alloc : memref<!tpu.dma_semaphore, #tpu.memory_space<semaphore_mem>>
      %dma_start3A = arith.constant 0 : i32
      %dma_start3A_160 = arith.constant 0 : i32
      %dma_start3A_161 = tpu.memref_slice %arg14[%dma_start3A, %dma_start3A_160] : memref<64x16xf32, #tpu.memory_space<vmem>> -> memref<64x16xf32, #tpu.memory_space<vmem>>
      %dma_start3A_162 = arith.constant 0 : i32
      %dma_start3A_163 = arith.constant 0 : i32
      %dma_start3A_164 = tpu.memref_slice %arg9[%arg0, %dma_start3A_162, %dma_start3A_163] : memref<2x10112x16xf32, #tpu.memory_space<hbm>> -> memref<1x10112x16xf32, #tpu.memory_space<hbm>>
      %dma_start3A_165 = tpu.memref_squeeze %dma_start3A_164 : memref<1x10112x16xf32, #tpu.memory_space<hbm>> -> memref<10112x16xf32, #tpu.memory_space<hbm>>
      %dma_start3A_166 = arith.constant 0 : i32
      %dma_start3A_167 = tpu.memref_slice %dma_start3A_165[%add3A_128, %dma_start3A_166] : memref<10112x16xf32, #tpu.memory_space<hbm>> -> memref<64x16xf32, #tpu.memory_space<hbm>>
      %dma_start3A_168 = arith.constant 0 : i32
      %dma_start3A_169 = arith.constant 0 : i32
      %dma_start3A_170 = tpu.memref_slice %arg9[%arg0, %dma_start3A_168, %dma_start3A_169] : memref<2x10112x16xf32, #tpu.memory_space<hbm>> -> memref<1x10112x16xf32, #tpu.memory_space<hbm>>
      %dma_start3A_171 = tpu.memref_squeeze %dma_start3A_170 : memref<1x10112x16xf32, #tpu.memory_space<hbm>> -> memref<10112x16xf32, #tpu.memory_space<hbm>>
      %dma_start3A_172 = arith.constant 0 : i32
      %dma_start3A_173 = tpu.memref_slice %dma_start3A_171[%add3A_128, %dma_start3A_172] : memref<10112x16xf32, #tpu.memory_space<hbm>> -> memref<64x16xf32, #tpu.memory_space<hbm>>
      %dma_start3A_174 = arith.constant 0 : i32
      %dma_start3A_175 = arith.constant 0 : i32
      %dma_start3A_176 = tpu.memref_slice %arg14[%dma_start3A_174, %dma_start3A_175] : memref<64x16xf32, #tpu.memory_space<vmem>> -> memref<64x16xf32, #tpu.memory_space<vmem>>
      tpu.enqueue_dma source(%dma_start3A_176 : memref<64x16xf32, #tpu.memory_space<vmem>>) target(%dma_start3A_173 : memref<64x16xf32, #tpu.memory_space<hbm>>) target_semaphore(%run_scoped3A_159 : memref<!tpu.dma_semaphore, #tpu.memory_space<semaphore_mem>>)
      %dma_wait3A = arith.constant 0 : i32
      %dma_wait3A_177 = arith.constant 0 : i32
      %dma_wait3A_178 = tpu.memref_slice %arg14[%dma_wait3A, %dma_wait3A_177] : memref<64x16xf32, #tpu.memory_space<vmem>> -> memref<64x16xf32, #tpu.memory_space<vmem>>
      %dma_wait3A_179 = arith.constant 0 : i32
      %dma_wait3A_180 = arith.constant 0 : i32
      %dma_wait3A_181 = tpu.memref_slice %arg9[%arg0, %dma_wait3A_179, %dma_wait3A_180] : memref<2x10112x16xf32, #tpu.memory_space<hbm>> -> memref<1x10112x16xf32, #tpu.memory_space<hbm>>
      %dma_wait3A_182 = tpu.memref_squeeze %dma_wait3A_181 : memref<1x10112x16xf32, #tpu.memory_space<hbm>> -> memref<10112x16xf32, #tpu.memory_space<hbm>>
      %dma_wait3A_183 = arith.constant 0 : i32
      %dma_wait3A_184 = tpu.memref_slice %dma_wait3A_182[%add3A_128, %dma_wait3A_183] : memref<10112x16xf32, #tpu.memory_space<hbm>> -> memref<64x16xf32, #tpu.memory_space<hbm>>
      %dma_wait3A_185 = arith.constant 0 : i32
      %dma_wait3A_186 = arith.constant 0 : i32
      %dma_wait3A_187 = tpu.memref_slice %arg9[%arg0, %dma_wait3A_185, %dma_wait3A_186] : memref<2x10112x16xf32, #tpu.memory_space<hbm>> -> memref<1x10112x16xf32, #tpu.memory_space<hbm>>
      %dma_wait3A_188 = tpu.memref_squeeze %dma_wait3A_187 : memref<1x10112x16xf32, #tpu.memory_space<hbm>> -> memref<10112x16xf32, #tpu.memory_space<hbm>>
      %dma_wait3A_189 = arith.constant 0 : i32
      %dma_wait3A_190 = tpu.memref_slice %dma_wait3A_188[%add3A_128, %dma_wait3A_189] : memref<10112x16xf32, #tpu.memory_space<hbm>> -> memref<64x16xf32, #tpu.memory_space<hbm>>
      %dma_wait3A_191 = arith.constant 0 : i32
      %dma_wait3A_192 = arith.constant 0 : i32
      %dma_wait3A_193 = tpu.memref_slice %arg14[%dma_wait3A_191, %dma_wait3A_192] : memref<64x16xf32, #tpu.memory_space<vmem>> -> memref<64x16xf32, #tpu.memory_space<vmem>>
      tpu.wait_dma2 semaphore(%run_scoped3A_159 : memref<!tpu.dma_semaphore, #tpu.memory_space<semaphore_mem>>) src(%dma_wait3A_193 : memref<64x16xf32, #tpu.memory_space<vmem>>) dst(%dma_wait3A_190 : memref<64x16xf32, #tpu.memory_space<hbm>>)
      tpu.yield
    }) : () -> ()
    %add3A_129 = arith.constant 448 : i32
    %add3A_130 = arith.addi %mul3A_2, %add3A_129 : i32
    %run_scoped3A_131 = arith.constant 0 : i32
    "tpu.region"() ({
      %run_scoped3A_159 = tpu.sem_alloc : memref<!tpu.dma_semaphore, #tpu.memory_space<semaphore_mem>>
      %dma_start3A = arith.constant 0 : i32
      %dma_start3A_160 = arith.constant 0 : i32
      %dma_start3A_161 = tpu.memref_slice %arg13[%run_scoped3A_131, %dma_start3A, %dma_start3A_160] : memref<2x64x128xf32, #tpu.memory_space<vmem>> -> memref<1x64x128xf32, #tpu.memory_space<vmem>>
      %dma_start3A_162 = tpu.memref_squeeze %dma_start3A_161 : memref<1x64x128xf32, #tpu.memory_space<vmem>> -> memref<64x128xf32, #tpu.memory_space<vmem>>
      %dma_start3A_163 = arith.constant 0 : i32
      %dma_start3A_164 = arith.constant 0 : i32
      %dma_start3A_165 = tpu.memref_slice %dma_start3A_162[%dma_start3A_163, %dma_start3A_164] : memref<64x128xf32, #tpu.memory_space<vmem>> -> memref<64x128xf32, #tpu.memory_space<vmem>>
      %dma_start3A_166 = arith.constant 0 : i32
      %dma_start3A_167 = tpu.memref_slice %arg15[%add3A_130, %dma_start3A_166] : memref<10112x128xf32, #tpu.memory_space<vmem_shared>> -> memref<64x128xf32, #tpu.memory_space<vmem_shared>>
      %dma_start3A_168 = arith.constant 0 : i32
      %dma_start3A_169 = arith.constant 0 : i32
      %dma_start3A_170 = tpu.memref_slice %arg13[%run_scoped3A_131, %dma_start3A_168, %dma_start3A_169] : memref<2x64x128xf32, #tpu.memory_space<vmem>> -> memref<1x64x128xf32, #tpu.memory_space<vmem>>
      %dma_start3A_171 = tpu.memref_squeeze %dma_start3A_170 : memref<1x64x128xf32, #tpu.memory_space<vmem>> -> memref<64x128xf32, #tpu.memory_space<vmem>>
      %dma_start3A_172 = arith.constant 0 : i32
      %dma_start3A_173 = arith.constant 0 : i32
      %dma_start3A_174 = tpu.memref_slice %dma_start3A_171[%dma_start3A_172, %dma_start3A_173] : memref<64x128xf32, #tpu.memory_space<vmem>> -> memref<64x128xf32, #tpu.memory_space<vmem>>
      %dma_start3A_175 = arith.constant 0 : i32
      %dma_start3A_176 = tpu.memref_slice %arg15[%add3A_130, %dma_start3A_175] : memref<10112x128xf32, #tpu.memory_space<vmem_shared>> -> memref<64x128xf32, #tpu.memory_space<vmem_shared>>
      tpu.enqueue_dma source(%dma_start3A_176 : memref<64x128xf32, #tpu.memory_space<vmem_shared>>) target(%dma_start3A_174 : memref<64x128xf32, #tpu.memory_space<vmem>>) target_semaphore(%run_scoped3A_159 : memref<!tpu.dma_semaphore, #tpu.memory_space<semaphore_mem>>)
      %dma_wait3A = arith.constant 0 : i32
      %dma_wait3A_177 = arith.constant 0 : i32
      %dma_wait3A_178 = tpu.memref_slice %arg13[%run_scoped3A_131, %dma_wait3A, %dma_wait3A_177] : memref<2x64x128xf32, #tpu.memory_space<vmem>> -> memref<1x64x128xf32, #tpu.memory_space<vmem>>
      %dma_wait3A_179 = tpu.memref_squeeze %dma_wait3A_178 : memref<1x64x128xf32, #tpu.memory_space<vmem>> -> memref<64x128xf32, #tpu.memory_space<vmem>>
      %dma_wait3A_180 = arith.constant 0 : i32
      %dma_wait3A_181 = arith.constant 0 : i32
      %dma_wait3A_182 = tpu.memref_slice %dma_wait3A_179[%dma_wait3A_180, %dma_wait3A_181] : memref<64x128xf32, #tpu.memory_space<vmem>> -> memref<64x128xf32, #tpu.memory_space<vmem>>
      %dma_wait3A_183 = arith.constant 0 : i32
      %dma_wait3A_184 = tpu.memref_slice %arg15[%add3A_130, %dma_wait3A_183] : memref<10112x128xf32, #tpu.memory_space<vmem_shared>> -> memref<64x128xf32, #tpu.memory_space<vmem_shared>>
      %dma_wait3A_185 = arith.constant 0 : i32
      %dma_wait3A_186 = arith.constant 0 : i32
      %dma_wait3A_187 = tpu.memref_slice %arg13[%run_scoped3A_131, %dma_wait3A_185, %dma_wait3A_186] : memref<2x64x128xf32, #tpu.memory_space<vmem>> -> memref<1x64x128xf32, #tpu.memory_space<vmem>>
      %dma_wait3A_188 = tpu.memref_squeeze %dma_wait3A_187 : memref<1x64x128xf32, #tpu.memory_space<vmem>> -> memref<64x128xf32, #tpu.memory_space<vmem>>
      %dma_wait3A_189 = arith.constant 0 : i32
      %dma_wait3A_190 = arith.constant 0 : i32
      %dma_wait3A_191 = tpu.memref_slice %dma_wait3A_188[%dma_wait3A_189, %dma_wait3A_190] : memref<64x128xf32, #tpu.memory_space<vmem>> -> memref<64x128xf32, #tpu.memory_space<vmem>>
      %dma_wait3A_192 = arith.constant 0 : i32
      %dma_wait3A_193 = tpu.memref_slice %arg15[%add3A_130, %dma_wait3A_192] : memref<10112x128xf32, #tpu.memory_space<vmem_shared>> -> memref<64x128xf32, #tpu.memory_space<vmem_shared>>
      tpu.wait_dma2 semaphore(%run_scoped3A_159 : memref<!tpu.dma_semaphore, #tpu.memory_space<semaphore_mem>>) src(%dma_wait3A_193 : memref<64x128xf32, #tpu.memory_space<vmem_shared>>) dst(%dma_wait3A_191 : memref<64x128xf32, #tpu.memory_space<vmem>>)
      tpu.yield
    }) : () -> ()
    %add3A_132 = arith.constant 448 : i32
    %add3A_133 = arith.addi %mul3A_2, %add3A_132 : i32
    %run_scoped3A_134 = arith.constant 0 : i32
    "tpu.region"() ({
      %run_scoped3A_159 = tpu.sem_alloc : memref<!tpu.dma_semaphore, #tpu.memory_space<semaphore_mem>>
      %dma_start3A = arith.constant 0 : i32
      %dma_start3A_160 = arith.constant 0 : i32
      %dma_start3A_161 = tpu.memref_slice %arg13[%run_scoped3A_134, %dma_start3A, %dma_start3A_160] : memref<2x64x128xf32, #tpu.memory_space<vmem>> -> memref<1x64x128xf32, #tpu.memory_space<vmem>>
      %dma_start3A_162 = tpu.memref_squeeze %dma_start3A_161 : memref<1x64x128xf32, #tpu.memory_space<vmem>> -> memref<64x128xf32, #tpu.memory_space<vmem>>
      %dma_start3A_163 = arith.constant 0 : i32
      %dma_start3A_164 = arith.constant 0 : i32
      %dma_start3A_165 = tpu.memref_slice %dma_start3A_162[%dma_start3A_163, %dma_start3A_164] : memref<64x128xf32, #tpu.memory_space<vmem>> -> memref<64x128xf32, #tpu.memory_space<vmem>>
      %dma_start3A_166 = arith.constant 0 : i32
      %dma_start3A_167 = arith.constant 0 : i32
      %dma_start3A_168 = tpu.memref_slice %arg8[%arg0, %dma_start3A_166, %dma_start3A_167] : memref<2x10112x128xf32, #tpu.memory_space<hbm>> -> memref<1x10112x128xf32, #tpu.memory_space<hbm>>
      %dma_start3A_169 = tpu.memref_squeeze %dma_start3A_168 : memref<1x10112x128xf32, #tpu.memory_space<hbm>> -> memref<10112x128xf32, #tpu.memory_space<hbm>>
      %dma_start3A_170 = arith.constant 0 : i32
      %dma_start3A_171 = tpu.memref_slice %dma_start3A_169[%add3A_133, %dma_start3A_170] : memref<10112x128xf32, #tpu.memory_space<hbm>> -> memref<64x128xf32, #tpu.memory_space<hbm>>
      %dma_start3A_172 = arith.constant 0 : i32
      %dma_start3A_173 = arith.constant 0 : i32
      %dma_start3A_174 = tpu.memref_slice %arg8[%arg0, %dma_start3A_172, %dma_start3A_173] : memref<2x10112x128xf32, #tpu.memory_space<hbm>> -> memref<1x10112x128xf32, #tpu.memory_space<hbm>>
      %dma_start3A_175 = tpu.memref_squeeze %dma_start3A_174 : memref<1x10112x128xf32, #tpu.memory_space<hbm>> -> memref<10112x128xf32, #tpu.memory_space<hbm>>
      %dma_start3A_176 = arith.constant 0 : i32
      %dma_start3A_177 = tpu.memref_slice %dma_start3A_175[%add3A_133, %dma_start3A_176] : memref<10112x128xf32, #tpu.memory_space<hbm>> -> memref<64x128xf32, #tpu.memory_space<hbm>>
      %dma_start3A_178 = arith.constant 0 : i32
      %dma_start3A_179 = arith.constant 0 : i32
      %dma_start3A_180 = tpu.memref_slice %arg13[%run_scoped3A_134, %dma_start3A_178, %dma_start3A_179] : memref<2x64x128xf32, #tpu.memory_space<vmem>> -> memref<1x64x128xf32, #tpu.memory_space<vmem>>
      %dma_start3A_181 = tpu.memref_squeeze %dma_start3A_180 : memref<1x64x128xf32, #tpu.memory_space<vmem>> -> memref<64x128xf32, #tpu.memory_space<vmem>>
      %dma_start3A_182 = arith.constant 0 : i32
      %dma_start3A_183 = arith.constant 0 : i32
      %dma_start3A_184 = tpu.memref_slice %dma_start3A_181[%dma_start3A_182, %dma_start3A_183] : memref<64x128xf32, #tpu.memory_space<vmem>> -> memref<64x128xf32, #tpu.memory_space<vmem>>
      tpu.enqueue_dma source(%dma_start3A_184 : memref<64x128xf32, #tpu.memory_space<vmem>>) target(%dma_start3A_177 : memref<64x128xf32, #tpu.memory_space<hbm>>) target_semaphore(%run_scoped3A_159 : memref<!tpu.dma_semaphore, #tpu.memory_space<semaphore_mem>>)
      %dma_wait3A = arith.constant 0 : i32
      %dma_wait3A_185 = arith.constant 0 : i32
      %dma_wait3A_186 = tpu.memref_slice %arg13[%run_scoped3A_134, %dma_wait3A, %dma_wait3A_185] : memref<2x64x128xf32, #tpu.memory_space<vmem>> -> memref<1x64x128xf32, #tpu.memory_space<vmem>>
      %dma_wait3A_187 = tpu.memref_squeeze %dma_wait3A_186 : memref<1x64x128xf32, #tpu.memory_space<vmem>> -> memref<64x128xf32, #tpu.memory_space<vmem>>
      %dma_wait3A_188 = arith.constant 0 : i32
      %dma_wait3A_189 = arith.constant 0 : i32
      %dma_wait3A_190 = tpu.memref_slice %dma_wait3A_187[%dma_wait3A_188, %dma_wait3A_189] : memref<64x128xf32, #tpu.memory_space<vmem>> -> memref<64x128xf32, #tpu.memory_space<vmem>>
      %dma_wait3A_191 = arith.constant 0 : i32
      %dma_wait3A_192 = arith.constant 0 : i32
      %dma_wait3A_193 = tpu.memref_slice %arg8[%arg0, %dma_wait3A_191, %dma_wait3A_192] : memref<2x10112x128xf32, #tpu.memory_space<hbm>> -> memref<1x10112x128xf32, #tpu.memory_space<hbm>>
      %dma_wait3A_194 = tpu.memref_squeeze %dma_wait3A_193 : memref<1x10112x128xf32, #tpu.memory_space<hbm>> -> memref<10112x128xf32, #tpu.memory_space<hbm>>
      %dma_wait3A_195 = arith.constant 0 : i32
      %dma_wait3A_196 = tpu.memref_slice %dma_wait3A_194[%add3A_133, %dma_wait3A_195] : memref<10112x128xf32, #tpu.memory_space<hbm>> -> memref<64x128xf32, #tpu.memory_space<hbm>>
      %dma_wait3A_197 = arith.constant 0 : i32
      %dma_wait3A_198 = arith.constant 0 : i32
      %dma_wait3A_199 = tpu.memref_slice %arg8[%arg0, %dma_wait3A_197, %dma_wait3A_198] : memref<2x10112x128xf32, #tpu.memory_space<hbm>> -> memref<1x10112x128xf32, #tpu.memory_space<hbm>>
      %dma_wait3A_200 = tpu.memref_squeeze %dma_wait3A_199 : memref<1x10112x128xf32, #tpu.memory_space<hbm>> -> memref<10112x128xf32, #tpu.memory_space<hbm>>
      %dma_wait3A_201 = arith.constant 0 : i32
      %dma_wait3A_202 = tpu.memref_slice %dma_wait3A_200[%add3A_133, %dma_wait3A_201] : memref<10112x128xf32, #tpu.memory_space<hbm>> -> memref<64x128xf32, #tpu.memory_space<hbm>>
      %dma_wait3A_203 = arith.constant 0 : i32
      %dma_wait3A_204 = arith.constant 0 : i32
      %dma_wait3A_205 = tpu.memref_slice %arg13[%run_scoped3A_134, %dma_wait3A_203, %dma_wait3A_204] : memref<2x64x128xf32, #tpu.memory_space<vmem>> -> memref<1x64x128xf32, #tpu.memory_space<vmem>>
      %dma_wait3A_206 = tpu.memref_squeeze %dma_wait3A_205 : memref<1x64x128xf32, #tpu.memory_space<vmem>> -> memref<64x128xf32, #tpu.memory_space<vmem>>
      %dma_wait3A_207 = arith.constant 0 : i32
      %dma_wait3A_208 = arith.constant 0 : i32
      %dma_wait3A_209 = tpu.memref_slice %dma_wait3A_206[%dma_wait3A_207, %dma_wait3A_208] : memref<64x128xf32, #tpu.memory_space<vmem>> -> memref<64x128xf32, #tpu.memory_space<vmem>>
      tpu.wait_dma2 semaphore(%run_scoped3A_159 : memref<!tpu.dma_semaphore, #tpu.memory_space<semaphore_mem>>) src(%dma_wait3A_209 : memref<64x128xf32, #tpu.memory_space<vmem>>) dst(%dma_wait3A_202 : memref<64x128xf32, #tpu.memory_space<hbm>>)
      tpu.yield
    }) : () -> ()
    %add3A_135 = arith.constant 448 : i32
    %add3A_136 = arith.addi %mul3A_2, %add3A_135 : i32
    "tpu.region"() ({
      %run_scoped3A_159 = tpu.sem_alloc : memref<!tpu.dma_semaphore, #tpu.memory_space<semaphore_mem>>
      %dma_start3A = arith.constant 0 : i32
      %dma_start3A_160 = arith.constant 0 : i32
      %dma_start3A_161 = tpu.memref_slice %arg14[%dma_start3A, %dma_start3A_160] : memref<64x16xf32, #tpu.memory_space<vmem>> -> memref<64x16xf32, #tpu.memory_space<vmem>>
      %dma_start3A_162 = arith.constant 0 : i32
      %dma_start3A_163 = tpu.memref_slice %arg16[%add3A_136, %dma_start3A_162] : memref<10112x16xf32, #tpu.memory_space<vmem_shared>> -> memref<64x16xf32, #tpu.memory_space<vmem_shared>>
      %dma_start3A_164 = arith.constant 0 : i32
      %dma_start3A_165 = arith.constant 0 : i32
      %dma_start3A_166 = tpu.memref_slice %arg14[%dma_start3A_164, %dma_start3A_165] : memref<64x16xf32, #tpu.memory_space<vmem>> -> memref<64x16xf32, #tpu.memory_space<vmem>>
      %dma_start3A_167 = arith.constant 0 : i32
      %dma_start3A_168 = tpu.memref_slice %arg16[%add3A_136, %dma_start3A_167] : memref<10112x16xf32, #tpu.memory_space<vmem_shared>> -> memref<64x16xf32, #tpu.memory_space<vmem_shared>>
      tpu.enqueue_dma source(%dma_start3A_168 : memref<64x16xf32, #tpu.memory_space<vmem_shared>>) target(%dma_start3A_166 : memref<64x16xf32, #tpu.memory_space<vmem>>) target_semaphore(%run_scoped3A_159 : memref<!tpu.dma_semaphore, #tpu.memory_space<semaphore_mem>>)
      %dma_wait3A = arith.constant 0 : i32
      %dma_wait3A_169 = arith.constant 0 : i32
      %dma_wait3A_170 = tpu.memref_slice %arg14[%dma_wait3A, %dma_wait3A_169] : memref<64x16xf32, #tpu.memory_space<vmem>> -> memref<64x16xf32, #tpu.memory_space<vmem>>
      %dma_wait3A_171 = arith.constant 0 : i32
      %dma_wait3A_172 = tpu.memref_slice %arg16[%add3A_136, %dma_wait3A_171] : memref<10112x16xf32, #tpu.memory_space<vmem_shared>> -> memref<64x16xf32, #tpu.memory_space<vmem_shared>>
      %dma_wait3A_173 = arith.constant 0 : i32
      %dma_wait3A_174 = arith.constant 0 : i32
      %dma_wait3A_175 = tpu.memref_slice %arg14[%dma_wait3A_173, %dma_wait3A_174] : memref<64x16xf32, #tpu.memory_space<vmem>> -> memref<64x16xf32, #tpu.memory_space<vmem>>
      %dma_wait3A_176 = arith.constant 0 : i32
      %dma_wait3A_177 = tpu.memref_slice %arg16[%add3A_136, %dma_wait3A_176] : memref<10112x16xf32, #tpu.memory_space<vmem_shared>> -> memref<64x16xf32, #tpu.memory_space<vmem_shared>>
      tpu.wait_dma2 semaphore(%run_scoped3A_159 : memref<!tpu.dma_semaphore, #tpu.memory_space<semaphore_mem>>) src(%dma_wait3A_177 : memref<64x16xf32, #tpu.memory_space<vmem_shared>>) dst(%dma_wait3A_175 : memref<64x16xf32, #tpu.memory_space<vmem>>)
      tpu.yield
    }) : () -> ()
    %add3A_137 = arith.constant 448 : i32
    %add3A_138 = arith.addi %mul3A_2, %add3A_137 : i32
    "tpu.region"() ({
      %run_scoped3A_159 = tpu.sem_alloc : memref<!tpu.dma_semaphore, #tpu.memory_space<semaphore_mem>>
      %dma_start3A = arith.constant 0 : i32
      %dma_start3A_160 = arith.constant 0 : i32
      %dma_start3A_161 = tpu.memref_slice %arg14[%dma_start3A, %dma_start3A_160] : memref<64x16xf32, #tpu.memory_space<vmem>> -> memref<64x16xf32, #tpu.memory_space<vmem>>
      %dma_start3A_162 = arith.constant 0 : i32
      %dma_start3A_163 = arith.constant 0 : i32
      %dma_start3A_164 = tpu.memref_slice %arg9[%arg0, %dma_start3A_162, %dma_start3A_163] : memref<2x10112x16xf32, #tpu.memory_space<hbm>> -> memref<1x10112x16xf32, #tpu.memory_space<hbm>>
      %dma_start3A_165 = tpu.memref_squeeze %dma_start3A_164 : memref<1x10112x16xf32, #tpu.memory_space<hbm>> -> memref<10112x16xf32, #tpu.memory_space<hbm>>
      %dma_start3A_166 = arith.constant 0 : i32
      %dma_start3A_167 = tpu.memref_slice %dma_start3A_165[%add3A_138, %dma_start3A_166] : memref<10112x16xf32, #tpu.memory_space<hbm>> -> memref<64x16xf32, #tpu.memory_space<hbm>>
      %dma_start3A_168 = arith.constant 0 : i32
      %dma_start3A_169 = arith.constant 0 : i32
      %dma_start3A_170 = tpu.memref_slice %arg9[%arg0, %dma_start3A_168, %dma_start3A_169] : memref<2x10112x16xf32, #tpu.memory_space<hbm>> -> memref<1x10112x16xf32, #tpu.memory_space<hbm>>
      %dma_start3A_171 = tpu.memref_squeeze %dma_start3A_170 : memref<1x10112x16xf32, #tpu.memory_space<hbm>> -> memref<10112x16xf32, #tpu.memory_space<hbm>>
      %dma_start3A_172 = arith.constant 0 : i32
      %dma_start3A_173 = tpu.memref_slice %dma_start3A_171[%add3A_138, %dma_start3A_172] : memref<10112x16xf32, #tpu.memory_space<hbm>> -> memref<64x16xf32, #tpu.memory_space<hbm>>
      %dma_start3A_174 = arith.constant 0 : i32
      %dma_start3A_175 = arith.constant 0 : i32
      %dma_start3A_176 = tpu.memref_slice %arg14[%dma_start3A_174, %dma_start3A_175] : memref<64x16xf32, #tpu.memory_space<vmem>> -> memref<64x16xf32, #tpu.memory_space<vmem>>
      tpu.enqueue_dma source(%dma_start3A_176 : memref<64x16xf32, #tpu.memory_space<vmem>>) target(%dma_start3A_173 : memref<64x16xf32, #tpu.memory_space<hbm>>) target_semaphore(%run_scoped3A_159 : memref<!tpu.dma_semaphore, #tpu.memory_space<semaphore_mem>>)
      %dma_wait3A = arith.constant 0 : i32
      %dma_wait3A_177 = arith.constant 0 : i32
      %dma_wait3A_178 = tpu.memref_slice %arg14[%dma_wait3A, %dma_wait3A_177] : memref<64x16xf32, #tpu.memory_space<vmem>> -> memref<64x16xf32, #tpu.memory_space<vmem>>
      %dma_wait3A_179 = arith.constant 0 : i32
      %dma_wait3A_180 = arith.constant 0 : i32
      %dma_wait3A_181 = tpu.memref_slice %arg9[%arg0, %dma_wait3A_179, %dma_wait3A_180] : memref<2x10112x16xf32, #tpu.memory_space<hbm>> -> memref<1x10112x16xf32, #tpu.memory_space<hbm>>
      %dma_wait3A_182 = tpu.memref_squeeze %dma_wait3A_181 : memref<1x10112x16xf32, #tpu.memory_space<hbm>> -> memref<10112x16xf32, #tpu.memory_space<hbm>>
      %dma_wait3A_183 = arith.constant 0 : i32
      %dma_wait3A_184 = tpu.memref_slice %dma_wait3A_182[%add3A_138, %dma_wait3A_183] : memref<10112x16xf32, #tpu.memory_space<hbm>> -> memref<64x16xf32, #tpu.memory_space<hbm>>
      %dma_wait3A_185 = arith.constant 0 : i32
      %dma_wait3A_186 = arith.constant 0 : i32
      %dma_wait3A_187 = tpu.memref_slice %arg9[%arg0, %dma_wait3A_185, %dma_wait3A_186] : memref<2x10112x16xf32, #tpu.memory_space<hbm>> -> memref<1x10112x16xf32, #tpu.memory_space<hbm>>
      %dma_wait3A_188 = tpu.memref_squeeze %dma_wait3A_187 : memref<1x10112x16xf32, #tpu.memory_space<hbm>> -> memref<10112x16xf32, #tpu.memory_space<hbm>>
      %dma_wait3A_189 = arith.constant 0 : i32
      %dma_wait3A_190 = tpu.memref_slice %dma_wait3A_188[%add3A_138, %dma_wait3A_189] : memref<10112x16xf32, #tpu.memory_space<hbm>> -> memref<64x16xf32, #tpu.memory_space<hbm>>
      %dma_wait3A_191 = arith.constant 0 : i32
      %dma_wait3A_192 = arith.constant 0 : i32
      %dma_wait3A_193 = tpu.memref_slice %arg14[%dma_wait3A_191, %dma_wait3A_192] : memref<64x16xf32, #tpu.memory_space<vmem>> -> memref<64x16xf32, #tpu.memory_space<vmem>>
      tpu.wait_dma2 semaphore(%run_scoped3A_159 : memref<!tpu.dma_semaphore, #tpu.memory_space<semaphore_mem>>) src(%dma_wait3A_193 : memref<64x16xf32, #tpu.memory_space<vmem>>) dst(%dma_wait3A_190 : memref<64x16xf32, #tpu.memory_space<hbm>>)
      tpu.yield
    }) : () -> ()
    %add3A_139 = arith.constant 512 : i32
    %add3A_140 = arith.addi %mul3A_2, %add3A_139 : i32
    %run_scoped3A_141 = arith.constant 0 : i32
    "tpu.region"() ({
      %run_scoped3A_159 = tpu.sem_alloc : memref<!tpu.dma_semaphore, #tpu.memory_space<semaphore_mem>>
      %dma_start3A = arith.constant 0 : i32
      %dma_start3A_160 = arith.constant 0 : i32
      %dma_start3A_161 = tpu.memref_slice %arg13[%run_scoped3A_141, %dma_start3A, %dma_start3A_160] : memref<2x64x128xf32, #tpu.memory_space<vmem>> -> memref<1x64x128xf32, #tpu.memory_space<vmem>>
      %dma_start3A_162 = tpu.memref_squeeze %dma_start3A_161 : memref<1x64x128xf32, #tpu.memory_space<vmem>> -> memref<64x128xf32, #tpu.memory_space<vmem>>
      %dma_start3A_163 = arith.constant 0 : i32
      %dma_start3A_164 = arith.constant 0 : i32
      %dma_start3A_165 = tpu.memref_slice %dma_start3A_162[%dma_start3A_163, %dma_start3A_164] : memref<64x128xf32, #tpu.memory_space<vmem>> -> memref<64x128xf32, #tpu.memory_space<vmem>>
      %dma_start3A_166 = arith.constant 0 : i32
      %dma_start3A_167 = tpu.memref_slice %arg15[%add3A_140, %dma_start3A_166] : memref<10112x128xf32, #tpu.memory_space<vmem_shared>> -> memref<64x128xf32, #tpu.memory_space<vmem_shared>>
      %dma_start3A_168 = arith.constant 0 : i32
      %dma_start3A_169 = arith.constant 0 : i32
      %dma_start3A_170 = tpu.memref_slice %arg13[%run_scoped3A_141, %dma_start3A_168, %dma_start3A_169] : memref<2x64x128xf32, #tpu.memory_space<vmem>> -> memref<1x64x128xf32, #tpu.memory_space<vmem>>
      %dma_start3A_171 = tpu.memref_squeeze %dma_start3A_170 : memref<1x64x128xf32, #tpu.memory_space<vmem>> -> memref<64x128xf32, #tpu.memory_space<vmem>>
      %dma_start3A_172 = arith.constant 0 : i32
      %dma_start3A_173 = arith.constant 0 : i32
      %dma_start3A_174 = tpu.memref_slice %dma_start3A_171[%dma_start3A_172, %dma_start3A_173] : memref<64x128xf32, #tpu.memory_space<vmem>> -> memref<64x128xf32, #tpu.memory_space<vmem>>
      %dma_start3A_175 = arith.constant 0 : i32
      %dma_start3A_176 = tpu.memref_slice %arg15[%add3A_140, %dma_start3A_175] : memref<10112x128xf32, #tpu.memory_space<vmem_shared>> -> memref<64x128xf32, #tpu.memory_space<vmem_shared>>
      tpu.enqueue_dma source(%dma_start3A_176 : memref<64x128xf32, #tpu.memory_space<vmem_shared>>) target(%dma_start3A_174 : memref<64x128xf32, #tpu.memory_space<vmem>>) target_semaphore(%run_scoped3A_159 : memref<!tpu.dma_semaphore, #tpu.memory_space<semaphore_mem>>)
      %dma_wait3A = arith.constant 0 : i32
      %dma_wait3A_177 = arith.constant 0 : i32
      %dma_wait3A_178 = tpu.memref_slice %arg13[%run_scoped3A_141, %dma_wait3A, %dma_wait3A_177] : memref<2x64x128xf32, #tpu.memory_space<vmem>> -> memref<1x64x128xf32, #tpu.memory_space<vmem>>
      %dma_wait3A_179 = tpu.memref_squeeze %dma_wait3A_178 : memref<1x64x128xf32, #tpu.memory_space<vmem>> -> memref<64x128xf32, #tpu.memory_space<vmem>>
      %dma_wait3A_180 = arith.constant 0 : i32
      %dma_wait3A_181 = arith.constant 0 : i32
      %dma_wait3A_182 = tpu.memref_slice %dma_wait3A_179[%dma_wait3A_180, %dma_wait3A_181] : memref<64x128xf32, #tpu.memory_space<vmem>> -> memref<64x128xf32, #tpu.memory_space<vmem>>
      %dma_wait3A_183 = arith.constant 0 : i32
      %dma_wait3A_184 = tpu.memref_slice %arg15[%add3A_140, %dma_wait3A_183] : memref<10112x128xf32, #tpu.memory_space<vmem_shared>> -> memref<64x128xf32, #tpu.memory_space<vmem_shared>>
      %dma_wait3A_185 = arith.constant 0 : i32
      %dma_wait3A_186 = arith.constant 0 : i32
      %dma_wait3A_187 = tpu.memref_slice %arg13[%run_scoped3A_141, %dma_wait3A_185, %dma_wait3A_186] : memref<2x64x128xf32, #tpu.memory_space<vmem>> -> memref<1x64x128xf32, #tpu.memory_space<vmem>>
      %dma_wait3A_188 = tpu.memref_squeeze %dma_wait3A_187 : memref<1x64x128xf32, #tpu.memory_space<vmem>> -> memref<64x128xf32, #tpu.memory_space<vmem>>
      %dma_wait3A_189 = arith.constant 0 : i32
      %dma_wait3A_190 = arith.constant 0 : i32
      %dma_wait3A_191 = tpu.memref_slice %dma_wait3A_188[%dma_wait3A_189, %dma_wait3A_190] : memref<64x128xf32, #tpu.memory_space<vmem>> -> memref<64x128xf32, #tpu.memory_space<vmem>>
      %dma_wait3A_192 = arith.constant 0 : i32
      %dma_wait3A_193 = tpu.memref_slice %arg15[%add3A_140, %dma_wait3A_192] : memref<10112x128xf32, #tpu.memory_space<vmem_shared>> -> memref<64x128xf32, #tpu.memory_space<vmem_shared>>
      tpu.wait_dma2 semaphore(%run_scoped3A_159 : memref<!tpu.dma_semaphore, #tpu.memory_space<semaphore_mem>>) src(%dma_wait3A_193 : memref<64x128xf32, #tpu.memory_space<vmem_shared>>) dst(%dma_wait3A_191 : memref<64x128xf32, #tpu.memory_space<vmem>>)
      tpu.yield
    }) : () -> ()
    %add3A_142 = arith.constant 512 : i32
    %add3A_143 = arith.addi %mul3A_2, %add3A_142 : i32
    %run_scoped3A_144 = arith.constant 0 : i32
    "tpu.region"() ({
      %run_scoped3A_159 = tpu.sem_alloc : memref<!tpu.dma_semaphore, #tpu.memory_space<semaphore_mem>>
      %dma_start3A = arith.constant 0 : i32
      %dma_start3A_160 = arith.constant 0 : i32
      %dma_start3A_161 = tpu.memref_slice %arg13[%run_scoped3A_144, %dma_start3A, %dma_start3A_160] : memref<2x64x128xf32, #tpu.memory_space<vmem>> -> memref<1x64x128xf32, #tpu.memory_space<vmem>>
      %dma_start3A_162 = tpu.memref_squeeze %dma_start3A_161 : memref<1x64x128xf32, #tpu.memory_space<vmem>> -> memref<64x128xf32, #tpu.memory_space<vmem>>
      %dma_start3A_163 = arith.constant 0 : i32
      %dma_start3A_164 = arith.constant 0 : i32
      %dma_start3A_165 = tpu.memref_slice %dma_start3A_162[%dma_start3A_163, %dma_start3A_164] : memref<64x128xf32, #tpu.memory_space<vmem>> -> memref<64x128xf32, #tpu.memory_space<vmem>>
      %dma_start3A_166 = arith.constant 0 : i32
      %dma_start3A_167 = arith.constant 0 : i32
      %dma_start3A_168 = tpu.memref_slice %arg8[%arg0, %dma_start3A_166, %dma_start3A_167] : memref<2x10112x128xf32, #tpu.memory_space<hbm>> -> memref<1x10112x128xf32, #tpu.memory_space<hbm>>
      %dma_start3A_169 = tpu.memref_squeeze %dma_start3A_168 : memref<1x10112x128xf32, #tpu.memory_space<hbm>> -> memref<10112x128xf32, #tpu.memory_space<hbm>>
      %dma_start3A_170 = arith.constant 0 : i32
      %dma_start3A_171 = tpu.memref_slice %dma_start3A_169[%add3A_143, %dma_start3A_170] : memref<10112x128xf32, #tpu.memory_space<hbm>> -> memref<64x128xf32, #tpu.memory_space<hbm>>
      %dma_start3A_172 = arith.constant 0 : i32
      %dma_start3A_173 = arith.constant 0 : i32
      %dma_start3A_174 = tpu.memref_slice %arg8[%arg0, %dma_start3A_172, %dma_start3A_173] : memref<2x10112x128xf32, #tpu.memory_space<hbm>> -> memref<1x10112x128xf32, #tpu.memory_space<hbm>>
      %dma_start3A_175 = tpu.memref_squeeze %dma_start3A_174 : memref<1x10112x128xf32, #tpu.memory_space<hbm>> -> memref<10112x128xf32, #tpu.memory_space<hbm>>
      %dma_start3A_176 = arith.constant 0 : i32
      %dma_start3A_177 = tpu.memref_slice %dma_start3A_175[%add3A_143, %dma_start3A_176] : memref<10112x128xf32, #tpu.memory_space<hbm>> -> memref<64x128xf32, #tpu.memory_space<hbm>>
      %dma_start3A_178 = arith.constant 0 : i32
      %dma_start3A_179 = arith.constant 0 : i32
      %dma_start3A_180 = tpu.memref_slice %arg13[%run_scoped3A_144, %dma_start3A_178, %dma_start3A_179] : memref<2x64x128xf32, #tpu.memory_space<vmem>> -> memref<1x64x128xf32, #tpu.memory_space<vmem>>
      %dma_start3A_181 = tpu.memref_squeeze %dma_start3A_180 : memref<1x64x128xf32, #tpu.memory_space<vmem>> -> memref<64x128xf32, #tpu.memory_space<vmem>>
      %dma_start3A_182 = arith.constant 0 : i32
      %dma_start3A_183 = arith.constant 0 : i32
      %dma_start3A_184 = tpu.memref_slice %dma_start3A_181[%dma_start3A_182, %dma_start3A_183] : memref<64x128xf32, #tpu.memory_space<vmem>> -> memref<64x128xf32, #tpu.memory_space<vmem>>
      tpu.enqueue_dma source(%dma_start3A_184 : memref<64x128xf32, #tpu.memory_space<vmem>>) target(%dma_start3A_177 : memref<64x128xf32, #tpu.memory_space<hbm>>) target_semaphore(%run_scoped3A_159 : memref<!tpu.dma_semaphore, #tpu.memory_space<semaphore_mem>>)
      %dma_wait3A = arith.constant 0 : i32
      %dma_wait3A_185 = arith.constant 0 : i32
      %dma_wait3A_186 = tpu.memref_slice %arg13[%run_scoped3A_144, %dma_wait3A, %dma_wait3A_185] : memref<2x64x128xf32, #tpu.memory_space<vmem>> -> memref<1x64x128xf32, #tpu.memory_space<vmem>>
      %dma_wait3A_187 = tpu.memref_squeeze %dma_wait3A_186 : memref<1x64x128xf32, #tpu.memory_space<vmem>> -> memref<64x128xf32, #tpu.memory_space<vmem>>
      %dma_wait3A_188 = arith.constant 0 : i32
      %dma_wait3A_189 = arith.constant 0 : i32
      %dma_wait3A_190 = tpu.memref_slice %dma_wait3A_187[%dma_wait3A_188, %dma_wait3A_189] : memref<64x128xf32, #tpu.memory_space<vmem>> -> memref<64x128xf32, #tpu.memory_space<vmem>>
      %dma_wait3A_191 = arith.constant 0 : i32
      %dma_wait3A_192 = arith.constant 0 : i32
      %dma_wait3A_193 = tpu.memref_slice %arg8[%arg0, %dma_wait3A_191, %dma_wait3A_192] : memref<2x10112x128xf32, #tpu.memory_space<hbm>> -> memref<1x10112x128xf32, #tpu.memory_space<hbm>>
      %dma_wait3A_194 = tpu.memref_squeeze %dma_wait3A_193 : memref<1x10112x128xf32, #tpu.memory_space<hbm>> -> memref<10112x128xf32, #tpu.memory_space<hbm>>
      %dma_wait3A_195 = arith.constant 0 : i32
      %dma_wait3A_196 = tpu.memref_slice %dma_wait3A_194[%add3A_143, %dma_wait3A_195] : memref<10112x128xf32, #tpu.memory_space<hbm>> -> memref<64x128xf32, #tpu.memory_space<hbm>>
      %dma_wait3A_197 = arith.constant 0 : i32
      %dma_wait3A_198 = arith.constant 0 : i32
      %dma_wait3A_199 = tpu.memref_slice %arg8[%arg0, %dma_wait3A_197, %dma_wait3A_198] : memref<2x10112x128xf32, #tpu.memory_space<hbm>> -> memref<1x10112x128xf32, #tpu.memory_space<hbm>>
      %dma_wait3A_200 = tpu.memref_squeeze %dma_wait3A_199 : memref<1x10112x128xf32, #tpu.memory_space<hbm>> -> memref<10112x128xf32, #tpu.memory_space<hbm>>
      %dma_wait3A_201 = arith.constant 0 : i32
      %dma_wait3A_202 = tpu.memref_slice %dma_wait3A_200[%add3A_143, %dma_wait3A_201] : memref<10112x128xf32, #tpu.memory_space<hbm>> -> memref<64x128xf32, #tpu.memory_space<hbm>>
      %dma_wait3A_203 = arith.constant 0 : i32
      %dma_wait3A_204 = arith.constant 0 : i32
      %dma_wait3A_205 = tpu.memref_slice %arg13[%run_scoped3A_144, %dma_wait3A_203, %dma_wait3A_204] : memref<2x64x128xf32, #tpu.memory_space<vmem>> -> memref<1x64x128xf32, #tpu.memory_space<vmem>>
      %dma_wait3A_206 = tpu.memref_squeeze %dma_wait3A_205 : memref<1x64x128xf32, #tpu.memory_space<vmem>> -> memref<64x128xf32, #tpu.memory_space<vmem>>
      %dma_wait3A_207 = arith.constant 0 : i32
      %dma_wait3A_208 = arith.constant 0 : i32
      %dma_wait3A_209 = tpu.memref_slice %dma_wait3A_206[%dma_wait3A_207, %dma_wait3A_208] : memref<64x128xf32, #tpu.memory_space<vmem>> -> memref<64x128xf32, #tpu.memory_space<vmem>>
      tpu.wait_dma2 semaphore(%run_scoped3A_159 : memref<!tpu.dma_semaphore, #tpu.memory_space<semaphore_mem>>) src(%dma_wait3A_209 : memref<64x128xf32, #tpu.memory_space<vmem>>) dst(%dma_wait3A_202 : memref<64x128xf32, #tpu.memory_space<hbm>>)
      tpu.yield
    }) : () -> ()
    %add3A_145 = arith.constant 512 : i32
    %add3A_146 = arith.addi %mul3A_2, %add3A_145 : i32
    "tpu.region"() ({
      %run_scoped3A_159 = tpu.sem_alloc : memref<!tpu.dma_semaphore, #tpu.memory_space<semaphore_mem>>
      %dma_start3A = arith.constant 0 : i32
      %dma_start3A_160 = arith.constant 0 : i32
      %dma_start3A_161 = tpu.memref_slice %arg14[%dma_start3A, %dma_start3A_160] : memref<64x16xf32, #tpu.memory_space<vmem>> -> memref<64x16xf32, #tpu.memory_space<vmem>>
      %dma_start3A_162 = arith.constant 0 : i32
      %dma_start3A_163 = tpu.memref_slice %arg16[%add3A_146, %dma_start3A_162] : memref<10112x16xf32, #tpu.memory_space<vmem_shared>> -> memref<64x16xf32, #tpu.memory_space<vmem_shared>>
      %dma_start3A_164 = arith.constant 0 : i32
      %dma_start3A_165 = arith.constant 0 : i32
      %dma_start3A_166 = tpu.memref_slice %arg14[%dma_start3A_164, %dma_start3A_165] : memref<64x16xf32, #tpu.memory_space<vmem>> -> memref<64x16xf32, #tpu.memory_space<vmem>>
      %dma_start3A_167 = arith.constant 0 : i32
      %dma_start3A_168 = tpu.memref_slice %arg16[%add3A_146, %dma_start3A_167] : memref<10112x16xf32, #tpu.memory_space<vmem_shared>> -> memref<64x16xf32, #tpu.memory_space<vmem_shared>>
      tpu.enqueue_dma source(%dma_start3A_168 : memref<64x16xf32, #tpu.memory_space<vmem_shared>>) target(%dma_start3A_166 : memref<64x16xf32, #tpu.memory_space<vmem>>) target_semaphore(%run_scoped3A_159 : memref<!tpu.dma_semaphore, #tpu.memory_space<semaphore_mem>>)
      %dma_wait3A = arith.constant 0 : i32
      %dma_wait3A_169 = arith.constant 0 : i32
      %dma_wait3A_170 = tpu.memref_slice %arg14[%dma_wait3A, %dma_wait3A_169] : memref<64x16xf32, #tpu.memory_space<vmem>> -> memref<64x16xf32, #tpu.memory_space<vmem>>
      %dma_wait3A_171 = arith.constant 0 : i32
      %dma_wait3A_172 = tpu.memref_slice %arg16[%add3A_146, %dma_wait3A_171] : memref<10112x16xf32, #tpu.memory_space<vmem_shared>> -> memref<64x16xf32, #tpu.memory_space<vmem_shared>>
      %dma_wait3A_173 = arith.constant 0 : i32
      %dma_wait3A_174 = arith.constant 0 : i32
      %dma_wait3A_175 = tpu.memref_slice %arg14[%dma_wait3A_173, %dma_wait3A_174] : memref<64x16xf32, #tpu.memory_space<vmem>> -> memref<64x16xf32, #tpu.memory_space<vmem>>
      %dma_wait3A_176 = arith.constant 0 : i32
      %dma_wait3A_177 = tpu.memref_slice %arg16[%add3A_146, %dma_wait3A_176] : memref<10112x16xf32, #tpu.memory_space<vmem_shared>> -> memref<64x16xf32, #tpu.memory_space<vmem_shared>>
      tpu.wait_dma2 semaphore(%run_scoped3A_159 : memref<!tpu.dma_semaphore, #tpu.memory_space<semaphore_mem>>) src(%dma_wait3A_177 : memref<64x16xf32, #tpu.memory_space<vmem_shared>>) dst(%dma_wait3A_175 : memref<64x16xf32, #tpu.memory_space<vmem>>)
      tpu.yield
    }) : () -> ()
    %add3A_147 = arith.constant 512 : i32
    %add3A_148 = arith.addi %mul3A_2, %add3A_147 : i32
    "tpu.region"() ({
      %run_scoped3A_159 = tpu.sem_alloc : memref<!tpu.dma_semaphore, #tpu.memory_space<semaphore_mem>>
      %dma_start3A = arith.constant 0 : i32
      %dma_start3A_160 = arith.constant 0 : i32
      %dma_start3A_161 = tpu.memref_slice %arg14[%dma_start3A, %dma_start3A_160] : memref<64x16xf32, #tpu.memory_space<vmem>> -> memref<64x16xf32, #tpu.memory_space<vmem>>
      %dma_start3A_162 = arith.constant 0 : i32
      %dma_start3A_163 = arith.constant 0 : i32
      %dma_start3A_164 = tpu.memref_slice %arg9[%arg0, %dma_start3A_162, %dma_start3A_163] : memref<2x10112x16xf32, #tpu.memory_space<hbm>> -> memref<1x10112x16xf32, #tpu.memory_space<hbm>>
      %dma_start3A_165 = tpu.memref_squeeze %dma_start3A_164 : memref<1x10112x16xf32, #tpu.memory_space<hbm>> -> memref<10112x16xf32, #tpu.memory_space<hbm>>
      %dma_start3A_166 = arith.constant 0 : i32
      %dma_start3A_167 = tpu.memref_slice %dma_start3A_165[%add3A_148, %dma_start3A_166] : memref<10112x16xf32, #tpu.memory_space<hbm>> -> memref<64x16xf32, #tpu.memory_space<hbm>>
      %dma_start3A_168 = arith.constant 0 : i32
      %dma_start3A_169 = arith.constant 0 : i32
      %dma_start3A_170 = tpu.memref_slice %arg9[%arg0, %dma_start3A_168, %dma_start3A_169] : memref<2x10112x16xf32, #tpu.memory_space<hbm>> -> memref<1x10112x16xf32, #tpu.memory_space<hbm>>
      %dma_start3A_171 = tpu.memref_squeeze %dma_start3A_170 : memref<1x10112x16xf32, #tpu.memory_space<hbm>> -> memref<10112x16xf32, #tpu.memory_space<hbm>>
      %dma_start3A_172 = arith.constant 0 : i32
      %dma_start3A_173 = tpu.memref_slice %dma_start3A_171[%add3A_148, %dma_start3A_172] : memref<10112x16xf32, #tpu.memory_space<hbm>> -> memref<64x16xf32, #tpu.memory_space<hbm>>
      %dma_start3A_174 = arith.constant 0 : i32
      %dma_start3A_175 = arith.constant 0 : i32
      %dma_start3A_176 = tpu.memref_slice %arg14[%dma_start3A_174, %dma_start3A_175] : memref<64x16xf32, #tpu.memory_space<vmem>> -> memref<64x16xf32, #tpu.memory_space<vmem>>
      tpu.enqueue_dma source(%dma_start3A_176 : memref<64x16xf32, #tpu.memory_space<vmem>>) target(%dma_start3A_173 : memref<64x16xf32, #tpu.memory_space<hbm>>) target_semaphore(%run_scoped3A_159 : memref<!tpu.dma_semaphore, #tpu.memory_space<semaphore_mem>>)
      %dma_wait3A = arith.constant 0 : i32
      %dma_wait3A_177 = arith.constant 0 : i32
      %dma_wait3A_178 = tpu.memref_slice %arg14[%dma_wait3A, %dma_wait3A_177] : memref<64x16xf32, #tpu.memory_space<vmem>> -> memref<64x16xf32, #tpu.memory_space<vmem>>
      %dma_wait3A_179 = arith.constant 0 : i32
      %dma_wait3A_180 = arith.constant 0 : i32
      %dma_wait3A_181 = tpu.memref_slice %arg9[%arg0, %dma_wait3A_179, %dma_wait3A_180] : memref<2x10112x16xf32, #tpu.memory_space<hbm>> -> memref<1x10112x16xf32, #tpu.memory_space<hbm>>
      %dma_wait3A_182 = tpu.memref_squeeze %dma_wait3A_181 : memref<1x10112x16xf32, #tpu.memory_space<hbm>> -> memref<10112x16xf32, #tpu.memory_space<hbm>>
      %dma_wait3A_183 = arith.constant 0 : i32
      %dma_wait3A_184 = tpu.memref_slice %dma_wait3A_182[%add3A_148, %dma_wait3A_183] : memref<10112x16xf32, #tpu.memory_space<hbm>> -> memref<64x16xf32, #tpu.memory_space<hbm>>
      %dma_wait3A_185 = arith.constant 0 : i32
      %dma_wait3A_186 = arith.constant 0 : i32
      %dma_wait3A_187 = tpu.memref_slice %arg9[%arg0, %dma_wait3A_185, %dma_wait3A_186] : memref<2x10112x16xf32, #tpu.memory_space<hbm>> -> memref<1x10112x16xf32, #tpu.memory_space<hbm>>
      %dma_wait3A_188 = tpu.memref_squeeze %dma_wait3A_187 : memref<1x10112x16xf32, #tpu.memory_space<hbm>> -> memref<10112x16xf32, #tpu.memory_space<hbm>>
      %dma_wait3A_189 = arith.constant 0 : i32
      %dma_wait3A_190 = tpu.memref_slice %dma_wait3A_188[%add3A_148, %dma_wait3A_189] : memref<10112x16xf32, #tpu.memory_space<hbm>> -> memref<64x16xf32, #tpu.memory_space<hbm>>
      %dma_wait3A_191 = arith.constant 0 : i32
      %dma_wait3A_192 = arith.constant 0 : i32
      %dma_wait3A_193 = tpu.memref_slice %arg14[%dma_wait3A_191, %dma_wait3A_192] : memref<64x16xf32, #tpu.memory_space<vmem>> -> memref<64x16xf32, #tpu.memory_space<vmem>>
      tpu.wait_dma2 semaphore(%run_scoped3A_159 : memref<!tpu.dma_semaphore, #tpu.memory_space<semaphore_mem>>) src(%dma_wait3A_193 : memref<64x16xf32, #tpu.memory_space<vmem>>) dst(%dma_wait3A_190 : memref<64x16xf32, #tpu.memory_space<hbm>>)
      tpu.yield
    }) : () -> ()
    %add3A_149 = arith.constant 576 : i32
    %add3A_150 = arith.addi %mul3A_2, %add3A_149 : i32
    %run_scoped3A_151 = arith.constant 0 : i32
    "tpu.region"() ({
      %run_scoped3A_159 = tpu.sem_alloc : memref<!tpu.dma_semaphore, #tpu.memory_space<semaphore_mem>>
      %dma_start3A = arith.constant 0 : i32
      %dma_start3A_160 = arith.constant 0 : i32
      %dma_start3A_161 = tpu.memref_slice %arg13[%run_scoped3A_151, %dma_start3A, %dma_start3A_160] : memref<2x64x128xf32, #tpu.memory_space<vmem>> -> memref<1x64x128xf32, #tpu.memory_space<vmem>>
      %dma_start3A_162 = tpu.memref_squeeze %dma_start3A_161 : memref<1x64x128xf32, #tpu.memory_space<vmem>> -> memref<64x128xf32, #tpu.memory_space<vmem>>
      %dma_start3A_163 = arith.constant 0 : i32
      %dma_start3A_164 = arith.constant 0 : i32
      %dma_start3A_165 = tpu.memref_slice %dma_start3A_162[%dma_start3A_163, %dma_start3A_164] : memref<64x128xf32, #tpu.memory_space<vmem>> -> memref<56x128xf32, #tpu.memory_space<vmem>>
      %dma_start3A_166 = arith.constant 0 : i32
      %dma_start3A_167 = tpu.memref_slice %arg15[%add3A_150, %dma_start3A_166] : memref<10112x128xf32, #tpu.memory_space<vmem_shared>> -> memref<56x128xf32, #tpu.memory_space<vmem_shared>>
      %dma_start3A_168 = arith.constant 0 : i32
      %dma_start3A_169 = arith.constant 0 : i32
      %dma_start3A_170 = tpu.memref_slice %arg13[%run_scoped3A_151, %dma_start3A_168, %dma_start3A_169] : memref<2x64x128xf32, #tpu.memory_space<vmem>> -> memref<1x64x128xf32, #tpu.memory_space<vmem>>
      %dma_start3A_171 = tpu.memref_squeeze %dma_start3A_170 : memref<1x64x128xf32, #tpu.memory_space<vmem>> -> memref<64x128xf32, #tpu.memory_space<vmem>>
      %dma_start3A_172 = arith.constant 0 : i32
      %dma_start3A_173 = arith.constant 0 : i32
      %dma_start3A_174 = tpu.memref_slice %dma_start3A_171[%dma_start3A_172, %dma_start3A_173] : memref<64x128xf32, #tpu.memory_space<vmem>> -> memref<56x128xf32, #tpu.memory_space<vmem>>
      %dma_start3A_175 = arith.constant 0 : i32
      %dma_start3A_176 = tpu.memref_slice %arg15[%add3A_150, %dma_start3A_175] : memref<10112x128xf32, #tpu.memory_space<vmem_shared>> -> memref<56x128xf32, #tpu.memory_space<vmem_shared>>
      tpu.enqueue_dma source(%dma_start3A_176 : memref<56x128xf32, #tpu.memory_space<vmem_shared>>) target(%dma_start3A_174 : memref<56x128xf32, #tpu.memory_space<vmem>>) target_semaphore(%run_scoped3A_159 : memref<!tpu.dma_semaphore, #tpu.memory_space<semaphore_mem>>)
      %dma_wait3A = arith.constant 0 : i32
      %dma_wait3A_177 = arith.constant 0 : i32
      %dma_wait3A_178 = tpu.memref_slice %arg13[%run_scoped3A_151, %dma_wait3A, %dma_wait3A_177] : memref<2x64x128xf32, #tpu.memory_space<vmem>> -> memref<1x64x128xf32, #tpu.memory_space<vmem>>
      %dma_wait3A_179 = tpu.memref_squeeze %dma_wait3A_178 : memref<1x64x128xf32, #tpu.memory_space<vmem>> -> memref<64x128xf32, #tpu.memory_space<vmem>>
      %dma_wait3A_180 = arith.constant 0 : i32
      %dma_wait3A_181 = arith.constant 0 : i32
      %dma_wait3A_182 = tpu.memref_slice %dma_wait3A_179[%dma_wait3A_180, %dma_wait3A_181] : memref<64x128xf32, #tpu.memory_space<vmem>> -> memref<56x128xf32, #tpu.memory_space<vmem>>
      %dma_wait3A_183 = arith.constant 0 : i32
      %dma_wait3A_184 = tpu.memref_slice %arg15[%add3A_150, %dma_wait3A_183] : memref<10112x128xf32, #tpu.memory_space<vmem_shared>> -> memref<56x128xf32, #tpu.memory_space<vmem_shared>>
      %dma_wait3A_185 = arith.constant 0 : i32
      %dma_wait3A_186 = arith.constant 0 : i32
      %dma_wait3A_187 = tpu.memref_slice %arg13[%run_scoped3A_151, %dma_wait3A_185, %dma_wait3A_186] : memref<2x64x128xf32, #tpu.memory_space<vmem>> -> memref<1x64x128xf32, #tpu.memory_space<vmem>>
      %dma_wait3A_188 = tpu.memref_squeeze %dma_wait3A_187 : memref<1x64x128xf32, #tpu.memory_space<vmem>> -> memref<64x128xf32, #tpu.memory_space<vmem>>
      %dma_wait3A_189 = arith.constant 0 : i32
      %dma_wait3A_190 = arith.constant 0 : i32
      %dma_wait3A_191 = tpu.memref_slice %dma_wait3A_188[%dma_wait3A_189, %dma_wait3A_190] : memref<64x128xf32, #tpu.memory_space<vmem>> -> memref<56x128xf32, #tpu.memory_space<vmem>>
      %dma_wait3A_192 = arith.constant 0 : i32
      %dma_wait3A_193 = tpu.memref_slice %arg15[%add3A_150, %dma_wait3A_192] : memref<10112x128xf32, #tpu.memory_space<vmem_shared>> -> memref<56x128xf32, #tpu.memory_space<vmem_shared>>
      tpu.wait_dma2 semaphore(%run_scoped3A_159 : memref<!tpu.dma_semaphore, #tpu.memory_space<semaphore_mem>>) src(%dma_wait3A_193 : memref<56x128xf32, #tpu.memory_space<vmem_shared>>) dst(%dma_wait3A_191 : memref<56x128xf32, #tpu.memory_space<vmem>>)
      tpu.yield
    }) : () -> ()
    %add3A_152 = arith.constant 576 : i32
    %add3A_153 = arith.addi %mul3A_2, %add3A_152 : i32
    %run_scoped3A_154 = arith.constant 0 : i32
    "tpu.region"() ({
      %run_scoped3A_159 = tpu.sem_alloc : memref<!tpu.dma_semaphore, #tpu.memory_space<semaphore_mem>>
      %dma_start3A = arith.constant 0 : i32
      %dma_start3A_160 = arith.constant 0 : i32
      %dma_start3A_161 = tpu.memref_slice %arg13[%run_scoped3A_154, %dma_start3A, %dma_start3A_160] : memref<2x64x128xf32, #tpu.memory_space<vmem>> -> memref<1x64x128xf32, #tpu.memory_space<vmem>>
      %dma_start3A_162 = tpu.memref_squeeze %dma_start3A_161 : memref<1x64x128xf32, #tpu.memory_space<vmem>> -> memref<64x128xf32, #tpu.memory_space<vmem>>
      %dma_start3A_163 = arith.constant 0 : i32
      %dma_start3A_164 = arith.constant 0 : i32
      %dma_start3A_165 = tpu.memref_slice %dma_start3A_162[%dma_start3A_163, %dma_start3A_164] : memref<64x128xf32, #tpu.memory_space<vmem>> -> memref<56x128xf32, #tpu.memory_space<vmem>>
      %dma_start3A_166 = arith.constant 0 : i32
      %dma_start3A_167 = arith.constant 0 : i32
      %dma_start3A_168 = tpu.memref_slice %arg8[%arg0, %dma_start3A_166, %dma_start3A_167] : memref<2x10112x128xf32, #tpu.memory_space<hbm>> -> memref<1x10112x128xf32, #tpu.memory_space<hbm>>
      %dma_start3A_169 = tpu.memref_squeeze %dma_start3A_168 : memref<1x10112x128xf32, #tpu.memory_space<hbm>> -> memref<10112x128xf32, #tpu.memory_space<hbm>>
      %dma_start3A_170 = arith.constant 0 : i32
      %dma_start3A_171 = tpu.memref_slice %dma_start3A_169[%add3A_153, %dma_start3A_170] : memref<10112x128xf32, #tpu.memory_space<hbm>> -> memref<56x128xf32, #tpu.memory_space<hbm>>
      %dma_start3A_172 = arith.constant 0 : i32
      %dma_start3A_173 = arith.constant 0 : i32
      %dma_start3A_174 = tpu.memref_slice %arg8[%arg0, %dma_start3A_172, %dma_start3A_173] : memref<2x10112x128xf32, #tpu.memory_space<hbm>> -> memref<1x10112x128xf32, #tpu.memory_space<hbm>>
      %dma_start3A_175 = tpu.memref_squeeze %dma_start3A_174 : memref<1x10112x128xf32, #tpu.memory_space<hbm>> -> memref<10112x128xf32, #tpu.memory_space<hbm>>
      %dma_start3A_176 = arith.constant 0 : i32
      %dma_start3A_177 = tpu.memref_slice %dma_start3A_175[%add3A_153, %dma_start3A_176] : memref<10112x128xf32, #tpu.memory_space<hbm>> -> memref<56x128xf32, #tpu.memory_space<hbm>>
      %dma_start3A_178 = arith.constant 0 : i32
      %dma_start3A_179 = arith.constant 0 : i32
      %dma_start3A_180 = tpu.memref_slice %arg13[%run_scoped3A_154, %dma_start3A_178, %dma_start3A_179] : memref<2x64x128xf32, #tpu.memory_space<vmem>> -> memref<1x64x128xf32, #tpu.memory_space<vmem>>
      %dma_start3A_181 = tpu.memref_squeeze %dma_start3A_180 : memref<1x64x128xf32, #tpu.memory_space<vmem>> -> memref<64x128xf32, #tpu.memory_space<vmem>>
      %dma_start3A_182 = arith.constant 0 : i32
      %dma_start3A_183 = arith.constant 0 : i32
      %dma_start3A_184 = tpu.memref_slice %dma_start3A_181[%dma_start3A_182, %dma_start3A_183] : memref<64x128xf32, #tpu.memory_space<vmem>> -> memref<56x128xf32, #tpu.memory_space<vmem>>
      tpu.enqueue_dma source(%dma_start3A_184 : memref<56x128xf32, #tpu.memory_space<vmem>>) target(%dma_start3A_177 : memref<56x128xf32, #tpu.memory_space<hbm>>) target_semaphore(%run_scoped3A_159 : memref<!tpu.dma_semaphore, #tpu.memory_space<semaphore_mem>>)
      %dma_wait3A = arith.constant 0 : i32
      %dma_wait3A_185 = arith.constant 0 : i32
      %dma_wait3A_186 = tpu.memref_slice %arg13[%run_scoped3A_154, %dma_wait3A, %dma_wait3A_185] : memref<2x64x128xf32, #tpu.memory_space<vmem>> -> memref<1x64x128xf32, #tpu.memory_space<vmem>>
      %dma_wait3A_187 = tpu.memref_squeeze %dma_wait3A_186 : memref<1x64x128xf32, #tpu.memory_space<vmem>> -> memref<64x128xf32, #tpu.memory_space<vmem>>
      %dma_wait3A_188 = arith.constant 0 : i32
      %dma_wait3A_189 = arith.constant 0 : i32
      %dma_wait3A_190 = tpu.memref_slice %dma_wait3A_187[%dma_wait3A_188, %dma_wait3A_189] : memref<64x128xf32, #tpu.memory_space<vmem>> -> memref<56x128xf32, #tpu.memory_space<vmem>>
      %dma_wait3A_191 = arith.constant 0 : i32
      %dma_wait3A_192 = arith.constant 0 : i32
      %dma_wait3A_193 = tpu.memref_slice %arg8[%arg0, %dma_wait3A_191, %dma_wait3A_192] : memref<2x10112x128xf32, #tpu.memory_space<hbm>> -> memref<1x10112x128xf32, #tpu.memory_space<hbm>>
      %dma_wait3A_194 = tpu.memref_squeeze %dma_wait3A_193 : memref<1x10112x128xf32, #tpu.memory_space<hbm>> -> memref<10112x128xf32, #tpu.memory_space<hbm>>
      %dma_wait3A_195 = arith.constant 0 : i32
      %dma_wait3A_196 = tpu.memref_slice %dma_wait3A_194[%add3A_153, %dma_wait3A_195] : memref<10112x128xf32, #tpu.memory_space<hbm>> -> memref<56x128xf32, #tpu.memory_space<hbm>>
      %dma_wait3A_197 = arith.constant 0 : i32
      %dma_wait3A_198 = arith.constant 0 : i32
      %dma_wait3A_199 = tpu.memref_slice %arg8[%arg0, %dma_wait3A_197, %dma_wait3A_198] : memref<2x10112x128xf32, #tpu.memory_space<hbm>> -> memref<1x10112x128xf32, #tpu.memory_space<hbm>>
      %dma_wait3A_200 = tpu.memref_squeeze %dma_wait3A_199 : memref<1x10112x128xf32, #tpu.memory_space<hbm>> -> memref<10112x128xf32, #tpu.memory_space<hbm>>
      %dma_wait3A_201 = arith.constant 0 : i32
      %dma_wait3A_202 = tpu.memref_slice %dma_wait3A_200[%add3A_153, %dma_wait3A_201] : memref<10112x128xf32, #tpu.memory_space<hbm>> -> memref<56x128xf32, #tpu.memory_space<hbm>>
      %dma_wait3A_203 = arith.constant 0 : i32
      %dma_wait3A_204 = arith.constant 0 : i32
      %dma_wait3A_205 = tpu.memref_slice %arg13[%run_scoped3A_154, %dma_wait3A_203, %dma_wait3A_204] : memref<2x64x128xf32, #tpu.memory_space<vmem>> -> memref<1x64x128xf32, #tpu.memory_space<vmem>>
      %dma_wait3A_206 = tpu.memref_squeeze %dma_wait3A_205 : memref<1x64x128xf32, #tpu.memory_space<vmem>> -> memref<64x128xf32, #tpu.memory_space<vmem>>
      %dma_wait3A_207 = arith.constant 0 : i32
      %dma_wait3A_208 = arith.constant 0 : i32
      %dma_wait3A_209 = tpu.memref_slice %dma_wait3A_206[%dma_wait3A_207, %dma_wait3A_208] : memref<64x128xf32, #tpu.memory_space<vmem>> -> memref<56x128xf32, #tpu.memory_space<vmem>>
      tpu.wait_dma2 semaphore(%run_scoped3A_159 : memref<!tpu.dma_semaphore, #tpu.memory_space<semaphore_mem>>) src(%dma_wait3A_209 : memref<56x128xf32, #tpu.memory_space<vmem>>) dst(%dma_wait3A_202 : memref<56x128xf32, #tpu.memory_space<hbm>>)
      tpu.yield
    }) : () -> ()
    %add3A_155 = arith.constant 576 : i32
    %add3A_156 = arith.addi %mul3A_2, %add3A_155 : i32
    "tpu.region"() ({
      %run_scoped3A_159 = tpu.sem_alloc : memref<!tpu.dma_semaphore, #tpu.memory_space<semaphore_mem>>
      %dma_start3A = arith.constant 0 : i32
      %dma_start3A_160 = arith.constant 0 : i32
      %dma_start3A_161 = tpu.memref_slice %arg14[%dma_start3A, %dma_start3A_160] : memref<64x16xf32, #tpu.memory_space<vmem>> -> memref<56x16xf32, #tpu.memory_space<vmem>>
      %dma_start3A_162 = arith.constant 0 : i32
      %dma_start3A_163 = tpu.memref_slice %arg16[%add3A_156, %dma_start3A_162] : memref<10112x16xf32, #tpu.memory_space<vmem_shared>> -> memref<56x16xf32, #tpu.memory_space<vmem_shared>>
      %dma_start3A_164 = arith.constant 0 : i32
      %dma_start3A_165 = arith.constant 0 : i32
      %dma_start3A_166 = tpu.memref_slice %arg14[%dma_start3A_164, %dma_start3A_165] : memref<64x16xf32, #tpu.memory_space<vmem>> -> memref<56x16xf32, #tpu.memory_space<vmem>>
      %dma_start3A_167 = arith.constant 0 : i32
      %dma_start3A_168 = tpu.memref_slice %arg16[%add3A_156, %dma_start3A_167] : memref<10112x16xf32, #tpu.memory_space<vmem_shared>> -> memref<56x16xf32, #tpu.memory_space<vmem_shared>>
      tpu.enqueue_dma source(%dma_start3A_168 : memref<56x16xf32, #tpu.memory_space<vmem_shared>>) target(%dma_start3A_166 : memref<56x16xf32, #tpu.memory_space<vmem>>) target_semaphore(%run_scoped3A_159 : memref<!tpu.dma_semaphore, #tpu.memory_space<semaphore_mem>>)
      %dma_wait3A = arith.constant 0 : i32
      %dma_wait3A_169 = arith.constant 0 : i32
      %dma_wait3A_170 = tpu.memref_slice %arg14[%dma_wait3A, %dma_wait3A_169] : memref<64x16xf32, #tpu.memory_space<vmem>> -> memref<56x16xf32, #tpu.memory_space<vmem>>
      %dma_wait3A_171 = arith.constant 0 : i32
      %dma_wait3A_172 = tpu.memref_slice %arg16[%add3A_156, %dma_wait3A_171] : memref<10112x16xf32, #tpu.memory_space<vmem_shared>> -> memref<56x16xf32, #tpu.memory_space<vmem_shared>>
      %dma_wait3A_173 = arith.constant 0 : i32
      %dma_wait3A_174 = arith.constant 0 : i32
      %dma_wait3A_175 = tpu.memref_slice %arg14[%dma_wait3A_173, %dma_wait3A_174] : memref<64x16xf32, #tpu.memory_space<vmem>> -> memref<56x16xf32, #tpu.memory_space<vmem>>
      %dma_wait3A_176 = arith.constant 0 : i32
      %dma_wait3A_177 = tpu.memref_slice %arg16[%add3A_156, %dma_wait3A_176] : memref<10112x16xf32, #tpu.memory_space<vmem_shared>> -> memref<56x16xf32, #tpu.memory_space<vmem_shared>>
      tpu.wait_dma2 semaphore(%run_scoped3A_159 : memref<!tpu.dma_semaphore, #tpu.memory_space<semaphore_mem>>) src(%dma_wait3A_177 : memref<56x16xf32, #tpu.memory_space<vmem_shared>>) dst(%dma_wait3A_175 : memref<56x16xf32, #tpu.memory_space<vmem>>)
      tpu.yield
    }) : () -> ()
    %add3A_157 = arith.constant 576 : i32
    %add3A_158 = arith.addi %mul3A_2, %add3A_157 : i32
    "tpu.region"() ({
      %run_scoped3A_159 = tpu.sem_alloc : memref<!tpu.dma_semaphore, #tpu.memory_space<semaphore_mem>>
      %dma_start3A = arith.constant 0 : i32
      %dma_start3A_160 = arith.constant 0 : i32
      %dma_start3A_161 = tpu.memref_slice %arg14[%dma_start3A, %dma_start3A_160] : memref<64x16xf32, #tpu.memory_space<vmem>> -> memref<56x16xf32, #tpu.memory_space<vmem>>
      %dma_start3A_162 = arith.constant 0 : i32
      %dma_start3A_163 = arith.constant 0 : i32
      %dma_start3A_164 = tpu.memref_slice %arg9[%arg0, %dma_start3A_162, %dma_start3A_163] : memref<2x10112x16xf32, #tpu.memory_space<hbm>> -> memref<1x10112x16xf32, #tpu.memory_space<hbm>>
      %dma_start3A_165 = tpu.memref_squeeze %dma_start3A_164 : memref<1x10112x16xf32, #tpu.memory_space<hbm>> -> memref<10112x16xf32, #tpu.memory_space<hbm>>
      %dma_start3A_166 = arith.constant 0 : i32
      %dma_start3A_167 = tpu.memref_slice %dma_start3A_165[%add3A_158, %dma_start3A_166] : memref<10112x16xf32, #tpu.memory_space<hbm>> -> memref<56x16xf32, #tpu.memory_space<hbm>>
      %dma_start3A_168 = arith.constant 0 : i32
      %dma_start3A_169 = arith.constant 0 : i32
      %dma_start3A_170 = tpu.memref_slice %arg9[%arg0, %dma_start3A_168, %dma_start3A_169] : memref<2x10112x16xf32, #tpu.memory_space<hbm>> -> memref<1x10112x16xf32, #tpu.memory_space<hbm>>
      %dma_start3A_171 = tpu.memref_squeeze %dma_start3A_170 : memref<1x10112x16xf32, #tpu.memory_space<hbm>> -> memref<10112x16xf32, #tpu.memory_space<hbm>>
      %dma_start3A_172 = arith.constant 0 : i32
      %dma_start3A_173 = tpu.memref_slice %dma_start3A_171[%add3A_158, %dma_start3A_172] : memref<10112x16xf32, #tpu.memory_space<hbm>> -> memref<56x16xf32, #tpu.memory_space<hbm>>
      %dma_start3A_174 = arith.constant 0 : i32
      %dma_start3A_175 = arith.constant 0 : i32
      %dma_start3A_176 = tpu.memref_slice %arg14[%dma_start3A_174, %dma_start3A_175] : memref<64x16xf32, #tpu.memory_space<vmem>> -> memref<56x16xf32, #tpu.memory_space<vmem>>
      tpu.enqueue_dma source(%dma_start3A_176 : memref<56x16xf32, #tpu.memory_space<vmem>>) target(%dma_start3A_173 : memref<56x16xf32, #tpu.memory_space<hbm>>) target_semaphore(%run_scoped3A_159 : memref<!tpu.dma_semaphore, #tpu.memory_space<semaphore_mem>>)
      %dma_wait3A = arith.constant 0 : i32
      %dma_wait3A_177 = arith.constant 0 : i32
      %dma_wait3A_178 = tpu.memref_slice %arg14[%dma_wait3A, %dma_wait3A_177] : memref<64x16xf32, #tpu.memory_space<vmem>> -> memref<56x16xf32, #tpu.memory_space<vmem>>
      %dma_wait3A_179 = arith.constant 0 : i32
      %dma_wait3A_180 = arith.constant 0 : i32
      %dma_wait3A_181 = tpu.memref_slice %arg9[%arg0, %dma_wait3A_179, %dma_wait3A_180] : memref<2x10112x16xf32, #tpu.memory_space<hbm>> -> memref<1x10112x16xf32, #tpu.memory_space<hbm>>
      %dma_wait3A_182 = tpu.memref_squeeze %dma_wait3A_181 : memref<1x10112x16xf32, #tpu.memory_space<hbm>> -> memref<10112x16xf32, #tpu.memory_space<hbm>>
      %dma_wait3A_183 = arith.constant 0 : i32
      %dma_wait3A_184 = tpu.memref_slice %dma_wait3A_182[%add3A_158, %dma_wait3A_183] : memref<10112x16xf32, #tpu.memory_space<hbm>> -> memref<56x16xf32, #tpu.memory_space<hbm>>
      %dma_wait3A_185 = arith.constant 0 : i32
      %dma_wait3A_186 = arith.constant 0 : i32
      %dma_wait3A_187 = tpu.memref_slice %arg9[%arg0, %dma_wait3A_185, %dma_wait3A_186] : memref<2x10112x16xf32, #tpu.memory_space<hbm>> -> memref<1x10112x16xf32, #tpu.memory_space<hbm>>
      %dma_wait3A_188 = tpu.memref_squeeze %dma_wait3A_187 : memref<1x10112x16xf32, #tpu.memory_space<hbm>> -> memref<10112x16xf32, #tpu.memory_space<hbm>>
      %dma_wait3A_189 = arith.constant 0 : i32
      %dma_wait3A_190 = tpu.memref_slice %dma_wait3A_188[%add3A_158, %dma_wait3A_189] : memref<10112x16xf32, #tpu.memory_space<hbm>> -> memref<56x16xf32, #tpu.memory_space<hbm>>
      %dma_wait3A_191 = arith.constant 0 : i32
      %dma_wait3A_192 = arith.constant 0 : i32
      %dma_wait3A_193 = tpu.memref_slice %arg14[%dma_wait3A_191, %dma_wait3A_192] : memref<64x16xf32, #tpu.memory_space<vmem>> -> memref<56x16xf32, #tpu.memory_space<vmem>>
      tpu.wait_dma2 semaphore(%run_scoped3A_159 : memref<!tpu.dma_semaphore, #tpu.memory_space<semaphore_mem>>) src(%dma_wait3A_193 : memref<56x16xf32, #tpu.memory_space<vmem>>) dst(%dma_wait3A_190 : memref<56x16xf32, #tpu.memory_space<hbm>>)
      tpu.yield
    }) : () -> ()
    return
  }
}

module attributes {stable_mosaic.version = 14 : i64} {
  func.func @_lin_body(%arg0: memref<10000x128xf32, #tpu.memory_space<vmem>>, %arg1: memref<128x128xf32, #tpu.memory_space<vmem>>, %arg2: memref<128x128xf32, #tpu.memory_space<vmem>>, %arg3: memref<1x128xf32, #tpu.memory_space<vmem>>, %arg4: memref<10000x128xf32, #tpu.memory_space<vmem>>, %arg5: memref<10000x128xf32, #tpu.memory_space<vmem>>) attributes {dimension_semantics = [], scalar_prefetch = 0 : i64, scratch_operands = 0 : i64, tpu.core_type = #tpu.core_type<tc>} {
    %get3A = arith.constant 0 : index
    %get3A_0 = arith.constant 0 : index
    %get3A_1 = vector.load %arg0[%get3A, %get3A_0] : memref<10000x128xf32, #tpu.memory_space<vmem>>, vector<10000x128xf32>
    %get3A_2 = arith.constant 0 : index
    %get3A_3 = arith.constant 0 : index
    %get3A_4 = vector.load %arg1[%get3A_2, %get3A_3] : memref<128x128xf32, #tpu.memory_space<vmem>>, vector<128x128xf32>
    %dot_general3A = arith.constant dense<0.000000e+00> : vector<10000x128xf32>
    %dot_general3A_5 = tpu.matmul %get3A_1, %get3A_4, %dot_general3A {dimension_numbers = #tpu.dot_dimension_numbers<[1], [1], [0], [0], [0, 0, 1, 0], [], []>, transpose_lhs_hint = false} : vector<10000x128xf32>, vector<128x128xf32>, vector<10000x128xf32> -> vector<10000x128xf32>
    %swap3A = arith.constant 0 : index
    %swap3A_6 = arith.constant 0 : index
    %swap3A_7 = vector.load %arg4[%swap3A, %swap3A_6] : memref<10000x128xf32, #tpu.memory_space<vmem>>, vector<10000x128xf32>
    tpu.vector_store %arg4[%swap3A, %swap3A_6], %dot_general3A_5 {strides = array<i32>} : memref<10000x128xf32, #tpu.memory_space<vmem>>, vector<10000x128xf32>,
    %get3A_8 = arith.constant 0 : index
    %get3A_9 = arith.constant 0 : index
    %get3A_10 = vector.load %arg2[%get3A_8, %get3A_9] : memref<128x128xf32, #tpu.memory_space<vmem>>, vector<128x128xf32>
    %dot_general3A_11 = arith.constant dense<0.000000e+00> : vector<10000x128xf32>
    %dot_general3A_12 = tpu.matmul %get3A_1, %get3A_10, %dot_general3A_11 {dimension_numbers = #tpu.dot_dimension_numbers<[1], [1], [0], [0], [0, 0, 1, 0], [], []>, transpose_lhs_hint = false} : vector<10000x128xf32>, vector<128x128xf32>, vector<10000x128xf32> -> vector<10000x128xf32>
    %get3A_13 = arith.constant 0 : index
    %get3A_14 = arith.constant 0 : index
    %get3A_15 = vector.load %arg3[%get3A_13, %get3A_14] : memref<1x128xf32, #tpu.memory_space<vmem>>, vector<1x128xf32>
    %add3A = vector.broadcast %get3A_15 : vector<1x128xf32> to vector<10000x128xf32>
    %add3A_16 = arith.addf %dot_general3A_12, %add3A : vector<10000x128xf32>
    %swap3A_17 = arith.constant 0 : index
    %swap3A_18 = arith.constant 0 : index
    %swap3A_19 = vector.load %arg5[%swap3A_17, %swap3A_18] : memref<10000x128xf32, #tpu.memory_space<vmem>>, vector<10000x128xf32>
    tpu.vector_store %arg5[%swap3A_17, %swap3A_18], %add3A_16 {strides = array<i32>} : memref<10000x128xf32, #tpu.memory_space<vmem>>, vector<10000x128xf32>,
    return
  }
}

module attributes {stable_mosaic.version = 14 : i64} {
  func.func @_combine_body(%arg0: memref<2x10112x128xf32, #tpu.memory_space<vmem>>, %arg1: memref<2x10112x16xf32, #tpu.memory_space<vmem>>, %arg2: memref<10000x128xf32, #tpu.memory_space<vmem>>, %arg3: memref<10000x128xf32, #tpu.memory_space<vmem>>) attributes {dimension_semantics = [], scalar_prefetch = 0 : i64, scratch_operands = 0 : i64, tpu.core_type = #tpu.core_type<tc>} {
    %get3A = arith.constant 0 : index
    %get3A_0 = arith.constant 0 : index
    %get3A_1 = arith.constant 0 : index
    %get3A_2 = vector.load %arg0[%get3A, %get3A_0, %get3A_1] : memref<2x10112x128xf32, #tpu.memory_space<vmem>>, vector<1x10000x128xf32>
    %get3A_3 = vector.shape_cast %get3A_2 : vector<1x10000x128xf32> to vector<10000x128xf32>
    %get3A_4 = arith.constant 1 : index
    %get3A_5 = arith.constant 0 : index
    %get3A_6 = arith.constant 0 : index
    %get3A_7 = vector.load %arg0[%get3A_4, %get3A_5, %get3A_6] : memref<2x10112x128xf32, #tpu.memory_space<vmem>>, vector<1x10000x128xf32>
    %get3A_8 = vector.shape_cast %get3A_7 : vector<1x10000x128xf32> to vector<10000x128xf32>
    %add3A = arith.addf %get3A_3, %get3A_8 : vector<10000x128xf32>
    %get3A_9 = arith.constant 0 : index
    %get3A_10 = arith.constant 0 : index
    %get3A_11 = arith.constant 0 : index
    %get3A_12 = vector.load %arg1[%get3A_9, %get3A_10, %get3A_11] : memref<2x10112x16xf32, #tpu.memory_space<vmem>>, vector<1x10000x1xf32>
    %get3A_13 = vector.shape_cast %get3A_12 : vector<1x10000x1xf32> to vector<10000x1xf32>
    %get3A_14 = arith.constant 1 : index
    %get3A_15 = arith.constant 0 : index
    %get3A_16 = arith.constant 0 : index
    %get3A_17 = vector.load %arg1[%get3A_14, %get3A_15, %get3A_16] : memref<2x10112x16xf32, #tpu.memory_space<vmem>>, vector<1x10000x1xf32>
    %get3A_18 = vector.shape_cast %get3A_17 : vector<1x10000x1xf32> to vector<10000x1xf32>
    %add3A_19 = arith.addf %get3A_13, %get3A_18 : vector<10000x1xf32>
    %max3A = arith.constant 1.000000e+00 : f32
    %max3A_20 = vector.broadcast %max3A : f32 to vector<10000x1xf32>
    %max3A_21 = arith.maximumf %add3A_19, %max3A_20 : vector<10000x1xf32>
    %div3A = vector.broadcast %max3A_21 : vector<10000x1xf32> to vector<10000x128xf32>
    %div3A_22 = arith.divf %add3A, %div3A : vector<10000x128xf32>
    %get3A_23 = arith.constant 0 : index
    %get3A_24 = arith.constant 0 : index
    %get3A_25 = vector.load %arg2[%get3A_23, %get3A_24] : memref<10000x128xf32, #tpu.memory_space<vmem>>, vector<10000x128xf32>
    %add3A_26 = arith.addf %div3A_22, %get3A_25 : vector<10000x128xf32>
    %swap3A = arith.constant 0 : index
    %swap3A_27 = arith.constant 0 : index
    %swap3A_28 = vector.load %arg3[%swap3A, %swap3A_27] : memref<10000x128xf32, #tpu.memory_space<vmem>>, vector<10000x128xf32>
    tpu.vector_store %arg3[%swap3A, %swap3A_27], %add3A_26 {strides = array<i32>} : memref<10000x128xf32, #tpu.memory_space<vmem>>, vector<10000x128xf32>,
    return
  }
}

</mosaic_0001>

<sc_bundles>
// kernel: kernel.5.cloned.1.call-start
scs
__scs_entry_jumppad:
0x0: {  	(pc) =	sbr.rel $0x88, $3  }
0x1: {  	(tag) =	ssettag $0x0;
	lr =	simm.s32 $0x1  }
0x2: {  	[smem:$0x3F9C] =	sst lr;
	_ =	strace $0xD0000000  }
0x3: {  	_ = 	snop  }
0x4: {  	_ = 	snop  }
0x5: {  	_ = 	snop  }
0x6: {  	_ = 	snop  }
0x7: {  	_ = 	snop  }
__scs_overlays_trampoline_lowered:
0x8: {  	[smem:$0x3FAB] =	sst s0  }
0x9: {  	[smem:$0x3FAC] =	sst s1  }
0xa: {  	[smem:$0x3FAD] =	sst s2  }
0xb: {  	[smem:$0x3FAE] =	sst s3  }
0xc: {  	[smem:$0x3FAF] =	sst s4  }
0xd: {  	[smem:$0x3FB0] =	sst s5  }
0xe: {  	[smem:$0x3FB1] =	sst s6  }
0xf: {  	[smem:$0x3FB2] =	sst s7  }
0x10: {  	[smem:$0x3FB3] =	sst s8  }
0x11: {  	[smem:$0x3FB4] =	sst s9;
	s0 =	simm.s32 @!p0 $0x0  }
0x12: {  	s1 =	sld [smem:$0x3F9A];
	s0 =	simm.s32 @p0 $0x1  }
0x13: {  	[smem:$0x3FB5] =	sst s0;
	s0 =	simm.s32 @!p1 $0x0  }
0x14: {  	s2 =	sld [smem:$0x3F99];
	s0 =	simm.s32 @p1 $0x1  }
0x15: {  	[smem:$0x3FB6] =	sst s0;
	s0 =	simm.s32 @!p2 $0x0  }
0x16: {  	s3 =	sld [smem:$0x3FDB];
	s0 =	simm.s32 @p2 $0x1  }
0x17: {  	s4 =	simm.s32 $0x1BF5;
	[smem:$0x3FB8] =	sst s0  }
0x18: {  	s0 =	sld [smem:$0x3F9B];
	_ =	swait.ge [sflag:s4], $0x0  }
0x19: {  	s7 =	sld [smem:$0x3F9C]  }
0x1a: {  	s8 =	sadd.s32 $0xFFFFE003, lr  }
0x1b: {  	s9 =	sadd.s32 $0xFFFFFEF7, lr;
	s5 =	simm.s32 $0xFFFFFFFF;
	p2 =	slt.u32 s8, $0xFFFFF086  }
0x1c: {  	p1 =	slt.u32 s9, $0xF7A;
	s5 =	simm.s32 @!p2 $0x0  }
0x1d: {  	s5 =	simm.s32 @p1 $0x1;
	p0 =	seq.s32 s7, s2  }
0x1e: {  	s7 =	smul.u32 @!p0 $0xF7A, s2;
	p2 =	seq.s32 @!p0 s5, $0x0  }
0x1f: {  	s9 =	smul.u32 $0xF7A, s1;
	s8 =	simm.s32 @!p0 $0x1BF5;
	p2 =	por !p2, p0  }
0x20: {  	[sflag:s8] =	ssyncset.s32 @!p0 $0xFFFFF086;
	s6 =	sadd.s32 @!p0 s3, s7;
	s7 =	simm.s32 @!p0 $0x108  }
0x21: {  	s3 =	sadd.s32 s3, s9;
	s6 =	sadd.s32 @!p0 $0x88, s6;
	s7 =	simm.s32 @p2 $0x1082  }
0x22: {  	[simem:s7], [sflag:s8] =	dma.local @!p0 [hbm:s6], $0xF7A  }
0x23: {  	s9 =	sor.u32 $0xD0000000, s2;
	s6 =	simm.s32 $0x108;
	_ =	swait.ge @!p0 [sflag:s8], $0x0  }
0x24: {  	s3 =	sadd.s32 $0x88, s3;
	s6 =	simm.s32 @!p1 $0x1082;
	[sflag:s4] =	ssyncset.s32 $0xFFFFF086  }
0x25: {  	[simem:s6], [sflag:s4] =	dma.local [hbm:s3], $0xF7A  }
0x26: {  	[smem:$0x3F9C] =	sst s1;
	(tag) =	ssettag s2;
	_ =	strace s9  }
0x27: {  	s1 =	sld [smem:$0x3FAC]  }
0x28: {  	s2 =	sld [smem:$0x3FAD]  }
0x29: {  	s4 =	sld [smem:$0x3FAF]  }
0x2a: {  	p0 =	seq.s32 s5, $0x0;
	s5 =	sld [smem:$0x3FB0]  }
0x2b: {  	s6 =	sld [smem:$0x3FB1]  }
0x2c: {  	s7 =	sld [smem:$0x3FB2]  }
0x2d: {  	s3 =	simm.s32 $0x108;
	s8 =	sld [smem:$0x3FB3]  }
0x2e: {  	s3 =	simm.s32 @!p0 $0x1082;
	s9 =	sld [smem:$0x3FB4]  }
0x2f: {  	lr =	sadd.s32 s0, s3;
	s0 =	sld [smem:$0x3FAB]  }
0x30: {  	s3 =	sld [smem:$0x3FAE]  }
0x31: {  	[smem:$0x3FB7] =	sst s10  }
0x32: {  	s10 =	sld [smem:$0x3FB5];
	_ =	sdelay $0x3  }
0x33: {  	p0 =	seq.s32 s10, $0x1;
	s10 =	sld [smem:$0x3FB7];
	_ =	sdelay $0x3  }
0x34: {  	[smem:$0x3FB7] =	sst s10  }
0x35: {  	s10 =	sld [smem:$0x3FB6];
	_ =	sdelay $0x3  }
0x36: {  	p1 =	seq.s32 s10, $0x1;
	s10 =	sld [smem:$0x3FB7];
	_ =	sdelay $0x3  }
0x37: {  	[smem:$0x3FB7] =	sst s10  }
0x38: {  	s10 =	sld [smem:$0x3FB8]  }
0x39: {  	_ = 	snop;
	(pc) =	sbr.ind lr, $3  }
0x3a: {  	_ = 	snop  }
0x3b: {  	_ = 	snop  }
0x3c: {  	p2 =	seq.s32 s10, $0x1;
	s10 =	sld [smem:$0x3FB7]  }
0x3d: {  	_ =	shalt  }
0x3e: {  	_ =	shalt  }
0x3f: {  	_ =	shalt  }
0x40: {  	_ =	shalt  }
0x41: {  	_ =	shalt  }
0x42: {  	_ =	shalt  }
0x43: {  	_ =	shalt  }
0x44: {  	_ =	shalt  }
0x45: {  	_ =	shalt  }
0x46: {  	_ =	shalt  }
0x47: {  	_ =	shalt  }
0x48: {  	_ =	shalt  }
0x49: {  	_ =	shalt  }
0x4a: {  	_ =	shalt  }
0x4b: {  	_ =	shalt  }
0x4c: {  	_ =	shalt  }
0x4d: {  	_ =	shalt  }
0x4e: {  	_ =	shalt  }
0x4f: {  	_ =	shalt  }
0x50: {  	_ =	shalt  }
0x51: {  	_ =	shalt  }
0x52: {  	_ =	shalt  }
0x53: {  	_ =	shalt  }
0x54: {  	_ =	shalt  }
0x55: {  	_ =	shalt  }
0x56: {  	_ =	shalt  }
0x57: {  	_ =	shalt  }
0x58: {  	_ =	shalt  }
0x59: {  	_ =	shalt  }
0x5a: {  	_ =	shalt  }
0x5b: {  	_ =	shalt  }
0x5c: {  	_ =	shalt  }
0x5d: {  	_ =	shalt  }
0x5e: {  	_ =	shalt  }
0x5f: {  	_ =	shalt  }
0x60: {  	_ =	shalt  }
0x61: {  	_ =	shalt  }
0x62: {  	_ =	shalt  }
0x63: {  	_ =	shalt  }
0x64: {  	_ =	shalt  }
0x65: {  	_ =	shalt  }
0x66: {  	_ =	shalt  }
0x67: {  	_ =	shalt  }
0x68: {  	_ =	shalt  }
0x69: {  	_ =	shalt  }
0x6a: {  	_ =	shalt  }
0x6b: {  	_ =	shalt  }
0x6c: {  	_ =	shalt  }
0x6d: {  	_ =	shalt  }
0x6e: {  	_ =	shalt  }
0x6f: {  	_ =	shalt  }
0x70: {  	_ =	shalt  }
0x71: {  	_ =	shalt  }
0x72: {  	_ =	shalt  }
0x73: {  	_ =	shalt  }
0x74: {  	_ =	shalt  }
0x75: {  	_ =	shalt  }
0x76: {  	_ =	shalt  }
0x77: {  	_ =	shalt  }
0x78: {  	_ =	shalt  }
0x79: {  	_ =	shalt  }
0x7a: {  	_ =	shalt  }
0x7b: {  	_ =	shalt  }
0x7c: {  	_ =	shalt  }
0x7d: {  	_ =	shalt  }
0x7e: {  	_ =	shalt  }
0x7f: {  	_ =	shalt  }
0x80: {  	_ =	shalt  }
0x81: {  	_ =	shalt  }
0x82: {  	_ =	shalt  }
0x83: {  	_ =	shalt  }
0x84: {  	_ =	shalt  }
0x85: {  	_ =	shalt  }
0x86: {  	_ =	shalt  }
0x87: {  	_ =	shalt  }
.Lfunc_end0:
.L_simem_size_0:
called_computation_lowered:
.L_overlay_start_0:
0x88: {  	s2 =	sld [smem:$0x3FD9]  }
0x89: {  	s3 =	sld [smem:$0x3FFE];
	_ =	sdelay $0x1  }
0x8a: {  	s1 =	srdreg.scid  }
0x8b: {  	s0 =	sand.u32 $0x1, s1  }
0x8c: {  	s17 =	sshll.u32 s0, $0xA;
	s2 =	sadd.s32 s3, s2  }
0x8d: {  	s2 =	sadd.s32 s2, s17  }
0x8e: {  	[smem:$0x3FC3] =	sst s2  }
0x8f: {  	_ = 	snop  }
0x90: {  	s2 =	sld [smem:$0x3FD0];
	(tm) =	ssettm $0x1  }
0x91: {  	s18 =	sld [smem:$0x3FFB];
	_ =	sdelay $0x3  }
0x92: {  	_ =	strace s18  }
0x93: {  	s3 =	sld [smem:$0x3FFC];
	_ =	sdelay $0x3  }
0x94: {  	_ =	strace s3  }
0x95: {  	s3 =	sld [smem:$0x3FFD];
	_ =	sdelay $0x3  }
0x96: {  	_ =	strace s3  }
0x97: {  	_ =	strace $0x8FFFFFFF  }
0x98: {  	s19 =	sld [smem:$0x3FDB];
	_ =	sdelay $0x1  }
0x99: {  	s4 =	simm.s32 $_scs_section_size  }
0x9a: {  	s5 =	simm.s32 $_size__tile_overlayer_lowered;
	s6 =	simm.s32 $_tile_overlayer_lowered  }
0x9b: {  	s22 =	simm.s32 $0x1BFF;
	s21 =	sshll.u32 s6, $0x1;
	s3 =	sadd.s32 s4, s19  }
0x9c: {  	s7 =	simm.s32 $0x0;
	s20 =	sshll.u32 s5, $0x1;
	s5 =	sadd.s32 s21, s3  }
0x9d: {  	[timem:s7], [sflag:s22] =	dma.local [hbm:s5], s20  }
0x9e: {  	_ =	swait.ge [sflag:s22], s20  }
0x9f: {  	s4 =	ssub.s32 $0x0, s20;
	[sflag:s22] =	ssyncset.done $0x0  }
0xa0: {  	[sflag:s22] =	ssyncadd.s32 s4;
	_ =	sdelay $0x1  }
0xa1: {  	s23 =	simm.s32 $0x1B8B  }
0xa2: {  	_ =	swait.ge [sflag:s23], $0x1  }
0xa3: {  	[sflag:s23] =	ssyncset.done $0x0  }
0xa4: {  	s25 =	simm.s32 $0x1B8E;
	s24 =	sld [smem:$0x3FFE];
	[sflag:s23] =	ssyncadd.s32 $0xFFFFFFFF  }
0xa5: {  	s26 =	simm.s32 $execute0_lowered;
	[smem:$0x3FD2] =	sst s25  }
0xa6: {  	s5 =	sshll.u32 s26, $0x1;
	_ =	strace $0x80000046;
	[dreg:$0x1] =	wrdreg $0xFFFFFFFF  }
0xa7: {  	s28 =	simm.s32 $_size_execute0_lowered;
	s3 =	sadd.s32 s3, s5;
	[dreg:$0x0] =	wrdreg $0x0  }
0xa8: {  	s5 =	sshll.u32 s28, $0x1;
	[dreg:$0x2] =	wrdreg s3  }
0xa9: {  	[dreg:$0x3] =	wrdreg s5  }
0xaa: {  	[dreg:$0x4] =	wrdreg $0xC0  }
0xab: {  	_ =	task [dreg:s7], $0x5FFFF  }
0xac: {  	[dreg:$0x1] =	wrdreg $0xFFFFFFFF  }
0xad: {  	[dreg:$0x0] =	wrdreg $0x60  }
0xae: {  	[dreg:$0x2] =	wrdreg s2  }
0xaf: {  	[dreg:$0x3] =	wrdreg s24  }
0xb0: {  	[dreg:$0x4] =	wrdreg $0x68000  }
0xb1: {  	[dreg:$0x5] =	wrdreg $0x1A4000  }
0xb2: {  	[dreg:$0x6] =	wrdreg $0x9  }
0xb3: {  	_ =	task.clear_ibuf [dreg:s7], $0x7FFFF;
	_ =	strace $0x90000046  }
0xb4: {  	s29 =	simm.s32 $0x9;
	_ =	strace $0x80000048  }
0xb5: {  	_ =	swait.ge [sflag:s29], $0x1  }
0xb6: {  	[sflag:s29] =	ssyncadd.s32 $0xFFFFFFFF  }
0xb7: {  	_ =	strace $0x90000048  }
0xb8: {  	_ =	sfence  }
0xb9: {  	s30 =	sld [smem:$0x0];
	_ =	sdelay $0x2  }
0xba: {  	s31 =	sshll.u32 s1, $0xD;
	s1 =	sshrl.u32 s1, $0x2  }
0xbb: {  	s3 =	sand.u32 $0x4000, s31;
	s1 =	sadd.s32 s1, s30  }
0xbc: {  	s0 =	sor.u32 s3, s0;
	s1 =	sshll.u32 s1, $0x11  }
0xbd: {  	s0 =	sor.u32 s1, s0  }
0xbe: {  	s0 =	sadd.s32 $0x8F2B, s0  }
0xbf: {  	[sflag:s0] =	ssyncadd.remote.s32 $0x1  }
0xc0: {  	_ =	sfence.sel $0xFFFF  }
0xc1: {  	[dreg:$0x0] =	wrdreg $0xFFFFFFFF;
	(pc) =	sbr.abs _section_cstart, $3  }
0xc2: {  	[dreg:$0x1] =	wrdreg $0xFFFFFFFF  }
0xc3: {  	_ =	task.clear_ibuf [dreg:s7], $0x2FFFF;
	_ =	strace $0x9FFFFFFF  }
0xc4: {  	(tm) =	ssettm $0x7FFFFFFF  }
0xc5: {  	_ =	shalt  }
tec
execute0_lowered:
.L_overlay_start_1:
0x0: {  	(tag) =	ssettag $0x1  }
0x1: {  	s0 =	rddreg [dreg:$0x0]  }
0x2: {  	s4 =	rddreg [dreg:$0x1]  }
0x3: {  	s1 =	rddreg [dreg:$0x2];
	s2 =	srdreg.scid  }
0x4: {  	s3 =	rddreg [dreg:$0x3];
	s24 =	stileid.u32  }
0x5: {  	s25 =	simm.s32 $0x0;
	s5 =	sand.u32 $0x1, s2;
	s8 =	smul.u32 $0x278, s24  }
0x6: {  	[smem:$0x7FF] =	sst s25;
	s6 =	ssub.s32 $0x2, s5  }
0x7: {  	s2 =	smul.u32 $0x4F00, s5;
	s7 =	sshrl.u32 s6, $0x1;
	s10 =	sadd.s32 $0x80, s8  }
0x8: {  	s11 =	sadd.s32 $0xC0, s8;
	s12 =	sadd.s32 $0x100, s8;
	s13 =	sadd.s32 $0x140, s8  }
0x9: {  	s14 =	sadd.s32 $0x180, s8;
	s15 =	sadd.s32 $0x1C0, s8;
	s18 =	sadd.s32 $0x200, s8  }
0xa: {  	s9 =	sadd.s32 s2, s4;
	s2 =	ssub.s32 s6, s7;
	s7 =	sadd.s32 $0x40, s8  }
0xb: {  	s6 =	smul.u32 $0x2780, s24;
	s9 =	sadd.s32 $0x15400, s9;
	s17 =	sshll.u32 s7, $0x1  }
0xc: {  	s8 =	sadd.s32 $0x240, s8;
	s19 =	sshll.u32 s10, $0x1;
	s17 =	sadd.s32 s17, s9  }
0xd: {  	s20 =	sshll.u32 s11, $0x1;
	s19 =	sadd.s32 s19, s9;
	[dreg:$0x6] =	wrdreg s17  }
0xe: {  	s16 =	sshrl.u32 s6, $0x3;
	s26 =	sadd.s32 s20, s9;
	[dreg:$0x7] =	wrdreg s19  }
0xf: {  	s21 =	sshll.u32 s12, $0x1;
	s16 =	sadd.s32 s16, s9;
	[dreg:$0x8] =	wrdreg s26  }
0x10: {  	s22 =	sshll.u32 s13, $0x1;
	s17 =	sadd.s32 s21, s9;
	[dreg:$0x5] =	wrdreg s16  }
0x11: {  	s23 =	sshll.u32 s14, $0x1;
	s19 =	sadd.s32 s22, s9;
	[dreg:$0x9] =	wrdreg s17  }
0x12: {  	s20 =	sshll.u32 s15, $0x1;
	s21 =	sadd.s32 s23, s9;
	[dreg:$0xa] =	wrdreg s19  }
0x13: {  	s23 =	sshll.u32 s18, $0x1;
	[dreg:$0xb] =	wrdreg s21;
	s16 =	sadd.s32 s20, s9  }
0x14: {  	s26 =	sshll.u32 s8, $0x1;
	s17 =	sadd.s32 s23, s9;
	[dreg:$0xc] =	wrdreg s16  }
0x15: {  	s9 =	sadd.s32 s26, s9;
	[dreg:$0xd] =	wrdreg s17  }
0x16: {  	s22 =	smul.u32 $0x27800, s5;
	s19 =	sadd.s32 $0xAC00, s4;
	[dreg:$0xe] =	wrdreg s9  }
0x17: {  	s20 =	sadd.s32 $0xC00, s4;
	_ =	strace $0x80000047;
	[dreg:$0x1e] =	wrdreg s19  }
0x18: {  	s21 =	sadd.s32 $0x15000, s4;
	[smem:$0x7E9] =	sst s20  }
0x19: {  	s9 =	sadd.s32 s22, s4;
	s22 =	sadd.s32 $0x14E00, s4;
	[dreg:$0xf] =	wrdreg s21  }
0x1a: {  	s4 =	sadd.s32 $0x14C00, s4;
	[dreg:$0x10] =	wrdreg s22  }
0x1b: {  	s6 =	sadd.s32 s6, s3;
	[dreg:$0x11] =	wrdreg s4  }
0x1c: {  	s2 =	smax.u32 s2, $0x1;
	s5 =	sshll.u32 s5, $0x4;
	[dreg:$0x12] =	wrdreg s6  }
0x1d: {  	s23 =	sshll.u32 s7, $0x7;
	s7 =	sshll.u32 s7, $0x4;
	[smem:$0x7EC] =	sst s2  }
0x1e: {  	s26 =	sshll.u32 s10, $0x7;
	s10 =	sshll.u32 s10, $0x4;
	[dreg:$0x14] =	wrdreg s7  }
0x1f: {  	s16 =	sshll.u32 s12, $0x7;
	s12 =	sshll.u32 s12, $0x4;
	[dreg:$0x16] =	wrdreg s10  }
0x20: {  	s4 =	sor.u32 s24, s5;
	s5 =	sadd.s32 s23, s1;
	[dreg:$0x1a] =	wrdreg s12  }
0x21: {  	s17 =	sadd.s32 s16, s1;
	[dreg:$0x13] =	wrdreg s5  }
0x22: {  	s20 =	sshll.u32 s11, $0x4;
	[dreg:$0x19] =	wrdreg s17  }
0x23: {  	s21 =	sshll.u32 s14, $0x7;
	s14 =	sshll.u32 s14, $0x4;
	[dreg:$0x18] =	wrdreg s20  }
0x24: {  	s22 =	sshll.u32 s15, $0x7;
	s15 =	sshll.u32 s15, $0x4;
	[dreg:$0x1f] =	wrdreg s14  }
0x25: {  	s6 =	sshll.u32 s11, $0x7;
	s11 =	sshll.u32 s8, $0x4;
	[smem:$0x7EF] =	sst s15  }
0x26: {  	s19 =	sshll.u32 s13, $0x7;
	s5 =	sadd.s32 s26, s1;
	[smem:$0x7F1] =	sst s11  }
0x27: {  	s17 =	sadd.s32 s22, s1;
	s22 =	sadd.s32 $0x1F200, s9;
	[dreg:$0x15] =	wrdreg s5  }
0x28: {  	s30 =	sadd.s32 s19, s1;
	s19 =	sshll.u32 s13, $0x4;
	[smem:$0x7ED] =	sst s22  }
0x29: {  	s16 =	sadd.s32 s21, s1;
	s21 =	sshll.u32 s18, $0x4;
	[dreg:$0x1c] =	wrdreg s19  }
0x2a: {  	[smem:$0x7F0] =	sst s21  }
0x2b: {  	[dreg:$0x1b] =	wrdreg s30  }
0x2c: {  	s23 =	sshll.u32 s18, $0x7;
	[dreg:$0x1d] =	wrdreg s16  }
0x2d: {  	s13 =	sadd.s32 s23, s1;
	[smem:$0x7F2] =	sst s17  }
0x2e: {  	s29 =	simm.s32 $0x1;
	s20 =	sadd.s32 s20, s3;
	[smem:$0x7F3] =	sst s13  }
0x2f: {  	s26 =	sshll.u32 s8, $0x7;
	s8 =	sadd.s32 s14, s3;
	[smem:$0x7F7] =	sst s20  }
0x30: {  	s2 =	simm.s32 $0x2;
	s14 =	sadd.s32 s15, s3;
	[smem:$0x7FA] =	sst s8  }
0x31: {  	s4 =	smul.u32 $0x2800, s4;
	s31 =	sadd.s32 s11, s3;
	[smem:$0x7FB] =	sst s14  }
0x32: {  	s9 =	simm.s32 $0x4400;
	s5 =	sadd.s32 s6, s1;
	[smem:$0x7FD] =	sst s31  }
0x33: {  	s15 =	simm.s32 $0x3;
	s11 =	simm.s32 $0x0;
	[dreg:$0x17] =	wrdreg s5  }
0x34: {  	s18 =	sadd.s32 s26, s1;
	s6 =	sadd.s32 s10, s3;
	[smem:$0x7EA] =	sst s4  }
0x35: {  	s28 =	sadd.s32 s19, s3;
	s10 =	simm.s32 $0x5;
	[smem:$0x7F4] =	sst s18  }
0x36: {  	s19 =	simm.s32 $0x4;
	s5 =	smul.u32 $0x13C00, s24;
	[smem:$0x7F6] =	sst s6  }
0x37: {  	s4 =	sadd.s32 s21, s3;
	s21 =	simm.s32 $0x200;
	[smem:$0x7F9] =	sst s28  }
0x38: {  	[smem:$0x7FC] =	sst s4;
	s23 =	sadd.s32 s5, s1;
	s24 =	sshrl.u32 s5, $0x3  }
0x39: {  	s5 =	sadd.s32 s7, s3;
	s7 =	simm.s32 $0x2400;
	[smem:$0x7EB] =	sst s23  }
0x3a: {  	s26 =	sadd.s32 s24, s22;
	s23 =	sadd.s32 s12, s3;
	[smem:$0x7F5] =	sst s5  }
0x3b: {  	s12 =	simm.s32 $0x6400;
	s22 =	simm.s32 $0x40;
	[smem:$0x7EE] =	sst s26  }
0x3c: {  	s24 =	simm.s32 $0x400;
	s26 =	simm.s32 $0x1400;
	[smem:$0x7F8] =	sst s23  }
.LBB2_1:
0x3d: {  	[smem:$0x7E8] =	sst s11  }
0x3e: {  	s11 =	rddreg [dreg:$0xf]  }
0x3f: {  	[tilespmem:s7], [sflag:$0x5] =	stream.linear.gather [hbm4b:s11+s25], $0x2000, $0x38;
	[tilespmem:$0x1CB80] =	vst v63  }
0x40: {  	_ =	swait.ge [sflag:s10], $0x2000  }
0x41: {  	[sflag:s10] =	ssyncset.done $0x0  }
0x42: {  	s11 =	rddreg [dreg:$0x10];
	[sflag:s10] =	ssyncadd.s32 $0xFFFFE000  }
0x43: {  	[tilespmem:s12], [sflag:$0x5] =	stream.linear.gather [hbm4b:s11+s25], $0x400, $0x38;
	[tilespmem:$0x1CB80] =	vst v63  }
0x44: {  	_ =	swait.ge [sflag:s10], $0x400  }
0x45: {  	s11 =	sld [smem:$0x7EB]  }
0x46: {  	[sflag:s10] =	ssyncset.done $0x0  }
0x47: {  	[sflag:s10] =	ssyncadd.s32 $0xFFFFFC00  }
0x48: {  	[spmem:s11] =	stream.linear.scatter [tilespmem:s7], [sflag:$0x5], $0x2000, $0x38;
	[tilespmem:$0x1CB80] =	vst v63  }
0x49: {  	_ =	swait.ge [sflag:s10], $0x2000  }
0x4a: {  	[sflag:s10] =	ssyncset.done $0x0  }
0x4b: {  	s11 =	rddreg [dreg:$0x12];
	[sflag:s10] =	ssyncadd.s32 $0xFFFFE000  }
0x4c: {  	[spmem:s11] =	stream.linear.scatter [tilespmem:s12], [sflag:$0x5], $0x400, $0x38;
	[tilespmem:$0x1CB80] =	vst v63  }
0x4d: {  	_ =	swait.ge [sflag:s10], $0x400  }
0x4e: {  	[sflag:s10] =	ssyncset.done $0x0  }
0x4f: {  	s11 =	rddreg [dreg:$0x13];
	[sflag:s10] =	ssyncadd.s32 $0xFFFFFC00  }
0x50: {  	[spmem:s11] =	stream.linear.scatter [tilespmem:s7], [sflag:$0x5], $0x2000, $0x38;
	[tilespmem:$0x1CB80] =	vst v63  }
0x51: {  	_ =	swait.ge [sflag:s10], $0x2000  }
0x52: {  	[sflag:s10] =	ssyncset.done $0x0  }
0x53: {  	[sflag:s10] =	ssyncadd.s32 $0xFFFFE000  }
0x54: {  	[spmem:s5] =	stream.linear.scatter [tilespmem:s12], [sflag:$0x5], $0x400, $0x38;
	[tilespmem:$0x1CB80] =	vst v63  }
0x55: {  	_ =	swait.ge [sflag:s10], $0x400  }
0x56: {  	[sflag:s10] =	ssyncset.done $0x0  }
0x57: {  	s11 =	rddreg [dreg:$0x15];
	[sflag:s10] =	ssyncadd.s32 $0xFFFFFC00  }
0x58: {  	[spmem:s11] =	stream.linear.scatter [tilespmem:s7], [sflag:$0x5], $0x2000, $0x38;
	[tilespmem:$0x1CB80] =	vst v63  }
0x59: {  	_ =	swait.ge [sflag:s10], $0x2000  }
0x5a: {  	[sflag:s10] =	ssyncset.done $0x0  }
0x5b: {  	[sflag:s10] =	ssyncadd.s32 $0xFFFFE000  }
0x5c: {  	[spmem:s6] =	stream.linear.scatter [tilespmem:s12], [sflag:$0x5], $0x400, $0x38;
	[tilespmem:$0x1CB80] =	vst v63  }
0x5d: {  	_ =	swait.ge [sflag:s10], $0x400  }
0x5e: {  	[sflag:s10] =	ssyncset.done $0x0  }
0x5f: {  	s11 =	rddreg [dreg:$0x17];
	[sflag:s10] =	ssyncadd.s32 $0xFFFFFC00  }
0x60: {  	[spmem:s11] =	stream.linear.scatter [tilespmem:s7], [sflag:$0x5], $0x2000, $0x38;
	[tilespmem:$0x1CB80] =	vst v63  }
0x61: {  	_ =	swait.ge [sflag:s10], $0x2000  }
0x62: {  	[sflag:s10] =	ssyncset.done $0x0  }
0x63: {  	[sflag:s10] =	ssyncadd.s32 $0xFFFFE000  }
0x64: {  	[spmem:s20] =	stream.linear.scatter [tilespmem:s12], [sflag:$0x5], $0x400, $0x38;
	[tilespmem:$0x1CB80] =	vst v63  }
0x65: {  	_ =	swait.ge [sflag:s10], $0x400  }
0x66: {  	[sflag:s10] =	ssyncset.done $0x0  }
0x67: {  	s20 =	rddreg [dreg:$0x19];
	[sflag:s10] =	ssyncadd.s32 $0xFFFFFC00  }
0x68: {  	[spmem:s20] =	stream.linear.scatter [tilespmem:s7], [sflag:$0x5], $0x2000, $0x38;
	[tilespmem:$0x1CB80] =	vst v63  }
0x69: {  	_ =	swait.ge [sflag:s10], $0x2000  }
0x6a: {  	[sflag:s10] =	ssyncset.done $0x0  }
0x6b: {  	[sflag:s10] =	ssyncadd.s32 $0xFFFFE000  }
0x6c: {  	[spmem:s23] =	stream.linear.scatter [tilespmem:s12], [sflag:$0x5], $0x400, $0x38;
	[tilespmem:$0x1CB80] =	vst v63  }
0x6d: {  	_ =	swait.ge [sflag:s10], $0x400  }
0x6e: {  	[sflag:s10] =	ssyncset.done $0x0  }
0x6f: {  	[sflag:s10] =	ssyncadd.s32 $0xFFFFFC00  }
0x70: {  	[spmem:s30] =	stream.linear.scatter [tilespmem:s7], [sflag:$0x5], $0x2000, $0x38;
	[tilespmem:$0x1CB80] =	vst v63  }
0x71: {  	_ =	swait.ge [sflag:s10], $0x2000  }
0x72: {  	[sflag:s10] =	ssyncset.done $0x0  }
0x73: {  	[sflag:s10] =	ssyncadd.s32 $0xFFFFE000  }
0x74: {  	[spmem:s28] =	stream.linear.scatter [tilespmem:s12], [sflag:$0x5], $0x400, $0x38;
	[tilespmem:$0x1CB80] =	vst v63  }
0x75: {  	_ =	swait.ge [sflag:s10], $0x400  }
0x76: {  	[sflag:s10] =	ssyncset.done $0x0  }
0x77: {  	[sflag:s10] =	ssyncadd.s32 $0xFFFFFC00  }
0x78: {  	[spmem:s16] =	stream.linear.scatter [tilespmem:s7], [sflag:$0x5], $0x2000, $0x38;
	[tilespmem:$0x1CB80] =	vst v63  }
0x79: {  	_ =	swait.ge [sflag:s10], $0x2000  }
0x7a: {  	[sflag:s10] =	ssyncset.done $0x0  }
0x7b: {  	[sflag:s10] =	ssyncadd.s32 $0xFFFFE000  }
0x7c: {  	[spmem:s8] =	stream.linear.scatter [tilespmem:s12], [sflag:$0x5], $0x400, $0x38;
	[tilespmem:$0x1CB80] =	vst v63  }
0x7d: {  	_ =	swait.ge [sflag:s10], $0x400  }
0x7e: {  	[sflag:s10] =	ssyncset.done $0x0  }
0x7f: {  	[sflag:s10] =	ssyncadd.s32 $0xFFFFFC00  }
0x80: {  	[spmem:s17] =	stream.linear.scatter [tilespmem:s7], [sflag:$0x5], $0x2000, $0x38;
	[tilespmem:$0x1CB80] =	vst v63  }
0x81: {  	_ =	swait.ge [sflag:s10], $0x2000  }
0x82: {  	[sflag:s10] =	ssyncset.done $0x0  }
0x83: {  	[sflag:s10] =	ssyncadd.s32 $0xFFFFE000  }
0x84: {  	[spmem:s14] =	stream.linear.scatter [tilespmem:s12], [sflag:$0x5], $0x400, $0x38;
	[tilespmem:$0x1CB80] =	vst v63  }
0x85: {  	_ =	swait.ge [sflag:s10], $0x400  }
0x86: {  	[sflag:s10] =	ssyncset.done $0x0  }
0x87: {  	[sflag:s10] =	ssyncadd.s32 $0xFFFFFC00  }
0x88: {  	[spmem:s13] =	stream.linear.scatter [tilespmem:s7], [sflag:$0x5], $0x2000, $0x38;
	[tilespmem:$0x1CB80] =	vst v63  }
0x89: {  	_ =	swait.ge [sflag:s10], $0x2000  }
0x8a: {  	[sflag:s10] =	ssyncset.done $0x0  }
0x8b: {  	[sflag:s10] =	ssyncadd.s32 $0xFFFFE000  }
0x8c: {  	[spmem:s4] =	stream.linear.scatter [tilespmem:s12], [sflag:$0x5], $0x400, $0x38;
	[tilespmem:$0x1CB80] =	vst v63  }
0x8d: {  	_ =	swait.ge [sflag:s10], $0x400  }
0x8e: {  	[sflag:s10] =	ssyncset.done $0x0  }
0x8f: {  	[sflag:s10] =	ssyncadd.s32 $0xFFFFFC00  }
0x90: {  	[spmem:s18] =	stream.linear.scatter [tilespmem:s7], [sflag:$0x5], $0x1C00, $0x38;
	[tilespmem:$0x1CB80] =	vst v63  }
0x91: {  	_ =	swait.ge [sflag:s10], $0x1C00  }
0x92: {  	[sflag:s10] =	ssyncset.done $0x0  }
0x93: {  	[sflag:s10] =	ssyncadd.s32 $0xFFFFE400  }
0x94: {  	[spmem:s31] =	stream.linear.scatter [tilespmem:s12], [sflag:$0x5], $0x380, $0x38;
	[tilespmem:$0x1CB80] =	vst v63  }
0x95: {  	_ =	swait.ge [sflag:s10], $0x380  }
0x96: {  	[sflag:s10] =	ssyncset.done $0x0  }
0x97: {  	s23 =	rddreg [dreg:$0x11];
	[sflag:s10] =	ssyncadd.s32 $0xFFFFFC80  }
0x98: {  	[tilespmem:s12], [sflag:$0x5] =	stream.linear.gather [hbm4b:s23+s25], $0x400, $0x38;
	[tilespmem:$0x1CB80] =	vst v63  }
0x99: {  	_ =	swait.ge [sflag:s10], $0x400  }
0x9a: {  	[sflag:s10] =	ssyncset.done $0x0  }
0x9b: {  	s6 =	simm.s32 $0x240;
	s20 =	simm.s32 $0x2C0;
	[sflag:s10] =	ssyncadd.s32 $0xFFFFFC00  }
0x9c: {  	s30 =	simm.s32 $0x180;
	s28 =	simm.s32 $0x300;
	[bflag:$0x0] =	sbarrier.arrive $0xFFFF  }
0x9d: {  	s8 =	simm.s32 $0xC0;
	s17 =	simm.s32 $0x100;
	s5 =	rddreg [dreg:$0x1e]  }
0x9e: {  	s14 =	simm.s32 $0x280;
	s4 =	simm.s32 $0x80;
	s16 =	sld [smem:$0x7E9]  }
0x9f: {  	s31 =	simm.s32 $0x0;
	s23 =	simm.s32 $0x140;
	s13 =	sld [smem:$0x7EA]  }
.LBB2_2:
0xa0: {  	_ = 	snop  }
0xa1: {  	s11 =	sshll.u32 s31, $0x9  }
0xa2: {  	s11 =	sadd.s32 s13, s11  }
0xa3: {  	s11 =	sshrl.u32 s11, $0x3  }
0xa4: {  	s25 =	simm.s32 $0x0;
	s18 =	sadd.s32 s5, s11  }
0xa5: {  	[tilespmem:s25], [sflag:$0x5] =	stream.linear.gather [hbm4b:s18+s25], $0x200, $0x38;
	[tilespmem:$0x1CB80] =	vst v63  }
0xa6: {  	_ =	swait.ge [sflag:s10], $0x200  }
0xa7: {  	[sflag:s10] =	ssyncset.done $0x0  }
0xa8: {  	s11 =	sadd.s32 s16, s11;
	[sflag:s10] =	ssyncadd.s32 $0xFFFFFE00  }
0xa9: {  	[tilespmem:s21], [sflag:$0x5] =	stream.linear.gather [hbm4b:s11+s25], $0x200, $0x38;
	[tilespmem:$0x1CB80] =	vst v63  }
0xaa: {  	_ =	swait.ge [sflag:s10], $0x200  }
0xab: {  	[sflag:s10] =	ssyncset.done $0x0  }
0xac: {  	[sflag:s10] =	ssyncadd.s32 $0xFFFFFE00  }
0xad: {  	[tilespmem:s24], [sflag:$0x1] =	stream.indirect.gather [hbm4b:s0+s22], $0x40, s25, s22, $0xb8;
	[tilespmem:$0x1CB80] =	vst v63  }
0xae: {  	_ = 	snop  }
0xaf: {  	[tilespmem:s26], [sflag:$0x2] =	stream.indirect.gather [hbm4b:s0+s22], $0x40, s22, s22, $0xb8;
	[tilespmem:$0x1CB80] =	vst v63  }
0xb0: {  	_ =	swait.ge [sflag:s29], $0x1000  }
0xb1: {  	[sflag:s29] =	ssyncset.done $0x0  }
0xb2: {  	s25 =	simm.s32 $0x0;
	[sflag:s29] =	ssyncadd.s32 $0xFFFFF000  }
0xb3: {  	v0 =	vld [tilespmem:s25+$0x400];
	_ =	sdelay $0x4  }
0xb4: {  	s11 =	simm.s32 $0x2440;
	v1 =	vunpack.i.l.bf16.f32 v0  }
0xb5: {  	v0 =	vunpack.i.u.bf16.f32 v0;
	[tilespmem:s11+$0xFFFFFFC0] =	vst v1  }
0xb6: {  	[tilespmem:s11+$0xFFFFFFD0] =	vst v0  }
0xb7: {  	v0 =	vld [tilespmem:s25+$0x410];
	_ =	sdelay $0x4  }
0xb8: {  	v1 =	vunpack.i.l.bf16.f32 v0  }
0xb9: {  	v0 =	vunpack.i.u.bf16.f32 v0;
	[tilespmem:s11+$0xFFFFFFE0] =	vst v1  }
0xba: {  	[tilespmem:s11+$0xFFFFFFF0] =	vst v0  }
0xbb: {  	v0 =	vld [tilespmem:s25+$0x420];
	_ =	sdelay $0x4  }
0xbc: {  	v1 =	vunpack.i.u.bf16.f32 v0  }
0xbd: {  	v0 =	vunpack.i.l.bf16.f32 v0;
	[tilespmem:s11+$0x10] =	vst v1  }
0xbe: {  	[tilespmem:s11+$0x0] =	vst v0  }
0xbf: {  	v0 =	vld [tilespmem:s25+$0x430];
	_ =	sdelay $0x4  }
0xc0: {  	v1 =	vunpack.i.l.bf16.f32 v0  }
0xc1: {  	v0 =	vunpack.i.u.bf16.f32 v0;
	[tilespmem:s11+$0x20] =	vst v1  }
0xc2: {  	s18 =	simm.s32 $0x40;
	[tilespmem:s11+$0x30] =	vst v0  }
0xc3: {  	v0 =	vld [tilespmem:s18+$0x400]  }
0xc4: {  	s25 =	simm.s32 $0x200  }
.LBB2_3:
0xc5: {  	p0 =	sne.s32 s25, $0x3F00;
	_ =	sdelay $0x2  }
0xc6: {  	s11 =	sadd.s32 $0x80, s11;
	v1 =	vunpack.i.l.bf16.f32 v0  }
0xc7: {  	v0 =	vunpack.i.u.bf16.f32 v0;
	[tilespmem:s11+$0xFFFFFFC0] =	vst v1  }
0xc8: {  	[tilespmem:s11+$0xFFFFFFD0] =	vst v0  }
0xc9: {  	v0 =	vld [tilespmem:s18+$0x410];
	_ =	sdelay $0x4  }
0xca: {  	v1 =	vunpack.i.l.bf16.f32 v0  }
0xcb: {  	v0 =	vunpack.i.u.bf16.f32 v0;
	[tilespmem:s11+$0xFFFFFFE0] =	vst v1  }
0xcc: {  	[tilespmem:s11+$0xFFFFFFF0] =	vst v0  }
0xcd: {  	v0 =	vld [tilespmem:s18+$0x420];
	_ =	sdelay $0x4  }
0xce: {  	v1 =	vunpack.i.u.bf16.f32 v0;
	v0 =	vunpack.i.l.bf16.f32 v0  }
0xcf: {  	[tilespmem:s11+$0x10] =	vst v1  }
0xd0: {  	[tilespmem:s11+$0x0] =	vst v0  }
0xd1: {  	v0 =	vld [tilespmem:s18+$0x430];
	_ =	sdelay $0x4  }
.Ltmp0:
0xd2: {  	v1 =	vunpack.i.u.bf16.f32 v0;
	v0 =	vunpack.i.l.bf16.f32 v0;
	(pc) =	sbr.rel @p0 .LBB2_3-.Ltmp0, $4  }
0xd3: {  	[tilespmem:s11+$0x20] =	vst v0  }
0xd4: {  	s18 =	sshra.s32 s25, $0x2;
	[tilespmem:s11+$0x30] =	vst v1  }
0xd5: {  	v0 =	vld [tilespmem:s18+$0x400]  }
0xd6: {  	s25 =	sadd.s32 $0x100, s25  }
0xd7: {  	_ =	sdelay $0x2  }
0xd8: {  	s11 =	sadd.s32 $0x80, s11;
	v1 =	vunpack.i.l.bf16.f32 v0  }
0xd9: {  	v0 =	vunpack.i.u.bf16.f32 v0;
	[tilespmem:s11+$0xFFFFFFC0] =	vst v1  }
0xda: {  	[tilespmem:s11+$0xFFFFFFD0] =	vst v0  }
0xdb: {  	v0 =	vld [tilespmem:s18+$0x410];
	_ =	sdelay $0x4  }
0xdc: {  	v1 =	vunpack.i.l.bf16.f32 v0  }
0xdd: {  	v0 =	vunpack.i.u.bf16.f32 v0;
	[tilespmem:s11+$0xFFFFFFE0] =	vst v1  }
0xde: {  	[tilespmem:s11+$0xFFFFFFF0] =	vst v0  }
0xdf: {  	v0 =	vld [tilespmem:s18+$0x420];
	_ =	sdelay $0x4  }
0xe0: {  	v1 =	vunpack.i.u.bf16.f32 v0  }
0xe1: {  	v0 =	vunpack.i.l.bf16.f32 v0;
	[tilespmem:s11+$0x10] =	vst v1  }
0xe2: {  	[tilespmem:s11+$0x0] =	vst v0  }
0xe3: {  	v0 =	vld [tilespmem:s18+$0x430];
	_ =	sdelay $0x4  }
0xe4: {  	v1 =	vunpack.i.l.bf16.f32 v0  }
0xe5: {  	v0 =	vunpack.i.u.bf16.f32 v0;
	[tilespmem:s11+$0x20] =	vst v1  }
0xe6: {  	[tilespmem:s11+$0x30] =	vst v0  }
0xe7: {  	[spmem:s1] =	stream.indirect.scatter.add.f32 [tilespmem:s7], [sflag:$0x3], $0x80, s21, s22, $0xb8;
	[tilespmem:$0x1CB80] =	vst v63  }
0xe8: {  	_ = 	snop  }
0xe9: {  	[spmem:s3] =	stream.indirect.scatter.add.f32 [tilespmem:s12], [sflag:$0x5], $0x10, s21, s22, $0xb8;
	[tilespmem:$0x1CB80] =	vst v63  }
0xea: {  	_ =	swait.ge [sflag:s10], $0x400  }
0xeb: {  	[sflag:s10] =	ssyncset.done $0x0  }
0xec: {  	[sflag:s10] =	ssyncadd.s32 $0xFFFFFC00  }
0xed: {  	[tilespmem:s24], [sflag:$0x1] =	stream.indirect.gather [hbm4b:s0+s22], $0x40, s4, s22, $0xb8;
	[tilespmem:$0x1CB80] =	vst v63  }
0xee: {  	_ =	swait.ge [sflag:s2], $0x1000  }
0xef: {  	[sflag:s2] =	ssyncset.done $0x0  }
0xf0: {  	s25 =	simm.s32 $0x0;
	[sflag:s2] =	ssyncadd.s32 $0xFFFFF000  }
0xf1: {  	v0 =	vld [tilespmem:s25+$0x1400];
	_ =	sdelay $0x4  }
0xf2: {  	s11 =	simm.s32 $0x4470;
	v1 =	vunpack.i.l.bf16.f32 v0  }
0xf3: {  	v0 =	vunpack.i.u.bf16.f32 v0;
	[tilespmem:s11+$0xFFFFFF90] =	vst v1  }
0xf4: {  	[tilespmem:s11+$0xFFFFFFA0] =	vst v0  }
0xf5: {  	v0 =	vld [tilespmem:s25+$0x1410];
	_ =	sdelay $0x4  }
0xf6: {  	v1 =	vunpack.i.l.bf16.f32 v0  }
0xf7: {  	v0 =	vunpack.i.u.bf16.f32 v0;
	[tilespmem:s11+$0xFFFFFFB0] =	vst v1  }
0xf8: {  	[tilespmem:s11+$0xFFFFFFC0] =	vst v0  }
0xf9: {  	v0 =	vld [tilespmem:s25+$0x1420];
	_ =	sdelay $0x4  }
0xfa: {  	v1 =	vunpack.i.u.bf16.f32 v0  }
0xfb: {  	v0 =	vunpack.i.l.bf16.f32 v0;
	[tilespmem:s11+$0xFFFFFFE0] =	vst v1  }
0xfc: {  	[tilespmem:s11+$0xFFFFFFD0] =	vst v0  }
0xfd: {  	v0 =	vld [tilespmem:s25+$0x1430];
	_ =	sdelay $0x4  }
0xfe: {  	v1 =	vunpack.i.l.bf16.f32 v0  }
0xff: {  	v0 =	vunpack.i.u.bf16.f32 v0;
	[tilespmem:s11+$0xFFFFFFF0] =	vst v1  }
0x100: {  	s18 =	simm.s32 $0x40;
	[tilespmem:s11+$0x0] =	vst v0  }
0x101: {  	v0 =	vld [tilespmem:s18+$0x1400]  }
0x102: {  	s25 =	simm.s32 $0x200  }
.LBB2_5:
0x103: {  	p0 =	sne.s32 s25, $0x3F00;
	_ =	sdelay $0x2  }
0x104: {  	s11 =	sadd.s32 $0x80, s11;
	v1 =	vunpack.i.l.bf16.f32 v0  }
0x105: {  	v0 =	vunpack.i.u.bf16.f32 v0;
	[tilespmem:s11+$0xFFFFFF90] =	vst v1  }
0x106: {  	[tilespmem:s11+$0xFFFFFFA0] =	vst v0  }
0x107: {  	v0 =	vld [tilespmem:s18+$0x1410];
	_ =	sdelay $0x4  }
0x108: {  	v1 =	vunpack.i.l.bf16.f32 v0  }
0x109: {  	v0 =	vunpack.i.u.bf16.f32 v0;
	[tilespmem:s11+$0xFFFFFFB0] =	vst v1  }
0x10a: {  	[tilespmem:s11+$0xFFFFFFC0] =	vst v0  }
0x10b: {  	v0 =	vld [tilespmem:s18+$0x1420];
	_ =	sdelay $0x4  }
0x10c: {  	v1 =	vunpack.i.u.bf16.f32 v0;
	v0 =	vunpack.i.l.bf16.f32 v0  }
0x10d: {  	[tilespmem:s11+$0xFFFFFFE0] =	vst v1  }
0x10e: {  	[tilespmem:s11+$0xFFFFFFD0] =	vst v0  }
0x10f: {  	v0 =	vld [tilespmem:s18+$0x1430];
	_ =	sdelay $0x4  }
.Ltmp1:
0x110: {  	v1 =	vunpack.i.u.bf16.f32 v0;
	v0 =	vunpack.i.l.bf16.f32 v0;
	(pc) =	sbr.rel @p0 .LBB2_5-.Ltmp1, $4  }
0x111: {  	[tilespmem:s11+$0xFFFFFFF0] =	vst v0  }
0x112: {  	s18 =	sshra.s32 s25, $0x2;
	[tilespmem:s11+$0x0] =	vst v1  }
0x113: {  	v0 =	vld [tilespmem:s18+$0x1400]  }
0x114: {  	s25 =	sadd.s32 $0x100, s25  }
0x115: {  	_ =	sdelay $0x2  }
0x116: {  	s11 =	sadd.s32 $0x80, s11;
	v1 =	vunpack.i.l.bf16.f32 v0  }
0x117: {  	v0 =	vunpack.i.u.bf16.f32 v0;
	[tilespmem:s11+$0xFFFFFF90] =	vst v1  }
0x118: {  	[tilespmem:s11+$0xFFFFFFA0] =	vst v0  }
0x119: {  	v0 =	vld [tilespmem:s18+$0x1410];
	_ =	sdelay $0x4  }
0x11a: {  	v1 =	vunpack.i.l.bf16.f32 v0  }
0x11b: {  	v0 =	vunpack.i.u.bf16.f32 v0;
	[tilespmem:s11+$0xFFFFFFB0] =	vst v1  }
0x11c: {  	[tilespmem:s11+$0xFFFFFFC0] =	vst v0  }
0x11d: {  	v0 =	vld [tilespmem:s18+$0x1420];
	_ =	sdelay $0x4  }
0x11e: {  	v1 =	vunpack.i.u.bf16.f32 v0  }
0x11f: {  	v0 =	vunpack.i.l.bf16.f32 v0;
	[tilespmem:s11+$0xFFFFFFE0] =	vst v1  }
0x120: {  	[tilespmem:s11+$0xFFFFFFD0] =	vst v0  }
0x121: {  	v0 =	vld [tilespmem:s18+$0x1430];
	_ =	sdelay $0x4  }
0x122: {  	v1 =	vunpack.i.l.bf16.f32 v0  }
0x123: {  	v0 =	vunpack.i.u.bf16.f32 v0;
	[tilespmem:s11+$0xFFFFFFF0] =	vst v1  }
0x124: {  	[tilespmem:s11+$0x0] =	vst v0  }
0x125: {  	[spmem:s1] =	stream.indirect.scatter.add.f32 [tilespmem:s9], [sflag:$0x4], $0x80, s6, s22, $0xb8;
	[tilespmem:$0x1CB80] =	vst v63  }
0x126: {  	_ = 	snop  }
0x127: {  	[spmem:s3] =	stream.indirect.scatter.add.f32 [tilespmem:s12], [sflag:$0x5], $0x10, s6, s22, $0xb8;
	[tilespmem:$0x1CB80] =	vst v63  }
0x128: {  	_ =	swait.ge [sflag:s10], $0x400  }
0x129: {  	[sflag:s10] =	ssyncset.done $0x0  }
0x12a: {  	[sflag:s10] =	ssyncadd.s32 $0xFFFFFC00  }
0x12b: {  	[tilespmem:s26], [sflag:$0x2] =	stream.indirect.gather [hbm4b:s0+s22], $0x40, s8, s22, $0xb8;
	[tilespmem:$0x1CB80] =	vst v63  }
0x12c: {  	_ =	swait.ge [sflag:s29], $0x1000  }
0x12d: {  	[sflag:s29] =	ssyncset.done $0x0  }
0x12e: {  	[sflag:s29] =	ssyncadd.s32 $0xFFFFF000  }
0x12f: {  	_ =	swait.ge [sflag:s15], $0x2000  }
0x130: {  	[sflag:s15] =	ssyncset.done $0x0  }
0x131: {  	s25 =	simm.s32 $0x0;
	[sflag:s15] =	ssyncadd.s32 $0xFFFFE000  }
0x132: {  	v0 =	vld [tilespmem:s25+$0x400];
	_ =	sdelay $0x4  }
0x133: {  	s11 =	simm.s32 $0x2440;
	v1 =	vunpack.i.l.bf16.f32 v0  }
0x134: {  	v0 =	vunpack.i.u.bf16.f32 v0;
	[tilespmem:s11+$0xFFFFFFC0] =	vst v1  }
0x135: {  	[tilespmem:s11+$0xFFFFFFD0] =	vst v0  }
0x136: {  	v0 =	vld [tilespmem:s25+$0x410];
	_ =	sdelay $0x4  }
0x137: {  	v1 =	vunpack.i.l.bf16.f32 v0  }
0x138: {  	v0 =	vunpack.i.u.bf16.f32 v0;
	[tilespmem:s11+$0xFFFFFFE0] =	vst v1  }
0x139: {  	[tilespmem:s11+$0xFFFFFFF0] =	vst v0  }
0x13a: {  	v0 =	vld [tilespmem:s25+$0x420];
	_ =	sdelay $0x4  }
0x13b: {  	v1 =	vunpack.i.u.bf16.f32 v0  }
0x13c: {  	v0 =	vunpack.i.l.bf16.f32 v0;
	[tilespmem:s11+$0x10] =	vst v1  }
0x13d: {  	[tilespmem:s11+$0x0] =	vst v0  }
0x13e: {  	v0 =	vld [tilespmem:s25+$0x430];
	_ =	sdelay $0x4  }
0x13f: {  	v1 =	vunpack.i.l.bf16.f32 v0  }
0x140: {  	v0 =	vunpack.i.u.bf16.f32 v0;
	[tilespmem:s11+$0x20] =	vst v1  }
0x141: {  	s18 =	simm.s32 $0x40;
	[tilespmem:s11+$0x30] =	vst v0  }
0x142: {  	v0 =	vld [tilespmem:s18+$0x400]  }
0x143: {  	s25 =	simm.s32 $0x200  }
.LBB2_7:
0x144: {  	p0 =	sne.s32 s25, $0x3F00;
	_ =	sdelay $0x2  }
0x145: {  	s11 =	sadd.s32 $0x80, s11;
	v1 =	vunpack.i.l.bf16.f32 v0  }
0x146: {  	v0 =	vunpack.i.u.bf16.f32 v0;
	[tilespmem:s11+$0xFFFFFFC0] =	vst v1  }
0x147: {  	[tilespmem:s11+$0xFFFFFFD0] =	vst v0  }
0x148: {  	v0 =	vld [tilespmem:s18+$0x410];
	_ =	sdelay $0x4  }
0x149: {  	v1 =	vunpack.i.l.bf16.f32 v0  }
0x14a: {  	v0 =	vunpack.i.u.bf16.f32 v0;
	[tilespmem:s11+$0xFFFFFFE0] =	vst v1  }
0x14b: {  	[tilespmem:s11+$0xFFFFFFF0] =	vst v0  }
0x14c: {  	v0 =	vld [tilespmem:s18+$0x420];
	_ =	sdelay $0x4  }
0x14d: {  	v1 =	vunpack.i.u.bf16.f32 v0;
	v0 =	vunpack.i.l.bf16.f32 v0  }
0x14e: {  	[tilespmem:s11+$0x10] =	vst v1  }
0x14f: {  	[tilespmem:s11+$0x0] =	vst v0  }
0x150: {  	v0 =	vld [tilespmem:s18+$0x430];
	_ =	sdelay $0x4  }
.Ltmp2:
0x151: {  	v1 =	vunpack.i.u.bf16.f32 v0;
	v0 =	vunpack.i.l.bf16.f32 v0;
	(pc) =	sbr.rel @p0 .LBB2_7-.Ltmp2, $4  }
0x152: {  	[tilespmem:s11+$0x20] =	vst v0  }
0x153: {  	s18 =	sshra.s32 s25, $0x2;
	[tilespmem:s11+$0x30] =	vst v1  }
0x154: {  	v0 =	vld [tilespmem:s18+$0x400]  }
0x155: {  	s25 =	sadd.s32 $0x100, s25  }
0x156: {  	_ =	sdelay $0x2  }
0x157: {  	s11 =	sadd.s32 $0x80, s11;
	v1 =	vunpack.i.l.bf16.f32 v0  }
0x158: {  	v0 =	vunpack.i.u.bf16.f32 v0;
	[tilespmem:s11+$0xFFFFFFC0] =	vst v1  }
0x159: {  	[tilespmem:s11+$0xFFFFFFD0] =	vst v0  }
0x15a: {  	v0 =	vld [tilespmem:s18+$0x410];
	_ =	sdelay $0x4  }
0x15b: {  	v1 =	vunpack.i.l.bf16.f32 v0  }
0x15c: {  	v0 =	vunpack.i.u.bf16.f32 v0;
	[tilespmem:s11+$0xFFFFFFE0] =	vst v1  }
0x15d: {  	[tilespmem:s11+$0xFFFFFFF0] =	vst v0  }
0x15e: {  	v0 =	vld [tilespmem:s18+$0x420];
	_ =	sdelay $0x4  }
0x15f: {  	v1 =	vunpack.i.u.bf16.f32 v0  }
0x160: {  	v0 =	vunpack.i.l.bf16.f32 v0;
	[tilespmem:s11+$0x10] =	vst v1  }
0x161: {  	[tilespmem:s11+$0x0] =	vst v0  }
0x162: {  	v0 =	vld [tilespmem:s18+$0x430];
	_ =	sdelay $0x4  }
0x163: {  	v1 =	vunpack.i.l.bf16.f32 v0  }
0x164: {  	v0 =	vunpack.i.u.bf16.f32 v0;
	[tilespmem:s11+$0x20] =	vst v1  }
0x165: {  	[tilespmem:s11+$0x30] =	vst v0  }
0x166: {  	[spmem:s1] =	stream.indirect.scatter.add.f32 [tilespmem:s7], [sflag:$0x3], $0x80, s14, s22, $0xb8;
	[tilespmem:$0x1CB80] =	vst v63  }
0x167: {  	_ = 	snop  }
0x168: {  	[spmem:s3] =	stream.indirect.scatter.add.f32 [tilespmem:s12], [sflag:$0x5], $0x10, s14, s22, $0xb8;
	[tilespmem:$0x1CB80] =	vst v63  }
0x169: {  	_ =	swait.ge [sflag:s10], $0x400  }
0x16a: {  	[sflag:s10] =	ssyncset.done $0x0  }
0x16b: {  	[sflag:s10] =	ssyncadd.s32 $0xFFFFFC00  }
0x16c: {  	[tilespmem:s24], [sflag:$0x1] =	stream.indirect.gather [hbm4b:s0+s22], $0x40, s17, s22, $0xb8;
	[tilespmem:$0x1CB80] =	vst v63  }
0x16d: {  	_ =	swait.ge [sflag:s2], $0x1000  }
0x16e: {  	[sflag:s2] =	ssyncset.done $0x0  }
0x16f: {  	[sflag:s2] =	ssyncadd.s32 $0xFFFFF000  }
0x170: {  	_ =	swait.ge [sflag:s19], $0x2000  }
0x171: {  	[sflag:s19] =	ssyncset.done $0x0  }
0x172: {  	s25 =	simm.s32 $0x0;
	[sflag:s19] =	ssyncadd.s32 $0xFFFFE000  }
0x173: {  	v0 =	vld [tilespmem:s25+$0x1400];
	_ =	sdelay $0x4  }
0x174: {  	s11 =	simm.s32 $0x4470;
	v1 =	vunpack.i.l.bf16.f32 v0  }
0x175: {  	v0 =	vunpack.i.u.bf16.f32 v0;
	[tilespmem:s11+$0xFFFFFF90] =	vst v1  }
0x176: {  	[tilespmem:s11+$0xFFFFFFA0] =	vst v0  }
0x177: {  	v0 =	vld [tilespmem:s25+$0x1410];
	_ =	sdelay $0x4  }
0x178: {  	v1 =	vunpack.i.l.bf16.f32 v0  }
0x179: {  	v0 =	vunpack.i.u.bf16.f32 v0;
	[tilespmem:s11+$0xFFFFFFB0] =	vst v1  }
0x17a: {  	[tilespmem:s11+$0xFFFFFFC0] =	vst v0  }
0x17b: {  	v0 =	vld [tilespmem:s25+$0x1420];
	_ =	sdelay $0x4  }
0x17c: {  	v1 =	vunpack.i.u.bf16.f32 v0  }
0x17d: {  	v0 =	vunpack.i.l.bf16.f32 v0;
	[tilespmem:s11+$0xFFFFFFE0] =	vst v1  }
0x17e: {  	[tilespmem:s11+$0xFFFFFFD0] =	vst v0  }
0x17f: {  	v0 =	vld [tilespmem:s25+$0x1430];
	_ =	sdelay $0x4  }
0x180: {  	v1 =	vunpack.i.l.bf16.f32 v0  }
0x181: {  	v0 =	vunpack.i.u.bf16.f32 v0;
	[tilespmem:s11+$0xFFFFFFF0] =	vst v1  }
0x182: {  	s18 =	simm.s32 $0x40;
	[tilespmem:s11+$0x0] =	vst v0  }
0x183: {  	v0 =	vld [tilespmem:s18+$0x1400]  }
0x184: {  	s25 =	simm.s32 $0x200  }
.LBB2_9:
0x185: {  	p0 =	sne.s32 s25, $0x3F00;
	_ =	sdelay $0x2  }
0x186: {  	s11 =	sadd.s32 $0x80, s11;
	v1 =	vunpack.i.l.bf16.f32 v0  }
0x187: {  	v0 =	vunpack.i.u.bf16.f32 v0;
	[tilespmem:s11+$0xFFFFFF90] =	vst v1  }
0x188: {  	[tilespmem:s11+$0xFFFFFFA0] =	vst v0  }
0x189: {  	v0 =	vld [tilespmem:s18+$0x1410];
	_ =	sdelay $0x4  }
0x18a: {  	v1 =	vunpack.i.l.bf16.f32 v0  }
0x18b: {  	v0 =	vunpack.i.u.bf16.f32 v0;
	[tilespmem:s11+$0xFFFFFFB0] =	vst v1  }
0x18c: {  	[tilespmem:s11+$0xFFFFFFC0] =	vst v0  }
0x18d: {  	v0 =	vld [tilespmem:s18+$0x1420];
	_ =	sdelay $0x4  }
0x18e: {  	v1 =	vunpack.i.u.bf16.f32 v0;
	v0 =	vunpack.i.l.bf16.f32 v0  }
0x18f: {  	[tilespmem:s11+$0xFFFFFFE0] =	vst v1  }
0x190: {  	[tilespmem:s11+$0xFFFFFFD0] =	vst v0  }
0x191: {  	v0 =	vld [tilespmem:s18+$0x1430];
	_ =	sdelay $0x4  }
.Ltmp3:
0x192: {  	v1 =	vunpack.i.u.bf16.f32 v0;
	v0 =	vunpack.i.l.bf16.f32 v0;
	(pc) =	sbr.rel @p0 .LBB2_9-.Ltmp3, $4  }
0x193: {  	[tilespmem:s11+$0xFFFFFFF0] =	vst v0  }
0x194: {  	s18 =	sshra.s32 s25, $0x2;
	[tilespmem:s11+$0x0] =	vst v1  }
0x195: {  	v0 =	vld [tilespmem:s18+$0x1400]  }
0x196: {  	s25 =	sadd.s32 $0x100, s25  }
0x197: {  	_ =	sdelay $0x2  }
0x198: {  	s11 =	sadd.s32 $0x80, s11;
	v1 =	vunpack.i.l.bf16.f32 v0  }
0x199: {  	v0 =	vunpack.i.u.bf16.f32 v0;
	[tilespmem:s11+$0xFFFFFF90] =	vst v1  }
0x19a: {  	[tilespmem:s11+$0xFFFFFFA0] =	vst v0  }
0x19b: {  	v0 =	vld [tilespmem:s18+$0x1410];
	_ =	sdelay $0x4  }
0x19c: {  	v1 =	vunpack.i.l.bf16.f32 v0  }
0x19d: {  	v0 =	vunpack.i.u.bf16.f32 v0;
	[tilespmem:s11+$0xFFFFFFB0] =	vst v1  }
0x19e: {  	[tilespmem:s11+$0xFFFFFFC0] =	vst v0  }
0x19f: {  	v0 =	vld [tilespmem:s18+$0x1420];
	_ =	sdelay $0x4  }
0x1a0: {  	v1 =	vunpack.i.u.bf16.f32 v0  }
0x1a1: {  	v0 =	vunpack.i.l.bf16.f32 v0;
	[tilespmem:s11+$0xFFFFFFE0] =	vst v1  }
0x1a2: {  	[tilespmem:s11+$0xFFFFFFD0] =	vst v0  }
0x1a3: {  	v0 =	vld [tilespmem:s18+$0x1430];
	_ =	sdelay $0x4  }
0x1a4: {  	v1 =	vunpack.i.l.bf16.f32 v0  }
0x1a5: {  	v0 =	vunpack.i.u.bf16.f32 v0;
	[tilespmem:s11+$0xFFFFFFF0] =	vst v1  }
0x1a6: {  	[tilespmem:s11+$0x0] =	vst v0  }
0x1a7: {  	[spmem:s1] =	stream.indirect.scatter.add.f32 [tilespmem:s9], [sflag:$0x4], $0x80, s20, s22, $0xb8;
	[tilespmem:$0x1CB80] =	vst v63  }
0x1a8: {  	_ = 	snop  }
0x1a9: {  	[spmem:s3] =	stream.indirect.scatter.add.f32 [tilespmem:s12], [sflag:$0x5], $0x10, s20, s22, $0xb8;
	[tilespmem:$0x1CB80] =	vst v63  }
0x1aa: {  	_ =	swait.ge [sflag:s10], $0x400  }
0x1ab: {  	[sflag:s10] =	ssyncset.done $0x0  }
0x1ac: {  	[sflag:s10] =	ssyncadd.s32 $0xFFFFFC00  }
0x1ad: {  	[tilespmem:s26], [sflag:$0x2] =	stream.indirect.gather [hbm4b:s0+s22], $0x40, s23, s22, $0xb8;
	[tilespmem:$0x1CB80] =	vst v63  }
0x1ae: {  	_ =	swait.ge [sflag:s29], $0x1000  }
0x1af: {  	[sflag:s29] =	ssyncset.done $0x0  }
0x1b0: {  	[sflag:s29] =	ssyncadd.s32 $0xFFFFF000  }
0x1b1: {  	_ =	swait.ge [sflag:s15], $0x2000  }
0x1b2: {  	[sflag:s15] =	ssyncset.done $0x0  }
0x1b3: {  	s25 =	simm.s32 $0x0;
	[sflag:s15] =	ssyncadd.s32 $0xFFFFE000  }
0x1b4: {  	v0 =	vld [tilespmem:s25+$0x400];
	_ =	sdelay $0x4  }
0x1b5: {  	s11 =	simm.s32 $0x2440;
	v1 =	vunpack.i.l.bf16.f32 v0  }
0x1b6: {  	v0 =	vunpack.i.u.bf16.f32 v0;
	[tilespmem:s11+$0xFFFFFFC0] =	vst v1  }
0x1b7: {  	[tilespmem:s11+$0xFFFFFFD0] =	vst v0  }
0x1b8: {  	v0 =	vld [tilespmem:s25+$0x410];
	_ =	sdelay $0x4  }
0x1b9: {  	v1 =	vunpack.i.l.bf16.f32 v0  }
0x1ba: {  	v0 =	vunpack.i.u.bf16.f32 v0;
	[tilespmem:s11+$0xFFFFFFE0] =	vst v1  }
0x1bb: {  	[tilespmem:s11+$0xFFFFFFF0] =	vst v0  }
0x1bc: {  	v0 =	vld [tilespmem:s25+$0x420];
	_ =	sdelay $0x4  }
0x1bd: {  	v1 =	vunpack.i.u.bf16.f32 v0  }
0x1be: {  	v0 =	vunpack.i.l.bf16.f32 v0;
	[tilespmem:s11+$0x10] =	vst v1  }
0x1bf: {  	[tilespmem:s11+$0x0] =	vst v0  }
0x1c0: {  	v0 =	vld [tilespmem:s25+$0x430];
	_ =	sdelay $0x4  }
0x1c1: {  	v1 =	vunpack.i.l.bf16.f32 v0  }
0x1c2: {  	v0 =	vunpack.i.u.bf16.f32 v0;
	[tilespmem:s11+$0x20] =	vst v1  }
0x1c3: {  	s18 =	simm.s32 $0x40;
	[tilespmem:s11+$0x30] =	vst v0  }
0x1c4: {  	v0 =	vld [tilespmem:s18+$0x400]  }
0x1c5: {  	s25 =	simm.s32 $0x200  }
.LBB2_11:
0x1c6: {  	p0 =	sne.s32 s25, $0x3F00;
	_ =	sdelay $0x2  }
0x1c7: {  	s11 =	sadd.s32 $0x80, s11;
	v1 =	vunpack.i.l.bf16.f32 v0  }
0x1c8: {  	v0 =	vunpack.i.u.bf16.f32 v0;
	[tilespmem:s11+$0xFFFFFFC0] =	vst v1  }
0x1c9: {  	[tilespmem:s11+$0xFFFFFFD0] =	vst v0  }
0x1ca: {  	v0 =	vld [tilespmem:s18+$0x410];
	_ =	sdelay $0x4  }
0x1cb: {  	v1 =	vunpack.i.l.bf16.f32 v0  }
0x1cc: {  	v0 =	vunpack.i.u.bf16.f32 v0;
	[tilespmem:s11+$0xFFFFFFE0] =	vst v1  }
0x1cd: {  	[tilespmem:s11+$0xFFFFFFF0] =	vst v0  }
0x1ce: {  	v0 =	vld [tilespmem:s18+$0x420];
	_ =	sdelay $0x4  }
0x1cf: {  	v1 =	vunpack.i.u.bf16.f32 v0;
	v0 =	vunpack.i.l.bf16.f32 v0  }
0x1d0: {  	[tilespmem:s11+$0x10] =	vst v1  }
0x1d1: {  	[tilespmem:s11+$0x0] =	vst v0  }
0x1d2: {  	v0 =	vld [tilespmem:s18+$0x430];
	_ =	sdelay $0x4  }
.Ltmp4:
0x1d3: {  	v1 =	vunpack.i.u.bf16.f32 v0;
	v0 =	vunpack.i.l.bf16.f32 v0;
	(pc) =	sbr.rel @p0 .LBB2_11-.Ltmp4, $4  }
0x1d4: {  	[tilespmem:s11+$0x20] =	vst v0  }
0x1d5: {  	s18 =	sshra.s32 s25, $0x2;
	[tilespmem:s11+$0x30] =	vst v1  }
0x1d6: {  	v0 =	vld [tilespmem:s18+$0x400]  }
0x1d7: {  	s25 =	sadd.s32 $0x100, s25  }
0x1d8: {  	_ =	sdelay $0x2  }
0x1d9: {  	s11 =	sadd.s32 $0x80, s11;
	v1 =	vunpack.i.l.bf16.f32 v0  }
0x1da: {  	v0 =	vunpack.i.u.bf16.f32 v0;
	[tilespmem:s11+$0xFFFFFFC0] =	vst v1  }
0x1db: {  	[tilespmem:s11+$0xFFFFFFD0] =	vst v0  }
0x1dc: {  	v0 =	vld [tilespmem:s18+$0x410];
	_ =	sdelay $0x4  }
0x1dd: {  	v1 =	vunpack.i.l.bf16.f32 v0  }
0x1de: {  	v0 =	vunpack.i.u.bf16.f32 v0;
	[tilespmem:s11+$0xFFFFFFE0] =	vst v1  }
0x1df: {  	[tilespmem:s11+$0xFFFFFFF0] =	vst v0  }
0x1e0: {  	v0 =	vld [tilespmem:s18+$0x420];
	_ =	sdelay $0x4  }
0x1e1: {  	v1 =	vunpack.i.u.bf16.f32 v0  }
0x1e2: {  	v0 =	vunpack.i.l.bf16.f32 v0;
	[tilespmem:s11+$0x10] =	vst v1  }
0x1e3: {  	[tilespmem:s11+$0x0] =	vst v0  }
0x1e4: {  	v0 =	vld [tilespmem:s18+$0x430];
	_ =	sdelay $0x4  }
0x1e5: {  	v1 =	vunpack.i.l.bf16.f32 v0  }
0x1e6: {  	v0 =	vunpack.i.u.bf16.f32 v0;
	[tilespmem:s11+$0x20] =	vst v1  }
0x1e7: {  	[tilespmem:s11+$0x30] =	vst v0  }
0x1e8: {  	[spmem:s1] =	stream.indirect.scatter.add.f32 [tilespmem:s7], [sflag:$0x3], $0x80, s28, s22, $0xb8;
	[tilespmem:$0x1CB80] =	vst v63  }
0x1e9: {  	_ = 	snop  }
0x1ea: {  	[spmem:s3] =	stream.indirect.scatter.add.f32 [tilespmem:s12], [sflag:$0x5], $0x10, s28, s22, $0xb8;
	[tilespmem:$0x1CB80] =	vst v63  }
0x1eb: {  	_ =	swait.ge [sflag:s10], $0x400  }
0x1ec: {  	[sflag:s10] =	ssyncset.done $0x0  }
0x1ed: {  	[sflag:s10] =	ssyncadd.s32 $0xFFFFFC00  }
0x1ee: {  	[tilespmem:s24], [sflag:$0x1] =	stream.indirect.gather [hbm4b:s0+s22], $0x40, s30, s22, $0xb8;
	[tilespmem:$0x1CB80] =	vst v63  }
0x1ef: {  	_ =	swait.ge [sflag:s2], $0x1000  }
0x1f0: {  	[sflag:s2] =	ssyncset.done $0x0  }
0x1f1: {  	[sflag:s2] =	ssyncadd.s32 $0xFFFFF000  }
0x1f2: {  	_ =	swait.ge [sflag:s19], $0x2000  }
0x1f3: {  	[sflag:s19] =	ssyncset.done $0x0  }
0x1f4: {  	s25 =	simm.s32 $0x0;
	[sflag:s19] =	ssyncadd.s32 $0xFFFFE000  }
0x1f5: {  	v0 =	vld [tilespmem:s25+$0x1400];
	_ =	sdelay $0x4  }
0x1f6: {  	s11 =	simm.s32 $0x4470;
	v1 =	vunpack.i.l.bf16.f32 v0  }
0x1f7: {  	v0 =	vunpack.i.u.bf16.f32 v0;
	[tilespmem:s11+$0xFFFFFF90] =	vst v1  }
0x1f8: {  	[tilespmem:s11+$0xFFFFFFA0] =	vst v0  }
0x1f9: {  	v0 =	vld [tilespmem:s25+$0x1410];
	_ =	sdelay $0x4  }
0x1fa: {  	v1 =	vunpack.i.l.bf16.f32 v0  }
0x1fb: {  	v0 =	vunpack.i.u.bf16.f32 v0;
	[tilespmem:s11+$0xFFFFFFB0] =	vst v1  }
0x1fc: {  	[tilespmem:s11+$0xFFFFFFC0] =	vst v0  }
0x1fd: {  	v0 =	vld [tilespmem:s25+$0x1420];
	_ =	sdelay $0x4  }
0x1fe: {  	v1 =	vunpack.i.u.bf16.f32 v0  }
0x1ff: {  	v0 =	vunpack.i.l.bf16.f32 v0;
	[tilespmem:s11+$0xFFFFFFE0] =	vst v1  }
0x200: {  	[tilespmem:s11+$0xFFFFFFD0] =	vst v0  }
0x201: {  	v0 =	vld [tilespmem:s25+$0x1430];
	_ =	sdelay $0x4  }
0x202: {  	v1 =	vunpack.i.l.bf16.f32 v0  }
0x203: {  	v0 =	vunpack.i.u.bf16.f32 v0;
	[tilespmem:s11+$0xFFFFFFF0] =	vst v1  }
0x204: {  	s18 =	simm.s32 $0x40;
	[tilespmem:s11+$0x0] =	vst v0  }
0x205: {  	v0 =	vld [tilespmem:s18+$0x1400]  }
0x206: {  	s25 =	simm.s32 $0x200  }
.LBB2_13:
0x207: {  	p0 =	sne.s32 s25, $0x3F00;
	_ =	sdelay $0x2  }
0x208: {  	s11 =	sadd.s32 $0x80, s11;
	v1 =	vunpack.i.l.bf16.f32 v0  }
0x209: {  	v0 =	vunpack.i.u.bf16.f32 v0;
	[tilespmem:s11+$0xFFFFFF90] =	vst v1  }
0x20a: {  	[tilespmem:s11+$0xFFFFFFA0] =	vst v0  }
0x20b: {  	v0 =	vld [tilespmem:s18+$0x1410];
	_ =	sdelay $0x4  }
0x20c: {  	v1 =	vunpack.i.l.bf16.f32 v0  }
0x20d: {  	v0 =	vunpack.i.u.bf16.f32 v0;
	[tilespmem:s11+$0xFFFFFFB0] =	vst v1  }
0x20e: {  	[tilespmem:s11+$0xFFFFFFC0] =	vst v0  }
0x20f: {  	v0 =	vld [tilespmem:s18+$0x1420];
	_ =	sdelay $0x4  }
0x210: {  	v1 =	vunpack.i.u.bf16.f32 v0;
	v0 =	vunpack.i.l.bf16.f32 v0  }
0x211: {  	[tilespmem:s11+$0xFFFFFFE0] =	vst v1  }
0x212: {  	[tilespmem:s11+$0xFFFFFFD0] =	vst v0  }
0x213: {  	v0 =	vld [tilespmem:s18+$0x1430];
	_ =	sdelay $0x4  }
.Ltmp5:
0x214: {  	v1 =	vunpack.i.u.bf16.f32 v0;
	v0 =	vunpack.i.l.bf16.f32 v0;
	(pc) =	sbr.rel @p0 .LBB2_13-.Ltmp5, $4  }
0x215: {  	[tilespmem:s11+$0xFFFFFFF0] =	vst v0  }
0x216: {  	s18 =	sshra.s32 s25, $0x2;
	[tilespmem:s11+$0x0] =	vst v1  }
0x217: {  	v0 =	vld [tilespmem:s18+$0x1400]  }
0x218: {  	s25 =	sadd.s32 $0x100, s25  }
0x219: {  	_ =	sdelay $0x2  }
0x21a: {  	s11 =	sadd.s32 $0x80, s11;
	v1 =	vunpack.i.l.bf16.f32 v0  }
0x21b: {  	v0 =	vunpack.i.u.bf16.f32 v0;
	[tilespmem:s11+$0xFFFFFF90] =	vst v1  }
0x21c: {  	[tilespmem:s11+$0xFFFFFFA0] =	vst v0  }
0x21d: {  	v0 =	vld [tilespmem:s18+$0x1410];
	_ =	sdelay $0x4  }
0x21e: {  	v1 =	vunpack.i.l.bf16.f32 v0  }
0x21f: {  	v0 =	vunpack.i.u.bf16.f32 v0;
	[tilespmem:s11+$0xFFFFFFB0] =	vst v1  }
0x220: {  	[tilespmem:s11+$0xFFFFFFC0] =	vst v0  }
0x221: {  	v0 =	vld [tilespmem:s18+$0x1420];
	_ =	sdelay $0x4  }
0x222: {  	v1 =	vunpack.i.u.bf16.f32 v0  }
0x223: {  	v0 =	vunpack.i.l.bf16.f32 v0;
	[tilespmem:s11+$0xFFFFFFE0] =	vst v1  }
0x224: {  	[tilespmem:s11+$0xFFFFFFD0] =	vst v0  }
0x225: {  	v0 =	vld [tilespmem:s18+$0x1430];
	_ =	sdelay $0x4  }
0x226: {  	v1 =	vunpack.i.l.bf16.f32 v0  }
0x227: {  	v0 =	vunpack.i.u.bf16.f32 v0;
	[tilespmem:s11+$0xFFFFFFF0] =	vst v1  }
0x228: {  	s25 =	simm.s32 $0x340;
	[tilespmem:s11+$0x0] =	vst v0  }
0x229: {  	[spmem:s1] =	stream.indirect.scatter.add.f32 [tilespmem:s9], [sflag:$0x4], $0x80, s25, s22, $0xb8;
	[tilespmem:$0x1CB80] =	vst v63  }
0x22a: {  	_ = 	snop  }
0x22b: {  	[spmem:s3] =	stream.indirect.scatter.add.f32 [tilespmem:s12], [sflag:$0x5], $0x10, s25, s22, $0xb8;
	[tilespmem:$0x1CB80] =	vst v63  }
0x22c: {  	_ =	swait.ge [sflag:s10], $0x400  }
0x22d: {  	[sflag:s10] =	ssyncset.done $0x0  }
0x22e: {  	s18 =	simm.s32 $0x1C0;
	[sflag:s10] =	ssyncadd.s32 $0xFFFFFC00  }
0x22f: {  	[tilespmem:s26], [sflag:$0x2] =	stream.indirect.gather [hbm4b:s0+s22], $0x40, s18, s22, $0xb8;
	[tilespmem:$0x1CB80] =	vst v63  }
0x230: {  	_ =	swait.ge [sflag:s29], $0x1000  }
0x231: {  	[sflag:s29] =	ssyncset.done $0x0  }
0x232: {  	[sflag:s29] =	ssyncadd.s32 $0xFFFFF000  }
0x233: {  	_ =	swait.ge [sflag:s15], $0x2000  }
0x234: {  	[sflag:s15] =	ssyncset.done $0x0  }
0x235: {  	s25 =	simm.s32 $0x0;
	[sflag:s15] =	ssyncadd.s32 $0xFFFFE000  }
0x236: {  	v0 =	vld [tilespmem:s25+$0x400];
	_ =	sdelay $0x4  }
0x237: {  	s11 =	simm.s32 $0x2440;
	v1 =	vunpack.i.l.bf16.f32 v0  }
0x238: {  	v0 =	vunpack.i.u.bf16.f32 v0;
	[tilespmem:s11+$0xFFFFFFC0] =	vst v1  }
0x239: {  	[tilespmem:s11+$0xFFFFFFD0] =	vst v0  }
0x23a: {  	v0 =	vld [tilespmem:s25+$0x410];
	_ =	sdelay $0x4  }
0x23b: {  	v1 =	vunpack.i.l.bf16.f32 v0  }
0x23c: {  	v0 =	vunpack.i.u.bf16.f32 v0;
	[tilespmem:s11+$0xFFFFFFE0] =	vst v1  }
0x23d: {  	[tilespmem:s11+$0xFFFFFFF0] =	vst v0  }
0x23e: {  	v0 =	vld [tilespmem:s25+$0x420];
	_ =	sdelay $0x4  }
0x23f: {  	v1 =	vunpack.i.u.bf16.f32 v0  }
0x240: {  	v0 =	vunpack.i.l.bf16.f32 v0;
	[tilespmem:s11+$0x10] =	vst v1  }
0x241: {  	[tilespmem:s11+$0x0] =	vst v0  }
0x242: {  	v0 =	vld [tilespmem:s25+$0x430];
	_ =	sdelay $0x4  }
0x243: {  	v1 =	vunpack.i.l.bf16.f32 v0  }
0x244: {  	v0 =	vunpack.i.u.bf16.f32 v0;
	[tilespmem:s11+$0x20] =	vst v1  }
0x245: {  	s18 =	simm.s32 $0x40;
	[tilespmem:s11+$0x30] =	vst v0  }
0x246: {  	v0 =	vld [tilespmem:s18+$0x400]  }
0x247: {  	s25 =	simm.s32 $0x200  }
.LBB2_15:
0x248: {  	p0 =	sne.s32 s25, $0x3F00;
	_ =	sdelay $0x2  }
0x249: {  	s11 =	sadd.s32 $0x80, s11;
	v1 =	vunpack.i.l.bf16.f32 v0  }
0x24a: {  	v0 =	vunpack.i.u.bf16.f32 v0;
	[tilespmem:s11+$0xFFFFFFC0] =	vst v1  }
0x24b: {  	[tilespmem:s11+$0xFFFFFFD0] =	vst v0  }
0x24c: {  	v0 =	vld [tilespmem:s18+$0x410];
	_ =	sdelay $0x4  }
0x24d: {  	v1 =	vunpack.i.l.bf16.f32 v0  }
0x24e: {  	v0 =	vunpack.i.u.bf16.f32 v0;
	[tilespmem:s11+$0xFFFFFFE0] =	vst v1  }
0x24f: {  	[tilespmem:s11+$0xFFFFFFF0] =	vst v0  }
0x250: {  	v0 =	vld [tilespmem:s18+$0x420];
	_ =	sdelay $0x4  }
0x251: {  	v1 =	vunpack.i.u.bf16.f32 v0;
	v0 =	vunpack.i.l.bf16.f32 v0  }
0x252: {  	[tilespmem:s11+$0x10] =	vst v1  }
0x253: {  	[tilespmem:s11+$0x0] =	vst v0  }
0x254: {  	v0 =	vld [tilespmem:s18+$0x430];
	_ =	sdelay $0x4  }
.Ltmp6:
0x255: {  	v1 =	vunpack.i.u.bf16.f32 v0;
	v0 =	vunpack.i.l.bf16.f32 v0;
	(pc) =	sbr.rel @p0 .LBB2_15-.Ltmp6, $4  }
0x256: {  	[tilespmem:s11+$0x20] =	vst v0  }
0x257: {  	s18 =	sshra.s32 s25, $0x2;
	[tilespmem:s11+$0x30] =	vst v1  }
0x258: {  	v0 =	vld [tilespmem:s18+$0x400]  }
0x259: {  	s25 =	sadd.s32 $0x100, s25  }
0x25a: {  	_ =	sdelay $0x2  }
0x25b: {  	s11 =	sadd.s32 $0x80, s11;
	v1 =	vunpack.i.l.bf16.f32 v0  }
0x25c: {  	v0 =	vunpack.i.u.bf16.f32 v0;
	[tilespmem:s11+$0xFFFFFFC0] =	vst v1  }
0x25d: {  	[tilespmem:s11+$0xFFFFFFD0] =	vst v0  }
0x25e: {  	v0 =	vld [tilespmem:s18+$0x410];
	_ =	sdelay $0x4  }
0x25f: {  	v1 =	vunpack.i.l.bf16.f32 v0  }
0x260: {  	v0 =	vunpack.i.u.bf16.f32 v0;
	[tilespmem:s11+$0xFFFFFFE0] =	vst v1  }
0x261: {  	[tilespmem:s11+$0xFFFFFFF0] =	vst v0  }
0x262: {  	v0 =	vld [tilespmem:s18+$0x420];
	_ =	sdelay $0x4  }
0x263: {  	v1 =	vunpack.i.u.bf16.f32 v0  }
0x264: {  	v0 =	vunpack.i.l.bf16.f32 v0;
	[tilespmem:s11+$0x10] =	vst v1  }
0x265: {  	[tilespmem:s11+$0x0] =	vst v0  }
0x266: {  	v0 =	vld [tilespmem:s18+$0x430];
	_ =	sdelay $0x4  }
0x267: {  	v1 =	vunpack.i.l.bf16.f32 v0  }
0x268: {  	v0 =	vunpack.i.u.bf16.f32 v0;
	[tilespmem:s11+$0x20] =	vst v1  }
0x269: {  	s18 =	simm.s32 $0x380;
	[tilespmem:s11+$0x30] =	vst v0  }
0x26a: {  	[spmem:s1] =	stream.indirect.scatter.add.f32 [tilespmem:s7], [sflag:$0x3], $0x80, s18, s22, $0xb8;
	[tilespmem:$0x1CB80] =	vst v63  }
0x26b: {  	_ = 	snop  }
0x26c: {  	[spmem:s3] =	stream.indirect.scatter.add.f32 [tilespmem:s12], [sflag:$0x5], $0x10, s18, s22, $0xb8;
	[tilespmem:$0x1CB80] =	vst v63  }
0x26d: {  	_ =	swait.ge [sflag:s10], $0x400  }
0x26e: {  	[sflag:s10] =	ssyncset.done $0x0  }
0x26f: {  	[sflag:s10] =	ssyncadd.s32 $0xFFFFFC00  }
0x270: {  	_ =	swait.ge [sflag:s2], $0x1000  }
0x271: {  	[sflag:s2] =	ssyncset.done $0x0  }
0x272: {  	[sflag:s2] =	ssyncadd.s32 $0xFFFFF000  }
0x273: {  	_ =	swait.ge [sflag:s19], $0x2000  }
0x274: {  	[sflag:s19] =	ssyncset.done $0x0  }
0x275: {  	s25 =	simm.s32 $0x0;
	[sflag:s19] =	ssyncadd.s32 $0xFFFFE000  }
0x276: {  	v0 =	vld [tilespmem:s25+$0x1400];
	_ =	sdelay $0x4  }
0x277: {  	s11 =	simm.s32 $0x4470;
	v1 =	vunpack.i.l.bf16.f32 v0  }
0x278: {  	v0 =	vunpack.i.u.bf16.f32 v0;
	[tilespmem:s11+$0xFFFFFF90] =	vst v1  }
0x279: {  	[tilespmem:s11+$0xFFFFFFA0] =	vst v0  }
0x27a: {  	v0 =	vld [tilespmem:s25+$0x1410];
	_ =	sdelay $0x4  }
0x27b: {  	v1 =	vunpack.i.l.bf16.f32 v0  }
0x27c: {  	v0 =	vunpack.i.u.bf16.f32 v0;
	[tilespmem:s11+$0xFFFFFFB0] =	vst v1  }
0x27d: {  	[tilespmem:s11+$0xFFFFFFC0] =	vst v0  }
0x27e: {  	v0 =	vld [tilespmem:s25+$0x1420];
	_ =	sdelay $0x4  }
0x27f: {  	v1 =	vunpack.i.u.bf16.f32 v0  }
0x280: {  	v0 =	vunpack.i.l.bf16.f32 v0;
	[tilespmem:s11+$0xFFFFFFE0] =	vst v1  }
0x281: {  	[tilespmem:s11+$0xFFFFFFD0] =	vst v0  }
0x282: {  	v0 =	vld [tilespmem:s25+$0x1430];
	_ =	sdelay $0x4  }
0x283: {  	v1 =	vunpack.i.l.bf16.f32 v0  }
0x284: {  	v0 =	vunpack.i.u.bf16.f32 v0;
	[tilespmem:s11+$0xFFFFFFF0] =	vst v1  }
0x285: {  	s18 =	simm.s32 $0x40;
	[tilespmem:s11+$0x0] =	vst v0  }
0x286: {  	v0 =	vld [tilespmem:s18+$0x1400]  }
0x287: {  	s25 =	simm.s32 $0x200  }
.LBB2_17:
0x288: {  	p0 =	sne.s32 s25, $0x3F00;
	_ =	sdelay $0x2  }
0x289: {  	s11 =	sadd.s32 $0x80, s11;
	v1 =	vunpack.i.l.bf16.f32 v0  }
0x28a: {  	v0 =	vunpack.i.u.bf16.f32 v0;
	[tilespmem:s11+$0xFFFFFF90] =	vst v1  }
0x28b: {  	[tilespmem:s11+$0xFFFFFFA0] =	vst v0  }
0x28c: {  	v0 =	vld [tilespmem:s18+$0x1410];
	_ =	sdelay $0x4  }
0x28d: {  	v1 =	vunpack.i.l.bf16.f32 v0  }
0x28e: {  	v0 =	vunpack.i.u.bf16.f32 v0;
	[tilespmem:s11+$0xFFFFFFB0] =	vst v1  }
0x28f: {  	[tilespmem:s11+$0xFFFFFFC0] =	vst v0  }
0x290: {  	v0 =	vld [tilespmem:s18+$0x1420];
	_ =	sdelay $0x4  }
0x291: {  	v1 =	vunpack.i.u.bf16.f32 v0;
	v0 =	vunpack.i.l.bf16.f32 v0  }
0x292: {  	[tilespmem:s11+$0xFFFFFFE0] =	vst v1  }
0x293: {  	[tilespmem:s11+$0xFFFFFFD0] =	vst v0  }
0x294: {  	v0 =	vld [tilespmem:s18+$0x1430];
	_ =	sdelay $0x4  }
.Ltmp7:
0x295: {  	v1 =	vunpack.i.u.bf16.f32 v0;
	v0 =	vunpack.i.l.bf16.f32 v0;
	(pc) =	sbr.rel @p0 .LBB2_17-.Ltmp7, $4  }
0x296: {  	[tilespmem:s11+$0xFFFFFFF0] =	vst v0  }
0x297: {  	s18 =	sshra.s32 s25, $0x2;
	[tilespmem:s11+$0x0] =	vst v1  }
0x298: {  	v0 =	vld [tilespmem:s18+$0x1400]  }
0x299: {  	s25 =	sadd.s32 $0x100, s25  }
0x29a: {  	_ =	sdelay $0x2  }
0x29b: {  	s11 =	sadd.s32 $0x80, s11;
	v1 =	vunpack.i.l.bf16.f32 v0  }
0x29c: {  	v60 =	vunpack.i.u.bf16.f32 v0;
	[tilespmem:s11+$0xFFFFFF90] =	vst v1  }
0x29d: {  	[tilespmem:s11+$0xFFFFFFA0] =	vst v60  }
0x29e: {  	v0 =	vld [tilespmem:s18+$0x1410];
	_ =	sdelay $0x4  }
0x29f: {  	v61 =	vunpack.i.l.bf16.f32 v0  }
0x2a0: {  	v0 =	vunpack.i.u.bf16.f32 v0;
	[tilespmem:s11+$0xFFFFFFB0] =	vst v61  }
0x2a1: {  	[tilespmem:s11+$0xFFFFFFC0] =	vst v0  }
0x2a2: {  	v0 =	vld [tilespmem:s18+$0x1420];
	_ =	sdelay $0x4  }
0x2a3: {  	v62 =	vunpack.i.u.bf16.f32 v0  }
0x2a4: {  	v0 =	vunpack.i.l.bf16.f32 v0;
	[tilespmem:s11+$0xFFFFFFE0] =	vst v62  }
0x2a5: {  	[tilespmem:s11+$0xFFFFFFD0] =	vst v0  }
0x2a6: {  	v0 =	vld [tilespmem:s18+$0x1430];
	_ =	sdelay $0x4  }
0x2a7: {  	v63 =	vunpack.i.l.bf16.f32 v0  }
0x2a8: {  	v0 =	vunpack.i.u.bf16.f32 v0;
	[tilespmem:s11+$0xFFFFFFF0] =	vst v63  }
0x2a9: {  	s25 =	simm.s32 $0x3C0;
	[tilespmem:s11+$0x0] =	vst v0  }
0x2aa: {  	[spmem:s1] =	stream.indirect.scatter.add.f32 [tilespmem:s9], [sflag:$0x4], $0x80, s25, s22, $0xb8;
	[tilespmem:$0x1CB80] =	vst v63  }
0x2ab: {  	_ = 	snop  }
0x2ac: {  	[spmem:s3] =	stream.indirect.scatter.add.f32 [tilespmem:s12], [sflag:$0x5], $0x10, s25, s22, $0xb8;
	[tilespmem:$0x1CB80] =	vst v63  }
0x2ad: {  	_ =	swait.ge [sflag:s10], $0x400  }
0x2ae: {  	[sflag:s10] =	ssyncset.done $0x0  }
0x2af: {  	s31 =	sadd.s32 $0x1, s31;
	[sflag:s10] =	ssyncadd.s32 $0xFFFFFC00  }
0x2b0: {  	p0 =	sne.s32 s31, $0x14;
	_ =	swait.ge [sflag:s15], $0x2000  }
.Ltmp8:
0x2b1: {  	[sflag:s15] =	ssyncset.done $0x0;
	(pc) =	sbr.rel @p0 .LBB2_2-.Ltmp8, $4  }
0x2b2: {  	[sflag:s15] =	ssyncadd.s32 $0xFFFFE000  }
0x2b3: {  	_ =	swait.ge [sflag:s19], $0x2000  }
0x2b4: {  	[sflag:s19] =	ssyncset.done $0x0  }
0x2b5: {  	[sflag:s19] =	ssyncadd.s32 $0xFFFFE000  }
0x2b6: {  	[bflag:$0x0] =	sbarrier.arrive $0xFFFF  }
0x2b7: {  	s4 =	sld [smem:$0x7EB];
	_ =	sdelay $0x2  }
0x2b8: {  	[tilespmem:s7], [sflag:$0x5] =	stream.linear.gather [spmem:s4], $0x2000, $0x38;
	[tilespmem:$0x1CB80] =	vst v63  }
0x2b9: {  	_ =	swait.ge [sflag:s10], $0x2000  }
0x2ba: {  	s5 =	sld [smem:$0x7EE]  }
0x2bb: {  	[sflag:s10] =	ssyncset.done $0x0  }
0x2bc: {  	s25 =	simm.s32 $0x0;
	[sflag:s10] =	ssyncadd.s32 $0xFFFFE000  }
0x2bd: {  	[hbm4b:s5+s25] =	stream.linear.scatter [tilespmem:s7], [sflag:$0x5], $0x2000, $0x38;
	[tilespmem:$0x1CB80] =	vst v63  }
0x2be: {  	_ =	swait.ge [sflag:s10], $0x2000  }
0x2bf: {  	[sflag:s10] =	ssyncset.done $0x0  }
0x2c0: {  	s8 =	rddreg [dreg:$0x12];
	[sflag:s10] =	ssyncadd.s32 $0xFFFFE000  }
0x2c1: {  	[tilespmem:s12], [sflag:$0x5] =	stream.linear.gather [spmem:s8], $0x400, $0x38;
	[tilespmem:$0x1CB80] =	vst v63  }
0x2c2: {  	_ =	swait.ge [sflag:s10], $0x400  }
0x2c3: {  	[sflag:s10] =	ssyncset.done $0x0  }
0x2c4: {  	s11 =	rddreg [dreg:$0x5];
	[sflag:s10] =	ssyncadd.s32 $0xFFFFFC00  }
0x2c5: {  	[hbm4b:s11+s25] =	stream.linear.scatter [tilespmem:s12], [sflag:$0x5], $0x400, $0x38;
	[tilespmem:$0x1CB80] =	vst v63  }
0x2c6: {  	_ =	swait.ge [sflag:s10], $0x400  }
0x2c7: {  	[sflag:s10] =	ssyncset.done $0x0  }
0x2c8: {  	s11 =	rddreg [dreg:$0x13];
	[sflag:s10] =	ssyncadd.s32 $0xFFFFFC00  }
0x2c9: {  	[tilespmem:s7], [sflag:$0x5] =	stream.linear.gather [spmem:s11], $0x2000, $0x38;
	[tilespmem:$0x1CB80] =	vst v63  }
0x2ca: {  	_ =	swait.ge [sflag:s10], $0x2000  }
0x2cb: {  	s5 =	sld [smem:$0x7ED];
	_ =	sdelay $0x1  }
0x2cc: {  	[sflag:s10] =	ssyncset.done $0x0;
	s13 =	rddreg [dreg:$0x14]  }
0x2cd: {  	[sflag:s10] =	ssyncadd.s32 $0xFFFFE000;
	s11 =	sadd.s32 s13, s5  }
0x2ce: {  	[hbm4b:s11+s25] =	stream.linear.scatter [tilespmem:s7], [sflag:$0x5], $0x2000, $0x38;
	[tilespmem:$0x1CB80] =	vst v63  }
0x2cf: {  	_ =	swait.ge [sflag:s10], $0x2000  }
0x2d0: {  	s14 =	sld [smem:$0x7F5]  }
0x2d1: {  	[sflag:s10] =	ssyncset.done $0x0  }
0x2d2: {  	[sflag:s10] =	ssyncadd.s32 $0xFFFFE000  }
0x2d3: {  	[tilespmem:s12], [sflag:$0x5] =	stream.linear.gather [spmem:s14], $0x400, $0x38;
	[tilespmem:$0x1CB80] =	vst v63  }
0x2d4: {  	_ =	swait.ge [sflag:s10], $0x400  }
0x2d5: {  	[sflag:s10] =	ssyncset.done $0x0  }
0x2d6: {  	s16 =	rddreg [dreg:$0x6];
	[sflag:s10] =	ssyncadd.s32 $0xFFFFFC00  }
0x2d7: {  	[hbm4b:s16+s25] =	stream.linear.scatter [tilespmem:s12], [sflag:$0x5], $0x400, $0x38;
	[tilespmem:$0x1CB80] =	vst v63  }
0x2d8: {  	_ =	swait.ge [sflag:s10], $0x400  }
0x2d9: {  	[sflag:s10] =	ssyncset.done $0x0  }
0x2da: {  	s17 =	rddreg [dreg:$0x15];
	[sflag:s10] =	ssyncadd.s32 $0xFFFFFC00  }
0x2db: {  	[tilespmem:s7], [sflag:$0x5] =	stream.linear.gather [spmem:s17], $0x2000, $0x38;
	[tilespmem:$0x1CB80] =	vst v63  }
0x2dc: {  	_ =	swait.ge [sflag:s10], $0x2000  }
0x2dd: {  	[sflag:s10] =	ssyncset.done $0x0;
	s18 =	rddreg [dreg:$0x16]  }
0x2de: {  	[sflag:s10] =	ssyncadd.s32 $0xFFFFE000;
	s11 =	sadd.s32 s18, s5  }
0x2df: {  	[hbm4b:s11+s25] =	stream.linear.scatter [tilespmem:s7], [sflag:$0x5], $0x2000, $0x38;
	[tilespmem:$0x1CB80] =	vst v63  }
0x2e0: {  	_ =	swait.ge [sflag:s10], $0x2000  }
0x2e1: {  	s6 =	sld [smem:$0x7F6]  }
0x2e2: {  	[sflag:s10] =	ssyncset.done $0x0  }
0x2e3: {  	[sflag:s10] =	ssyncadd.s32 $0xFFFFE000  }
0x2e4: {  	[tilespmem:s12], [sflag:$0x5] =	stream.linear.gather [spmem:s6], $0x400, $0x38;
	[tilespmem:$0x1CB80] =	vst v63  }
0x2e5: {  	_ =	swait.ge [sflag:s10], $0x400  }
0x2e6: {  	[sflag:s10] =	ssyncset.done $0x0  }
0x2e7: {  	s20 =	rddreg [dreg:$0x7];
	[sflag:s10] =	ssyncadd.s32 $0xFFFFFC00  }
0x2e8: {  	[hbm4b:s20+s25] =	stream.linear.scatter [tilespmem:s12], [sflag:$0x5], $0x400, $0x38;
	[tilespmem:$0x1CB80] =	vst v63  }
0x2e9: {  	_ =	swait.ge [sflag:s10], $0x400  }
0x2ea: {  	[sflag:s10] =	ssyncset.done $0x0  }
0x2eb: {  	s23 =	rddreg [dreg:$0x17];
	[sflag:s10] =	ssyncadd.s32 $0xFFFFFC00  }
0x2ec: {  	[tilespmem:s7], [sflag:$0x5] =	stream.linear.gather [spmem:s23], $0x2000, $0x38;
	[tilespmem:$0x1CB80] =	vst v63  }
0x2ed: {  	_ =	swait.ge [sflag:s10], $0x2000  }
0x2ee: {  	[sflag:s10] =	ssyncset.done $0x0;
	s8 =	rddreg [dreg:$0x18]  }
0x2ef: {  	[sflag:s10] =	ssyncadd.s32 $0xFFFFE000;
	s11 =	sadd.s32 s8, s5  }
0x2f0: {  	[hbm4b:s11+s25] =	stream.linear.scatter [tilespmem:s7], [sflag:$0x5], $0x2000, $0x38;
	[tilespmem:$0x1CB80] =	vst v63  }
0x2f1: {  	_ =	swait.ge [sflag:s10], $0x2000  }
0x2f2: {  	s20 =	sld [smem:$0x7F7]  }
0x2f3: {  	[sflag:s10] =	ssyncset.done $0x0  }
0x2f4: {  	[sflag:s10] =	ssyncadd.s32 $0xFFFFE000  }
0x2f5: {  	[tilespmem:s12], [sflag:$0x5] =	stream.linear.gather [spmem:s20], $0x400, $0x38;
	[tilespmem:$0x1CB80] =	vst v63  }
0x2f6: {  	_ =	swait.ge [sflag:s10], $0x400  }
0x2f7: {  	[sflag:s10] =	ssyncset.done $0x0  }
0x2f8: {  	s13 =	rddreg [dreg:$0x8];
	[sflag:s10] =	ssyncadd.s32 $0xFFFFFC00  }
0x2f9: {  	[hbm4b:s13+s25] =	stream.linear.scatter [tilespmem:s12], [sflag:$0x5], $0x400, $0x38;
	[tilespmem:$0x1CB80] =	vst v63  }
0x2fa: {  	_ =	swait.ge [sflag:s10], $0x400  }
0x2fb: {  	[sflag:s10] =	ssyncset.done $0x0  }
0x2fc: {  	s14 =	rddreg [dreg:$0x19];
	[sflag:s10] =	ssyncadd.s32 $0xFFFFFC00  }
0x2fd: {  	[tilespmem:s7], [sflag:$0x5] =	stream.linear.gather [spmem:s14], $0x2000, $0x38;
	[tilespmem:$0x1CB80] =	vst v63  }
0x2fe: {  	_ =	swait.ge [sflag:s10], $0x2000  }
0x2ff: {  	[sflag:s10] =	ssyncset.done $0x0;
	s16 =	rddreg [dreg:$0x1a]  }
0x300: {  	[sflag:s10] =	ssyncadd.s32 $0xFFFFE000;
	s11 =	sadd.s32 s16, s5  }
0x301: {  	[hbm4b:s11+s25] =	stream.linear.scatter [tilespmem:s7], [sflag:$0x5], $0x2000, $0x38;
	[tilespmem:$0x1CB80] =	vst v63  }
0x302: {  	_ =	swait.ge [sflag:s10], $0x2000  }
0x303: {  	s23 =	sld [smem:$0x7F8]  }
0x304: {  	[sflag:s10] =	ssyncset.done $0x0  }
0x305: {  	[sflag:s10] =	ssyncadd.s32 $0xFFFFE000  }
0x306: {  	[tilespmem:s12], [sflag:$0x5] =	stream.linear.gather [spmem:s23], $0x400, $0x38;
	[tilespmem:$0x1CB80] =	vst v63  }
0x307: {  	_ =	swait.ge [sflag:s10], $0x400  }
0x308: {  	[sflag:s10] =	ssyncset.done $0x0  }
0x309: {  	s17 =	rddreg [dreg:$0x9];
	[sflag:s10] =	ssyncadd.s32 $0xFFFFFC00  }
0x30a: {  	[hbm4b:s17+s25] =	stream.linear.scatter [tilespmem:s12], [sflag:$0x5], $0x400, $0x38;
	[tilespmem:$0x1CB80] =	vst v63  }
0x30b: {  	_ =	swait.ge [sflag:s10], $0x400  }
0x30c: {  	[sflag:s10] =	ssyncset.done $0x0  }
0x30d: {  	s30 =	rddreg [dreg:$0x1b];
	[sflag:s10] =	ssyncadd.s32 $0xFFFFFC00  }
0x30e: {  	[tilespmem:s7], [sflag:$0x5] =	stream.linear.gather [spmem:s30], $0x2000, $0x38;
	[tilespmem:$0x1CB80] =	vst v63  }
0x30f: {  	_ =	swait.ge [sflag:s10], $0x2000  }
0x310: {  	[sflag:s10] =	ssyncset.done $0x0;
	s18 =	rddreg [dreg:$0x1c]  }
0x311: {  	[sflag:s10] =	ssyncadd.s32 $0xFFFFE000;
	s11 =	sadd.s32 s18, s5  }
0x312: {  	[hbm4b:s11+s25] =	stream.linear.scatter [tilespmem:s7], [sflag:$0x5], $0x2000, $0x38;
	[tilespmem:$0x1CB80] =	vst v63  }
0x313: {  	_ =	swait.ge [sflag:s10], $0x2000  }
0x314: {  	s28 =	sld [smem:$0x7F9]  }
0x315: {  	[sflag:s10] =	ssyncset.done $0x0  }
0x316: {  	[sflag:s10] =	ssyncadd.s32 $0xFFFFE000  }
0x317: {  	[tilespmem:s12], [sflag:$0x5] =	stream.linear.gather [spmem:s28], $0x400, $0x38;
	[tilespmem:$0x1CB80] =	vst v63  }
0x318: {  	_ =	swait.ge [sflag:s10], $0x400  }
0x319: {  	[sflag:s10] =	ssyncset.done $0x0  }
0x31a: {  	s4 =	rddreg [dreg:$0xa];
	[sflag:s10] =	ssyncadd.s32 $0xFFFFFC00  }
0x31b: {  	[hbm4b:s4+s25] =	stream.linear.scatter [tilespmem:s12], [sflag:$0x5], $0x400, $0x38;
	[tilespmem:$0x1CB80] =	vst v63  }
0x31c: {  	_ =	swait.ge [sflag:s10], $0x400  }
0x31d: {  	[sflag:s10] =	ssyncset.done $0x0  }
0x31e: {  	s16 =	rddreg [dreg:$0x1d];
	[sflag:s10] =	ssyncadd.s32 $0xFFFFFC00  }
0x31f: {  	[tilespmem:s7], [sflag:$0x5] =	stream.linear.gather [spmem:s16], $0x2000, $0x38;
	[tilespmem:$0x1CB80] =	vst v63  }
0x320: {  	_ =	swait.ge [sflag:s10], $0x2000  }
0x321: {  	[sflag:s10] =	ssyncset.done $0x0;
	s8 =	rddreg [dreg:$0x1f]  }
0x322: {  	[sflag:s10] =	ssyncadd.s32 $0xFFFFE000;
	s11 =	sadd.s32 s8, s5  }
0x323: {  	[hbm4b:s11+s25] =	stream.linear.scatter [tilespmem:s7], [sflag:$0x5], $0x2000, $0x38;
	[tilespmem:$0x1CB80] =	vst v63  }
0x324: {  	_ =	swait.ge [sflag:s10], $0x2000  }
0x325: {  	s8 =	sld [smem:$0x7FA]  }
0x326: {  	[sflag:s10] =	ssyncset.done $0x0  }
0x327: {  	[sflag:s10] =	ssyncadd.s32 $0xFFFFE000  }
0x328: {  	[tilespmem:s12], [sflag:$0x5] =	stream.linear.gather [spmem:s8], $0x400, $0x38;
	[tilespmem:$0x1CB80] =	vst v63  }
0x329: {  	_ =	swait.ge [sflag:s10], $0x400  }
0x32a: {  	[sflag:s10] =	ssyncset.done $0x0  }
0x32b: {  	s13 =	rddreg [dreg:$0xb];
	[sflag:s10] =	ssyncadd.s32 $0xFFFFFC00  }
0x32c: {  	[hbm4b:s13+s25] =	stream.linear.scatter [tilespmem:s12], [sflag:$0x5], $0x400, $0x38;
	[tilespmem:$0x1CB80] =	vst v63  }
0x32d: {  	_ =	swait.ge [sflag:s10], $0x400  }
0x32e: {  	s17 =	sld [smem:$0x7F2]  }
0x32f: {  	[sflag:s10] =	ssyncset.done $0x0  }
0x330: {  	[sflag:s10] =	ssyncadd.s32 $0xFFFFFC00  }
0x331: {  	[tilespmem:s7], [sflag:$0x5] =	stream.linear.gather [spmem:s17], $0x2000, $0x38;
	[tilespmem:$0x1CB80] =	vst v63  }
0x332: {  	_ =	swait.ge [sflag:s10], $0x2000  }
0x333: {  	s14 =	sld [smem:$0x7EF];
	_ =	sdelay $0x1  }
0x334: {  	[sflag:s10] =	ssyncset.done $0x0  }
0x335: {  	[sflag:s10] =	ssyncadd.s32 $0xFFFFE000;
	s11 =	sadd.s32 s14, s5  }
0x336: {  	[hbm4b:s11+s25] =	stream.linear.scatter [tilespmem:s7], [sflag:$0x5], $0x2000, $0x38;
	[tilespmem:$0x1CB80] =	vst v63  }
0x337: {  	_ =	swait.ge [sflag:s10], $0x2000  }
0x338: {  	s14 =	sld [smem:$0x7FB]  }
0x339: {  	[sflag:s10] =	ssyncset.done $0x0  }
0x33a: {  	[sflag:s10] =	ssyncadd.s32 $0xFFFFE000  }
0x33b: {  	[tilespmem:s12], [sflag:$0x5] =	stream.linear.gather [spmem:s14], $0x400, $0x38;
	[tilespmem:$0x1CB80] =	vst v63  }
0x33c: {  	_ =	swait.ge [sflag:s10], $0x400  }
0x33d: {  	[sflag:s10] =	ssyncset.done $0x0  }
0x33e: {  	s18 =	rddreg [dreg:$0xc];
	[sflag:s10] =	ssyncadd.s32 $0xFFFFFC00  }
0x33f: {  	[hbm4b:s18+s25] =	stream.linear.scatter [tilespmem:s12], [sflag:$0x5], $0x400, $0x38;
	[tilespmem:$0x1CB80] =	vst v63  }
0x340: {  	_ =	swait.ge [sflag:s10], $0x400  }
0x341: {  	s13 =	sld [smem:$0x7F3]  }
0x342: {  	[sflag:s10] =	ssyncset.done $0x0  }
0x343: {  	[sflag:s10] =	ssyncadd.s32 $0xFFFFFC00  }
0x344: {  	[tilespmem:s7], [sflag:$0x5] =	stream.linear.gather [spmem:s13], $0x2000, $0x38;
	[tilespmem:$0x1CB80] =	vst v63  }
0x345: {  	_ =	swait.ge [sflag:s10], $0x2000  }
0x346: {  	s4 =	sld [smem:$0x7F0];
	_ =	sdelay $0x1  }
0x347: {  	[sflag:s10] =	ssyncset.done $0x0  }
0x348: {  	[sflag:s10] =	ssyncadd.s32 $0xFFFFE000;
	s11 =	sadd.s32 s4, s5  }
0x349: {  	[hbm4b:s11+s25] =	stream.linear.scatter [tilespmem:s7], [sflag:$0x5], $0x2000, $0x38;
	[tilespmem:$0x1CB80] =	vst v63  }
0x34a: {  	_ =	swait.ge [sflag:s10], $0x2000  }
0x34b: {  	s4 =	sld [smem:$0x7FC]  }
0x34c: {  	[sflag:s10] =	ssyncset.done $0x0  }
0x34d: {  	[sflag:s10] =	ssyncadd.s32 $0xFFFFE000  }
0x34e: {  	[tilespmem:s12], [sflag:$0x5] =	stream.linear.gather [spmem:s4], $0x400, $0x38;
	[tilespmem:$0x1CB80] =	vst v63  }
0x34f: {  	_ =	swait.ge [sflag:s10], $0x400  }
0x350: {  	[sflag:s10] =	ssyncset.done $0x0  }
0x351: {  	s18 =	rddreg [dreg:$0xd];
	[sflag:s10] =	ssyncadd.s32 $0xFFFFFC00  }
0x352: {  	[hbm4b:s18+s25] =	stream.linear.scatter [tilespmem:s12], [sflag:$0x5], $0x400, $0x38;
	[tilespmem:$0x1CB80] =	vst v63  }
0x353: {  	_ =	swait.ge [sflag:s10], $0x400  }
0x354: {  	s18 =	sld [smem:$0x7F4]  }
0x355: {  	[sflag:s10] =	ssyncset.done $0x0  }
0x356: {  	[sflag:s10] =	ssyncadd.s32 $0xFFFFFC00  }
0x357: {  	[tilespmem:s7], [sflag:$0x5] =	stream.linear.gather [spmem:s18], $0x1C00, $0x38;
	[tilespmem:$0x1CB80] =	vst v63  }
0x358: {  	_ =	swait.ge [sflag:s10], $0x1C00  }
0x359: {  	s11 =	sld [smem:$0x7F1];
	_ =	sdelay $0x1  }
0x35a: {  	[sflag:s10] =	ssyncset.done $0x0  }
0x35b: {  	[sflag:s10] =	ssyncadd.s32 $0xFFFFE400;
	s11 =	sadd.s32 s11, s5  }
0x35c: {  	[hbm4b:s11+s25] =	stream.linear.scatter [tilespmem:s7], [sflag:$0x5], $0x1C00, $0x38;
	[tilespmem:$0x1CB80] =	vst v63  }
0x35d: {  	_ =	swait.ge [sflag:s10], $0x1C00  }
0x35e: {  	s31 =	sld [smem:$0x7FD]  }
0x35f: {  	[sflag:s10] =	ssyncset.done $0x0  }
0x360: {  	[sflag:s10] =	ssyncadd.s32 $0xFFFFE400  }
0x361: {  	[tilespmem:s12], [sflag:$0x5] =	stream.linear.gather [spmem:s31], $0x380, $0x38;
	[tilespmem:$0x1CB80] =	vst v63  }
0x362: {  	_ =	swait.ge [sflag:s10], $0x380  }
0x363: {  	[sflag:s10] =	ssyncset.done $0x0  }
0x364: {  	s5 =	rddreg [dreg:$0xe];
	[sflag:s10] =	ssyncadd.s32 $0xFFFFFC80  }
0x365: {  	[hbm4b:s5+s25] =	stream.linear.scatter [tilespmem:s12], [sflag:$0x5], $0x380, $0x38;
	[tilespmem:$0x1CB80] =	vst v63  }
0x366: {  	_ =	swait.ge [sflag:s10], $0x380  }
0x367: {  	s5 =	sld [smem:$0x7E8];
	_ =	sdelay $0x2  }
0x368: {  	s11 =	sadd.s32 $0x1, s5;
	s5 =	sld [smem:$0x7EC];
	_ =	sdelay $0x2  }
0x369: {  	p0 =	sne.s32 s11, s5  }
.Ltmp9:
0x36a: {  	_ = 	snop;
	(pc) =	sbr.rel @p0 .LBB2_1-.Ltmp9, $3  }
0x36b: {  	_ =	sdelay $0x1  }
0x36c: {  	[sflag:s10] =	ssyncset.done $0x0  }
0x36d: {  	[sflag:s10] =	ssyncadd.s32 $0xFFFFFC80;
	s5 =	sld [smem:$0x7F5]  }
0x36e: {  	_ =	sfence.sel $0x180000  }
0x36f: {  	[bflag:$0x0] =	sbarrier.arrive $0xFFFF  }
0x370: {  	_ =	strace $0x90000047  }
0x371: {  	s0 =	stileid.u32;
	[bflag:$0x2] =	sbarrier.arrive $0xFFFF  }
0x372: {  	p0 =	sne.s32 s0, $0x0;
	s0 =	rddreg [dreg:$0x4]  }
0x373: {  	s0 =	sadd.s32 @!p0 $0x100000, s0  }
0x374: {  	[sflag:s0] =	ssyncadd.tile.s32 @!p0 $0x1;
	_ =	shalt  }
.Lfunc_end2:
_tile_overlayer_lowered:
.L_overlay_start_2:
0x375: {  	(tag) =	ssettag $0x2  }
0x376: {  	s0 =	rddreg [dreg:$0x0];
	s2 =	stileid.u32  }
0x377: {  	s1 =	rddreg [dreg:$0x1];
	p0 =	sne.s32 s2, $0x0  }
0x378: {  	s3 =	rddreg [dreg:$0x2];
	[bflag:$0x3] =	sbarrier.arrive $0xFFFF;
	s2 =	simm.s32 @!p0 $0x1C05  }
0x379: {  	[timem:s3], [sflag:s2] =	dma.local @!p0 [hbm:s0], s1  }
0x37a: {  	s0 =	simm.s32 @!p0 $0x5  }
0x37b: {  	_ =	swait.ge @!p0 [sflag:s0], s1  }
0x37c: {  	s1 =	ssub.s32 @!p0 $0x0, s1;
	[sflag:s0] =	ssyncset.done @!p0 $0x0  }
0x37d: {  	[sflag:s0] =	ssyncadd.s32 @!p0 s1  }
0x37e: {  	[bflag:$0x3] =	sbarrier.arrive $0xFFFF  }
0x37f: {  	_ =	shalt  }

</sc_bundles>
